<compile_context>
chip_gen: v7x
topology: tpu7x:2x2x1
jax: 0.10.2.dev20260603
libtpu: 0.0.44.dev20260713+nightly
codegen_flags: <defaults>
</compile_context>

<pallas_src>
import functools

import jax
import jax.numpy as jnp
from jax import lax
from jax.experimental import pallas as pl
from jax.experimental.pallas import tpu as pltpu
from jax.experimental.pallas import tpu_sc as plsc

_DIM = 64
_VOCAB = 1000000
_CBLK = 15360
_QBLK = _CBLK // 4

_info = plsc.get_sparse_core_info()
_NC, _NS = _info.num_cores, _info.num_subcores
_NW = _NC * _NS



def _repack_body(tab_ref, eyelo_ref, eyehi_ref, out_ref):
    lo = lax.dot_general(
        tab_ref[...], eyelo_ref[...], (((0,), (0,)), ((), ())),
        preferred_element_type=jnp.float32,
    )
    hi = lax.dot_general(
        tab_ref[...], eyehi_ref[...], (((0,), (0,)), ((), ())),
        preferred_element_type=jnp.float32,
    )
    w = (lax.bitcast_convert_type(lo, jnp.uint32) >> 16) | (
        lax.bitcast_convert_type(hi, jnp.uint32) & jnp.uint32(0xFFFF0000))
    w = lax.bitcast_convert_type(w, jnp.int32)
    for qq in range(4):
        out_ref[:, qq * 32:(qq + 1) * 32] = w[qq * _QBLK:(qq + 1) * _QBLK]


def _tc_repack(tabT, eye):
    return pl.pallas_call(
        _repack_body,
        grid=(pl.cdiv(_VOCAB, _CBLK),),
        in_specs=[
            pl.BlockSpec((_DIM, _CBLK), lambda g: (0, g)),
            pl.BlockSpec((_DIM, 32), lambda g: (0, 0)),
            pl.BlockSpec((_DIM, 32), lambda g: (0, 0)),
        ],
        out_specs=pl.BlockSpec((_QBLK, 128), lambda g: (g, 0)),
        out_shape=jax.ShapeDtypeStruct(
            (pl.cdiv(_VOCAB, _CBLK) * _QBLK, 128), jnp.int32),
    )(tabT, eye[:, 0:32], eye[:, 32:_DIM])



_CHUNK = 256
_SUB = 128


def _gather_body(idx_hbm, q_hbm, out_hbm, work_v, hoff_v, rows_a, rows_b,
                 emb_v, gsem, bpw):
    wid = lax.axis_index("s") * _NC + lax.axis_index("c")
    base = wid * bpw
    pltpu.sync_copy(idx_hbm.at[pl.ds(base, bpw)], work_v)

    def xform(i, _):
        v = work_v[pl.ds(i * 16, 16)]
        g = v // _CBLK
        r = v - g * _CBLK
        qq = r // _QBLK
        work_v[pl.ds(i * 16, 16)] = g * _QBLK + r - qq * _QBLK
        hoff_v[pl.ds(i * 16, 16)] = qq * 32
        return ()
    lax.fori_loop(0, bpw // 16, xform, (), unroll=8)

    rows_bufs = (rows_a, rows_b)

    def fire(ci, d):
        off = ci * _CHUNK
        for j in range(_CHUNK // _SUB):
            pltpu.async_copy(
                q_hbm.at[work_v.at[pl.ds(off + j * _SUB, _SUB)]],
                rows_bufs[d].at[pl.ds(j * _SUB, _SUB)],
                gsem,
            )

    def drain(ci, d):
        off = ci * _CHUNK
        for j in range(_CHUNK // _SUB):
            pltpu.make_async_copy(
                q_hbm.at[work_v.at[pl.ds(off + j * _SUB, _SUB)]],
                rows_bufs[d].at[pl.ds(j * _SUB, _SUB)],
                gsem,
            ).wait()

    nchunk = bpw // _CHUNK
    fire(0, 0)

    def chunk2(c0, _):
        for d in range(2):
            ci = c0 + d

            @pl.when(ci < nchunk)
            def _():
                drain(ci, d)

                @pl.when(ci + 1 < nchunk)
                def _():
                    fire(ci + 1, 1 - d)

                off = ci * _CHUNK
                rows = rows_bufs[d]

                def extract16(r16, _):
                    r0 = r16 * 16
                    hv = hoff_v[pl.ds(off + r0, 16)]
                    for l in range(16):
                        hw = hv[l]
                        for c in range(2):
                            emb_v[r0 + l, pl.ds(c * 16, 16)] = (
                                rows[r0 + l, pl.ds(hw + c * 16, 16)])
                    return ()
                lax.fori_loop(0, _CHUNK // 16, extract16, (), unroll=False)
                pltpu.sync_copy(emb_v, out_hbm.at[pl.ds(base + off, _CHUNK)])
        return ()

    lax.fori_loop(0, nchunk // 2, lambda k, c: chunk2(2 * k, c), (),
                  unroll=False)


def _sc_gather(idx_flat, q):
    n = idx_flat.shape[0]
    assert n % (_NW * _CHUNK) == 0
    bpw = n // _NW
    mesh = plsc.VectorSubcoreMesh(core_axis_name="c", subcore_axis_name="s")
    body = functools.partial(_gather_body, bpw=bpw)
    return pl.kernel(
        body,
        out_type=jax.ShapeDtypeStruct((n, 32), jnp.int32),
        mesh=mesh,
        scratch_types=[
            pltpu.VMEM((bpw,), jnp.int32),
            pltpu.VMEM((bpw,), jnp.int32),
            pltpu.VMEM((_CHUNK, 128), jnp.int32),
            pltpu.VMEM((_CHUNK, 128), jnp.int32),
            pltpu.VMEM((_CHUNK, 32), jnp.int32),
            pltpu.SemaphoreType.DMA,
        ],
        compiler_params=pltpu.CompilerParams(needs_layout_passes=False),
    )(idx_flat, q)



_ROWS = 8192


def _proj_body(emb_ref, w_ref, b_ref, out_ref):
    w32 = lax.bitcast_convert_type(emb_ref[0], jnp.uint32)
    lo = lax.bitcast_convert_type(w32 << 16, jnp.float32)
    hi = lax.bitcast_convert_type(w32 & jnp.uint32(0xFFFF0000), jnp.float32)
    e = jnp.concatenate([lo, hi], axis=1)
    acc = lax.dot_general(
        w_ref[...], e, (((0,), (1,)), ((), ())),
        preferred_element_type=jnp.float32,
    )
    acc = acc + b_ref[...]
    out_ref[0] = acc * jax.nn.sigmoid(acc)


def _tc_project(emb3, W, bcol):
    F, B = emb3.shape[0], emb3.shape[1]
    return pl.pallas_call(
        _proj_body,
        grid=(F, B // _ROWS),
        in_specs=[
            pl.BlockSpec((1, _ROWS, 32), lambda f, i: (f, i, 0)),
            pl.BlockSpec((_DIM, _DIM), lambda f, i: (0, 0)),
            pl.BlockSpec((_DIM, 1), lambda f, i: (0, 0)),
        ],
        out_specs=pl.BlockSpec((1, _DIM, _ROWS), lambda f, i: (f, 0, i)),
        out_shape=jax.ShapeDtypeStruct((F, _DIM, B), jnp.float32),
    )(emb3, W, bcol)


def kernel(x, table, W, b):
    B, F = x.shape
    idx_flat = x.T.reshape(-1)
    tabT = table.T
    eye = jnp.eye(_DIM, dtype=jnp.float32)
    q = _tc_repack(tabT, eye)
    emb = _sc_gather(idx_flat, q)
    emb3 = emb.reshape(F, B, 32)
    out3 = _tc_project(emb3, W, b.reshape(_DIM, 1))
    return out3.transpose(2, 0, 1)

# --- scband reference (transcript-rebuilt; emitter-appended) ---
"""Pipeline reference for scband-multiple-embedding-40355512713728 (READ-ONLY COPY).

The authoritative reference and input builder live on the scoring server;
editing this copy changes nothing except your own understanding.
"""

import jax, jax.numpy as jnp
import numpy as np

VOCAB = 1000000
DIM = 64
BATCH = 16384
FIELDS = 26

def swish(x):
    return x * jax.nn.sigmoid(x)

def setup_inputs(seed: int = 0) -> dict:
    key = jax.random.key(seed)
    k1, k2, k3 = jax.random.split(key, 3)
    x = jax.random.randint(k1, (BATCH, FIELDS), 0, VOCAB, dtype=jnp.int32)
    # embedding table (SparseEmbedding weight, dense-materialized)
    table = jax.random.normal(k2, (VOCAB, DIM), dtype=jnp.float32) * 0.02
    # TiedAutoEncoder single-layer encoder projecting to dim, with swish activation
    W = jax.random.normal(k3, (DIM, DIM), dtype=jnp.float32) * (1.0 / np.sqrt(DIM))
    b = jnp.zeros((DIM,), dtype=jnp.float32)
    return {"x": x, "table": table, "W": W, "b": b}

def reference(x, table, W, b):
    # MultipleEmbedding forward: gather raw embedding rows, then project
    # through the tied-autoencoder encoder with swish activation.
    emb = jnp.take(table, x, axis=0)            # [B, F, DIM] gather (SparseCore)
    out = swish(jnp.dot(emb, W) + b)            # encoder projection
    return out

if __name__ == "__main__":
    import jax
    _d = setup_inputs()
    print(jax.jit(kernel)(*tuple(_d.values())))

</pallas_src>

<mosaic_0001>
#map = affine_map<(d0, d1) -> (0)>
#map1 = affine_map<(d0, d1) -> (0, 0)>
module attributes {stable_mosaic.version = 14 : i64} {
  func.func @_gather_body(%arg0: i32, %arg1: i32, %arg2: memref<425984xi32, #tpu.memory_space<hbm>>, %arg3: memref<253440x128xi32, #tpu.memory_space<hbm>>, %arg4: memref<425984x32xi32, #tpu.memory_space<hbm>>, %arg5: memref<13312xi32, #tpu.memory_space<vmem>>, %arg6: memref<13312xi32, #tpu.memory_space<vmem>>, %arg7: memref<256x128xi32, #tpu.memory_space<vmem>>, %arg8: memref<256x128xi32, #tpu.memory_space<vmem>>, %arg9: memref<256x32xi32, #tpu.memory_space<vmem>>, %arg10: memref<!tpu.dma_semaphore, #tpu.memory_space<semaphore_mem>>) attributes {dimension_semantics = [#tpu.dimension_semantics<core_parallel>, #tpu.dimension_semantics<subcore_parallel>], iteration_bounds = array<i64: 2, 16>, scalar_prefetch = 0 : i64, scratch_operands = 6 : i64, tpu.core_type = #tpu.core_type<sc_vector_subcore>, window_params = [{transform_indices = #map}, {transform_indices = #map1}, {transform_indices = #map1}]} {
    %mul3A = arith.constant 2 : i32
    %mul3A_0 = arith.muli %arg1, %mul3A : i32
    %add3A = arith.addi %mul3A_0, %arg0 : i32
    %mul3A_1 = arith.constant 13312 : i32
    %mul3A_2 = arith.muli %add3A, %mul3A_1 : i32
    "tpu.region"() ({
      %run_scoped3A = tpu.sem_alloc : memref<!tpu.dma_semaphore, #tpu.memory_space<semaphore_mem>>
      %dma_start3A_27 = tpu.memref_slice %arg2[%mul3A_2] : memref<425984xi32, #tpu.memory_space<hbm>> -> memref<13312xi32, #tpu.memory_space<hbm>>
      %dma_start3A_28 = tpu.memref_slice %arg2[%mul3A_2] : memref<425984xi32, #tpu.memory_space<hbm>> -> memref<13312xi32, #tpu.memory_space<hbm>>
      tpu.enqueue_dma source(%dma_start3A_28 : memref<13312xi32, #tpu.memory_space<hbm>>) target(%arg5 : memref<13312xi32, #tpu.memory_space<vmem>>) target_semaphore(%run_scoped3A : memref<!tpu.dma_semaphore, #tpu.memory_space<semaphore_mem>>)
      %dma_wait3A = tpu.memref_slice %arg2[%mul3A_2] : memref<425984xi32, #tpu.memory_space<hbm>> -> memref<13312xi32, #tpu.memory_space<hbm>>
      %dma_wait3A_29 = tpu.memref_slice %arg2[%mul3A_2] : memref<425984xi32, #tpu.memory_space<hbm>> -> memref<13312xi32, #tpu.memory_space<hbm>>
      tpu.wait_dma2 semaphore(%run_scoped3A : memref<!tpu.dma_semaphore, #tpu.memory_space<semaphore_mem>>) src(%dma_wait3A_29 : memref<13312xi32, #tpu.memory_space<hbm>>) dst(%arg5 : memref<13312xi32, #tpu.memory_space<vmem>>)
      tpu.yield
    }) : () -> ()
    %scan3A = arith.constant 0 : i32
    %scan3A_3 = arith.constant 832 : i32
    %scan3A_4 = arith.addi %scan3A, %scan3A_3 : i32
    %scan3A_5 = arith.constant 8 : i32
    scf.for %scan3A_27 = %scan3A to %scan3A_4 step %scan3A_5  : i32 {
      %mul3A_28 = arith.constant 16 : i32
      %mul3A_29 = arith.muli %scan3A_27, %mul3A_28 : i32
      %get3A = arith.index_cast %mul3A_29 : i32 to index
      %get3A_30 = tpu.vector_load %arg5[%get3A] {strides = array<i32>} : memref<13312xi32, #tpu.memory_space<vmem>>, vector<16xi32>,
      %jit3A = arith.constant 15360 : i32
      %div3A = vector.broadcast %jit3A : i32 to vector<16xi32>
      %div3A_31 = arith.divsi %get3A_30, %div3A : vector<16xi32>
      %sign3A = arith.constant 0 : i32
      %sign3A_32 = vector.broadcast %sign3A : i32 to vector<16xi32>
      %sign3A_33 = arith.cmpi sgt, %get3A_30, %sign3A_32 : vector<16xi32>
      %sign3A_34 = arith.extui %sign3A_33 : vector<16xi1> to vector<16xi32>
      %sign3A_35 = arith.constant 0 : i32
      %sign3A_36 = vector.broadcast %sign3A_35 : i32 to vector<16xi32>
      %sign3A_37 = arith.cmpi slt, %get3A_30, %sign3A_36 : vector<16xi32>
      %sign3A_38 = arith.extui %sign3A_37 : vector<16xi1> to vector<16xi32>
      %sign3A_39 = arith.subi %sign3A_34, %sign3A_38 : vector<16xi32>
      %sign3A_40 = arith.constant 0 : i32
      %sign3A_41 = arith.cmpi sgt, %jit3A, %sign3A_40 : i32
      %sign3A_42 = arith.extui %sign3A_41 : i1 to i32
      %sign3A_43 = arith.constant 0 : i32
      %sign3A_44 = arith.cmpi slt, %jit3A, %sign3A_43 : i32
      %sign3A_45 = arith.extui %sign3A_44 : i1 to i32
      %sign3A_46 = arith.subi %sign3A_42, %sign3A_45 : i32
      %ne3A = vector.broadcast %sign3A_46 : i32 to vector<16xi32>
      %ne3A_47 = arith.cmpi ne, %sign3A_39, %ne3A : vector<16xi32>
      %rem3A = vector.broadcast %jit3A : i32 to vector<16xi32>
      %rem3A_48 = arith.remsi %get3A_30, %rem3A : vector<16xi32>
      %ne3A_49 = arith.constant 0 : i32
      %ne3A_50 = vector.broadcast %ne3A_49 : i32 to vector<16xi32>
      %ne3A_51 = arith.cmpi ne, %rem3A_48, %ne3A_50 : vector<16xi32>
      %and3A = arith.andi %ne3A_47, %ne3A_51 : vector<16xi1>
      %sub3A = arith.constant 1 : i32
      %sub3A_52 = vector.broadcast %sub3A : i32 to vector<16xi32>
      %sub3A_53 = arith.subi %div3A_31, %sub3A_52 : vector<16xi32>
      %select_n3A = arith.select %and3A, %sub3A_53, %div3A_31 : vector<16xi1>, vector<16xi32>
      %mul3A_54 = arith.constant 15360 : i32
      %mul3A_55 = vector.broadcast %mul3A_54 : i32 to vector<16xi32>
      %mul3A_56 = arith.muli %select_n3A, %mul3A_55 : vector<16xi32>
      %sub3A_57 = arith.subi %get3A_30, %mul3A_56 : vector<16xi32>
      %jit3A_58 = arith.constant 3840 : i32
      %div3A_59 = vector.broadcast %jit3A_58 : i32 to vector<16xi32>
      %div3A_60 = arith.divsi %sub3A_57, %div3A_59 : vector<16xi32>
      %sign3A_61 = arith.constant 0 : i32
      %sign3A_62 = vector.broadcast %sign3A_61 : i32 to vector<16xi32>
      %sign3A_63 = arith.cmpi sgt, %sub3A_57, %sign3A_62 : vector<16xi32>
      %sign3A_64 = arith.extui %sign3A_63 : vector<16xi1> to vector<16xi32>
      %sign3A_65 = arith.constant 0 : i32
      %sign3A_66 = vector.broadcast %sign3A_65 : i32 to vector<16xi32>
      %sign3A_67 = arith.cmpi slt, %sub3A_57, %sign3A_66 : vector<16xi32>
      %sign3A_68 = arith.extui %sign3A_67 : vector<16xi1> to vector<16xi32>
      %sign3A_69 = arith.subi %sign3A_64, %sign3A_68 : vector<16xi32>
      %sign3A_70 = arith.constant 0 : i32
      %sign3A_71 = arith.cmpi sgt, %jit3A_58, %sign3A_70 : i32
      %sign3A_72 = arith.extui %sign3A_71 : i1 to i32
      %sign3A_73 = arith.constant 0 : i32
      %sign3A_74 = arith.cmpi slt, %jit3A_58, %sign3A_73 : i32
      %sign3A_75 = arith.extui %sign3A_74 : i1 to i32
      %sign3A_76 = arith.subi %sign3A_72, %sign3A_75 : i32
      %ne3A_77 = vector.broadcast %sign3A_76 : i32 to vector<16xi32>
      %ne3A_78 = arith.cmpi ne, %sign3A_69, %ne3A_77 : vector<16xi32>
      %rem3A_79 = vector.broadcast %jit3A_58 : i32 to vector<16xi32>
      %rem3A_80 = arith.remsi %sub3A_57, %rem3A_79 : vector<16xi32>
      %ne3A_81 = arith.constant 0 : i32
      %ne3A_82 = vector.broadcast %ne3A_81 : i32 to vector<16xi32>
      %ne3A_83 = arith.cmpi ne, %rem3A_80, %ne3A_82 : vector<16xi32>
      %and3A_84 = arith.andi %ne3A_78, %ne3A_83 : vector<16xi1>
      %sub3A_85 = arith.constant 1 : i32
      %sub3A_86 = vector.broadcast %sub3A_85 : i32 to vector<16xi32>
      %sub3A_87 = arith.subi %div3A_60, %sub3A_86 : vector<16xi32>
      %select_n3A_88 = arith.select %and3A_84, %sub3A_87, %div3A_60 : vector<16xi1>, vector<16xi32>
      %mul3A_89 = arith.constant 3840 : i32
      %mul3A_90 = vector.broadcast %mul3A_89 : i32 to vector<16xi32>
      %mul3A_91 = arith.muli %select_n3A, %mul3A_90 : vector<16xi32>
      %add3A_92 = arith.addi %mul3A_91, %sub3A_57 : vector<16xi32>
      %mul3A_93 = arith.constant 3840 : i32
      %mul3A_94 = vector.broadcast %mul3A_93 : i32 to vector<16xi32>
      %mul3A_95 = arith.muli %select_n3A_88, %mul3A_94 : vector<16xi32>
      %sub3A_96 = arith.subi %add3A_92, %mul3A_95 : vector<16xi32>
      %mul3A_97 = arith.constant 16 : i32
      %mul3A_98 = arith.muli %scan3A_27, %mul3A_97 : i32
      %swap3A = arith.index_cast %mul3A_98 : i32 to index
      %swap3A_99 = tpu.vector_load %arg5[%swap3A] {strides = array<i32>} : memref<13312xi32, #tpu.memory_space<vmem>>, vector<16xi32>,
      tpu.vector_store %arg5[%swap3A], %sub3A_96 {strides = array<i32>} : memref<13312xi32, #tpu.memory_space<vmem>>, vector<16xi32>,
      %mul3A_100 = arith.constant 32 : i32
      %mul3A_101 = vector.broadcast %mul3A_100 : i32 to vector<16xi32>
      %mul3A_102 = arith.muli %select_n3A_88, %mul3A_101 : vector<16xi32>
      %mul3A_103 = arith.constant 16 : i32
      %mul3A_104 = arith.muli %scan3A_27, %mul3A_103 : i32
      %swap3A_105 = arith.index_cast %mul3A_104 : i32 to index
      %swap3A_106 = tpu.vector_load %arg6[%swap3A_105] {strides = array<i32>} : memref<13312xi32, #tpu.memory_space<vmem>>, vector<16xi32>,
      tpu.vector_store %arg6[%swap3A_105], %mul3A_102 {strides = array<i32>} : memref<13312xi32, #tpu.memory_space<vmem>>, vector<16xi32>,
      %scan3A_107 = arith.constant 1 : i32
      %scan3A_108 = arith.addi %scan3A_27, %scan3A_107 : i32
      %mul3A_109 = arith.constant 16 : i32
      %mul3A_110 = arith.muli %scan3A_108, %mul3A_109 : i32
      %get3A_111 = arith.index_cast %mul3A_110 : i32 to index
      %get3A_112 = tpu.vector_load %arg5[%get3A_111] {strides = array<i32>} : memref<13312xi32, #tpu.memory_space<vmem>>, vector<16xi32>,
      %jit3A_113 = arith.constant 15360 : i32
      %div3A_114 = vector.broadcast %jit3A_113 : i32 to vector<16xi32>
      %div3A_115 = arith.divsi %get3A_112, %div3A_114 : vector<16xi32>
      %sign3A_116 = arith.constant 0 : i32
      %sign3A_117 = vector.broadcast %sign3A_116 : i32 to vector<16xi32>
      %sign3A_118 = arith.cmpi sgt, %get3A_112, %sign3A_117 : vector<16xi32>
      %sign3A_119 = arith.extui %sign3A_118 : vector<16xi1> to vector<16xi32>
      %sign3A_120 = arith.constant 0 : i32
      %sign3A_121 = vector.broadcast %sign3A_120 : i32 to vector<16xi32>
      %sign3A_122 = arith.cmpi slt, %get3A_112, %sign3A_121 : vector<16xi32>
      %sign3A_123 = arith.extui %sign3A_122 : vector<16xi1> to vector<16xi32>
      %sign3A_124 = arith.subi %sign3A_119, %sign3A_123 : vector<16xi32>
      %sign3A_125 = arith.constant 0 : i32
      %sign3A_126 = arith.cmpi sgt, %jit3A_113, %sign3A_125 : i32
      %sign3A_127 = arith.extui %sign3A_126 : i1 to i32
      %sign3A_128 = arith.constant 0 : i32
      %sign3A_129 = arith.cmpi slt, %jit3A_113, %sign3A_128 : i32
      %sign3A_130 = arith.extui %sign3A_129 : i1 to i32
      %sign3A_131 = arith.subi %sign3A_127, %sign3A_130 : i32
      %ne3A_132 = vector.broadcast %sign3A_131 : i32 to vector<16xi32>
      %ne3A_133 = arith.cmpi ne, %sign3A_124, %ne3A_132 : vector<16xi32>
      %rem3A_134 = vector.broadcast %jit3A_113 : i32 to vector<16xi32>
      %rem3A_135 = arith.remsi %get3A_112, %rem3A_134 : vector<16xi32>
      %ne3A_136 = arith.constant 0 : i32
      %ne3A_137 = vector.broadcast %ne3A_136 : i32 to vector<16xi32>
      %ne3A_138 = arith.cmpi ne, %rem3A_135, %ne3A_137 : vector<16xi32>
      %and3A_139 = arith.andi %ne3A_133, %ne3A_138 : vector<16xi1>
      %sub3A_140 = arith.constant 1 : i32
      %sub3A_141 = vector.broadcast %sub3A_140 : i32 to vector<16xi32>
      %sub3A_142 = arith.subi %div3A_115, %sub3A_141 : vector<16xi32>
      %select_n3A_143 = arith.select %and3A_139, %sub3A_142, %div3A_115 : vector<16xi1>, vector<16xi32>
      %mul3A_144 = arith.constant 15360 : i32
      %mul3A_145 = vector.broadcast %mul3A_144 : i32 to vector<16xi32>
      %mul3A_146 = arith.muli %select_n3A_143, %mul3A_145 : vector<16xi32>
      %sub3A_147 = arith.subi %get3A_112, %mul3A_146 : vector<16xi32>
      %jit3A_148 = arith.constant 3840 : i32
      %div3A_149 = vector.broadcast %jit3A_148 : i32 to vector<16xi32>
      %div3A_150 = arith.divsi %sub3A_147, %div3A_149 : vector<16xi32>
      %sign3A_151 = arith.constant 0 : i32
      %sign3A_152 = vector.broadcast %sign3A_151 : i32 to vector<16xi32>
      %sign3A_153 = arith.cmpi sgt, %sub3A_147, %sign3A_152 : vector<16xi32>
      %sign3A_154 = arith.extui %sign3A_153 : vector<16xi1> to vector<16xi32>
      %sign3A_155 = arith.constant 0 : i32
      %sign3A_156 = vector.broadcast %sign3A_155 : i32 to vector<16xi32>
      %sign3A_157 = arith.cmpi slt, %sub3A_147, %sign3A_156 : vector<16xi32>
      %sign3A_158 = arith.extui %sign3A_157 : vector<16xi1> to vector<16xi32>
      %sign3A_159 = arith.subi %sign3A_154, %sign3A_158 : vector<16xi32>
      %sign3A_160 = arith.constant 0 : i32
      %sign3A_161 = arith.cmpi sgt, %jit3A_148, %sign3A_160 : i32
      %sign3A_162 = arith.extui %sign3A_161 : i1 to i32
      %sign3A_163 = arith.constant 0 : i32
      %sign3A_164 = arith.cmpi slt, %jit3A_148, %sign3A_163 : i32
      %sign3A_165 = arith.extui %sign3A_164 : i1 to i32
      %sign3A_166 = arith.subi %sign3A_162, %sign3A_165 : i32
      %ne3A_167 = vector.broadcast %sign3A_166 : i32 to vector<16xi32>
      %ne3A_168 = arith.cmpi ne, %sign3A_159, %ne3A_167 : vector<16xi32>
      %rem3A_169 = vector.broadcast %jit3A_148 : i32 to vector<16xi32>
      %rem3A_170 = arith.remsi %sub3A_147, %rem3A_169 : vector<16xi32>
      %ne3A_171 = arith.constant 0 : i32
      %ne3A_172 = vector.broadcast %ne3A_171 : i32 to vector<16xi32>
      %ne3A_173 = arith.cmpi ne, %rem3A_170, %ne3A_172 : vector<16xi32>
      %and3A_174 = arith.andi %ne3A_168, %ne3A_173 : vector<16xi1>
      %sub3A_175 = arith.constant 1 : i32
      %sub3A_176 = vector.broadcast %sub3A_175 : i32 to vector<16xi32>
      %sub3A_177 = arith.subi %div3A_150, %sub3A_176 : vector<16xi32>
      %select_n3A_178 = arith.select %and3A_174, %sub3A_177, %div3A_150 : vector<16xi1>, vector<16xi32>
      %mul3A_179 = arith.constant 3840 : i32
      %mul3A_180 = vector.broadcast %mul3A_179 : i32 to vector<16xi32>
      %mul3A_181 = arith.muli %select_n3A_143, %mul3A_180 : vector<16xi32>
      %add3A_182 = arith.addi %mul3A_181, %sub3A_147 : vector<16xi32>
      %mul3A_183 = arith.constant 3840 : i32
      %mul3A_184 = vector.broadcast %mul3A_183 : i32 to vector<16xi32>
      %mul3A_185 = arith.muli %select_n3A_178, %mul3A_184 : vector<16xi32>
      %sub3A_186 = arith.subi %add3A_182, %mul3A_185 : vector<16xi32>
      %mul3A_187 = arith.constant 16 : i32
      %mul3A_188 = arith.muli %scan3A_108, %mul3A_187 : i32
      %swap3A_189 = arith.index_cast %mul3A_188 : i32 to index
      %swap3A_190 = tpu.vector_load %arg5[%swap3A_189] {strides = array<i32>} : memref<13312xi32, #tpu.memory_space<vmem>>, vector<16xi32>,
      tpu.vector_store %arg5[%swap3A_189], %sub3A_186 {strides = array<i32>} : memref<13312xi32, #tpu.memory_space<vmem>>, vector<16xi32>,
      %mul3A_191 = arith.constant 32 : i32
      %mul3A_192 = vector.broadcast %mul3A_191 : i32 to vector<16xi32>
      %mul3A_193 = arith.muli %select_n3A_178, %mul3A_192 : vector<16xi32>
      %mul3A_194 = arith.constant 16 : i32
      %mul3A_195 = arith.muli %scan3A_108, %mul3A_194 : i32
      %swap3A_196 = arith.index_cast %mul3A_195 : i32 to index
      %swap3A_197 = tpu.vector_load %arg6[%swap3A_196] {strides = array<i32>} : memref<13312xi32, #tpu.memory_space<vmem>>, vector<16xi32>,
      tpu.vector_store %arg6[%swap3A_196], %mul3A_193 {strides = array<i32>} : memref<13312xi32, #tpu.memory_space<vmem>>, vector<16xi32>,
      %scan3A_198 = arith.constant 2 : i32
      %scan3A_199 = arith.addi %scan3A_27, %scan3A_198 : i32
      %mul3A_200 = arith.constant 16 : i32
      %mul3A_201 = arith.muli %scan3A_199, %mul3A_200 : i32
      %get3A_202 = arith.index_cast %mul3A_201 : i32 to index
      %get3A_203 = tpu.vector_load %arg5[%get3A_202] {strides = array<i32>} : memref<13312xi32, #tpu.memory_space<vmem>>, vector<16xi32>,
      %jit3A_204 = arith.constant 15360 : i32
      %div3A_205 = vector.broadcast %jit3A_204 : i32 to vector<16xi32>
      %div3A_206 = arith.divsi %get3A_203, %div3A_205 : vector<16xi32>
      %sign3A_207 = arith.constant 0 : i32
      %sign3A_208 = vector.broadcast %sign3A_207 : i32 to vector<16xi32>
      %sign3A_209 = arith.cmpi sgt, %get3A_203, %sign3A_208 : vector<16xi32>
      %sign3A_210 = arith.extui %sign3A_209 : vector<16xi1> to vector<16xi32>
      %sign3A_211 = arith.constant 0 : i32
      %sign3A_212 = vector.broadcast %sign3A_211 : i32 to vector<16xi32>
      %sign3A_213 = arith.cmpi slt, %get3A_203, %sign3A_212 : vector<16xi32>
      %sign3A_214 = arith.extui %sign3A_213 : vector<16xi1> to vector<16xi32>
      %sign3A_215 = arith.subi %sign3A_210, %sign3A_214 : vector<16xi32>
      %sign3A_216 = arith.constant 0 : i32
      %sign3A_217 = arith.cmpi sgt, %jit3A_204, %sign3A_216 : i32
      %sign3A_218 = arith.extui %sign3A_217 : i1 to i32
      %sign3A_219 = arith.constant 0 : i32
      %sign3A_220 = arith.cmpi slt, %jit3A_204, %sign3A_219 : i32
      %sign3A_221 = arith.extui %sign3A_220 : i1 to i32
      %sign3A_222 = arith.subi %sign3A_218, %sign3A_221 : i32
      %ne3A_223 = vector.broadcast %sign3A_222 : i32 to vector<16xi32>
      %ne3A_224 = arith.cmpi ne, %sign3A_215, %ne3A_223 : vector<16xi32>
      %rem3A_225 = vector.broadcast %jit3A_204 : i32 to vector<16xi32>
      %rem3A_226 = arith.remsi %get3A_203, %rem3A_225 : vector<16xi32>
      %ne3A_227 = arith.constant 0 : i32
      %ne3A_228 = vector.broadcast %ne3A_227 : i32 to vector<16xi32>
      %ne3A_229 = arith.cmpi ne, %rem3A_226, %ne3A_228 : vector<16xi32>
      %and3A_230 = arith.andi %ne3A_224, %ne3A_229 : vector<16xi1>
      %sub3A_231 = arith.constant 1 : i32
      %sub3A_232 = vector.broadcast %sub3A_231 : i32 to vector<16xi32>
      %sub3A_233 = arith.subi %div3A_206, %sub3A_232 : vector<16xi32>
      %select_n3A_234 = arith.select %and3A_230, %sub3A_233, %div3A_206 : vector<16xi1>, vector<16xi32>
      %mul3A_235 = arith.constant 15360 : i32
      %mul3A_236 = vector.broadcast %mul3A_235 : i32 to vector<16xi32>
      %mul3A_237 = arith.muli %select_n3A_234, %mul3A_236 : vector<16xi32>
      %sub3A_238 = arith.subi %get3A_203, %mul3A_237 : vector<16xi32>
      %jit3A_239 = arith.constant 3840 : i32
      %div3A_240 = vector.broadcast %jit3A_239 : i32 to vector<16xi32>
      %div3A_241 = arith.divsi %sub3A_238, %div3A_240 : vector<16xi32>
      %sign3A_242 = arith.constant 0 : i32
      %sign3A_243 = vector.broadcast %sign3A_242 : i32 to vector<16xi32>
      %sign3A_244 = arith.cmpi sgt, %sub3A_238, %sign3A_243 : vector<16xi32>
      %sign3A_245 = arith.extui %sign3A_244 : vector<16xi1> to vector<16xi32>
      %sign3A_246 = arith.constant 0 : i32
      %sign3A_247 = vector.broadcast %sign3A_246 : i32 to vector<16xi32>
      %sign3A_248 = arith.cmpi slt, %sub3A_238, %sign3A_247 : vector<16xi32>
      %sign3A_249 = arith.extui %sign3A_248 : vector<16xi1> to vector<16xi32>
      %sign3A_250 = arith.subi %sign3A_245, %sign3A_249 : vector<16xi32>
      %sign3A_251 = arith.constant 0 : i32
      %sign3A_252 = arith.cmpi sgt, %jit3A_239, %sign3A_251 : i32
      %sign3A_253 = arith.extui %sign3A_252 : i1 to i32
      %sign3A_254 = arith.constant 0 : i32
      %sign3A_255 = arith.cmpi slt, %jit3A_239, %sign3A_254 : i32
      %sign3A_256 = arith.extui %sign3A_255 : i1 to i32
      %sign3A_257 = arith.subi %sign3A_253, %sign3A_256 : i32
      %ne3A_258 = vector.broadcast %sign3A_257 : i32 to vector<16xi32>
      %ne3A_259 = arith.cmpi ne, %sign3A_250, %ne3A_258 : vector<16xi32>
      %rem3A_260 = vector.broadcast %jit3A_239 : i32 to vector<16xi32>
      %rem3A_261 = arith.remsi %sub3A_238, %rem3A_260 : vector<16xi32>
      %ne3A_262 = arith.constant 0 : i32
      %ne3A_263 = vector.broadcast %ne3A_262 : i32 to vector<16xi32>
      %ne3A_264 = arith.cmpi ne, %rem3A_261, %ne3A_263 : vector<16xi32>
      %and3A_265 = arith.andi %ne3A_259, %ne3A_264 : vector<16xi1>
      %sub3A_266 = arith.constant 1 : i32
      %sub3A_267 = vector.broadcast %sub3A_266 : i32 to vector<16xi32>
      %sub3A_268 = arith.subi %div3A_241, %sub3A_267 : vector<16xi32>
      %select_n3A_269 = arith.select %and3A_265, %sub3A_268, %div3A_241 : vector<16xi1>, vector<16xi32>
      %mul3A_270 = arith.constant 3840 : i32
      %mul3A_271 = vector.broadcast %mul3A_270 : i32 to vector<16xi32>
      %mul3A_272 = arith.muli %select_n3A_234, %mul3A_271 : vector<16xi32>
      %add3A_273 = arith.addi %mul3A_272, %sub3A_238 : vector<16xi32>
      %mul3A_274 = arith.constant 3840 : i32
      %mul3A_275 = vector.broadcast %mul3A_274 : i32 to vector<16xi32>
      %mul3A_276 = arith.muli %select_n3A_269, %mul3A_275 : vector<16xi32>
      %sub3A_277 = arith.subi %add3A_273, %mul3A_276 : vector<16xi32>
      %mul3A_278 = arith.constant 16 : i32
      %mul3A_279 = arith.muli %scan3A_199, %mul3A_278 : i32
      %swap3A_280 = arith.index_cast %mul3A_279 : i32 to index
      %swap3A_281 = tpu.vector_load %arg5[%swap3A_280] {strides = array<i32>} : memref<13312xi32, #tpu.memory_space<vmem>>, vector<16xi32>,
      tpu.vector_store %arg5[%swap3A_280], %sub3A_277 {strides = array<i32>} : memref<13312xi32, #tpu.memory_space<vmem>>, vector<16xi32>,
      %mul3A_282 = arith.constant 32 : i32
      %mul3A_283 = vector.broadcast %mul3A_282 : i32 to vector<16xi32>
      %mul3A_284 = arith.muli %select_n3A_269, %mul3A_283 : vector<16xi32>
      %mul3A_285 = arith.constant 16 : i32
      %mul3A_286 = arith.muli %scan3A_199, %mul3A_285 : i32
      %swap3A_287 = arith.index_cast %mul3A_286 : i32 to index
      %swap3A_288 = tpu.vector_load %arg6[%swap3A_287] {strides = array<i32>} : memref<13312xi32, #tpu.memory_space<vmem>>, vector<16xi32>,
      tpu.vector_store %arg6[%swap3A_287], %mul3A_284 {strides = array<i32>} : memref<13312xi32, #tpu.memory_space<vmem>>, vector<16xi32>,
      %scan3A_289 = arith.constant 3 : i32
      %scan3A_290 = arith.addi %scan3A_27, %scan3A_289 : i32
      %mul3A_291 = arith.constant 16 : i32
      %mul3A_292 = arith.muli %scan3A_290, %mul3A_291 : i32
      %get3A_293 = arith.index_cast %mul3A_292 : i32 to index
      %get3A_294 = tpu.vector_load %arg5[%get3A_293] {strides = array<i32>} : memref<13312xi32, #tpu.memory_space<vmem>>, vector<16xi32>,
      %jit3A_295 = arith.constant 15360 : i32
      %div3A_296 = vector.broadcast %jit3A_295 : i32 to vector<16xi32>
      %div3A_297 = arith.divsi %get3A_294, %div3A_296 : vector<16xi32>
      %sign3A_298 = arith.constant 0 : i32
      %sign3A_299 = vector.broadcast %sign3A_298 : i32 to vector<16xi32>
      %sign3A_300 = arith.cmpi sgt, %get3A_294, %sign3A_299 : vector<16xi32>
      %sign3A_301 = arith.extui %sign3A_300 : vector<16xi1> to vector<16xi32>
      %sign3A_302 = arith.constant 0 : i32
      %sign3A_303 = vector.broadcast %sign3A_302 : i32 to vector<16xi32>
      %sign3A_304 = arith.cmpi slt, %get3A_294, %sign3A_303 : vector<16xi32>
      %sign3A_305 = arith.extui %sign3A_304 : vector<16xi1> to vector<16xi32>
      %sign3A_306 = arith.subi %sign3A_301, %sign3A_305 : vector<16xi32>
      %sign3A_307 = arith.constant 0 : i32
      %sign3A_308 = arith.cmpi sgt, %jit3A_295, %sign3A_307 : i32
      %sign3A_309 = arith.extui %sign3A_308 : i1 to i32
      %sign3A_310 = arith.constant 0 : i32
      %sign3A_311 = arith.cmpi slt, %jit3A_295, %sign3A_310 : i32
      %sign3A_312 = arith.extui %sign3A_311 : i1 to i32
      %sign3A_313 = arith.subi %sign3A_309, %sign3A_312 : i32
      %ne3A_314 = vector.broadcast %sign3A_313 : i32 to vector<16xi32>
      %ne3A_315 = arith.cmpi ne, %sign3A_306, %ne3A_314 : vector<16xi32>
      %rem3A_316 = vector.broadcast %jit3A_295 : i32 to vector<16xi32>
      %rem3A_317 = arith.remsi %get3A_294, %rem3A_316 : vector<16xi32>
      %ne3A_318 = arith.constant 0 : i32
      %ne3A_319 = vector.broadcast %ne3A_318 : i32 to vector<16xi32>
      %ne3A_320 = arith.cmpi ne, %rem3A_317, %ne3A_319 : vector<16xi32>
      %and3A_321 = arith.andi %ne3A_315, %ne3A_320 : vector<16xi1>
      %sub3A_322 = arith.constant 1 : i32
      %sub3A_323 = vector.broadcast %sub3A_322 : i32 to vector<16xi32>
      %sub3A_324 = arith.subi %div3A_297, %sub3A_323 : vector<16xi32>
      %select_n3A_325 = arith.select %and3A_321, %sub3A_324, %div3A_297 : vector<16xi1>, vector<16xi32>
      %mul3A_326 = arith.constant 15360 : i32
      %mul3A_327 = vector.broadcast %mul3A_326 : i32 to vector<16xi32>
      %mul3A_328 = arith.muli %select_n3A_325, %mul3A_327 : vector<16xi32>
      %sub3A_329 = arith.subi %get3A_294, %mul3A_328 : vector<16xi32>
      %jit3A_330 = arith.constant 3840 : i32
      %div3A_331 = vector.broadcast %jit3A_330 : i32 to vector<16xi32>
      %div3A_332 = arith.divsi %sub3A_329, %div3A_331 : vector<16xi32>
      %sign3A_333 = arith.constant 0 : i32
      %sign3A_334 = vector.broadcast %sign3A_333 : i32 to vector<16xi32>
      %sign3A_335 = arith.cmpi sgt, %sub3A_329, %sign3A_334 : vector<16xi32>
      %sign3A_336 = arith.extui %sign3A_335 : vector<16xi1> to vector<16xi32>
      %sign3A_337 = arith.constant 0 : i32
      %sign3A_338 = vector.broadcast %sign3A_337 : i32 to vector<16xi32>
      %sign3A_339 = arith.cmpi slt, %sub3A_329, %sign3A_338 : vector<16xi32>
      %sign3A_340 = arith.extui %sign3A_339 : vector<16xi1> to vector<16xi32>
      %sign3A_341 = arith.subi %sign3A_336, %sign3A_340 : vector<16xi32>
      %sign3A_342 = arith.constant 0 : i32
      %sign3A_343 = arith.cmpi sgt, %jit3A_330, %sign3A_342 : i32
      %sign3A_344 = arith.extui %sign3A_343 : i1 to i32
      %sign3A_345 = arith.constant 0 : i32
      %sign3A_346 = arith.cmpi slt, %jit3A_330, %sign3A_345 : i32
      %sign3A_347 = arith.extui %sign3A_346 : i1 to i32
      %sign3A_348 = arith.subi %sign3A_344, %sign3A_347 : i32
      %ne3A_349 = vector.broadcast %sign3A_348 : i32 to vector<16xi32>
      %ne3A_350 = arith.cmpi ne, %sign3A_341, %ne3A_349 : vector<16xi32>
      %rem3A_351 = vector.broadcast %jit3A_330 : i32 to vector<16xi32>
      %rem3A_352 = arith.remsi %sub3A_329, %rem3A_351 : vector<16xi32>
      %ne3A_353 = arith.constant 0 : i32
      %ne3A_354 = vector.broadcast %ne3A_353 : i32 to vector<16xi32>
      %ne3A_355 = arith.cmpi ne, %rem3A_352, %ne3A_354 : vector<16xi32>
      %and3A_356 = arith.andi %ne3A_350, %ne3A_355 : vector<16xi1>
      %sub3A_357 = arith.constant 1 : i32
      %sub3A_358 = vector.broadcast %sub3A_357 : i32 to vector<16xi32>
      %sub3A_359 = arith.subi %div3A_332, %sub3A_358 : vector<16xi32>
      %select_n3A_360 = arith.select %and3A_356, %sub3A_359, %div3A_332 : vector<16xi1>, vector<16xi32>
      %mul3A_361 = arith.constant 3840 : i32
      %mul3A_362 = vector.broadcast %mul3A_361 : i32 to vector<16xi32>
      %mul3A_363 = arith.muli %select_n3A_325, %mul3A_362 : vector<16xi32>
      %add3A_364 = arith.addi %mul3A_363, %sub3A_329 : vector<16xi32>
      %mul3A_365 = arith.constant 3840 : i32
      %mul3A_366 = vector.broadcast %mul3A_365 : i32 to vector<16xi32>
      %mul3A_367 = arith.muli %select_n3A_360, %mul3A_366 : vector<16xi32>
      %sub3A_368 = arith.subi %add3A_364, %mul3A_367 : vector<16xi32>
      %mul3A_369 = arith.constant 16 : i32
      %mul3A_370 = arith.muli %scan3A_290, %mul3A_369 : i32
      %swap3A_371 = arith.index_cast %mul3A_370 : i32 to index
      %swap3A_372 = tpu.vector_load %arg5[%swap3A_371] {strides = array<i32>} : memref<13312xi32, #tpu.memory_space<vmem>>, vector<16xi32>,
      tpu.vector_store %arg5[%swap3A_371], %sub3A_368 {strides = array<i32>} : memref<13312xi32, #tpu.memory_space<vmem>>, vector<16xi32>,
      %mul3A_373 = arith.constant 32 : i32
      %mul3A_374 = vector.broadcast %mul3A_373 : i32 to vector<16xi32>
      %mul3A_375 = arith.muli %select_n3A_360, %mul3A_374 : vector<16xi32>
      %mul3A_376 = arith.constant 16 : i32
      %mul3A_377 = arith.muli %scan3A_290, %mul3A_376 : i32
      %swap3A_378 = arith.index_cast %mul3A_377 : i32 to index
      %swap3A_379 = tpu.vector_load %arg6[%swap3A_378] {strides = array<i32>} : memref<13312xi32, #tpu.memory_space<vmem>>, vector<16xi32>,
      tpu.vector_store %arg6[%swap3A_378], %mul3A_375 {strides = array<i32>} : memref<13312xi32, #tpu.memory_space<vmem>>, vector<16xi32>,
      %scan3A_380 = arith.constant 4 : i32
      %scan3A_381 = arith.addi %scan3A_27, %scan3A_380 : i32
      %mul3A_382 = arith.constant 16 : i32
      %mul3A_383 = arith.muli %scan3A_381, %mul3A_382 : i32
      %get3A_384 = arith.index_cast %mul3A_383 : i32 to index
      %get3A_385 = tpu.vector_load %arg5[%get3A_384] {strides = array<i32>} : memref<13312xi32, #tpu.memory_space<vmem>>, vector<16xi32>,
      %jit3A_386 = arith.constant 15360 : i32
      %div3A_387 = vector.broadcast %jit3A_386 : i32 to vector<16xi32>
      %div3A_388 = arith.divsi %get3A_385, %div3A_387 : vector<16xi32>
      %sign3A_389 = arith.constant 0 : i32
      %sign3A_390 = vector.broadcast %sign3A_389 : i32 to vector<16xi32>
      %sign3A_391 = arith.cmpi sgt, %get3A_385, %sign3A_390 : vector<16xi32>
      %sign3A_392 = arith.extui %sign3A_391 : vector<16xi1> to vector<16xi32>
      %sign3A_393 = arith.constant 0 : i32
      %sign3A_394 = vector.broadcast %sign3A_393 : i32 to vector<16xi32>
      %sign3A_395 = arith.cmpi slt, %get3A_385, %sign3A_394 : vector<16xi32>
      %sign3A_396 = arith.extui %sign3A_395 : vector<16xi1> to vector<16xi32>
      %sign3A_397 = arith.subi %sign3A_392, %sign3A_396 : vector<16xi32>
      %sign3A_398 = arith.constant 0 : i32
      %sign3A_399 = arith.cmpi sgt, %jit3A_386, %sign3A_398 : i32
      %sign3A_400 = arith.extui %sign3A_399 : i1 to i32
      %sign3A_401 = arith.constant 0 : i32
      %sign3A_402 = arith.cmpi slt, %jit3A_386, %sign3A_401 : i32
      %sign3A_403 = arith.extui %sign3A_402 : i1 to i32
      %sign3A_404 = arith.subi %sign3A_400, %sign3A_403 : i32
      %ne3A_405 = vector.broadcast %sign3A_404 : i32 to vector<16xi32>
      %ne3A_406 = arith.cmpi ne, %sign3A_397, %ne3A_405 : vector<16xi32>
      %rem3A_407 = vector.broadcast %jit3A_386 : i32 to vector<16xi32>
      %rem3A_408 = arith.remsi %get3A_385, %rem3A_407 : vector<16xi32>
      %ne3A_409 = arith.constant 0 : i32
      %ne3A_410 = vector.broadcast %ne3A_409 : i32 to vector<16xi32>
      %ne3A_411 = arith.cmpi ne, %rem3A_408, %ne3A_410 : vector<16xi32>
      %and3A_412 = arith.andi %ne3A_406, %ne3A_411 : vector<16xi1>
      %sub3A_413 = arith.constant 1 : i32
      %sub3A_414 = vector.broadcast %sub3A_413 : i32 to vector<16xi32>
      %sub3A_415 = arith.subi %div3A_388, %sub3A_414 : vector<16xi32>
      %select_n3A_416 = arith.select %and3A_412, %sub3A_415, %div3A_388 : vector<16xi1>, vector<16xi32>
      %mul3A_417 = arith.constant 15360 : i32
      %mul3A_418 = vector.broadcast %mul3A_417 : i32 to vector<16xi32>
      %mul3A_419 = arith.muli %select_n3A_416, %mul3A_418 : vector<16xi32>
      %sub3A_420 = arith.subi %get3A_385, %mul3A_419 : vector<16xi32>
      %jit3A_421 = arith.constant 3840 : i32
      %div3A_422 = vector.broadcast %jit3A_421 : i32 to vector<16xi32>
      %div3A_423 = arith.divsi %sub3A_420, %div3A_422 : vector<16xi32>
      %sign3A_424 = arith.constant 0 : i32
      %sign3A_425 = vector.broadcast %sign3A_424 : i32 to vector<16xi32>
      %sign3A_426 = arith.cmpi sgt, %sub3A_420, %sign3A_425 : vector<16xi32>
      %sign3A_427 = arith.extui %sign3A_426 : vector<16xi1> to vector<16xi32>
      %sign3A_428 = arith.constant 0 : i32
      %sign3A_429 = vector.broadcast %sign3A_428 : i32 to vector<16xi32>
      %sign3A_430 = arith.cmpi slt, %sub3A_420, %sign3A_429 : vector<16xi32>
      %sign3A_431 = arith.extui %sign3A_430 : vector<16xi1> to vector<16xi32>
      %sign3A_432 = arith.subi %sign3A_427, %sign3A_431 : vector<16xi32>
      %sign3A_433 = arith.constant 0 : i32
      %sign3A_434 = arith.cmpi sgt, %jit3A_421, %sign3A_433 : i32
      %sign3A_435 = arith.extui %sign3A_434 : i1 to i32
      %sign3A_436 = arith.constant 0 : i32
      %sign3A_437 = arith.cmpi slt, %jit3A_421, %sign3A_436 : i32
      %sign3A_438 = arith.extui %sign3A_437 : i1 to i32
      %sign3A_439 = arith.subi %sign3A_435, %sign3A_438 : i32
      %ne3A_440 = vector.broadcast %sign3A_439 : i32 to vector<16xi32>
      %ne3A_441 = arith.cmpi ne, %sign3A_432, %ne3A_440 : vector<16xi32>
      %rem3A_442 = vector.broadcast %jit3A_421 : i32 to vector<16xi32>
      %rem3A_443 = arith.remsi %sub3A_420, %rem3A_442 : vector<16xi32>
      %ne3A_444 = arith.constant 0 : i32
      %ne3A_445 = vector.broadcast %ne3A_444 : i32 to vector<16xi32>
      %ne3A_446 = arith.cmpi ne, %rem3A_443, %ne3A_445 : vector<16xi32>
      %and3A_447 = arith.andi %ne3A_441, %ne3A_446 : vector<16xi1>
      %sub3A_448 = arith.constant 1 : i32
      %sub3A_449 = vector.broadcast %sub3A_448 : i32 to vector<16xi32>
      %sub3A_450 = arith.subi %div3A_423, %sub3A_449 : vector<16xi32>
      %select_n3A_451 = arith.select %and3A_447, %sub3A_450, %div3A_423 : vector<16xi1>, vector<16xi32>
      %mul3A_452 = arith.constant 3840 : i32
      %mul3A_453 = vector.broadcast %mul3A_452 : i32 to vector<16xi32>
      %mul3A_454 = arith.muli %select_n3A_416, %mul3A_453 : vector<16xi32>
      %add3A_455 = arith.addi %mul3A_454, %sub3A_420 : vector<16xi32>
      %mul3A_456 = arith.constant 3840 : i32
      %mul3A_457 = vector.broadcast %mul3A_456 : i32 to vector<16xi32>
      %mul3A_458 = arith.muli %select_n3A_451, %mul3A_457 : vector<16xi32>
      %sub3A_459 = arith.subi %add3A_455, %mul3A_458 : vector<16xi32>
      %mul3A_460 = arith.constant 16 : i32
      %mul3A_461 = arith.muli %scan3A_381, %mul3A_460 : i32
      %swap3A_462 = arith.index_cast %mul3A_461 : i32 to index
      %swap3A_463 = tpu.vector_load %arg5[%swap3A_462] {strides = array<i32>} : memref<13312xi32, #tpu.memory_space<vmem>>, vector<16xi32>,
      tpu.vector_store %arg5[%swap3A_462], %sub3A_459 {strides = array<i32>} : memref<13312xi32, #tpu.memory_space<vmem>>, vector<16xi32>,
      %mul3A_464 = arith.constant 32 : i32
      %mul3A_465 = vector.broadcast %mul3A_464 : i32 to vector<16xi32>
      %mul3A_466 = arith.muli %select_n3A_451, %mul3A_465 : vector<16xi32>
      %mul3A_467 = arith.constant 16 : i32
      %mul3A_468 = arith.muli %scan3A_381, %mul3A_467 : i32
      %swap3A_469 = arith.index_cast %mul3A_468 : i32 to index
      %swap3A_470 = tpu.vector_load %arg6[%swap3A_469] {strides = array<i32>} : memref<13312xi32, #tpu.memory_space<vmem>>, vector<16xi32>,
      tpu.vector_store %arg6[%swap3A_469], %mul3A_466 {strides = array<i32>} : memref<13312xi32, #tpu.memory_space<vmem>>, vector<16xi32>,
      %scan3A_471 = arith.constant 5 : i32
      %scan3A_472 = arith.addi %scan3A_27, %scan3A_471 : i32
      %mul3A_473 = arith.constant 16 : i32
      %mul3A_474 = arith.muli %scan3A_472, %mul3A_473 : i32
      %get3A_475 = arith.index_cast %mul3A_474 : i32 to index
      %get3A_476 = tpu.vector_load %arg5[%get3A_475] {strides = array<i32>} : memref<13312xi32, #tpu.memory_space<vmem>>, vector<16xi32>,
      %jit3A_477 = arith.constant 15360 : i32
      %div3A_478 = vector.broadcast %jit3A_477 : i32 to vector<16xi32>
      %div3A_479 = arith.divsi %get3A_476, %div3A_478 : vector<16xi32>
      %sign3A_480 = arith.constant 0 : i32
      %sign3A_481 = vector.broadcast %sign3A_480 : i32 to vector<16xi32>
      %sign3A_482 = arith.cmpi sgt, %get3A_476, %sign3A_481 : vector<16xi32>
      %sign3A_483 = arith.extui %sign3A_482 : vector<16xi1> to vector<16xi32>
      %sign3A_484 = arith.constant 0 : i32
      %sign3A_485 = vector.broadcast %sign3A_484 : i32 to vector<16xi32>
      %sign3A_486 = arith.cmpi slt, %get3A_476, %sign3A_485 : vector<16xi32>
      %sign3A_487 = arith.extui %sign3A_486 : vector<16xi1> to vector<16xi32>
      %sign3A_488 = arith.subi %sign3A_483, %sign3A_487 : vector<16xi32>
      %sign3A_489 = arith.constant 0 : i32
      %sign3A_490 = arith.cmpi sgt, %jit3A_477, %sign3A_489 : i32
      %sign3A_491 = arith.extui %sign3A_490 : i1 to i32
      %sign3A_492 = arith.constant 0 : i32
      %sign3A_493 = arith.cmpi slt, %jit3A_477, %sign3A_492 : i32
      %sign3A_494 = arith.extui %sign3A_493 : i1 to i32
      %sign3A_495 = arith.subi %sign3A_491, %sign3A_494 : i32
      %ne3A_496 = vector.broadcast %sign3A_495 : i32 to vector<16xi32>
      %ne3A_497 = arith.cmpi ne, %sign3A_488, %ne3A_496 : vector<16xi32>
      %rem3A_498 = vector.broadcast %jit3A_477 : i32 to vector<16xi32>
      %rem3A_499 = arith.remsi %get3A_476, %rem3A_498 : vector<16xi32>
      %ne3A_500 = arith.constant 0 : i32
      %ne3A_501 = vector.broadcast %ne3A_500 : i32 to vector<16xi32>
      %ne3A_502 = arith.cmpi ne, %rem3A_499, %ne3A_501 : vector<16xi32>
      %and3A_503 = arith.andi %ne3A_497, %ne3A_502 : vector<16xi1>
      %sub3A_504 = arith.constant 1 : i32
      %sub3A_505 = vector.broadcast %sub3A_504 : i32 to vector<16xi32>
      %sub3A_506 = arith.subi %div3A_479, %sub3A_505 : vector<16xi32>
      %select_n3A_507 = arith.select %and3A_503, %sub3A_506, %div3A_479 : vector<16xi1>, vector<16xi32>
      %mul3A_508 = arith.constant 15360 : i32
      %mul3A_509 = vector.broadcast %mul3A_508 : i32 to vector<16xi32>
      %mul3A_510 = arith.muli %select_n3A_507, %mul3A_509 : vector<16xi32>
      %sub3A_511 = arith.subi %get3A_476, %mul3A_510 : vector<16xi32>
      %jit3A_512 = arith.constant 3840 : i32
      %div3A_513 = vector.broadcast %jit3A_512 : i32 to vector<16xi32>
      %div3A_514 = arith.divsi %sub3A_511, %div3A_513 : vector<16xi32>
      %sign3A_515 = arith.constant 0 : i32
      %sign3A_516 = vector.broadcast %sign3A_515 : i32 to vector<16xi32>
      %sign3A_517 = arith.cmpi sgt, %sub3A_511, %sign3A_516 : vector<16xi32>
      %sign3A_518 = arith.extui %sign3A_517 : vector<16xi1> to vector<16xi32>
      %sign3A_519 = arith.constant 0 : i32
      %sign3A_520 = vector.broadcast %sign3A_519 : i32 to vector<16xi32>
      %sign3A_521 = arith.cmpi slt, %sub3A_511, %sign3A_520 : vector<16xi32>
      %sign3A_522 = arith.extui %sign3A_521 : vector<16xi1> to vector<16xi32>
      %sign3A_523 = arith.subi %sign3A_518, %sign3A_522 : vector<16xi32>
      %sign3A_524 = arith.constant 0 : i32
      %sign3A_525 = arith.cmpi sgt, %jit3A_512, %sign3A_524 : i32
      %sign3A_526 = arith.extui %sign3A_525 : i1 to i32
      %sign3A_527 = arith.constant 0 : i32
      %sign3A_528 = arith.cmpi slt, %jit3A_512, %sign3A_527 : i32
      %sign3A_529 = arith.extui %sign3A_528 : i1 to i32
      %sign3A_530 = arith.subi %sign3A_526, %sign3A_529 : i32
      %ne3A_531 = vector.broadcast %sign3A_530 : i32 to vector<16xi32>
      %ne3A_532 = arith.cmpi ne, %sign3A_523, %ne3A_531 : vector<16xi32>
      %rem3A_533 = vector.broadcast %jit3A_512 : i32 to vector<16xi32>
      %rem3A_534 = arith.remsi %sub3A_511, %rem3A_533 : vector<16xi32>
      %ne3A_535 = arith.constant 0 : i32
      %ne3A_536 = vector.broadcast %ne3A_535 : i32 to vector<16xi32>
      %ne3A_537 = arith.cmpi ne, %rem3A_534, %ne3A_536 : vector<16xi32>
      %and3A_538 = arith.andi %ne3A_532, %ne3A_537 : vector<16xi1>
      %sub3A_539 = arith.constant 1 : i32
      %sub3A_540 = vector.broadcast %sub3A_539 : i32 to vector<16xi32>
      %sub3A_541 = arith.subi %div3A_514, %sub3A_540 : vector<16xi32>
      %select_n3A_542 = arith.select %and3A_538, %sub3A_541, %div3A_514 : vector<16xi1>, vector<16xi32>
      %mul3A_543 = arith.constant 3840 : i32
      %mul3A_544 = vector.broadcast %mul3A_543 : i32 to vector<16xi32>
      %mul3A_545 = arith.muli %select_n3A_507, %mul3A_544 : vector<16xi32>
      %add3A_546 = arith.addi %mul3A_545, %sub3A_511 : vector<16xi32>
      %mul3A_547 = arith.constant 3840 : i32
      %mul3A_548 = vector.broadcast %mul3A_547 : i32 to vector<16xi32>
      %mul3A_549 = arith.muli %select_n3A_542, %mul3A_548 : vector<16xi32>
      %sub3A_550 = arith.subi %add3A_546, %mul3A_549 : vector<16xi32>
      %mul3A_551 = arith.constant 16 : i32
      %mul3A_552 = arith.muli %scan3A_472, %mul3A_551 : i32
      %swap3A_553 = arith.index_cast %mul3A_552 : i32 to index
      %swap3A_554 = tpu.vector_load %arg5[%swap3A_553] {strides = array<i32>} : memref<13312xi32, #tpu.memory_space<vmem>>, vector<16xi32>,
      tpu.vector_store %arg5[%swap3A_553], %sub3A_550 {strides = array<i32>} : memref<13312xi32, #tpu.memory_space<vmem>>, vector<16xi32>,
      %mul3A_555 = arith.constant 32 : i32
      %mul3A_556 = vector.broadcast %mul3A_555 : i32 to vector<16xi32>
      %mul3A_557 = arith.muli %select_n3A_542, %mul3A_556 : vector<16xi32>
      %mul3A_558 = arith.constant 16 : i32
      %mul3A_559 = arith.muli %scan3A_472, %mul3A_558 : i32
      %swap3A_560 = arith.index_cast %mul3A_559 : i32 to index
      %swap3A_561 = tpu.vector_load %arg6[%swap3A_560] {strides = array<i32>} : memref<13312xi32, #tpu.memory_space<vmem>>, vector<16xi32>,
      tpu.vector_store %arg6[%swap3A_560], %mul3A_557 {strides = array<i32>} : memref<13312xi32, #tpu.memory_space<vmem>>, vector<16xi32>,
      %scan3A_562 = arith.constant 6 : i32
      %scan3A_563 = arith.addi %scan3A_27, %scan3A_562 : i32
      %mul3A_564 = arith.constant 16 : i32
      %mul3A_565 = arith.muli %scan3A_563, %mul3A_564 : i32
      %get3A_566 = arith.index_cast %mul3A_565 : i32 to index
      %get3A_567 = tpu.vector_load %arg5[%get3A_566] {strides = array<i32>} : memref<13312xi32, #tpu.memory_space<vmem>>, vector<16xi32>,
      %jit3A_568 = arith.constant 15360 : i32
      %div3A_569 = vector.broadcast %jit3A_568 : i32 to vector<16xi32>
      %div3A_570 = arith.divsi %get3A_567, %div3A_569 : vector<16xi32>
      %sign3A_571 = arith.constant 0 : i32
      %sign3A_572 = vector.broadcast %sign3A_571 : i32 to vector<16xi32>
      %sign3A_573 = arith.cmpi sgt, %get3A_567, %sign3A_572 : vector<16xi32>
      %sign3A_574 = arith.extui %sign3A_573 : vector<16xi1> to vector<16xi32>
      %sign3A_575 = arith.constant 0 : i32
      %sign3A_576 = vector.broadcast %sign3A_575 : i32 to vector<16xi32>
      %sign3A_577 = arith.cmpi slt, %get3A_567, %sign3A_576 : vector<16xi32>
      %sign3A_578 = arith.extui %sign3A_577 : vector<16xi1> to vector<16xi32>
      %sign3A_579 = arith.subi %sign3A_574, %sign3A_578 : vector<16xi32>
      %sign3A_580 = arith.constant 0 : i32
      %sign3A_581 = arith.cmpi sgt, %jit3A_568, %sign3A_580 : i32
      %sign3A_582 = arith.extui %sign3A_581 : i1 to i32
      %sign3A_583 = arith.constant 0 : i32
      %sign3A_584 = arith.cmpi slt, %jit3A_568, %sign3A_583 : i32
      %sign3A_585 = arith.extui %sign3A_584 : i1 to i32
      %sign3A_586 = arith.subi %sign3A_582, %sign3A_585 : i32
      %ne3A_587 = vector.broadcast %sign3A_586 : i32 to vector<16xi32>
      %ne3A_588 = arith.cmpi ne, %sign3A_579, %ne3A_587 : vector<16xi32>
      %rem3A_589 = vector.broadcast %jit3A_568 : i32 to vector<16xi32>
      %rem3A_590 = arith.remsi %get3A_567, %rem3A_589 : vector<16xi32>
      %ne3A_591 = arith.constant 0 : i32
      %ne3A_592 = vector.broadcast %ne3A_591 : i32 to vector<16xi32>
      %ne3A_593 = arith.cmpi ne, %rem3A_590, %ne3A_592 : vector<16xi32>
      %and3A_594 = arith.andi %ne3A_588, %ne3A_593 : vector<16xi1>
      %sub3A_595 = arith.constant 1 : i32
      %sub3A_596 = vector.broadcast %sub3A_595 : i32 to vector<16xi32>
      %sub3A_597 = arith.subi %div3A_570, %sub3A_596 : vector<16xi32>
      %select_n3A_598 = arith.select %and3A_594, %sub3A_597, %div3A_570 : vector<16xi1>, vector<16xi32>
      %mul3A_599 = arith.constant 15360 : i32
      %mul3A_600 = vector.broadcast %mul3A_599 : i32 to vector<16xi32>
      %mul3A_601 = arith.muli %select_n3A_598, %mul3A_600 : vector<16xi32>
      %sub3A_602 = arith.subi %get3A_567, %mul3A_601 : vector<16xi32>
      %jit3A_603 = arith.constant 3840 : i32
      %div3A_604 = vector.broadcast %jit3A_603 : i32 to vector<16xi32>
      %div3A_605 = arith.divsi %sub3A_602, %div3A_604 : vector<16xi32>
      %sign3A_606 = arith.constant 0 : i32
      %sign3A_607 = vector.broadcast %sign3A_606 : i32 to vector<16xi32>
      %sign3A_608 = arith.cmpi sgt, %sub3A_602, %sign3A_607 : vector<16xi32>
      %sign3A_609 = arith.extui %sign3A_608 : vector<16xi1> to vector<16xi32>
      %sign3A_610 = arith.constant 0 : i32
      %sign3A_611 = vector.broadcast %sign3A_610 : i32 to vector<16xi32>
      %sign3A_612 = arith.cmpi slt, %sub3A_602, %sign3A_611 : vector<16xi32>
      %sign3A_613 = arith.extui %sign3A_612 : vector<16xi1> to vector<16xi32>
      %sign3A_614 = arith.subi %sign3A_609, %sign3A_613 : vector<16xi32>
      %sign3A_615 = arith.constant 0 : i32
      %sign3A_616 = arith.cmpi sgt, %jit3A_603, %sign3A_615 : i32
      %sign3A_617 = arith.extui %sign3A_616 : i1 to i32
      %sign3A_618 = arith.constant 0 : i32
      %sign3A_619 = arith.cmpi slt, %jit3A_603, %sign3A_618 : i32
      %sign3A_620 = arith.extui %sign3A_619 : i1 to i32
      %sign3A_621 = arith.subi %sign3A_617, %sign3A_620 : i32
      %ne3A_622 = vector.broadcast %sign3A_621 : i32 to vector<16xi32>
      %ne3A_623 = arith.cmpi ne, %sign3A_614, %ne3A_622 : vector<16xi32>
      %rem3A_624 = vector.broadcast %jit3A_603 : i32 to vector<16xi32>
      %rem3A_625 = arith.remsi %sub3A_602, %rem3A_624 : vector<16xi32>
      %ne3A_626 = arith.constant 0 : i32
      %ne3A_627 = vector.broadcast %ne3A_626 : i32 to vector<16xi32>
      %ne3A_628 = arith.cmpi ne, %rem3A_625, %ne3A_627 : vector<16xi32>
      %and3A_629 = arith.andi %ne3A_623, %ne3A_628 : vector<16xi1>
      %sub3A_630 = arith.constant 1 : i32
      %sub3A_631 = vector.broadcast %sub3A_630 : i32 to vector<16xi32>
      %sub3A_632 = arith.subi %div3A_605, %sub3A_631 : vector<16xi32>
      %select_n3A_633 = arith.select %and3A_629, %sub3A_632, %div3A_605 : vector<16xi1>, vector<16xi32>
      %mul3A_634 = arith.constant 3840 : i32
      %mul3A_635 = vector.broadcast %mul3A_634 : i32 to vector<16xi32>
      %mul3A_636 = arith.muli %select_n3A_598, %mul3A_635 : vector<16xi32>
      %add3A_637 = arith.addi %mul3A_636, %sub3A_602 : vector<16xi32>
      %mul3A_638 = arith.constant 3840 : i32
      %mul3A_639 = vector.broadcast %mul3A_638 : i32 to vector<16xi32>
      %mul3A_640 = arith.muli %select_n3A_633, %mul3A_639 : vector<16xi32>
      %sub3A_641 = arith.subi %add3A_637, %mul3A_640 : vector<16xi32>
      %mul3A_642 = arith.constant 16 : i32
      %mul3A_643 = arith.muli %scan3A_563, %mul3A_642 : i32
      %swap3A_644 = arith.index_cast %mul3A_643 : i32 to index
      %swap3A_645 = tpu.vector_load %arg5[%swap3A_644] {strides = array<i32>} : memref<13312xi32, #tpu.memory_space<vmem>>, vector<16xi32>,
      tpu.vector_store %arg5[%swap3A_644], %sub3A_641 {strides = array<i32>} : memref<13312xi32, #tpu.memory_space<vmem>>, vector<16xi32>,
      %mul3A_646 = arith.constant 32 : i32
      %mul3A_647 = vector.broadcast %mul3A_646 : i32 to vector<16xi32>
      %mul3A_648 = arith.muli %select_n3A_633, %mul3A_647 : vector<16xi32>
      %mul3A_649 = arith.constant 16 : i32
      %mul3A_650 = arith.muli %scan3A_563, %mul3A_649 : i32
      %swap3A_651 = arith.index_cast %mul3A_650 : i32 to index
      %swap3A_652 = tpu.vector_load %arg6[%swap3A_651] {strides = array<i32>} : memref<13312xi32, #tpu.memory_space<vmem>>, vector<16xi32>,
      tpu.vector_store %arg6[%swap3A_651], %mul3A_648 {strides = array<i32>} : memref<13312xi32, #tpu.memory_space<vmem>>, vector<16xi32>,
      %scan3A_653 = arith.constant 7 : i32
      %scan3A_654 = arith.addi %scan3A_27, %scan3A_653 : i32
      %mul3A_655 = arith.constant 16 : i32
      %mul3A_656 = arith.muli %scan3A_654, %mul3A_655 : i32
      %get3A_657 = arith.index_cast %mul3A_656 : i32 to index
      %get3A_658 = tpu.vector_load %arg5[%get3A_657] {strides = array<i32>} : memref<13312xi32, #tpu.memory_space<vmem>>, vector<16xi32>,
      %jit3A_659 = arith.constant 15360 : i32
      %div3A_660 = vector.broadcast %jit3A_659 : i32 to vector<16xi32>
      %div3A_661 = arith.divsi %get3A_658, %div3A_660 : vector<16xi32>
      %sign3A_662 = arith.constant 0 : i32
      %sign3A_663 = vector.broadcast %sign3A_662 : i32 to vector<16xi32>
      %sign3A_664 = arith.cmpi sgt, %get3A_658, %sign3A_663 : vector<16xi32>
      %sign3A_665 = arith.extui %sign3A_664 : vector<16xi1> to vector<16xi32>
      %sign3A_666 = arith.constant 0 : i32
      %sign3A_667 = vector.broadcast %sign3A_666 : i32 to vector<16xi32>
      %sign3A_668 = arith.cmpi slt, %get3A_658, %sign3A_667 : vector<16xi32>
      %sign3A_669 = arith.extui %sign3A_668 : vector<16xi1> to vector<16xi32>
      %sign3A_670 = arith.subi %sign3A_665, %sign3A_669 : vector<16xi32>
      %sign3A_671 = arith.constant 0 : i32
      %sign3A_672 = arith.cmpi sgt, %jit3A_659, %sign3A_671 : i32
      %sign3A_673 = arith.extui %sign3A_672 : i1 to i32
      %sign3A_674 = arith.constant 0 : i32
      %sign3A_675 = arith.cmpi slt, %jit3A_659, %sign3A_674 : i32
      %sign3A_676 = arith.extui %sign3A_675 : i1 to i32
      %sign3A_677 = arith.subi %sign3A_673, %sign3A_676 : i32
      %ne3A_678 = vector.broadcast %sign3A_677 : i32 to vector<16xi32>
      %ne3A_679 = arith.cmpi ne, %sign3A_670, %ne3A_678 : vector<16xi32>
      %rem3A_680 = vector.broadcast %jit3A_659 : i32 to vector<16xi32>
      %rem3A_681 = arith.remsi %get3A_658, %rem3A_680 : vector<16xi32>
      %ne3A_682 = arith.constant 0 : i32
      %ne3A_683 = vector.broadcast %ne3A_682 : i32 to vector<16xi32>
      %ne3A_684 = arith.cmpi ne, %rem3A_681, %ne3A_683 : vector<16xi32>
      %and3A_685 = arith.andi %ne3A_679, %ne3A_684 : vector<16xi1>
      %sub3A_686 = arith.constant 1 : i32
      %sub3A_687 = vector.broadcast %sub3A_686 : i32 to vector<16xi32>
      %sub3A_688 = arith.subi %div3A_661, %sub3A_687 : vector<16xi32>
      %select_n3A_689 = arith.select %and3A_685, %sub3A_688, %div3A_661 : vector<16xi1>, vector<16xi32>
      %mul3A_690 = arith.constant 15360 : i32
      %mul3A_691 = vector.broadcast %mul3A_690 : i32 to vector<16xi32>
      %mul3A_692 = arith.muli %select_n3A_689, %mul3A_691 : vector<16xi32>
      %sub3A_693 = arith.subi %get3A_658, %mul3A_692 : vector<16xi32>
      %jit3A_694 = arith.constant 3840 : i32
      %div3A_695 = vector.broadcast %jit3A_694 : i32 to vector<16xi32>
      %div3A_696 = arith.divsi %sub3A_693, %div3A_695 : vector<16xi32>
      %sign3A_697 = arith.constant 0 : i32
      %sign3A_698 = vector.broadcast %sign3A_697 : i32 to vector<16xi32>
      %sign3A_699 = arith.cmpi sgt, %sub3A_693, %sign3A_698 : vector<16xi32>
      %sign3A_700 = arith.extui %sign3A_699 : vector<16xi1> to vector<16xi32>
      %sign3A_701 = arith.constant 0 : i32
      %sign3A_702 = vector.broadcast %sign3A_701 : i32 to vector<16xi32>
      %sign3A_703 = arith.cmpi slt, %sub3A_693, %sign3A_702 : vector<16xi32>
      %sign3A_704 = arith.extui %sign3A_703 : vector<16xi1> to vector<16xi32>
      %sign3A_705 = arith.subi %sign3A_700, %sign3A_704 : vector<16xi32>
      %sign3A_706 = arith.constant 0 : i32
      %sign3A_707 = arith.cmpi sgt, %jit3A_694, %sign3A_706 : i32
      %sign3A_708 = arith.extui %sign3A_707 : i1 to i32
      %sign3A_709 = arith.constant 0 : i32
      %sign3A_710 = arith.cmpi slt, %jit3A_694, %sign3A_709 : i32
      %sign3A_711 = arith.extui %sign3A_710 : i1 to i32
      %sign3A_712 = arith.subi %sign3A_708, %sign3A_711 : i32
      %ne3A_713 = vector.broadcast %sign3A_712 : i32 to vector<16xi32>
      %ne3A_714 = arith.cmpi ne, %sign3A_705, %ne3A_713 : vector<16xi32>
      %rem3A_715 = vector.broadcast %jit3A_694 : i32 to vector<16xi32>
      %rem3A_716 = arith.remsi %sub3A_693, %rem3A_715 : vector<16xi32>
      %ne3A_717 = arith.constant 0 : i32
      %ne3A_718 = vector.broadcast %ne3A_717 : i32 to vector<16xi32>
      %ne3A_719 = arith.cmpi ne, %rem3A_716, %ne3A_718 : vector<16xi32>
      %and3A_720 = arith.andi %ne3A_714, %ne3A_719 : vector<16xi1>
      %sub3A_721 = arith.constant 1 : i32
      %sub3A_722 = vector.broadcast %sub3A_721 : i32 to vector<16xi32>
      %sub3A_723 = arith.subi %div3A_696, %sub3A_722 : vector<16xi32>
      %select_n3A_724 = arith.select %and3A_720, %sub3A_723, %div3A_696 : vector<16xi1>, vector<16xi32>
      %mul3A_725 = arith.constant 3840 : i32
      %mul3A_726 = vector.broadcast %mul3A_725 : i32 to vector<16xi32>
      %mul3A_727 = arith.muli %select_n3A_689, %mul3A_726 : vector<16xi32>
      %add3A_728 = arith.addi %mul3A_727, %sub3A_693 : vector<16xi32>
      %mul3A_729 = arith.constant 3840 : i32
      %mul3A_730 = vector.broadcast %mul3A_729 : i32 to vector<16xi32>
      %mul3A_731 = arith.muli %select_n3A_724, %mul3A_730 : vector<16xi32>
      %sub3A_732 = arith.subi %add3A_728, %mul3A_731 : vector<16xi32>
      %mul3A_733 = arith.constant 16 : i32
      %mul3A_734 = arith.muli %scan3A_654, %mul3A_733 : i32
      %swap3A_735 = arith.index_cast %mul3A_734 : i32 to index
      %swap3A_736 = tpu.vector_load %arg5[%swap3A_735] {strides = array<i32>} : memref<13312xi32, #tpu.memory_space<vmem>>, vector<16xi32>,
      tpu.vector_store %arg5[%swap3A_735], %sub3A_732 {strides = array<i32>} : memref<13312xi32, #tpu.memory_space<vmem>>, vector<16xi32>,
      %mul3A_737 = arith.constant 32 : i32
      %mul3A_738 = vector.broadcast %mul3A_737 : i32 to vector<16xi32>
      %mul3A_739 = arith.muli %select_n3A_724, %mul3A_738 : vector<16xi32>
      %mul3A_740 = arith.constant 16 : i32
      %mul3A_741 = arith.muli %scan3A_654, %mul3A_740 : i32
      %swap3A_742 = arith.index_cast %mul3A_741 : i32 to index
      %swap3A_743 = tpu.vector_load %arg6[%swap3A_742] {strides = array<i32>} : memref<13312xi32, #tpu.memory_space<vmem>>, vector<16xi32>,
      tpu.vector_store %arg6[%swap3A_742], %mul3A_739 {strides = array<i32>} : memref<13312xi32, #tpu.memory_space<vmem>>, vector<16xi32>,
    }
    %scan3A_6 = arith.constant 832 : i32
    %dma_start3A = arith.constant 0 : i32
    %dma_start3A_7 = arith.constant 0 : i32
    %dma_start3A_8 = tpu.memref_slice %arg7[%dma_start3A, %dma_start3A_7] : memref<256x128xi32, #tpu.memory_space<vmem>> -> memref<128x128xi32, #tpu.memory_space<vmem>>
    %dma_start3A_9 = arith.constant 0 : i32
    %dma_start3A_10 = tpu.memref_slice %arg5[%dma_start3A_9] : memref<13312xi32, #tpu.memory_space<vmem>> -> memref<128xi32, #tpu.memory_space<vmem>>
    %dma_start3A_11 = arith.constant 0 : i32
    %dma_start3A_12 = arith.constant 0 : i32
    %dma_start3A_13 = tpu.memref_slice %arg3[%dma_start3A_11, %dma_start3A_12] : memref<253440x128xi32, #tpu.memory_space<hbm>> -> memref<253440x128xi32, #tpu.memory_space<hbm>>
    tpu.enqueue_indirect_dma source(%dma_start3A_13 : memref<253440x128xi32, #tpu.memory_space<hbm>>) target(%dma_start3A_8 : memref<128x128xi32, #tpu.memory_space<vmem>>) offsets(%dma_start3A_10 : memref<128xi32, #tpu.memory_space<vmem>>) semaphore(%arg10 : memref<!tpu.dma_semaphore, #tpu.memory_space<semaphore_mem>>)
    %dma_start3A_14 = arith.constant 128 : i32
    %dma_start3A_15 = arith.constant 0 : i32
    %dma_start3A_16 = tpu.memref_slice %arg7[%dma_start3A_14, %dma_start3A_15] : memref<256x128xi32, #tpu.memory_space<vmem>> -> memref<128x128xi32, #tpu.memory_space<vmem>>
    %dma_start3A_17 = arith.constant 128 : i32
    %dma_start3A_18 = tpu.memref_slice %arg5[%dma_start3A_17] : memref<13312xi32, #tpu.memory_space<vmem>> -> memref<128xi32, #tpu.memory_space<vmem>>
    %dma_start3A_19 = arith.constant 0 : i32
    %dma_start3A_20 = arith.constant 0 : i32
    %dma_start3A_21 = tpu.memref_slice %arg3[%dma_start3A_19, %dma_start3A_20] : memref<253440x128xi32, #tpu.memory_space<hbm>> -> memref<253440x128xi32, #tpu.memory_space<hbm>>
    tpu.enqueue_indirect_dma source(%dma_start3A_21 : memref<253440x128xi32, #tpu.memory_space<hbm>>) target(%dma_start3A_16 : memref<128x128xi32, #tpu.memory_space<vmem>>) offsets(%dma_start3A_18 : memref<128xi32, #tpu.memory_space<vmem>>) semaphore(%arg10 : memref<!tpu.dma_semaphore, #tpu.memory_space<semaphore_mem>>)
    %scan3A_22 = arith.constant 0 : i32
    %scan3A_23 = arith.constant 26 : i32
    %scan3A_24 = arith.addi %scan3A_22, %scan3A_23 : i32
    %scan3A_25 = arith.constant 1 : i32
    scf.for %scan3A_27 = %scan3A_22 to %scan3A_24 step %scan3A_25  : i32 {
      %mul3A_28 = arith.constant 2 : i32
      %mul3A_29 = arith.muli %mul3A_28, %scan3A_27 : i32
      %add3A_30 = arith.constant 0 : i32
      %add3A_31 = arith.addi %mul3A_29, %add3A_30 : i32
      %lt3A = arith.constant 52 : i32
      %lt3A_32 = arith.cmpi slt, %add3A_31, %lt3A : i32
      %convert_element_type3A = arith.extui %lt3A_32 : i1 to i32
      %cond3A = arith.constant 0 : i32
      %cond3A_33 = arith.cmpi ne, %convert_element_type3A, %cond3A : i32
      scf.if %cond3A_33 {
        %mul3A_41 = arith.constant 256 : i32
        %mul3A_42 = arith.muli %add3A_31, %mul3A_41 : i32
        %add3A_43 = arith.constant 0 : i32
        %add3A_44 = arith.addi %mul3A_42, %add3A_43 : i32
        %dma_wait3A = arith.constant 0 : i32
        %dma_wait3A_45 = arith.constant 0 : i32
        %dma_wait3A_46 = tpu.memref_slice %arg7[%dma_wait3A, %dma_wait3A_45] : memref<256x128xi32, #tpu.memory_space<vmem>> -> memref<128x128xi32, #tpu.memory_space<vmem>>
        %dma_wait3A_47 = tpu.memref_slice %arg5[%add3A_44] : memref<13312xi32, #tpu.memory_space<vmem>> -> memref<128xi32, #tpu.memory_space<vmem>>
        %dma_wait3A_48 = arith.constant 0 : i32
        %dma_wait3A_49 = arith.constant 0 : i32
        %dma_wait3A_50 = tpu.memref_slice %arg3[%dma_wait3A_48, %dma_wait3A_49] : memref<253440x128xi32, #tpu.memory_space<hbm>> -> memref<253440x128xi32, #tpu.memory_space<hbm>>
        tpu.wait_indirect_dma semaphore(%arg10 : memref<!tpu.dma_semaphore, #tpu.memory_space<semaphore_mem>>) src(%dma_wait3A_50 : memref<253440x128xi32, #tpu.memory_space<hbm>>) dst(%dma_wait3A_46 : memref<128x128xi32, #tpu.memory_space<vmem>>)
        %add3A_51 = arith.constant 128 : i32
        %add3A_52 = arith.addi %mul3A_42, %add3A_51 : i32
        %dma_wait3A_53 = arith.constant 128 : i32
        %dma_wait3A_54 = arith.constant 0 : i32
        %dma_wait3A_55 = tpu.memref_slice %arg7[%dma_wait3A_53, %dma_wait3A_54] : memref<256x128xi32, #tpu.memory_space<vmem>> -> memref<128x128xi32, #tpu.memory_space<vmem>>
        %dma_wait3A_56 = tpu.memref_slice %arg5[%add3A_52] : memref<13312xi32, #tpu.memory_space<vmem>> -> memref<128xi32, #tpu.memory_space<vmem>>
        %dma_wait3A_57 = arith.constant 0 : i32
        %dma_wait3A_58 = arith.constant 0 : i32
        %dma_wait3A_59 = tpu.memref_slice %arg3[%dma_wait3A_57, %dma_wait3A_58] : memref<253440x128xi32, #tpu.memory_space<hbm>> -> memref<253440x128xi32, #tpu.memory_space<hbm>>
        tpu.wait_indirect_dma semaphore(%arg10 : memref<!tpu.dma_semaphore, #tpu.memory_space<semaphore_mem>>) src(%dma_wait3A_59 : memref<253440x128xi32, #tpu.memory_space<hbm>>) dst(%dma_wait3A_55 : memref<128x128xi32, #tpu.memory_space<vmem>>)
        %add3A_60 = arith.constant 1 : i32
        %add3A_61 = arith.addi %add3A_31, %add3A_60 : i32
        %lt3A_62 = arith.constant 52 : i32
        %lt3A_63 = arith.cmpi slt, %add3A_61, %lt3A_62 : i32
        %convert_element_type3A_64 = arith.extui %lt3A_63 : i1 to i32
        %cond3A_65 = arith.constant 0 : i32
        %cond3A_66 = arith.cmpi ne, %convert_element_type3A_64, %cond3A_65 : i32
        scf.if %cond3A_66 {
          %add3A_75 = arith.constant 1 : i32
          %add3A_76 = arith.addi %add3A_31, %add3A_75 : i32
          %mul3A_77 = arith.constant 256 : i32
          %mul3A_78 = arith.muli %add3A_76, %mul3A_77 : i32
          %add3A_79 = arith.constant 0 : i32
          %add3A_80 = arith.addi %mul3A_78, %add3A_79 : i32
          %dma_start3A_81 = arith.constant 0 : i32
          %dma_start3A_82 = arith.constant 0 : i32
          %dma_start3A_83 = tpu.memref_slice %arg8[%dma_start3A_81, %dma_start3A_82] : memref<256x128xi32, #tpu.memory_space<vmem>> -> memref<128x128xi32, #tpu.memory_space<vmem>>
          %dma_start3A_84 = tpu.memref_slice %arg5[%add3A_80] : memref<13312xi32, #tpu.memory_space<vmem>> -> memref<128xi32, #tpu.memory_space<vmem>>
          %dma_start3A_85 = arith.constant 0 : i32
          %dma_start3A_86 = arith.constant 0 : i32
          %dma_start3A_87 = tpu.memref_slice %arg3[%dma_start3A_85, %dma_start3A_86] : memref<253440x128xi32, #tpu.memory_space<hbm>> -> memref<253440x128xi32, #tpu.memory_space<hbm>>
          tpu.enqueue_indirect_dma source(%dma_start3A_87 : memref<253440x128xi32, #tpu.memory_space<hbm>>) target(%dma_start3A_83 : memref<128x128xi32, #tpu.memory_space<vmem>>) offsets(%dma_start3A_84 : memref<128xi32, #tpu.memory_space<vmem>>) semaphore(%arg10 : memref<!tpu.dma_semaphore, #tpu.memory_space<semaphore_mem>>)
          %add3A_88 = arith.constant 128 : i32
          %add3A_89 = arith.addi %mul3A_78, %add3A_88 : i32
          %dma_start3A_90 = arith.constant 128 : i32
          %dma_start3A_91 = arith.constant 0 : i32
          %dma_start3A_92 = tpu.memref_slice %arg8[%dma_start3A_90, %dma_start3A_91] : memref<256x128xi32, #tpu.memory_space<vmem>> -> memref<128x128xi32, #tpu.memory_space<vmem>>
          %dma_start3A_93 = tpu.memref_slice %arg5[%add3A_89] : memref<13312xi32, #tpu.memory_space<vmem>> -> memref<128xi32, #tpu.memory_space<vmem>>
          %dma_start3A_94 = arith.constant 0 : i32
          %dma_start3A_95 = arith.constant 0 : i32
          %dma_start3A_96 = tpu.memref_slice %arg3[%dma_start3A_94, %dma_start3A_95] : memref<253440x128xi32, #tpu.memory_space<hbm>> -> memref<253440x128xi32, #tpu.memory_space<hbm>>
          tpu.enqueue_indirect_dma source(%dma_start3A_96 : memref<253440x128xi32, #tpu.memory_space<hbm>>) target(%dma_start3A_92 : memref<128x128xi32, #tpu.memory_space<vmem>>) offsets(%dma_start3A_93 : memref<128xi32, #tpu.memory_space<vmem>>) semaphore(%arg10 : memref<!tpu.dma_semaphore, #tpu.memory_space<semaphore_mem>>)
        } else {
        }
        %mul3A_67 = arith.constant 256 : i32
        %mul3A_68 = arith.muli %add3A_31, %mul3A_67 : i32
        %scan3A_69 = arith.constant 0 : i32
        %scan3A_70 = arith.constant 16 : i32
        %scan3A_71 = arith.addi %scan3A_69, %scan3A_70 : i32
        %scan3A_72 = arith.constant 1 : i32
        scf.for %scan3A_75 = %scan3A_69 to %scan3A_71 step %scan3A_72  : i32 {
          %mul3A_76 = arith.constant 16 : i32
          %mul3A_77 = arith.muli %scan3A_75, %mul3A_76 : i32
          %add3A_78 = arith.addi %mul3A_68, %mul3A_77 : i32
          %get3A = arith.index_cast %add3A_78 : i32 to index
          %get3A_79 = tpu.vector_load %arg6[%get3A] {strides = array<i32>} : memref<13312xi32, #tpu.memory_space<vmem>>, vector<16xi32>,
          %slice3A = vector.extract_strided_slice %get3A_79 {offsets = [0], sizes = [1], strides = [1]} : vector<16xi32> to vector<1xi32>
          %squeeze3A = vector.extract %slice3A[0] : i32 from vector<1xi32>
          %add3A_80 = arith.constant 0 : i32
          %add3A_81 = arith.addi %mul3A_77, %add3A_80 : i32
          %add3A_82 = arith.constant 0 : i32
          %add3A_83 = arith.addi %squeeze3A, %add3A_82 : i32
          %get3A_84 = arith.index_cast %add3A_81 : i32 to index
          %get3A_85 = arith.index_cast %add3A_83 : i32 to index
          %get3A_86 = tpu.vector_load %arg7[%get3A_84, %get3A_85] {strides = array<i32>} : memref<256x128xi32, #tpu.memory_space<vmem>>, vector<16xi32>,
          %add3A_87 = arith.constant 0 : i32
          %add3A_88 = arith.addi %mul3A_77, %add3A_87 : i32
          %swap3A = arith.index_cast %add3A_88 : i32 to index
          %swap3A_89 = arith.constant 0 : index
          %swap3A_90 = tpu.vector_load %arg9[%swap3A, %swap3A_89] {strides = array<i32>} : memref<256x32xi32, #tpu.memory_space<vmem>>, vector<16xi32>,
          tpu.vector_store %arg9[%swap3A, %swap3A_89], %get3A_86 {strides = array<i32>} : memref<256x32xi32, #tpu.memory_space<vmem>>, vector<16xi32>,
          %add3A_91 = arith.constant 0 : i32
          %add3A_92 = arith.addi %mul3A_77, %add3A_91 : i32
          %add3A_93 = arith.constant 16 : i32
          %add3A_94 = arith.addi %squeeze3A, %add3A_93 : i32
          %get3A_95 = arith.index_cast %add3A_92 : i32 to index
          %get3A_96 = arith.index_cast %add3A_94 : i32 to index
          %get3A_97 = tpu.vector_load %arg7[%get3A_95, %get3A_96] {strides = array<i32>} : memref<256x128xi32, #tpu.memory_space<vmem>>, vector<16xi32>,
          %add3A_98 = arith.constant 0 : i32
          %add3A_99 = arith.addi %mul3A_77, %add3A_98 : i32
          %swap3A_100 = arith.index_cast %add3A_99 : i32 to index
          %swap3A_101 = arith.constant 16 : index
          %swap3A_102 = tpu.vector_load %arg9[%swap3A_100, %swap3A_101] {strides = array<i32>} : memref<256x32xi32, #tpu.memory_space<vmem>>, vector<16xi32>,
          tpu.vector_store %arg9[%swap3A_100, %swap3A_101], %get3A_97 {strides = array<i32>} : memref<256x32xi32, #tpu.memory_space<vmem>>, vector<16xi32>,
          %slice3A_103 = vector.extract_strided_slice %get3A_79 {offsets = [1], sizes = [1], strides = [1]} : vector<16xi32> to vector<1xi32>
          %squeeze3A_104 = vector.extract %slice3A_103[0] : i32 from vector<1xi32>
          %add3A_105 = arith.constant 1 : i32
          %add3A_106 = arith.addi %mul3A_77, %add3A_105 : i32
          %add3A_107 = arith.constant 0 : i32
          %add3A_108 = arith.addi %squeeze3A_104, %add3A_107 : i32
          %get3A_109 = arith.index_cast %add3A_106 : i32 to index
          %get3A_110 = arith.index_cast %add3A_108 : i32 to index
          %get3A_111 = tpu.vector_load %arg7[%get3A_109, %get3A_110] {strides = array<i32>} : memref<256x128xi32, #tpu.memory_space<vmem>>, vector<16xi32>,
          %add3A_112 = arith.constant 1 : i32
          %add3A_113 = arith.addi %mul3A_77, %add3A_112 : i32
          %swap3A_114 = arith.index_cast %add3A_113 : i32 to index
          %swap3A_115 = arith.constant 0 : index
          %swap3A_116 = tpu.vector_load %arg9[%swap3A_114, %swap3A_115] {strides = array<i32>} : memref<256x32xi32, #tpu.memory_space<vmem>>, vector<16xi32>,
          tpu.vector_store %arg9[%swap3A_114, %swap3A_115], %get3A_111 {strides = array<i32>} : memref<256x32xi32, #tpu.memory_space<vmem>>, vector<16xi32>,
          %add3A_117 = arith.constant 1 : i32
          %add3A_118 = arith.addi %mul3A_77, %add3A_117 : i32
          %add3A_119 = arith.constant 16 : i32
          %add3A_120 = arith.addi %squeeze3A_104, %add3A_119 : i32
          %get3A_121 = arith.index_cast %add3A_118 : i32 to index
          %get3A_122 = arith.index_cast %add3A_120 : i32 to index
          %get3A_123 = tpu.vector_load %arg7[%get3A_121, %get3A_122] {strides = array<i32>} : memref<256x128xi32, #tpu.memory_space<vmem>>, vector<16xi32>,
          %add3A_124 = arith.constant 1 : i32
          %add3A_125 = arith.addi %mul3A_77, %add3A_124 : i32
          %swap3A_126 = arith.index_cast %add3A_125 : i32 to index
          %swap3A_127 = arith.constant 16 : index
          %swap3A_128 = tpu.vector_load %arg9[%swap3A_126, %swap3A_127] {strides = array<i32>} : memref<256x32xi32, #tpu.memory_space<vmem>>, vector<16xi32>,
          tpu.vector_store %arg9[%swap3A_126, %swap3A_127], %get3A_123 {strides = array<i32>} : memref<256x32xi32, #tpu.memory_space<vmem>>, vector<16xi32>,
          %slice3A_129 = vector.extract_strided_slice %get3A_79 {offsets = [2], sizes = [1], strides = [1]} : vector<16xi32> to vector<1xi32>
          %squeeze3A_130 = vector.extract %slice3A_129[0] : i32 from vector<1xi32>
          %add3A_131 = arith.constant 2 : i32
          %add3A_132 = arith.addi %mul3A_77, %add3A_131 : i32
          %add3A_133 = arith.constant 0 : i32
          %add3A_134 = arith.addi %squeeze3A_130, %add3A_133 : i32
          %get3A_135 = arith.index_cast %add3A_132 : i32 to index
          %get3A_136 = arith.index_cast %add3A_134 : i32 to index
          %get3A_137 = tpu.vector_load %arg7[%get3A_135, %get3A_136] {strides = array<i32>} : memref<256x128xi32, #tpu.memory_space<vmem>>, vector<16xi32>,
          %add3A_138 = arith.constant 2 : i32
          %add3A_139 = arith.addi %mul3A_77, %add3A_138 : i32
          %swap3A_140 = arith.index_cast %add3A_139 : i32 to index
          %swap3A_141 = arith.constant 0 : index
          %swap3A_142 = tpu.vector_load %arg9[%swap3A_140, %swap3A_141] {strides = array<i32>} : memref<256x32xi32, #tpu.memory_space<vmem>>, vector<16xi32>,
          tpu.vector_store %arg9[%swap3A_140, %swap3A_141], %get3A_137 {strides = array<i32>} : memref<256x32xi32, #tpu.memory_space<vmem>>, vector<16xi32>,
          %add3A_143 = arith.constant 2 : i32
          %add3A_144 = arith.addi %mul3A_77, %add3A_143 : i32
          %add3A_145 = arith.constant 16 : i32
          %add3A_146 = arith.addi %squeeze3A_130, %add3A_145 : i32
          %get3A_147 = arith.index_cast %add3A_144 : i32 to index
          %get3A_148 = arith.index_cast %add3A_146 : i32 to index
          %get3A_149 = tpu.vector_load %arg7[%get3A_147, %get3A_148] {strides = array<i32>} : memref<256x128xi32, #tpu.memory_space<vmem>>, vector<16xi32>,
          %add3A_150 = arith.constant 2 : i32
          %add3A_151 = arith.addi %mul3A_77, %add3A_150 : i32
          %swap3A_152 = arith.index_cast %add3A_151 : i32 to index
          %swap3A_153 = arith.constant 16 : index
          %swap3A_154 = tpu.vector_load %arg9[%swap3A_152, %swap3A_153] {strides = array<i32>} : memref<256x32xi32, #tpu.memory_space<vmem>>, vector<16xi32>,
          tpu.vector_store %arg9[%swap3A_152, %swap3A_153], %get3A_149 {strides = array<i32>} : memref<256x32xi32, #tpu.memory_space<vmem>>, vector<16xi32>,
          %slice3A_155 = vector.extract_strided_slice %get3A_79 {offsets = [3], sizes = [1], strides = [1]} : vector<16xi32> to vector<1xi32>
          %squeeze3A_156 = vector.extract %slice3A_155[0] : i32 from vector<1xi32>
          %add3A_157 = arith.constant 3 : i32
          %add3A_158 = arith.addi %mul3A_77, %add3A_157 : i32
          %add3A_159 = arith.constant 0 : i32
          %add3A_160 = arith.addi %squeeze3A_156, %add3A_159 : i32
          %get3A_161 = arith.index_cast %add3A_158 : i32 to index
          %get3A_162 = arith.index_cast %add3A_160 : i32 to index
          %get3A_163 = tpu.vector_load %arg7[%get3A_161, %get3A_162] {strides = array<i32>} : memref<256x128xi32, #tpu.memory_space<vmem>>, vector<16xi32>,
          %add3A_164 = arith.constant 3 : i32
          %add3A_165 = arith.addi %mul3A_77, %add3A_164 : i32
          %swap3A_166 = arith.index_cast %add3A_165 : i32 to index
          %swap3A_167 = arith.constant 0 : index
          %swap3A_168 = tpu.vector_load %arg9[%swap3A_166, %swap3A_167] {strides = array<i32>} : memref<256x32xi32, #tpu.memory_space<vmem>>, vector<16xi32>,
          tpu.vector_store %arg9[%swap3A_166, %swap3A_167], %get3A_163 {strides = array<i32>} : memref<256x32xi32, #tpu.memory_space<vmem>>, vector<16xi32>,
          %add3A_169 = arith.constant 3 : i32
          %add3A_170 = arith.addi %mul3A_77, %add3A_169 : i32
          %add3A_171 = arith.constant 16 : i32
          %add3A_172 = arith.addi %squeeze3A_156, %add3A_171 : i32
          %get3A_173 = arith.index_cast %add3A_170 : i32 to index
          %get3A_174 = arith.index_cast %add3A_172 : i32 to index
          %get3A_175 = tpu.vector_load %arg7[%get3A_173, %get3A_174] {strides = array<i32>} : memref<256x128xi32, #tpu.memory_space<vmem>>, vector<16xi32>,
          %add3A_176 = arith.constant 3 : i32
          %add3A_177 = arith.addi %mul3A_77, %add3A_176 : i32
          %swap3A_178 = arith.index_cast %add3A_177 : i32 to index
          %swap3A_179 = arith.constant 16 : index
          %swap3A_180 = tpu.vector_load %arg9[%swap3A_178, %swap3A_179] {strides = array<i32>} : memref<256x32xi32, #tpu.memory_space<vmem>>, vector<16xi32>,
          tpu.vector_store %arg9[%swap3A_178, %swap3A_179], %get3A_175 {strides = array<i32>} : memref<256x32xi32, #tpu.memory_space<vmem>>, vector<16xi32>,
          %slice3A_181 = vector.extract_strided_slice %get3A_79 {offsets = [4], sizes = [1], strides = [1]} : vector<16xi32> to vector<1xi32>
          %squeeze3A_182 = vector.extract %slice3A_181[0] : i32 from vector<1xi32>
          %add3A_183 = arith.constant 4 : i32
          %add3A_184 = arith.addi %mul3A_77, %add3A_183 : i32
          %add3A_185 = arith.constant 0 : i32
          %add3A_186 = arith.addi %squeeze3A_182, %add3A_185 : i32
          %get3A_187 = arith.index_cast %add3A_184 : i32 to index
          %get3A_188 = arith.index_cast %add3A_186 : i32 to index
          %get3A_189 = tpu.vector_load %arg7[%get3A_187, %get3A_188] {strides = array<i32>} : memref<256x128xi32, #tpu.memory_space<vmem>>, vector<16xi32>,
          %add3A_190 = arith.constant 4 : i32
          %add3A_191 = arith.addi %mul3A_77, %add3A_190 : i32
          %swap3A_192 = arith.index_cast %add3A_191 : i32 to index
          %swap3A_193 = arith.constant 0 : index
          %swap3A_194 = tpu.vector_load %arg9[%swap3A_192, %swap3A_193] {strides = array<i32>} : memref<256x32xi32, #tpu.memory_space<vmem>>, vector<16xi32>,
          tpu.vector_store %arg9[%swap3A_192, %swap3A_193], %get3A_189 {strides = array<i32>} : memref<256x32xi32, #tpu.memory_space<vmem>>, vector<16xi32>,
          %add3A_195 = arith.constant 4 : i32
          %add3A_196 = arith.addi %mul3A_77, %add3A_195 : i32
          %add3A_197 = arith.constant 16 : i32
          %add3A_198 = arith.addi %squeeze3A_182, %add3A_197 : i32
          %get3A_199 = arith.index_cast %add3A_196 : i32 to index
          %get3A_200 = arith.index_cast %add3A_198 : i32 to index
          %get3A_201 = tpu.vector_load %arg7[%get3A_199, %get3A_200] {strides = array<i32>} : memref<256x128xi32, #tpu.memory_space<vmem>>, vector<16xi32>,
          %add3A_202 = arith.constant 4 : i32
          %add3A_203 = arith.addi %mul3A_77, %add3A_202 : i32
          %swap3A_204 = arith.index_cast %add3A_203 : i32 to index
          %swap3A_205 = arith.constant 16 : index
          %swap3A_206 = tpu.vector_load %arg9[%swap3A_204, %swap3A_205] {strides = array<i32>} : memref<256x32xi32, #tpu.memory_space<vmem>>, vector<16xi32>,
          tpu.vector_store %arg9[%swap3A_204, %swap3A_205], %get3A_201 {strides = array<i32>} : memref<256x32xi32, #tpu.memory_space<vmem>>, vector<16xi32>,
          %slice3A_207 = vector.extract_strided_slice %get3A_79 {offsets = [5], sizes = [1], strides = [1]} : vector<16xi32> to vector<1xi32>
          %squeeze3A_208 = vector.extract %slice3A_207[0] : i32 from vector<1xi32>
          %add3A_209 = arith.constant 5 : i32
          %add3A_210 = arith.addi %mul3A_77, %add3A_209 : i32
          %add3A_211 = arith.constant 0 : i32
          %add3A_212 = arith.addi %squeeze3A_208, %add3A_211 : i32
          %get3A_213 = arith.index_cast %add3A_210 : i32 to index
          %get3A_214 = arith.index_cast %add3A_212 : i32 to index
          %get3A_215 = tpu.vector_load %arg7[%get3A_213, %get3A_214] {strides = array<i32>} : memref<256x128xi32, #tpu.memory_space<vmem>>, vector<16xi32>,
          %add3A_216 = arith.constant 5 : i32
          %add3A_217 = arith.addi %mul3A_77, %add3A_216 : i32
          %swap3A_218 = arith.index_cast %add3A_217 : i32 to index
          %swap3A_219 = arith.constant 0 : index
          %swap3A_220 = tpu.vector_load %arg9[%swap3A_218, %swap3A_219] {strides = array<i32>} : memref<256x32xi32, #tpu.memory_space<vmem>>, vector<16xi32>,
          tpu.vector_store %arg9[%swap3A_218, %swap3A_219], %get3A_215 {strides = array<i32>} : memref<256x32xi32, #tpu.memory_space<vmem>>, vector<16xi32>,
          %add3A_221 = arith.constant 5 : i32
          %add3A_222 = arith.addi %mul3A_77, %add3A_221 : i32
          %add3A_223 = arith.constant 16 : i32
          %add3A_224 = arith.addi %squeeze3A_208, %add3A_223 : i32
          %get3A_225 = arith.index_cast %add3A_222 : i32 to index
          %get3A_226 = arith.index_cast %add3A_224 : i32 to index
          %get3A_227 = tpu.vector_load %arg7[%get3A_225, %get3A_226] {strides = array<i32>} : memref<256x128xi32, #tpu.memory_space<vmem>>, vector<16xi32>,
          %add3A_228 = arith.constant 5 : i32
          %add3A_229 = arith.addi %mul3A_77, %add3A_228 : i32
          %swap3A_230 = arith.index_cast %add3A_229 : i32 to index
          %swap3A_231 = arith.constant 16 : index
          %swap3A_232 = tpu.vector_load %arg9[%swap3A_230, %swap3A_231] {strides = array<i32>} : memref<256x32xi32, #tpu.memory_space<vmem>>, vector<16xi32>,
          tpu.vector_store %arg9[%swap3A_230, %swap3A_231], %get3A_227 {strides = array<i32>} : memref<256x32xi32, #tpu.memory_space<vmem>>, vector<16xi32>,
          %slice3A_233 = vector.extract_strided_slice %get3A_79 {offsets = [6], sizes = [1], strides = [1]} : vector<16xi32> to vector<1xi32>
          %squeeze3A_234 = vector.extract %slice3A_233[0] : i32 from vector<1xi32>
          %add3A_235 = arith.constant 6 : i32
          %add3A_236 = arith.addi %mul3A_77, %add3A_235 : i32
          %add3A_237 = arith.constant 0 : i32
          %add3A_238 = arith.addi %squeeze3A_234, %add3A_237 : i32
          %get3A_239 = arith.index_cast %add3A_236 : i32 to index
          %get3A_240 = arith.index_cast %add3A_238 : i32 to index
          %get3A_241 = tpu.vector_load %arg7[%get3A_239, %get3A_240] {strides = array<i32>} : memref<256x128xi32, #tpu.memory_space<vmem>>, vector<16xi32>,
          %add3A_242 = arith.constant 6 : i32
          %add3A_243 = arith.addi %mul3A_77, %add3A_242 : i32
          %swap3A_244 = arith.index_cast %add3A_243 : i32 to index
          %swap3A_245 = arith.constant 0 : index
          %swap3A_246 = tpu.vector_load %arg9[%swap3A_244, %swap3A_245] {strides = array<i32>} : memref<256x32xi32, #tpu.memory_space<vmem>>, vector<16xi32>,
          tpu.vector_store %arg9[%swap3A_244, %swap3A_245], %get3A_241 {strides = array<i32>} : memref<256x32xi32, #tpu.memory_space<vmem>>, vector<16xi32>,
          %add3A_247 = arith.constant 6 : i32
          %add3A_248 = arith.addi %mul3A_77, %add3A_247 : i32
          %add3A_249 = arith.constant 16 : i32
          %add3A_250 = arith.addi %squeeze3A_234, %add3A_249 : i32
          %get3A_251 = arith.index_cast %add3A_248 : i32 to index
          %get3A_252 = arith.index_cast %add3A_250 : i32 to index
          %get3A_253 = tpu.vector_load %arg7[%get3A_251, %get3A_252] {strides = array<i32>} : memref<256x128xi32, #tpu.memory_space<vmem>>, vector<16xi32>,
          %add3A_254 = arith.constant 6 : i32
          %add3A_255 = arith.addi %mul3A_77, %add3A_254 : i32
          %swap3A_256 = arith.index_cast %add3A_255 : i32 to index
          %swap3A_257 = arith.constant 16 : index
          %swap3A_258 = tpu.vector_load %arg9[%swap3A_256, %swap3A_257] {strides = array<i32>} : memref<256x32xi32, #tpu.memory_space<vmem>>, vector<16xi32>,
          tpu.vector_store %arg9[%swap3A_256, %swap3A_257], %get3A_253 {strides = array<i32>} : memref<256x32xi32, #tpu.memory_space<vmem>>, vector<16xi32>,
          %slice3A_259 = vector.extract_strided_slice %get3A_79 {offsets = [7], sizes = [1], strides = [1]} : vector<16xi32> to vector<1xi32>
          %squeeze3A_260 = vector.extract %slice3A_259[0] : i32 from vector<1xi32>
          %add3A_261 = arith.constant 7 : i32
          %add3A_262 = arith.addi %mul3A_77, %add3A_261 : i32
          %add3A_263 = arith.constant 0 : i32
          %add3A_264 = arith.addi %squeeze3A_260, %add3A_263 : i32
          %get3A_265 = arith.index_cast %add3A_262 : i32 to index
          %get3A_266 = arith.index_cast %add3A_264 : i32 to index
          %get3A_267 = tpu.vector_load %arg7[%get3A_265, %get3A_266] {strides = array<i32>} : memref<256x128xi32, #tpu.memory_space<vmem>>, vector<16xi32>,
          %add3A_268 = arith.constant 7 : i32
          %add3A_269 = arith.addi %mul3A_77, %add3A_268 : i32
          %swap3A_270 = arith.index_cast %add3A_269 : i32 to index
          %swap3A_271 = arith.constant 0 : index
          %swap3A_272 = tpu.vector_load %arg9[%swap3A_270, %swap3A_271] {strides = array<i32>} : memref<256x32xi32, #tpu.memory_space<vmem>>, vector<16xi32>,
          tpu.vector_store %arg9[%swap3A_270, %swap3A_271], %get3A_267 {strides = array<i32>} : memref<256x32xi32, #tpu.memory_space<vmem>>, vector<16xi32>,
          %add3A_273 = arith.constant 7 : i32
          %add3A_274 = arith.addi %mul3A_77, %add3A_273 : i32
          %add3A_275 = arith.constant 16 : i32
          %add3A_276 = arith.addi %squeeze3A_260, %add3A_275 : i32
          %get3A_277 = arith.index_cast %add3A_274 : i32 to index
          %get3A_278 = arith.index_cast %add3A_276 : i32 to index
          %get3A_279 = tpu.vector_load %arg7[%get3A_277, %get3A_278] {strides = array<i32>} : memref<256x128xi32, #tpu.memory_space<vmem>>, vector<16xi32>,
          %add3A_280 = arith.constant 7 : i32
          %add3A_281 = arith.addi %mul3A_77, %add3A_280 : i32
          %swap3A_282 = arith.index_cast %add3A_281 : i32 to index
          %swap3A_283 = arith.constant 16 : index
          %swap3A_284 = tpu.vector_load %arg9[%swap3A_282, %swap3A_283] {strides = array<i32>} : memref<256x32xi32, #tpu.memory_space<vmem>>, vector<16xi32>,
          tpu.vector_store %arg9[%swap3A_282, %swap3A_283], %get3A_279 {strides = array<i32>} : memref<256x32xi32, #tpu.memory_space<vmem>>, vector<16xi32>,
          %slice3A_285 = vector.extract_strided_slice %get3A_79 {offsets = [8], sizes = [1], strides = [1]} : vector<16xi32> to vector<1xi32>
          %squeeze3A_286 = vector.extract %slice3A_285[0] : i32 from vector<1xi32>
          %add3A_287 = arith.constant 8 : i32
          %add3A_288 = arith.addi %mul3A_77, %add3A_287 : i32
          %add3A_289 = arith.constant 0 : i32
          %add3A_290 = arith.addi %squeeze3A_286, %add3A_289 : i32
          %get3A_291 = arith.index_cast %add3A_288 : i32 to index
          %get3A_292 = arith.index_cast %add3A_290 : i32 to index
          %get3A_293 = tpu.vector_load %arg7[%get3A_291, %get3A_292] {strides = array<i32>} : memref<256x128xi32, #tpu.memory_space<vmem>>, vector<16xi32>,
          %add3A_294 = arith.constant 8 : i32
          %add3A_295 = arith.addi %mul3A_77, %add3A_294 : i32
          %swap3A_296 = arith.index_cast %add3A_295 : i32 to index
          %swap3A_297 = arith.constant 0 : index
          %swap3A_298 = tpu.vector_load %arg9[%swap3A_296, %swap3A_297] {strides = array<i32>} : memref<256x32xi32, #tpu.memory_space<vmem>>, vector<16xi32>,
          tpu.vector_store %arg9[%swap3A_296, %swap3A_297], %get3A_293 {strides = array<i32>} : memref<256x32xi32, #tpu.memory_space<vmem>>, vector<16xi32>,
          %add3A_299 = arith.constant 8 : i32
          %add3A_300 = arith.addi %mul3A_77, %add3A_299 : i32
          %add3A_301 = arith.constant 16 : i32
          %add3A_302 = arith.addi %squeeze3A_286, %add3A_301 : i32
          %get3A_303 = arith.index_cast %add3A_300 : i32 to index
          %get3A_304 = arith.index_cast %add3A_302 : i32 to index
          %get3A_305 = tpu.vector_load %arg7[%get3A_303, %get3A_304] {strides = array<i32>} : memref<256x128xi32, #tpu.memory_space<vmem>>, vector<16xi32>,
          %add3A_306 = arith.constant 8 : i32
          %add3A_307 = arith.addi %mul3A_77, %add3A_306 : i32
          %swap3A_308 = arith.index_cast %add3A_307 : i32 to index
          %swap3A_309 = arith.constant 16 : index
          %swap3A_310 = tpu.vector_load %arg9[%swap3A_308, %swap3A_309] {strides = array<i32>} : memref<256x32xi32, #tpu.memory_space<vmem>>, vector<16xi32>,
          tpu.vector_store %arg9[%swap3A_308, %swap3A_309], %get3A_305 {strides = array<i32>} : memref<256x32xi32, #tpu.memory_space<vmem>>, vector<16xi32>,
          %slice3A_311 = vector.extract_strided_slice %get3A_79 {offsets = [9], sizes = [1], strides = [1]} : vector<16xi32> to vector<1xi32>
          %squeeze3A_312 = vector.extract %slice3A_311[0] : i32 from vector<1xi32>
          %add3A_313 = arith.constant 9 : i32
          %add3A_314 = arith.addi %mul3A_77, %add3A_313 : i32
          %add3A_315 = arith.constant 0 : i32
          %add3A_316 = arith.addi %squeeze3A_312, %add3A_315 : i32
          %get3A_317 = arith.index_cast %add3A_314 : i32 to index
          %get3A_318 = arith.index_cast %add3A_316 : i32 to index
          %get3A_319 = tpu.vector_load %arg7[%get3A_317, %get3A_318] {strides = array<i32>} : memref<256x128xi32, #tpu.memory_space<vmem>>, vector<16xi32>,
          %add3A_320 = arith.constant 9 : i32
          %add3A_321 = arith.addi %mul3A_77, %add3A_320 : i32
          %swap3A_322 = arith.index_cast %add3A_321 : i32 to index
          %swap3A_323 = arith.constant 0 : index
          %swap3A_324 = tpu.vector_load %arg9[%swap3A_322, %swap3A_323] {strides = array<i32>} : memref<256x32xi32, #tpu.memory_space<vmem>>, vector<16xi32>,
          tpu.vector_store %arg9[%swap3A_322, %swap3A_323], %get3A_319 {strides = array<i32>} : memref<256x32xi32, #tpu.memory_space<vmem>>, vector<16xi32>,
          %add3A_325 = arith.constant 9 : i32
          %add3A_326 = arith.addi %mul3A_77, %add3A_325 : i32
          %add3A_327 = arith.constant 16 : i32
          %add3A_328 = arith.addi %squeeze3A_312, %add3A_327 : i32
          %get3A_329 = arith.index_cast %add3A_326 : i32 to index
          %get3A_330 = arith.index_cast %add3A_328 : i32 to index
          %get3A_331 = tpu.vector_load %arg7[%get3A_329, %get3A_330] {strides = array<i32>} : memref<256x128xi32, #tpu.memory_space<vmem>>, vector<16xi32>,
          %add3A_332 = arith.constant 9 : i32
          %add3A_333 = arith.addi %mul3A_77, %add3A_332 : i32
          %swap3A_334 = arith.index_cast %add3A_333 : i32 to index
          %swap3A_335 = arith.constant 16 : index
          %swap3A_336 = tpu.vector_load %arg9[%swap3A_334, %swap3A_335] {strides = array<i32>} : memref<256x32xi32, #tpu.memory_space<vmem>>, vector<16xi32>,
          tpu.vector_store %arg9[%swap3A_334, %swap3A_335], %get3A_331 {strides = array<i32>} : memref<256x32xi32, #tpu.memory_space<vmem>>, vector<16xi32>,
          %slice3A_337 = vector.extract_strided_slice %get3A_79 {offsets = [10], sizes = [1], strides = [1]} : vector<16xi32> to vector<1xi32>
          %squeeze3A_338 = vector.extract %slice3A_337[0] : i32 from vector<1xi32>
          %add3A_339 = arith.constant 10 : i32
          %add3A_340 = arith.addi %mul3A_77, %add3A_339 : i32
          %add3A_341 = arith.constant 0 : i32
          %add3A_342 = arith.addi %squeeze3A_338, %add3A_341 : i32
          %get3A_343 = arith.index_cast %add3A_340 : i32 to index
          %get3A_344 = arith.index_cast %add3A_342 : i32 to index
          %get3A_345 = tpu.vector_load %arg7[%get3A_343, %get3A_344] {strides = array<i32>} : memref<256x128xi32, #tpu.memory_space<vmem>>, vector<16xi32>,
          %add3A_346 = arith.constant 10 : i32
          %add3A_347 = arith.addi %mul3A_77, %add3A_346 : i32
          %swap3A_348 = arith.index_cast %add3A_347 : i32 to index
          %swap3A_349 = arith.constant 0 : index
          %swap3A_350 = tpu.vector_load %arg9[%swap3A_348, %swap3A_349] {strides = array<i32>} : memref<256x32xi32, #tpu.memory_space<vmem>>, vector<16xi32>,
          tpu.vector_store %arg9[%swap3A_348, %swap3A_349], %get3A_345 {strides = array<i32>} : memref<256x32xi32, #tpu.memory_space<vmem>>, vector<16xi32>,
          %add3A_351 = arith.constant 10 : i32
          %add3A_352 = arith.addi %mul3A_77, %add3A_351 : i32
          %add3A_353 = arith.constant 16 : i32
          %add3A_354 = arith.addi %squeeze3A_338, %add3A_353 : i32
          %get3A_355 = arith.index_cast %add3A_352 : i32 to index
          %get3A_356 = arith.index_cast %add3A_354 : i32 to index
          %get3A_357 = tpu.vector_load %arg7[%get3A_355, %get3A_356] {strides = array<i32>} : memref<256x128xi32, #tpu.memory_space<vmem>>, vector<16xi32>,
          %add3A_358 = arith.constant 10 : i32
          %add3A_359 = arith.addi %mul3A_77, %add3A_358 : i32
          %swap3A_360 = arith.index_cast %add3A_359 : i32 to index
          %swap3A_361 = arith.constant 16 : index
          %swap3A_362 = tpu.vector_load %arg9[%swap3A_360, %swap3A_361] {strides = array<i32>} : memref<256x32xi32, #tpu.memory_space<vmem>>, vector<16xi32>,
          tpu.vector_store %arg9[%swap3A_360, %swap3A_361], %get3A_357 {strides = array<i32>} : memref<256x32xi32, #tpu.memory_space<vmem>>, vector<16xi32>,
          %slice3A_363 = vector.extract_strided_slice %get3A_79 {offsets = [11], sizes = [1], strides = [1]} : vector<16xi32> to vector<1xi32>
          %squeeze3A_364 = vector.extract %slice3A_363[0] : i32 from vector<1xi32>
          %add3A_365 = arith.constant 11 : i32
          %add3A_366 = arith.addi %mul3A_77, %add3A_365 : i32
          %add3A_367 = arith.constant 0 : i32
          %add3A_368 = arith.addi %squeeze3A_364, %add3A_367 : i32
          %get3A_369 = arith.index_cast %add3A_366 : i32 to index
          %get3A_370 = arith.index_cast %add3A_368 : i32 to index
          %get3A_371 = tpu.vector_load %arg7[%get3A_369, %get3A_370] {strides = array<i32>} : memref<256x128xi32, #tpu.memory_space<vmem>>, vector<16xi32>,
          %add3A_372 = arith.constant 11 : i32
          %add3A_373 = arith.addi %mul3A_77, %add3A_372 : i32
          %swap3A_374 = arith.index_cast %add3A_373 : i32 to index
          %swap3A_375 = arith.constant 0 : index
          %swap3A_376 = tpu.vector_load %arg9[%swap3A_374, %swap3A_375] {strides = array<i32>} : memref<256x32xi32, #tpu.memory_space<vmem>>, vector<16xi32>,
          tpu.vector_store %arg9[%swap3A_374, %swap3A_375], %get3A_371 {strides = array<i32>} : memref<256x32xi32, #tpu.memory_space<vmem>>, vector<16xi32>,
          %add3A_377 = arith.constant 11 : i32
          %add3A_378 = arith.addi %mul3A_77, %add3A_377 : i32
          %add3A_379 = arith.constant 16 : i32
          %add3A_380 = arith.addi %squeeze3A_364, %add3A_379 : i32
          %get3A_381 = arith.index_cast %add3A_378 : i32 to index
          %get3A_382 = arith.index_cast %add3A_380 : i32 to index
          %get3A_383 = tpu.vector_load %arg7[%get3A_381, %get3A_382] {strides = array<i32>} : memref<256x128xi32, #tpu.memory_space<vmem>>, vector<16xi32>,
          %add3A_384 = arith.constant 11 : i32
          %add3A_385 = arith.addi %mul3A_77, %add3A_384 : i32
          %swap3A_386 = arith.index_cast %add3A_385 : i32 to index
          %swap3A_387 = arith.constant 16 : index
          %swap3A_388 = tpu.vector_load %arg9[%swap3A_386, %swap3A_387] {strides = array<i32>} : memref<256x32xi32, #tpu.memory_space<vmem>>, vector<16xi32>,
          tpu.vector_store %arg9[%swap3A_386, %swap3A_387], %get3A_383 {strides = array<i32>} : memref<256x32xi32, #tpu.memory_space<vmem>>, vector<16xi32>,
          %slice3A_389 = vector.extract_strided_slice %get3A_79 {offsets = [12], sizes = [1], strides = [1]} : vector<16xi32> to vector<1xi32>
          %squeeze3A_390 = vector.extract %slice3A_389[0] : i32 from vector<1xi32>
          %add3A_391 = arith.constant 12 : i32
          %add3A_392 = arith.addi %mul3A_77, %add3A_391 : i32
          %add3A_393 = arith.constant 0 : i32
          %add3A_394 = arith.addi %squeeze3A_390, %add3A_393 : i32
          %get3A_395 = arith.index_cast %add3A_392 : i32 to index
          %get3A_396 = arith.index_cast %add3A_394 : i32 to index
          %get3A_397 = tpu.vector_load %arg7[%get3A_395, %get3A_396] {strides = array<i32>} : memref<256x128xi32, #tpu.memory_space<vmem>>, vector<16xi32>,
          %add3A_398 = arith.constant 12 : i32
          %add3A_399 = arith.addi %mul3A_77, %add3A_398 : i32
          %swap3A_400 = arith.index_cast %add3A_399 : i32 to index
          %swap3A_401 = arith.constant 0 : index
          %swap3A_402 = tpu.vector_load %arg9[%swap3A_400, %swap3A_401] {strides = array<i32>} : memref<256x32xi32, #tpu.memory_space<vmem>>, vector<16xi32>,
          tpu.vector_store %arg9[%swap3A_400, %swap3A_401], %get3A_397 {strides = array<i32>} : memref<256x32xi32, #tpu.memory_space<vmem>>, vector<16xi32>,
          %add3A_403 = arith.constant 12 : i32
          %add3A_404 = arith.addi %mul3A_77, %add3A_403 : i32
          %add3A_405 = arith.constant 16 : i32
          %add3A_406 = arith.addi %squeeze3A_390, %add3A_405 : i32
          %get3A_407 = arith.index_cast %add3A_404 : i32 to index
          %get3A_408 = arith.index_cast %add3A_406 : i32 to index
          %get3A_409 = tpu.vector_load %arg7[%get3A_407, %get3A_408] {strides = array<i32>} : memref<256x128xi32, #tpu.memory_space<vmem>>, vector<16xi32>,
          %add3A_410 = arith.constant 12 : i32
          %add3A_411 = arith.addi %mul3A_77, %add3A_410 : i32
          %swap3A_412 = arith.index_cast %add3A_411 : i32 to index
          %swap3A_413 = arith.constant 16 : index
          %swap3A_414 = tpu.vector_load %arg9[%swap3A_412, %swap3A_413] {strides = array<i32>} : memref<256x32xi32, #tpu.memory_space<vmem>>, vector<16xi32>,
          tpu.vector_store %arg9[%swap3A_412, %swap3A_413], %get3A_409 {strides = array<i32>} : memref<256x32xi32, #tpu.memory_space<vmem>>, vector<16xi32>,
          %slice3A_415 = vector.extract_strided_slice %get3A_79 {offsets = [13], sizes = [1], strides = [1]} : vector<16xi32> to vector<1xi32>
          %squeeze3A_416 = vector.extract %slice3A_415[0] : i32 from vector<1xi32>
          %add3A_417 = arith.constant 13 : i32
          %add3A_418 = arith.addi %mul3A_77, %add3A_417 : i32
          %add3A_419 = arith.constant 0 : i32
          %add3A_420 = arith.addi %squeeze3A_416, %add3A_419 : i32
          %get3A_421 = arith.index_cast %add3A_418 : i32 to index
          %get3A_422 = arith.index_cast %add3A_420 : i32 to index
          %get3A_423 = tpu.vector_load %arg7[%get3A_421, %get3A_422] {strides = array<i32>} : memref<256x128xi32, #tpu.memory_space<vmem>>, vector<16xi32>,
          %add3A_424 = arith.constant 13 : i32
          %add3A_425 = arith.addi %mul3A_77, %add3A_424 : i32
          %swap3A_426 = arith.index_cast %add3A_425 : i32 to index
          %swap3A_427 = arith.constant 0 : index
          %swap3A_428 = tpu.vector_load %arg9[%swap3A_426, %swap3A_427] {strides = array<i32>} : memref<256x32xi32, #tpu.memory_space<vmem>>, vector<16xi32>,
          tpu.vector_store %arg9[%swap3A_426, %swap3A_427], %get3A_423 {strides = array<i32>} : memref<256x32xi32, #tpu.memory_space<vmem>>, vector<16xi32>,
          %add3A_429 = arith.constant 13 : i32
          %add3A_430 = arith.addi %mul3A_77, %add3A_429 : i32
          %add3A_431 = arith.constant 16 : i32
          %add3A_432 = arith.addi %squeeze3A_416, %add3A_431 : i32
          %get3A_433 = arith.index_cast %add3A_430 : i32 to index
          %get3A_434 = arith.index_cast %add3A_432 : i32 to index
          %get3A_435 = tpu.vector_load %arg7[%get3A_433, %get3A_434] {strides = array<i32>} : memref<256x128xi32, #tpu.memory_space<vmem>>, vector<16xi32>,
          %add3A_436 = arith.constant 13 : i32
          %add3A_437 = arith.addi %mul3A_77, %add3A_436 : i32
          %swap3A_438 = arith.index_cast %add3A_437 : i32 to index
          %swap3A_439 = arith.constant 16 : index
          %swap3A_440 = tpu.vector_load %arg9[%swap3A_438, %swap3A_439] {strides = array<i32>} : memref<256x32xi32, #tpu.memory_space<vmem>>, vector<16xi32>,
          tpu.vector_store %arg9[%swap3A_438, %swap3A_439], %get3A_435 {strides = array<i32>} : memref<256x32xi32, #tpu.memory_space<vmem>>, vector<16xi32>,
          %slice3A_441 = vector.extract_strided_slice %get3A_79 {offsets = [14], sizes = [1], strides = [1]} : vector<16xi32> to vector<1xi32>
          %squeeze3A_442 = vector.extract %slice3A_441[0] : i32 from vector<1xi32>
          %add3A_443 = arith.constant 14 : i32
          %add3A_444 = arith.addi %mul3A_77, %add3A_443 : i32
          %add3A_445 = arith.constant 0 : i32
          %add3A_446 = arith.addi %squeeze3A_442, %add3A_445 : i32
          %get3A_447 = arith.index_cast %add3A_444 : i32 to index
          %get3A_448 = arith.index_cast %add3A_446 : i32 to index
          %get3A_449 = tpu.vector_load %arg7[%get3A_447, %get3A_448] {strides = array<i32>} : memref<256x128xi32, #tpu.memory_space<vmem>>, vector<16xi32>,
          %add3A_450 = arith.constant 14 : i32
          %add3A_451 = arith.addi %mul3A_77, %add3A_450 : i32
          %swap3A_452 = arith.index_cast %add3A_451 : i32 to index
          %swap3A_453 = arith.constant 0 : index
          %swap3A_454 = tpu.vector_load %arg9[%swap3A_452, %swap3A_453] {strides = array<i32>} : memref<256x32xi32, #tpu.memory_space<vmem>>, vector<16xi32>,
          tpu.vector_store %arg9[%swap3A_452, %swap3A_453], %get3A_449 {strides = array<i32>} : memref<256x32xi32, #tpu.memory_space<vmem>>, vector<16xi32>,
          %add3A_455 = arith.constant 14 : i32
          %add3A_456 = arith.addi %mul3A_77, %add3A_455 : i32
          %add3A_457 = arith.constant 16 : i32
          %add3A_458 = arith.addi %squeeze3A_442, %add3A_457 : i32
          %get3A_459 = arith.index_cast %add3A_456 : i32 to index
          %get3A_460 = arith.index_cast %add3A_458 : i32 to index
          %get3A_461 = tpu.vector_load %arg7[%get3A_459, %get3A_460] {strides = array<i32>} : memref<256x128xi32, #tpu.memory_space<vmem>>, vector<16xi32>,
          %add3A_462 = arith.constant 14 : i32
          %add3A_463 = arith.addi %mul3A_77, %add3A_462 : i32
          %swap3A_464 = arith.index_cast %add3A_463 : i32 to index
          %swap3A_465 = arith.constant 16 : index
          %swap3A_466 = tpu.vector_load %arg9[%swap3A_464, %swap3A_465] {strides = array<i32>} : memref<256x32xi32, #tpu.memory_space<vmem>>, vector<16xi32>,
          tpu.vector_store %arg9[%swap3A_464, %swap3A_465], %get3A_461 {strides = array<i32>} : memref<256x32xi32, #tpu.memory_space<vmem>>, vector<16xi32>,
          %slice3A_467 = vector.extract_strided_slice %get3A_79 {offsets = [15], sizes = [1], strides = [1]} : vector<16xi32> to vector<1xi32>
          %squeeze3A_468 = vector.extract %slice3A_467[0] : i32 from vector<1xi32>
          %add3A_469 = arith.constant 15 : i32
          %add3A_470 = arith.addi %mul3A_77, %add3A_469 : i32
          %add3A_471 = arith.constant 0 : i32
          %add3A_472 = arith.addi %squeeze3A_468, %add3A_471 : i32
          %get3A_473 = arith.index_cast %add3A_470 : i32 to index
          %get3A_474 = arith.index_cast %add3A_472 : i32 to index
          %get3A_475 = tpu.vector_load %arg7[%get3A_473, %get3A_474] {strides = array<i32>} : memref<256x128xi32, #tpu.memory_space<vmem>>, vector<16xi32>,
          %add3A_476 = arith.constant 15 : i32
          %add3A_477 = arith.addi %mul3A_77, %add3A_476 : i32
          %swap3A_478 = arith.index_cast %add3A_477 : i32 to index
          %swap3A_479 = arith.constant 0 : index
          %swap3A_480 = tpu.vector_load %arg9[%swap3A_478, %swap3A_479] {strides = array<i32>} : memref<256x32xi32, #tpu.memory_space<vmem>>, vector<16xi32>,
          tpu.vector_store %arg9[%swap3A_478, %swap3A_479], %get3A_475 {strides = array<i32>} : memref<256x32xi32, #tpu.memory_space<vmem>>, vector<16xi32>,
          %add3A_481 = arith.constant 15 : i32
          %add3A_482 = arith.addi %mul3A_77, %add3A_481 : i32
          %add3A_483 = arith.constant 16 : i32
          %add3A_484 = arith.addi %squeeze3A_468, %add3A_483 : i32
          %get3A_485 = arith.index_cast %add3A_482 : i32 to index
          %get3A_486 = arith.index_cast %add3A_484 : i32 to index
          %get3A_487 = tpu.vector_load %arg7[%get3A_485, %get3A_486] {strides = array<i32>} : memref<256x128xi32, #tpu.memory_space<vmem>>, vector<16xi32>,
          %add3A_488 = arith.constant 15 : i32
          %add3A_489 = arith.addi %mul3A_77, %add3A_488 : i32
          %swap3A_490 = arith.index_cast %add3A_489 : i32 to index
          %swap3A_491 = arith.constant 16 : index
          %swap3A_492 = tpu.vector_load %arg9[%swap3A_490, %swap3A_491] {strides = array<i32>} : memref<256x32xi32, #tpu.memory_space<vmem>>, vector<16xi32>,
          tpu.vector_store %arg9[%swap3A_490, %swap3A_491], %get3A_487 {strides = array<i32>} : memref<256x32xi32, #tpu.memory_space<vmem>>, vector<16xi32>,
        }
        %scan3A_73 = arith.constant 16 : i32
        %add3A_74 = arith.addi %mul3A_2, %mul3A_68 : i32
        "tpu.region"() ({
          %run_scoped3A = tpu.sem_alloc : memref<!tpu.dma_semaphore, #tpu.memory_space<semaphore_mem>>
          %dma_start3A_75 = arith.constant 0 : i32
          %dma_start3A_76 = tpu.memref_slice %arg4[%add3A_74, %dma_start3A_75] : memref<425984x32xi32, #tpu.memory_space<hbm>> -> memref<256x32xi32, #tpu.memory_space<hbm>>
          %dma_start3A_77 = arith.constant 0 : i32
          %dma_start3A_78 = tpu.memref_slice %arg4[%add3A_74, %dma_start3A_77] : memref<425984x32xi32, #tpu.memory_space<hbm>> -> memref<256x32xi32, #tpu.memory_space<hbm>>
          tpu.enqueue_dma source(%arg9 : memref<256x32xi32, #tpu.memory_space<vmem>>) target(%dma_start3A_78 : memref<256x32xi32, #tpu.memory_space<hbm>>) target_semaphore(%run_scoped3A : memref<!tpu.dma_semaphore, #tpu.memory_space<semaphore_mem>>)
          %dma_wait3A_79 = arith.constant 0 : i32
          %dma_wait3A_80 = tpu.memref_slice %arg4[%add3A_74, %dma_wait3A_79] : memref<425984x32xi32, #tpu.memory_space<hbm>> -> memref<256x32xi32, #tpu.memory_space<hbm>>
          %dma_wait3A_81 = arith.constant 0 : i32
          %dma_wait3A_82 = tpu.memref_slice %arg4[%add3A_74, %dma_wait3A_81] : memref<425984x32xi32, #tpu.memory_space<hbm>> -> memref<256x32xi32, #tpu.memory_space<hbm>>
          tpu.wait_dma2 semaphore(%run_scoped3A : memref<!tpu.dma_semaphore, #tpu.memory_space<semaphore_mem>>) src(%arg9 : memref<256x32xi32, #tpu.memory_space<vmem>>) dst(%dma_wait3A_82 : memref<256x32xi32, #tpu.memory_space<hbm>>)
          tpu.yield
        }) : () -> ()
      } else {
      }
      %add3A_34 = arith.constant 1 : i32
      %add3A_35 = arith.addi %mul3A_29, %add3A_34 : i32
      %lt3A_36 = arith.constant 52 : i32
      %lt3A_37 = arith.cmpi slt, %add3A_35, %lt3A_36 : i32
      %convert_element_type3A_38 = arith.extui %lt3A_37 : i1 to i32
      %cond3A_39 = arith.constant 0 : i32
      %cond3A_40 = arith.cmpi ne, %convert_element_type3A_38, %cond3A_39 : i32
      scf.if %cond3A_40 {
        %mul3A_41 = arith.constant 256 : i32
        %mul3A_42 = arith.muli %add3A_35, %mul3A_41 : i32
        %add3A_43 = arith.constant 0 : i32
        %add3A_44 = arith.addi %mul3A_42, %add3A_43 : i32
        %dma_wait3A = arith.constant 0 : i32
        %dma_wait3A_45 = arith.constant 0 : i32
        %dma_wait3A_46 = tpu.memref_slice %arg8[%dma_wait3A, %dma_wait3A_45] : memref<256x128xi32, #tpu.memory_space<vmem>> -> memref<128x128xi32, #tpu.memory_space<vmem>>
        %dma_wait3A_47 = tpu.memref_slice %arg5[%add3A_44] : memref<13312xi32, #tpu.memory_space<vmem>> -> memref<128xi32, #tpu.memory_space<vmem>>
        %dma_wait3A_48 = arith.constant 0 : i32
        %dma_wait3A_49 = arith.constant 0 : i32
        %dma_wait3A_50 = tpu.memref_slice %arg3[%dma_wait3A_48, %dma_wait3A_49] : memref<253440x128xi32, #tpu.memory_space<hbm>> -> memref<253440x128xi32, #tpu.memory_space<hbm>>
        tpu.wait_indirect_dma semaphore(%arg10 : memref<!tpu.dma_semaphore, #tpu.memory_space<semaphore_mem>>) src(%dma_wait3A_50 : memref<253440x128xi32, #tpu.memory_space<hbm>>) dst(%dma_wait3A_46 : memref<128x128xi32, #tpu.memory_space<vmem>>)
        %add3A_51 = arith.constant 128 : i32
        %add3A_52 = arith.addi %mul3A_42, %add3A_51 : i32
        %dma_wait3A_53 = arith.constant 128 : i32
        %dma_wait3A_54 = arith.constant 0 : i32
        %dma_wait3A_55 = tpu.memref_slice %arg8[%dma_wait3A_53, %dma_wait3A_54] : memref<256x128xi32, #tpu.memory_space<vmem>> -> memref<128x128xi32, #tpu.memory_space<vmem>>
        %dma_wait3A_56 = tpu.memref_slice %arg5[%add3A_52] : memref<13312xi32, #tpu.memory_space<vmem>> -> memref<128xi32, #tpu.memory_space<vmem>>
        %dma_wait3A_57 = arith.constant 0 : i32
        %dma_wait3A_58 = arith.constant 0 : i32
        %dma_wait3A_59 = tpu.memref_slice %arg3[%dma_wait3A_57, %dma_wait3A_58] : memref<253440x128xi32, #tpu.memory_space<hbm>> -> memref<253440x128xi32, #tpu.memory_space<hbm>>
        tpu.wait_indirect_dma semaphore(%arg10 : memref<!tpu.dma_semaphore, #tpu.memory_space<semaphore_mem>>) src(%dma_wait3A_59 : memref<253440x128xi32, #tpu.memory_space<hbm>>) dst(%dma_wait3A_55 : memref<128x128xi32, #tpu.memory_space<vmem>>)
        %add3A_60 = arith.constant 1 : i32
        %add3A_61 = arith.addi %add3A_35, %add3A_60 : i32
        %lt3A_62 = arith.constant 52 : i32
        %lt3A_63 = arith.cmpi slt, %add3A_61, %lt3A_62 : i32
        %convert_element_type3A_64 = arith.extui %lt3A_63 : i1 to i32
        %cond3A_65 = arith.constant 0 : i32
        %cond3A_66 = arith.cmpi ne, %convert_element_type3A_64, %cond3A_65 : i32
        scf.if %cond3A_66 {
          %add3A_75 = arith.constant 1 : i32
          %add3A_76 = arith.addi %add3A_35, %add3A_75 : i32
          %mul3A_77 = arith.constant 256 : i32
          %mul3A_78 = arith.muli %add3A_76, %mul3A_77 : i32
          %add3A_79 = arith.constant 0 : i32
          %add3A_80 = arith.addi %mul3A_78, %add3A_79 : i32
          %dma_start3A_81 = arith.constant 0 : i32
          %dma_start3A_82 = arith.constant 0 : i32
          %dma_start3A_83 = tpu.memref_slice %arg7[%dma_start3A_81, %dma_start3A_82] : memref<256x128xi32, #tpu.memory_space<vmem>> -> memref<128x128xi32, #tpu.memory_space<vmem>>
          %dma_start3A_84 = tpu.memref_slice %arg5[%add3A_80] : memref<13312xi32, #tpu.memory_space<vmem>> -> memref<128xi32, #tpu.memory_space<vmem>>
          %dma_start3A_85 = arith.constant 0 : i32
          %dma_start3A_86 = arith.constant 0 : i32
          %dma_start3A_87 = tpu.memref_slice %arg3[%dma_start3A_85, %dma_start3A_86] : memref<253440x128xi32, #tpu.memory_space<hbm>> -> memref<253440x128xi32, #tpu.memory_space<hbm>>
          tpu.enqueue_indirect_dma source(%dma_start3A_87 : memref<253440x128xi32, #tpu.memory_space<hbm>>) target(%dma_start3A_83 : memref<128x128xi32, #tpu.memory_space<vmem>>) offsets(%dma_start3A_84 : memref<128xi32, #tpu.memory_space<vmem>>) semaphore(%arg10 : memref<!tpu.dma_semaphore, #tpu.memory_space<semaphore_mem>>)
          %add3A_88 = arith.constant 128 : i32
          %add3A_89 = arith.addi %mul3A_78, %add3A_88 : i32
          %dma_start3A_90 = arith.constant 128 : i32
          %dma_start3A_91 = arith.constant 0 : i32
          %dma_start3A_92 = tpu.memref_slice %arg7[%dma_start3A_90, %dma_start3A_91] : memref<256x128xi32, #tpu.memory_space<vmem>> -> memref<128x128xi32, #tpu.memory_space<vmem>>
          %dma_start3A_93 = tpu.memref_slice %arg5[%add3A_89] : memref<13312xi32, #tpu.memory_space<vmem>> -> memref<128xi32, #tpu.memory_space<vmem>>
          %dma_start3A_94 = arith.constant 0 : i32
          %dma_start3A_95 = arith.constant 0 : i32
          %dma_start3A_96 = tpu.memref_slice %arg3[%dma_start3A_94, %dma_start3A_95] : memref<253440x128xi32, #tpu.memory_space<hbm>> -> memref<253440x128xi32, #tpu.memory_space<hbm>>
          tpu.enqueue_indirect_dma source(%dma_start3A_96 : memref<253440x128xi32, #tpu.memory_space<hbm>>) target(%dma_start3A_92 : memref<128x128xi32, #tpu.memory_space<vmem>>) offsets(%dma_start3A_93 : memref<128xi32, #tpu.memory_space<vmem>>) semaphore(%arg10 : memref<!tpu.dma_semaphore, #tpu.memory_space<semaphore_mem>>)
        } else {
        }
        %mul3A_67 = arith.constant 256 : i32
        %mul3A_68 = arith.muli %add3A_35, %mul3A_67 : i32
        %scan3A_69 = arith.constant 0 : i32
        %scan3A_70 = arith.constant 16 : i32
        %scan3A_71 = arith.addi %scan3A_69, %scan3A_70 : i32
        %scan3A_72 = arith.constant 1 : i32
        scf.for %scan3A_75 = %scan3A_69 to %scan3A_71 step %scan3A_72  : i32 {
          %mul3A_76 = arith.constant 16 : i32
          %mul3A_77 = arith.muli %scan3A_75, %mul3A_76 : i32
          %add3A_78 = arith.addi %mul3A_68, %mul3A_77 : i32
          %get3A = arith.index_cast %add3A_78 : i32 to index
          %get3A_79 = tpu.vector_load %arg6[%get3A] {strides = array<i32>} : memref<13312xi32, #tpu.memory_space<vmem>>, vector<16xi32>,
          %slice3A = vector.extract_strided_slice %get3A_79 {offsets = [0], sizes = [1], strides = [1]} : vector<16xi32> to vector<1xi32>
          %squeeze3A = vector.extract %slice3A[0] : i32 from vector<1xi32>
          %add3A_80 = arith.constant 0 : i32
          %add3A_81 = arith.addi %mul3A_77, %add3A_80 : i32
          %add3A_82 = arith.constant 0 : i32
          %add3A_83 = arith.addi %squeeze3A, %add3A_82 : i32
          %get3A_84 = arith.index_cast %add3A_81 : i32 to index
          %get3A_85 = arith.index_cast %add3A_83 : i32 to index
          %get3A_86 = tpu.vector_load %arg8[%get3A_84, %get3A_85] {strides = array<i32>} : memref<256x128xi32, #tpu.memory_space<vmem>>, vector<16xi32>,
          %add3A_87 = arith.constant 0 : i32
          %add3A_88 = arith.addi %mul3A_77, %add3A_87 : i32
          %swap3A = arith.index_cast %add3A_88 : i32 to index
          %swap3A_89 = arith.constant 0 : index
          %swap3A_90 = tpu.vector_load %arg9[%swap3A, %swap3A_89] {strides = array<i32>} : memref<256x32xi32, #tpu.memory_space<vmem>>, vector<16xi32>,
          tpu.vector_store %arg9[%swap3A, %swap3A_89], %get3A_86 {strides = array<i32>} : memref<256x32xi32, #tpu.memory_space<vmem>>, vector<16xi32>,
          %add3A_91 = arith.constant 0 : i32
          %add3A_92 = arith.addi %mul3A_77, %add3A_91 : i32
          %add3A_93 = arith.constant 16 : i32
          %add3A_94 = arith.addi %squeeze3A, %add3A_93 : i32
          %get3A_95 = arith.index_cast %add3A_92 : i32 to index
          %get3A_96 = arith.index_cast %add3A_94 : i32 to index
          %get3A_97 = tpu.vector_load %arg8[%get3A_95, %get3A_96] {strides = array<i32>} : memref<256x128xi32, #tpu.memory_space<vmem>>, vector<16xi32>,
          %add3A_98 = arith.constant 0 : i32
          %add3A_99 = arith.addi %mul3A_77, %add3A_98 : i32
          %swap3A_100 = arith.index_cast %add3A_99 : i32 to index
          %swap3A_101 = arith.constant 16 : index
          %swap3A_102 = tpu.vector_load %arg9[%swap3A_100, %swap3A_101] {strides = array<i32>} : memref<256x32xi32, #tpu.memory_space<vmem>>, vector<16xi32>,
          tpu.vector_store %arg9[%swap3A_100, %swap3A_101], %get3A_97 {strides = array<i32>} : memref<256x32xi32, #tpu.memory_space<vmem>>, vector<16xi32>,
          %slice3A_103 = vector.extract_strided_slice %get3A_79 {offsets = [1], sizes = [1], strides = [1]} : vector<16xi32> to vector<1xi32>
          %squeeze3A_104 = vector.extract %slice3A_103[0] : i32 from vector<1xi32>
          %add3A_105 = arith.constant 1 : i32
          %add3A_106 = arith.addi %mul3A_77, %add3A_105 : i32
          %add3A_107 = arith.constant 0 : i32
          %add3A_108 = arith.addi %squeeze3A_104, %add3A_107 : i32
          %get3A_109 = arith.index_cast %add3A_106 : i32 to index
          %get3A_110 = arith.index_cast %add3A_108 : i32 to index
          %get3A_111 = tpu.vector_load %arg8[%get3A_109, %get3A_110] {strides = array<i32>} : memref<256x128xi32, #tpu.memory_space<vmem>>, vector<16xi32>,
          %add3A_112 = arith.constant 1 : i32
          %add3A_113 = arith.addi %mul3A_77, %add3A_112 : i32
          %swap3A_114 = arith.index_cast %add3A_113 : i32 to index
          %swap3A_115 = arith.constant 0 : index
          %swap3A_116 = tpu.vector_load %arg9[%swap3A_114, %swap3A_115] {strides = array<i32>} : memref<256x32xi32, #tpu.memory_space<vmem>>, vector<16xi32>,
          tpu.vector_store %arg9[%swap3A_114, %swap3A_115], %get3A_111 {strides = array<i32>} : memref<256x32xi32, #tpu.memory_space<vmem>>, vector<16xi32>,
          %add3A_117 = arith.constant 1 : i32
          %add3A_118 = arith.addi %mul3A_77, %add3A_117 : i32
          %add3A_119 = arith.constant 16 : i32
          %add3A_120 = arith.addi %squeeze3A_104, %add3A_119 : i32
          %get3A_121 = arith.index_cast %add3A_118 : i32 to index
          %get3A_122 = arith.index_cast %add3A_120 : i32 to index
          %get3A_123 = tpu.vector_load %arg8[%get3A_121, %get3A_122] {strides = array<i32>} : memref<256x128xi32, #tpu.memory_space<vmem>>, vector<16xi32>,
          %add3A_124 = arith.constant 1 : i32
          %add3A_125 = arith.addi %mul3A_77, %add3A_124 : i32
          %swap3A_126 = arith.index_cast %add3A_125 : i32 to index
          %swap3A_127 = arith.constant 16 : index
          %swap3A_128 = tpu.vector_load %arg9[%swap3A_126, %swap3A_127] {strides = array<i32>} : memref<256x32xi32, #tpu.memory_space<vmem>>, vector<16xi32>,
          tpu.vector_store %arg9[%swap3A_126, %swap3A_127], %get3A_123 {strides = array<i32>} : memref<256x32xi32, #tpu.memory_space<vmem>>, vector<16xi32>,
          %slice3A_129 = vector.extract_strided_slice %get3A_79 {offsets = [2], sizes = [1], strides = [1]} : vector<16xi32> to vector<1xi32>
          %squeeze3A_130 = vector.extract %slice3A_129[0] : i32 from vector<1xi32>
          %add3A_131 = arith.constant 2 : i32
          %add3A_132 = arith.addi %mul3A_77, %add3A_131 : i32
          %add3A_133 = arith.constant 0 : i32
          %add3A_134 = arith.addi %squeeze3A_130, %add3A_133 : i32
          %get3A_135 = arith.index_cast %add3A_132 : i32 to index
          %get3A_136 = arith.index_cast %add3A_134 : i32 to index
          %get3A_137 = tpu.vector_load %arg8[%get3A_135, %get3A_136] {strides = array<i32>} : memref<256x128xi32, #tpu.memory_space<vmem>>, vector<16xi32>,
          %add3A_138 = arith.constant 2 : i32
          %add3A_139 = arith.addi %mul3A_77, %add3A_138 : i32
          %swap3A_140 = arith.index_cast %add3A_139 : i32 to index
          %swap3A_141 = arith.constant 0 : index
          %swap3A_142 = tpu.vector_load %arg9[%swap3A_140, %swap3A_141] {strides = array<i32>} : memref<256x32xi32, #tpu.memory_space<vmem>>, vector<16xi32>,
          tpu.vector_store %arg9[%swap3A_140, %swap3A_141], %get3A_137 {strides = array<i32>} : memref<256x32xi32, #tpu.memory_space<vmem>>, vector<16xi32>,
          %add3A_143 = arith.constant 2 : i32
          %add3A_144 = arith.addi %mul3A_77, %add3A_143 : i32
          %add3A_145 = arith.constant 16 : i32
          %add3A_146 = arith.addi %squeeze3A_130, %add3A_145 : i32
          %get3A_147 = arith.index_cast %add3A_144 : i32 to index
          %get3A_148 = arith.index_cast %add3A_146 : i32 to index
          %get3A_149 = tpu.vector_load %arg8[%get3A_147, %get3A_148] {strides = array<i32>} : memref<256x128xi32, #tpu.memory_space<vmem>>, vector<16xi32>,
          %add3A_150 = arith.constant 2 : i32
          %add3A_151 = arith.addi %mul3A_77, %add3A_150 : i32
          %swap3A_152 = arith.index_cast %add3A_151 : i32 to index
          %swap3A_153 = arith.constant 16 : index
          %swap3A_154 = tpu.vector_load %arg9[%swap3A_152, %swap3A_153] {strides = array<i32>} : memref<256x32xi32, #tpu.memory_space<vmem>>, vector<16xi32>,
          tpu.vector_store %arg9[%swap3A_152, %swap3A_153], %get3A_149 {strides = array<i32>} : memref<256x32xi32, #tpu.memory_space<vmem>>, vector<16xi32>,
          %slice3A_155 = vector.extract_strided_slice %get3A_79 {offsets = [3], sizes = [1], strides = [1]} : vector<16xi32> to vector<1xi32>
          %squeeze3A_156 = vector.extract %slice3A_155[0] : i32 from vector<1xi32>
          %add3A_157 = arith.constant 3 : i32
          %add3A_158 = arith.addi %mul3A_77, %add3A_157 : i32
          %add3A_159 = arith.constant 0 : i32
          %add3A_160 = arith.addi %squeeze3A_156, %add3A_159 : i32
          %get3A_161 = arith.index_cast %add3A_158 : i32 to index
          %get3A_162 = arith.index_cast %add3A_160 : i32 to index
          %get3A_163 = tpu.vector_load %arg8[%get3A_161, %get3A_162] {strides = array<i32>} : memref<256x128xi32, #tpu.memory_space<vmem>>, vector<16xi32>,
          %add3A_164 = arith.constant 3 : i32
          %add3A_165 = arith.addi %mul3A_77, %add3A_164 : i32
          %swap3A_166 = arith.index_cast %add3A_165 : i32 to index
          %swap3A_167 = arith.constant 0 : index
          %swap3A_168 = tpu.vector_load %arg9[%swap3A_166, %swap3A_167] {strides = array<i32>} : memref<256x32xi32, #tpu.memory_space<vmem>>, vector<16xi32>,
          tpu.vector_store %arg9[%swap3A_166, %swap3A_167], %get3A_163 {strides = array<i32>} : memref<256x32xi32, #tpu.memory_space<vmem>>, vector<16xi32>,
          %add3A_169 = arith.constant 3 : i32
          %add3A_170 = arith.addi %mul3A_77, %add3A_169 : i32
          %add3A_171 = arith.constant 16 : i32
          %add3A_172 = arith.addi %squeeze3A_156, %add3A_171 : i32
          %get3A_173 = arith.index_cast %add3A_170 : i32 to index
          %get3A_174 = arith.index_cast %add3A_172 : i32 to index
          %get3A_175 = tpu.vector_load %arg8[%get3A_173, %get3A_174] {strides = array<i32>} : memref<256x128xi32, #tpu.memory_space<vmem>>, vector<16xi32>,
          %add3A_176 = arith.constant 3 : i32
          %add3A_177 = arith.addi %mul3A_77, %add3A_176 : i32
          %swap3A_178 = arith.index_cast %add3A_177 : i32 to index
          %swap3A_179 = arith.constant 16 : index
          %swap3A_180 = tpu.vector_load %arg9[%swap3A_178, %swap3A_179] {strides = array<i32>} : memref<256x32xi32, #tpu.memory_space<vmem>>, vector<16xi32>,
          tpu.vector_store %arg9[%swap3A_178, %swap3A_179], %get3A_175 {strides = array<i32>} : memref<256x32xi32, #tpu.memory_space<vmem>>, vector<16xi32>,
          %slice3A_181 = vector.extract_strided_slice %get3A_79 {offsets = [4], sizes = [1], strides = [1]} : vector<16xi32> to vector<1xi32>
          %squeeze3A_182 = vector.extract %slice3A_181[0] : i32 from vector<1xi32>
          %add3A_183 = arith.constant 4 : i32
          %add3A_184 = arith.addi %mul3A_77, %add3A_183 : i32
          %add3A_185 = arith.constant 0 : i32
          %add3A_186 = arith.addi %squeeze3A_182, %add3A_185 : i32
          %get3A_187 = arith.index_cast %add3A_184 : i32 to index
          %get3A_188 = arith.index_cast %add3A_186 : i32 to index
          %get3A_189 = tpu.vector_load %arg8[%get3A_187, %get3A_188] {strides = array<i32>} : memref<256x128xi32, #tpu.memory_space<vmem>>, vector<16xi32>,
          %add3A_190 = arith.constant 4 : i32
          %add3A_191 = arith.addi %mul3A_77, %add3A_190 : i32
          %swap3A_192 = arith.index_cast %add3A_191 : i32 to index
          %swap3A_193 = arith.constant 0 : index
          %swap3A_194 = tpu.vector_load %arg9[%swap3A_192, %swap3A_193] {strides = array<i32>} : memref<256x32xi32, #tpu.memory_space<vmem>>, vector<16xi32>,
          tpu.vector_store %arg9[%swap3A_192, %swap3A_193], %get3A_189 {strides = array<i32>} : memref<256x32xi32, #tpu.memory_space<vmem>>, vector<16xi32>,
          %add3A_195 = arith.constant 4 : i32
          %add3A_196 = arith.addi %mul3A_77, %add3A_195 : i32
          %add3A_197 = arith.constant 16 : i32
          %add3A_198 = arith.addi %squeeze3A_182, %add3A_197 : i32
          %get3A_199 = arith.index_cast %add3A_196 : i32 to index
          %get3A_200 = arith.index_cast %add3A_198 : i32 to index
          %get3A_201 = tpu.vector_load %arg8[%get3A_199, %get3A_200] {strides = array<i32>} : memref<256x128xi32, #tpu.memory_space<vmem>>, vector<16xi32>,
          %add3A_202 = arith.constant 4 : i32
          %add3A_203 = arith.addi %mul3A_77, %add3A_202 : i32
          %swap3A_204 = arith.index_cast %add3A_203 : i32 to index
          %swap3A_205 = arith.constant 16 : index
          %swap3A_206 = tpu.vector_load %arg9[%swap3A_204, %swap3A_205] {strides = array<i32>} : memref<256x32xi32, #tpu.memory_space<vmem>>, vector<16xi32>,
          tpu.vector_store %arg9[%swap3A_204, %swap3A_205], %get3A_201 {strides = array<i32>} : memref<256x32xi32, #tpu.memory_space<vmem>>, vector<16xi32>,
          %slice3A_207 = vector.extract_strided_slice %get3A_79 {offsets = [5], sizes = [1], strides = [1]} : vector<16xi32> to vector<1xi32>
          %squeeze3A_208 = vector.extract %slice3A_207[0] : i32 from vector<1xi32>
          %add3A_209 = arith.constant 5 : i32
          %add3A_210 = arith.addi %mul3A_77, %add3A_209 : i32
          %add3A_211 = arith.constant 0 : i32
          %add3A_212 = arith.addi %squeeze3A_208, %add3A_211 : i32
          %get3A_213 = arith.index_cast %add3A_210 : i32 to index
          %get3A_214 = arith.index_cast %add3A_212 : i32 to index
          %get3A_215 = tpu.vector_load %arg8[%get3A_213, %get3A_214] {strides = array<i32>} : memref<256x128xi32, #tpu.memory_space<vmem>>, vector<16xi32>,
          %add3A_216 = arith.constant 5 : i32
          %add3A_217 = arith.addi %mul3A_77, %add3A_216 : i32
          %swap3A_218 = arith.index_cast %add3A_217 : i32 to index
          %swap3A_219 = arith.constant 0 : index
          %swap3A_220 = tpu.vector_load %arg9[%swap3A_218, %swap3A_219] {strides = array<i32>} : memref<256x32xi32, #tpu.memory_space<vmem>>, vector<16xi32>,
          tpu.vector_store %arg9[%swap3A_218, %swap3A_219], %get3A_215 {strides = array<i32>} : memref<256x32xi32, #tpu.memory_space<vmem>>, vector<16xi32>,
          %add3A_221 = arith.constant 5 : i32
          %add3A_222 = arith.addi %mul3A_77, %add3A_221 : i32
          %add3A_223 = arith.constant 16 : i32
          %add3A_224 = arith.addi %squeeze3A_208, %add3A_223 : i32
          %get3A_225 = arith.index_cast %add3A_222 : i32 to index
          %get3A_226 = arith.index_cast %add3A_224 : i32 to index
          %get3A_227 = tpu.vector_load %arg8[%get3A_225, %get3A_226] {strides = array<i32>} : memref<256x128xi32, #tpu.memory_space<vmem>>, vector<16xi32>,
          %add3A_228 = arith.constant 5 : i32
          %add3A_229 = arith.addi %mul3A_77, %add3A_228 : i32
          %swap3A_230 = arith.index_cast %add3A_229 : i32 to index
          %swap3A_231 = arith.constant 16 : index
          %swap3A_232 = tpu.vector_load %arg9[%swap3A_230, %swap3A_231] {strides = array<i32>} : memref<256x32xi32, #tpu.memory_space<vmem>>, vector<16xi32>,
          tpu.vector_store %arg9[%swap3A_230, %swap3A_231], %get3A_227 {strides = array<i32>} : memref<256x32xi32, #tpu.memory_space<vmem>>, vector<16xi32>,
          %slice3A_233 = vector.extract_strided_slice %get3A_79 {offsets = [6], sizes = [1], strides = [1]} : vector<16xi32> to vector<1xi32>
          %squeeze3A_234 = vector.extract %slice3A_233[0] : i32 from vector<1xi32>
          %add3A_235 = arith.constant 6 : i32
          %add3A_236 = arith.addi %mul3A_77, %add3A_235 : i32
          %add3A_237 = arith.constant 0 : i32
          %add3A_238 = arith.addi %squeeze3A_234, %add3A_237 : i32
          %get3A_239 = arith.index_cast %add3A_236 : i32 to index
          %get3A_240 = arith.index_cast %add3A_238 : i32 to index
          %get3A_241 = tpu.vector_load %arg8[%get3A_239, %get3A_240] {strides = array<i32>} : memref<256x128xi32, #tpu.memory_space<vmem>>, vector<16xi32>,
          %add3A_242 = arith.constant 6 : i32
          %add3A_243 = arith.addi %mul3A_77, %add3A_242 : i32
          %swap3A_244 = arith.index_cast %add3A_243 : i32 to index
          %swap3A_245 = arith.constant 0 : index
          %swap3A_246 = tpu.vector_load %arg9[%swap3A_244, %swap3A_245] {strides = array<i32>} : memref<256x32xi32, #tpu.memory_space<vmem>>, vector<16xi32>,
          tpu.vector_store %arg9[%swap3A_244, %swap3A_245], %get3A_241 {strides = array<i32>} : memref<256x32xi32, #tpu.memory_space<vmem>>, vector<16xi32>,
          %add3A_247 = arith.constant 6 : i32
          %add3A_248 = arith.addi %mul3A_77, %add3A_247 : i32
          %add3A_249 = arith.constant 16 : i32
          %add3A_250 = arith.addi %squeeze3A_234, %add3A_249 : i32
          %get3A_251 = arith.index_cast %add3A_248 : i32 to index
          %get3A_252 = arith.index_cast %add3A_250 : i32 to index
          %get3A_253 = tpu.vector_load %arg8[%get3A_251, %get3A_252] {strides = array<i32>} : memref<256x128xi32, #tpu.memory_space<vmem>>, vector<16xi32>,
          %add3A_254 = arith.constant 6 : i32
          %add3A_255 = arith.addi %mul3A_77, %add3A_254 : i32
          %swap3A_256 = arith.index_cast %add3A_255 : i32 to index
          %swap3A_257 = arith.constant 16 : index
          %swap3A_258 = tpu.vector_load %arg9[%swap3A_256, %swap3A_257] {strides = array<i32>} : memref<256x32xi32, #tpu.memory_space<vmem>>, vector<16xi32>,
          tpu.vector_store %arg9[%swap3A_256, %swap3A_257], %get3A_253 {strides = array<i32>} : memref<256x32xi32, #tpu.memory_space<vmem>>, vector<16xi32>,
          %slice3A_259 = vector.extract_strided_slice %get3A_79 {offsets = [7], sizes = [1], strides = [1]} : vector<16xi32> to vector<1xi32>
          %squeeze3A_260 = vector.extract %slice3A_259[0] : i32 from vector<1xi32>
          %add3A_261 = arith.constant 7 : i32
          %add3A_262 = arith.addi %mul3A_77, %add3A_261 : i32
          %add3A_263 = arith.constant 0 : i32
          %add3A_264 = arith.addi %squeeze3A_260, %add3A_263 : i32
          %get3A_265 = arith.index_cast %add3A_262 : i32 to index
          %get3A_266 = arith.index_cast %add3A_264 : i32 to index
          %get3A_267 = tpu.vector_load %arg8[%get3A_265, %get3A_266] {strides = array<i32>} : memref<256x128xi32, #tpu.memory_space<vmem>>, vector<16xi32>,
          %add3A_268 = arith.constant 7 : i32
          %add3A_269 = arith.addi %mul3A_77, %add3A_268 : i32
          %swap3A_270 = arith.index_cast %add3A_269 : i32 to index
          %swap3A_271 = arith.constant 0 : index
          %swap3A_272 = tpu.vector_load %arg9[%swap3A_270, %swap3A_271] {strides = array<i32>} : memref<256x32xi32, #tpu.memory_space<vmem>>, vector<16xi32>,
          tpu.vector_store %arg9[%swap3A_270, %swap3A_271], %get3A_267 {strides = array<i32>} : memref<256x32xi32, #tpu.memory_space<vmem>>, vector<16xi32>,
          %add3A_273 = arith.constant 7 : i32
          %add3A_274 = arith.addi %mul3A_77, %add3A_273 : i32
          %add3A_275 = arith.constant 16 : i32
          %add3A_276 = arith.addi %squeeze3A_260, %add3A_275 : i32
          %get3A_277 = arith.index_cast %add3A_274 : i32 to index
          %get3A_278 = arith.index_cast %add3A_276 : i32 to index
          %get3A_279 = tpu.vector_load %arg8[%get3A_277, %get3A_278] {strides = array<i32>} : memref<256x128xi32, #tpu.memory_space<vmem>>, vector<16xi32>,
          %add3A_280 = arith.constant 7 : i32
          %add3A_281 = arith.addi %mul3A_77, %add3A_280 : i32
          %swap3A_282 = arith.index_cast %add3A_281 : i32 to index
          %swap3A_283 = arith.constant 16 : index
          %swap3A_284 = tpu.vector_load %arg9[%swap3A_282, %swap3A_283] {strides = array<i32>} : memref<256x32xi32, #tpu.memory_space<vmem>>, vector<16xi32>,
          tpu.vector_store %arg9[%swap3A_282, %swap3A_283], %get3A_279 {strides = array<i32>} : memref<256x32xi32, #tpu.memory_space<vmem>>, vector<16xi32>,
          %slice3A_285 = vector.extract_strided_slice %get3A_79 {offsets = [8], sizes = [1], strides = [1]} : vector<16xi32> to vector<1xi32>
          %squeeze3A_286 = vector.extract %slice3A_285[0] : i32 from vector<1xi32>
          %add3A_287 = arith.constant 8 : i32
          %add3A_288 = arith.addi %mul3A_77, %add3A_287 : i32
          %add3A_289 = arith.constant 0 : i32
          %add3A_290 = arith.addi %squeeze3A_286, %add3A_289 : i32
          %get3A_291 = arith.index_cast %add3A_288 : i32 to index
          %get3A_292 = arith.index_cast %add3A_290 : i32 to index
          %get3A_293 = tpu.vector_load %arg8[%get3A_291, %get3A_292] {strides = array<i32>} : memref<256x128xi32, #tpu.memory_space<vmem>>, vector<16xi32>,
          %add3A_294 = arith.constant 8 : i32
          %add3A_295 = arith.addi %mul3A_77, %add3A_294 : i32
          %swap3A_296 = arith.index_cast %add3A_295 : i32 to index
          %swap3A_297 = arith.constant 0 : index
          %swap3A_298 = tpu.vector_load %arg9[%swap3A_296, %swap3A_297] {strides = array<i32>} : memref<256x32xi32, #tpu.memory_space<vmem>>, vector<16xi32>,
          tpu.vector_store %arg9[%swap3A_296, %swap3A_297], %get3A_293 {strides = array<i32>} : memref<256x32xi32, #tpu.memory_space<vmem>>, vector<16xi32>,
          %add3A_299 = arith.constant 8 : i32
          %add3A_300 = arith.addi %mul3A_77, %add3A_299 : i32
          %add3A_301 = arith.constant 16 : i32
          %add3A_302 = arith.addi %squeeze3A_286, %add3A_301 : i32
          %get3A_303 = arith.index_cast %add3A_300 : i32 to index
          %get3A_304 = arith.index_cast %add3A_302 : i32 to index
          %get3A_305 = tpu.vector_load %arg8[%get3A_303, %get3A_304] {strides = array<i32>} : memref<256x128xi32, #tpu.memory_space<vmem>>, vector<16xi32>,
          %add3A_306 = arith.constant 8 : i32
          %add3A_307 = arith.addi %mul3A_77, %add3A_306 : i32
          %swap3A_308 = arith.index_cast %add3A_307 : i32 to index
          %swap3A_309 = arith.constant 16 : index
          %swap3A_310 = tpu.vector_load %arg9[%swap3A_308, %swap3A_309] {strides = array<i32>} : memref<256x32xi32, #tpu.memory_space<vmem>>, vector<16xi32>,
          tpu.vector_store %arg9[%swap3A_308, %swap3A_309], %get3A_305 {strides = array<i32>} : memref<256x32xi32, #tpu.memory_space<vmem>>, vector<16xi32>,
          %slice3A_311 = vector.extract_strided_slice %get3A_79 {offsets = [9], sizes = [1], strides = [1]} : vector<16xi32> to vector<1xi32>
          %squeeze3A_312 = vector.extract %slice3A_311[0] : i32 from vector<1xi32>
          %add3A_313 = arith.constant 9 : i32
          %add3A_314 = arith.addi %mul3A_77, %add3A_313 : i32
          %add3A_315 = arith.constant 0 : i32
          %add3A_316 = arith.addi %squeeze3A_312, %add3A_315 : i32
          %get3A_317 = arith.index_cast %add3A_314 : i32 to index
          %get3A_318 = arith.index_cast %add3A_316 : i32 to index
          %get3A_319 = tpu.vector_load %arg8[%get3A_317, %get3A_318] {strides = array<i32>} : memref<256x128xi32, #tpu.memory_space<vmem>>, vector<16xi32>,
          %add3A_320 = arith.constant 9 : i32
          %add3A_321 = arith.addi %mul3A_77, %add3A_320 : i32
          %swap3A_322 = arith.index_cast %add3A_321 : i32 to index
          %swap3A_323 = arith.constant 0 : index
          %swap3A_324 = tpu.vector_load %arg9[%swap3A_322, %swap3A_323] {strides = array<i32>} : memref<256x32xi32, #tpu.memory_space<vmem>>, vector<16xi32>,
          tpu.vector_store %arg9[%swap3A_322, %swap3A_323], %get3A_319 {strides = array<i32>} : memref<256x32xi32, #tpu.memory_space<vmem>>, vector<16xi32>,
          %add3A_325 = arith.constant 9 : i32
          %add3A_326 = arith.addi %mul3A_77, %add3A_325 : i32
          %add3A_327 = arith.constant 16 : i32
          %add3A_328 = arith.addi %squeeze3A_312, %add3A_327 : i32
          %get3A_329 = arith.index_cast %add3A_326 : i32 to index
          %get3A_330 = arith.index_cast %add3A_328 : i32 to index
          %get3A_331 = tpu.vector_load %arg8[%get3A_329, %get3A_330] {strides = array<i32>} : memref<256x128xi32, #tpu.memory_space<vmem>>, vector<16xi32>,
          %add3A_332 = arith.constant 9 : i32
          %add3A_333 = arith.addi %mul3A_77, %add3A_332 : i32
          %swap3A_334 = arith.index_cast %add3A_333 : i32 to index
          %swap3A_335 = arith.constant 16 : index
          %swap3A_336 = tpu.vector_load %arg9[%swap3A_334, %swap3A_335] {strides = array<i32>} : memref<256x32xi32, #tpu.memory_space<vmem>>, vector<16xi32>,
          tpu.vector_store %arg9[%swap3A_334, %swap3A_335], %get3A_331 {strides = array<i32>} : memref<256x32xi32, #tpu.memory_space<vmem>>, vector<16xi32>,
          %slice3A_337 = vector.extract_strided_slice %get3A_79 {offsets = [10], sizes = [1], strides = [1]} : vector<16xi32> to vector<1xi32>
          %squeeze3A_338 = vector.extract %slice3A_337[0] : i32 from vector<1xi32>
          %add3A_339 = arith.constant 10 : i32
          %add3A_340 = arith.addi %mul3A_77, %add3A_339 : i32
          %add3A_341 = arith.constant 0 : i32
          %add3A_342 = arith.addi %squeeze3A_338, %add3A_341 : i32
          %get3A_343 = arith.index_cast %add3A_340 : i32 to index
          %get3A_344 = arith.index_cast %add3A_342 : i32 to index
          %get3A_345 = tpu.vector_load %arg8[%get3A_343, %get3A_344] {strides = array<i32>} : memref<256x128xi32, #tpu.memory_space<vmem>>, vector<16xi32>,
          %add3A_346 = arith.constant 10 : i32
          %add3A_347 = arith.addi %mul3A_77, %add3A_346 : i32
          %swap3A_348 = arith.index_cast %add3A_347 : i32 to index
          %swap3A_349 = arith.constant 0 : index
          %swap3A_350 = tpu.vector_load %arg9[%swap3A_348, %swap3A_349] {strides = array<i32>} : memref<256x32xi32, #tpu.memory_space<vmem>>, vector<16xi32>,
          tpu.vector_store %arg9[%swap3A_348, %swap3A_349], %get3A_345 {strides = array<i32>} : memref<256x32xi32, #tpu.memory_space<vmem>>, vector<16xi32>,
          %add3A_351 = arith.constant 10 : i32
          %add3A_352 = arith.addi %mul3A_77, %add3A_351 : i32
          %add3A_353 = arith.constant 16 : i32
          %add3A_354 = arith.addi %squeeze3A_338, %add3A_353 : i32
          %get3A_355 = arith.index_cast %add3A_352 : i32 to index
          %get3A_356 = arith.index_cast %add3A_354 : i32 to index
          %get3A_357 = tpu.vector_load %arg8[%get3A_355, %get3A_356] {strides = array<i32>} : memref<256x128xi32, #tpu.memory_space<vmem>>, vector<16xi32>,
          %add3A_358 = arith.constant 10 : i32
          %add3A_359 = arith.addi %mul3A_77, %add3A_358 : i32
          %swap3A_360 = arith.index_cast %add3A_359 : i32 to index
          %swap3A_361 = arith.constant 16 : index
          %swap3A_362 = tpu.vector_load %arg9[%swap3A_360, %swap3A_361] {strides = array<i32>} : memref<256x32xi32, #tpu.memory_space<vmem>>, vector<16xi32>,
          tpu.vector_store %arg9[%swap3A_360, %swap3A_361], %get3A_357 {strides = array<i32>} : memref<256x32xi32, #tpu.memory_space<vmem>>, vector<16xi32>,
          %slice3A_363 = vector.extract_strided_slice %get3A_79 {offsets = [11], sizes = [1], strides = [1]} : vector<16xi32> to vector<1xi32>
          %squeeze3A_364 = vector.extract %slice3A_363[0] : i32 from vector<1xi32>
          %add3A_365 = arith.constant 11 : i32
          %add3A_366 = arith.addi %mul3A_77, %add3A_365 : i32
          %add3A_367 = arith.constant 0 : i32
          %add3A_368 = arith.addi %squeeze3A_364, %add3A_367 : i32
          %get3A_369 = arith.index_cast %add3A_366 : i32 to index
          %get3A_370 = arith.index_cast %add3A_368 : i32 to index
          %get3A_371 = tpu.vector_load %arg8[%get3A_369, %get3A_370] {strides = array<i32>} : memref<256x128xi32, #tpu.memory_space<vmem>>, vector<16xi32>,
          %add3A_372 = arith.constant 11 : i32
          %add3A_373 = arith.addi %mul3A_77, %add3A_372 : i32
          %swap3A_374 = arith.index_cast %add3A_373 : i32 to index
          %swap3A_375 = arith.constant 0 : index
          %swap3A_376 = tpu.vector_load %arg9[%swap3A_374, %swap3A_375] {strides = array<i32>} : memref<256x32xi32, #tpu.memory_space<vmem>>, vector<16xi32>,
          tpu.vector_store %arg9[%swap3A_374, %swap3A_375], %get3A_371 {strides = array<i32>} : memref<256x32xi32, #tpu.memory_space<vmem>>, vector<16xi32>,
          %add3A_377 = arith.constant 11 : i32
          %add3A_378 = arith.addi %mul3A_77, %add3A_377 : i32
          %add3A_379 = arith.constant 16 : i32
          %add3A_380 = arith.addi %squeeze3A_364, %add3A_379 : i32
          %get3A_381 = arith.index_cast %add3A_378 : i32 to index
          %get3A_382 = arith.index_cast %add3A_380 : i32 to index
          %get3A_383 = tpu.vector_load %arg8[%get3A_381, %get3A_382] {strides = array<i32>} : memref<256x128xi32, #tpu.memory_space<vmem>>, vector<16xi32>,
          %add3A_384 = arith.constant 11 : i32
          %add3A_385 = arith.addi %mul3A_77, %add3A_384 : i32
          %swap3A_386 = arith.index_cast %add3A_385 : i32 to index
          %swap3A_387 = arith.constant 16 : index
          %swap3A_388 = tpu.vector_load %arg9[%swap3A_386, %swap3A_387] {strides = array<i32>} : memref<256x32xi32, #tpu.memory_space<vmem>>, vector<16xi32>,
          tpu.vector_store %arg9[%swap3A_386, %swap3A_387], %get3A_383 {strides = array<i32>} : memref<256x32xi32, #tpu.memory_space<vmem>>, vector<16xi32>,
          %slice3A_389 = vector.extract_strided_slice %get3A_79 {offsets = [12], sizes = [1], strides = [1]} : vector<16xi32> to vector<1xi32>
          %squeeze3A_390 = vector.extract %slice3A_389[0] : i32 from vector<1xi32>
          %add3A_391 = arith.constant 12 : i32
          %add3A_392 = arith.addi %mul3A_77, %add3A_391 : i32
          %add3A_393 = arith.constant 0 : i32
          %add3A_394 = arith.addi %squeeze3A_390, %add3A_393 : i32
          %get3A_395 = arith.index_cast %add3A_392 : i32 to index
          %get3A_396 = arith.index_cast %add3A_394 : i32 to index
          %get3A_397 = tpu.vector_load %arg8[%get3A_395, %get3A_396] {strides = array<i32>} : memref<256x128xi32, #tpu.memory_space<vmem>>, vector<16xi32>,
          %add3A_398 = arith.constant 12 : i32
          %add3A_399 = arith.addi %mul3A_77, %add3A_398 : i32
          %swap3A_400 = arith.index_cast %add3A_399 : i32 to index
          %swap3A_401 = arith.constant 0 : index
          %swap3A_402 = tpu.vector_load %arg9[%swap3A_400, %swap3A_401] {strides = array<i32>} : memref<256x32xi32, #tpu.memory_space<vmem>>, vector<16xi32>,
          tpu.vector_store %arg9[%swap3A_400, %swap3A_401], %get3A_397 {strides = array<i32>} : memref<256x32xi32, #tpu.memory_space<vmem>>, vector<16xi32>,
          %add3A_403 = arith.constant 12 : i32
          %add3A_404 = arith.addi %mul3A_77, %add3A_403 : i32
          %add3A_405 = arith.constant 16 : i32
          %add3A_406 = arith.addi %squeeze3A_390, %add3A_405 : i32
          %get3A_407 = arith.index_cast %add3A_404 : i32 to index
          %get3A_408 = arith.index_cast %add3A_406 : i32 to index
          %get3A_409 = tpu.vector_load %arg8[%get3A_407, %get3A_408] {strides = array<i32>} : memref<256x128xi32, #tpu.memory_space<vmem>>, vector<16xi32>,
          %add3A_410 = arith.constant 12 : i32
          %add3A_411 = arith.addi %mul3A_77, %add3A_410 : i32
          %swap3A_412 = arith.index_cast %add3A_411 : i32 to index
          %swap3A_413 = arith.constant 16 : index
          %swap3A_414 = tpu.vector_load %arg9[%swap3A_412, %swap3A_413] {strides = array<i32>} : memref<256x32xi32, #tpu.memory_space<vmem>>, vector<16xi32>,
          tpu.vector_store %arg9[%swap3A_412, %swap3A_413], %get3A_409 {strides = array<i32>} : memref<256x32xi32, #tpu.memory_space<vmem>>, vector<16xi32>,
          %slice3A_415 = vector.extract_strided_slice %get3A_79 {offsets = [13], sizes = [1], strides = [1]} : vector<16xi32> to vector<1xi32>
          %squeeze3A_416 = vector.extract %slice3A_415[0] : i32 from vector<1xi32>
          %add3A_417 = arith.constant 13 : i32
          %add3A_418 = arith.addi %mul3A_77, %add3A_417 : i32
          %add3A_419 = arith.constant 0 : i32
          %add3A_420 = arith.addi %squeeze3A_416, %add3A_419 : i32
          %get3A_421 = arith.index_cast %add3A_418 : i32 to index
          %get3A_422 = arith.index_cast %add3A_420 : i32 to index
          %get3A_423 = tpu.vector_load %arg8[%get3A_421, %get3A_422] {strides = array<i32>} : memref<256x128xi32, #tpu.memory_space<vmem>>, vector<16xi32>,
          %add3A_424 = arith.constant 13 : i32
          %add3A_425 = arith.addi %mul3A_77, %add3A_424 : i32
          %swap3A_426 = arith.index_cast %add3A_425 : i32 to index
          %swap3A_427 = arith.constant 0 : index
          %swap3A_428 = tpu.vector_load %arg9[%swap3A_426, %swap3A_427] {strides = array<i32>} : memref<256x32xi32, #tpu.memory_space<vmem>>, vector<16xi32>,
          tpu.vector_store %arg9[%swap3A_426, %swap3A_427], %get3A_423 {strides = array<i32>} : memref<256x32xi32, #tpu.memory_space<vmem>>, vector<16xi32>,
          %add3A_429 = arith.constant 13 : i32
          %add3A_430 = arith.addi %mul3A_77, %add3A_429 : i32
          %add3A_431 = arith.constant 16 : i32
          %add3A_432 = arith.addi %squeeze3A_416, %add3A_431 : i32
          %get3A_433 = arith.index_cast %add3A_430 : i32 to index
          %get3A_434 = arith.index_cast %add3A_432 : i32 to index
          %get3A_435 = tpu.vector_load %arg8[%get3A_433, %get3A_434] {strides = array<i32>} : memref<256x128xi32, #tpu.memory_space<vmem>>, vector<16xi32>,
          %add3A_436 = arith.constant 13 : i32
          %add3A_437 = arith.addi %mul3A_77, %add3A_436 : i32
          %swap3A_438 = arith.index_cast %add3A_437 : i32 to index
          %swap3A_439 = arith.constant 16 : index
          %swap3A_440 = tpu.vector_load %arg9[%swap3A_438, %swap3A_439] {strides = array<i32>} : memref<256x32xi32, #tpu.memory_space<vmem>>, vector<16xi32>,
          tpu.vector_store %arg9[%swap3A_438, %swap3A_439], %get3A_435 {strides = array<i32>} : memref<256x32xi32, #tpu.memory_space<vmem>>, vector<16xi32>,
          %slice3A_441 = vector.extract_strided_slice %get3A_79 {offsets = [14], sizes = [1], strides = [1]} : vector<16xi32> to vector<1xi32>
          %squeeze3A_442 = vector.extract %slice3A_441[0] : i32 from vector<1xi32>
          %add3A_443 = arith.constant 14 : i32
          %add3A_444 = arith.addi %mul3A_77, %add3A_443 : i32
          %add3A_445 = arith.constant 0 : i32
          %add3A_446 = arith.addi %squeeze3A_442, %add3A_445 : i32
          %get3A_447 = arith.index_cast %add3A_444 : i32 to index
          %get3A_448 = arith.index_cast %add3A_446 : i32 to index
          %get3A_449 = tpu.vector_load %arg8[%get3A_447, %get3A_448] {strides = array<i32>} : memref<256x128xi32, #tpu.memory_space<vmem>>, vector<16xi32>,
          %add3A_450 = arith.constant 14 : i32
          %add3A_451 = arith.addi %mul3A_77, %add3A_450 : i32
          %swap3A_452 = arith.index_cast %add3A_451 : i32 to index
          %swap3A_453 = arith.constant 0 : index
          %swap3A_454 = tpu.vector_load %arg9[%swap3A_452, %swap3A_453] {strides = array<i32>} : memref<256x32xi32, #tpu.memory_space<vmem>>, vector<16xi32>,
          tpu.vector_store %arg9[%swap3A_452, %swap3A_453], %get3A_449 {strides = array<i32>} : memref<256x32xi32, #tpu.memory_space<vmem>>, vector<16xi32>,
          %add3A_455 = arith.constant 14 : i32
          %add3A_456 = arith.addi %mul3A_77, %add3A_455 : i32
          %add3A_457 = arith.constant 16 : i32
          %add3A_458 = arith.addi %squeeze3A_442, %add3A_457 : i32
          %get3A_459 = arith.index_cast %add3A_456 : i32 to index
          %get3A_460 = arith.index_cast %add3A_458 : i32 to index
          %get3A_461 = tpu.vector_load %arg8[%get3A_459, %get3A_460] {strides = array<i32>} : memref<256x128xi32, #tpu.memory_space<vmem>>, vector<16xi32>,
          %add3A_462 = arith.constant 14 : i32
          %add3A_463 = arith.addi %mul3A_77, %add3A_462 : i32
          %swap3A_464 = arith.index_cast %add3A_463 : i32 to index
          %swap3A_465 = arith.constant 16 : index
          %swap3A_466 = tpu.vector_load %arg9[%swap3A_464, %swap3A_465] {strides = array<i32>} : memref<256x32xi32, #tpu.memory_space<vmem>>, vector<16xi32>,
          tpu.vector_store %arg9[%swap3A_464, %swap3A_465], %get3A_461 {strides = array<i32>} : memref<256x32xi32, #tpu.memory_space<vmem>>, vector<16xi32>,
          %slice3A_467 = vector.extract_strided_slice %get3A_79 {offsets = [15], sizes = [1], strides = [1]} : vector<16xi32> to vector<1xi32>
          %squeeze3A_468 = vector.extract %slice3A_467[0] : i32 from vector<1xi32>
          %add3A_469 = arith.constant 15 : i32
          %add3A_470 = arith.addi %mul3A_77, %add3A_469 : i32
          %add3A_471 = arith.constant 0 : i32
          %add3A_472 = arith.addi %squeeze3A_468, %add3A_471 : i32
          %get3A_473 = arith.index_cast %add3A_470 : i32 to index
          %get3A_474 = arith.index_cast %add3A_472 : i32 to index
          %get3A_475 = tpu.vector_load %arg8[%get3A_473, %get3A_474] {strides = array<i32>} : memref<256x128xi32, #tpu.memory_space<vmem>>, vector<16xi32>,
          %add3A_476 = arith.constant 15 : i32
          %add3A_477 = arith.addi %mul3A_77, %add3A_476 : i32
          %swap3A_478 = arith.index_cast %add3A_477 : i32 to index
          %swap3A_479 = arith.constant 0 : index
          %swap3A_480 = tpu.vector_load %arg9[%swap3A_478, %swap3A_479] {strides = array<i32>} : memref<256x32xi32, #tpu.memory_space<vmem>>, vector<16xi32>,
          tpu.vector_store %arg9[%swap3A_478, %swap3A_479], %get3A_475 {strides = array<i32>} : memref<256x32xi32, #tpu.memory_space<vmem>>, vector<16xi32>,
          %add3A_481 = arith.constant 15 : i32
          %add3A_482 = arith.addi %mul3A_77, %add3A_481 : i32
          %add3A_483 = arith.constant 16 : i32
          %add3A_484 = arith.addi %squeeze3A_468, %add3A_483 : i32
          %get3A_485 = arith.index_cast %add3A_482 : i32 to index
          %get3A_486 = arith.index_cast %add3A_484 : i32 to index
          %get3A_487 = tpu.vector_load %arg8[%get3A_485, %get3A_486] {strides = array<i32>} : memref<256x128xi32, #tpu.memory_space<vmem>>, vector<16xi32>,
          %add3A_488 = arith.constant 15 : i32
          %add3A_489 = arith.addi %mul3A_77, %add3A_488 : i32
          %swap3A_490 = arith.index_cast %add3A_489 : i32 to index
          %swap3A_491 = arith.constant 16 : index
          %swap3A_492 = tpu.vector_load %arg9[%swap3A_490, %swap3A_491] {strides = array<i32>} : memref<256x32xi32, #tpu.memory_space<vmem>>, vector<16xi32>,
          tpu.vector_store %arg9[%swap3A_490, %swap3A_491], %get3A_487 {strides = array<i32>} : memref<256x32xi32, #tpu.memory_space<vmem>>, vector<16xi32>,
        }
        %scan3A_73 = arith.constant 16 : i32
        %add3A_74 = arith.addi %mul3A_2, %mul3A_68 : i32
        "tpu.region"() ({
          %run_scoped3A = tpu.sem_alloc : memref<!tpu.dma_semaphore, #tpu.memory_space<semaphore_mem>>
          %dma_start3A_75 = arith.constant 0 : i32
          %dma_start3A_76 = tpu.memref_slice %arg4[%add3A_74, %dma_start3A_75] : memref<425984x32xi32, #tpu.memory_space<hbm>> -> memref<256x32xi32, #tpu.memory_space<hbm>>
          %dma_start3A_77 = arith.constant 0 : i32
          %dma_start3A_78 = tpu.memref_slice %arg4[%add3A_74, %dma_start3A_77] : memref<425984x32xi32, #tpu.memory_space<hbm>> -> memref<256x32xi32, #tpu.memory_space<hbm>>
          tpu.enqueue_dma source(%arg9 : memref<256x32xi32, #tpu.memory_space<vmem>>) target(%dma_start3A_78 : memref<256x32xi32, #tpu.memory_space<hbm>>) target_semaphore(%run_scoped3A : memref<!tpu.dma_semaphore, #tpu.memory_space<semaphore_mem>>)
          %dma_wait3A_79 = arith.constant 0 : i32
          %dma_wait3A_80 = tpu.memref_slice %arg4[%add3A_74, %dma_wait3A_79] : memref<425984x32xi32, #tpu.memory_space<hbm>> -> memref<256x32xi32, #tpu.memory_space<hbm>>
          %dma_wait3A_81 = arith.constant 0 : i32
          %dma_wait3A_82 = tpu.memref_slice %arg4[%add3A_74, %dma_wait3A_81] : memref<425984x32xi32, #tpu.memory_space<hbm>> -> memref<256x32xi32, #tpu.memory_space<hbm>>
          tpu.wait_dma2 semaphore(%run_scoped3A : memref<!tpu.dma_semaphore, #tpu.memory_space<semaphore_mem>>) src(%arg9 : memref<256x32xi32, #tpu.memory_space<vmem>>) dst(%dma_wait3A_82 : memref<256x32xi32, #tpu.memory_space<hbm>>)
          tpu.yield
        }) : () -> ()
      } else {
      }
    }
    %scan3A_26 = arith.constant 26 : i32
    return
  }
}

module attributes {stable_mosaic.version = 14 : i64} {
  func.func @_proj_body(%arg0: i32, %arg1: i32, %arg2: memref<1x8192x32xi32, #tpu.memory_space<vmem>>, %arg3: memref<64x64xf32, #tpu.memory_space<vmem>>, %arg4: memref<64x1xf32, #tpu.memory_space<vmem>>, %arg5: memref<1x64x8192xf32, #tpu.memory_space<vmem>>) attributes {dimension_semantics = [#tpu.dimension_semantics<arbitrary>, #tpu.dimension_semantics<arbitrary>], iteration_bounds = array<i64: 26, 2>, scalar_prefetch = 0 : i64, scratch_operands = 0 : i64, tpu.core_type = #tpu.core_type<tc>, window_params = [{transform_indices = @transform_0, window_bounds = array<i64: 1, 8192, 32>}, {pipeline_mode = #tpu.pipeline_mode<synchronous>, transform_indices = @transform_1, window_bounds = array<i64: 64, 64>}, {pipeline_mode = #tpu.pipeline_mode<synchronous>, transform_indices = @transform_2, window_bounds = array<i64: 64, 1>}, {transform_indices = @transform_3, window_bounds = array<i64: 1, 64, 8192>}]} {
    %get3A = arith.constant 0 : index
    %get3A_0 = arith.constant 0 : index
    %get3A_1 = arith.constant 0 : index
    %get3A_2 = vector.load %arg2[%get3A, %get3A_0, %get3A_1] : memref<1x8192x32xi32, #tpu.memory_space<vmem>>, vector<1x8192x32xi32>
    %get3A_3 = vector.shape_cast %get3A_2 : vector<1x8192x32xi32> to vector<8192x32xi32>
    %bitcast_convert_type3A = tpu.bitcast %get3A_3 : vector<8192x32xi32> -> vector<8192x32xi32>
    %shift_left3A = arith.constant 16 : i32
    %shift_left3A_4 = vector.broadcast %shift_left3A : i32 to vector<8192x32xi32>
    %shift_left3A_5 = arith.shli %bitcast_convert_type3A, %shift_left3A_4 : vector<8192x32xi32>
    %bitcast_convert_type3A_6 = tpu.bitcast %shift_left3A_5 : vector<8192x32xi32> -> vector<8192x32xf32>
    %and3A = arith.constant -65536 : i32
    %and3A_7 = vector.broadcast %and3A : i32 to vector<8192x32xi32>
    %and3A_8 = arith.andi %bitcast_convert_type3A, %and3A_7 : vector<8192x32xi32>
    %bitcast_convert_type3A_9 = tpu.bitcast %and3A_8 : vector<8192x32xi32> -> vector<8192x32xf32>
    %concatenate3A = tpu.concatenate %bitcast_convert_type3A_6, %bitcast_convert_type3A_9 in 1 : vector<8192x32xf32>, vector<8192x32xf32> -> vector<8192x64xf32>
    %get3A_10 = arith.constant 0 : index
    %get3A_11 = arith.constant 0 : index
    %get3A_12 = vector.load %arg3[%get3A_10, %get3A_11] : memref<64x64xf32, #tpu.memory_space<vmem>>, vector<64x64xf32>
    %dot_general3A = arith.constant dense<0.000000e+00> : vector<64x8192xf32>
    %dot_general3A_13 = tpu.matmul %get3A_12, %concatenate3A, %dot_general3A {dimension_numbers = #tpu.dot_dimension_numbers<[0], [1], [1], [0], [0, 1, 1, 0], [], []>, transpose_lhs_hint = false} : vector<64x64xf32>, vector<8192x64xf32>, vector<64x8192xf32> -> vector<64x8192xf32>
    %get3A_14 = arith.constant 0 : index
    %get3A_15 = arith.constant 0 : index
    %get3A_16 = vector.load %arg4[%get3A_14, %get3A_15] : memref<64x1xf32, #tpu.memory_space<vmem>>, vector<64x1xf32>
    %add3A = vector.broadcast %get3A_16 : vector<64x1xf32> to vector<64x8192xf32>
    %add3A_17 = arith.addf %dot_general3A_13, %add3A : vector<64x8192xf32>
    %logistic3A = arith.negf %add3A_17 : vector<64x8192xf32>
    %logistic3A_18 = math.exp %logistic3A : vector<64x8192xf32>
    %logistic3A_19 = arith.constant 1.000000e+00 : f32
    %logistic3A_20 = vector.broadcast %logistic3A_19 : f32 to vector<64x8192xf32>
    %logistic3A_21 = arith.addf %logistic3A_20, %logistic3A_18 : vector<64x8192xf32>
    %logistic3A_22 = arith.divf %logistic3A_20, %logistic3A_21 : vector<64x8192xf32>
    %mul3A = arith.mulf %add3A_17, %logistic3A_22 : vector<64x8192xf32>
    %swap3A = arith.constant 0 : index
    %swap3A_23 = arith.constant 0 : index
    %swap3A_24 = arith.constant 0 : index
    %swap3A_25 = vector.load %arg5[%swap3A, %swap3A_23, %swap3A_24] : memref<1x64x8192xf32, #tpu.memory_space<vmem>>, vector<1x64x8192xf32>
    %swap3A_26 = vector.shape_cast %swap3A_25 : vector<1x64x8192xf32> to vector<64x8192xf32>
    %swap3A_27 = vector.shape_cast %mul3A : vector<64x8192xf32> to vector<1x64x8192xf32>
    tpu.vector_store %arg5[%swap3A, %swap3A_23, %swap3A_24], %swap3A_27 {strides = array<i32>} : memref<1x64x8192xf32, #tpu.memory_space<vmem>>, vector<1x64x8192xf32>,
    return
  }
  func.func @transform_0(%arg0: i32, %arg1: i32) -> (i32, i32, i32) {
    %c0_i32 = arith.constant 0 : i32
    %c0_i32_0 = arith.constant 0 : i32
    return %arg0, %arg1, %c0_i32 : i32, i32, i32
  }
  func.func @transform_1(%arg0: i32, %arg1: i32) -> (i32, i32) {
    %c0_i32 = arith.constant 0 : i32
    %c0_i32_0 = arith.constant 0 : i32
    %c0_i32_1 = arith.constant 0 : i32
    return %c0_i32, %c0_i32_0 : i32, i32
  }
  func.func @transform_2(%arg0: i32, %arg1: i32) -> (i32, i32) {
    %c0_i32 = arith.constant 0 : i32
    %c0_i32_0 = arith.constant 0 : i32
    %c0_i32_1 = arith.constant 0 : i32
    return %c0_i32, %c0_i32_0 : i32, i32
  }
  func.func @transform_3(%arg0: i32, %arg1: i32) -> (i32, i32, i32) {
    %c0_i32 = arith.constant 0 : i32
    %c0_i32_0 = arith.constant 0 : i32
    return %arg0, %c0_i32, %arg1 : i32, i32, i32
  }
}

module attributes {stable_mosaic.version = 14 : i64} {
  func.func @_repack_body(%arg0: i32, %arg1: memref<64x15360xf32, #tpu.memory_space<vmem>>, %arg2: memref<64x32xf32, #tpu.memory_space<vmem>>, %arg3: memref<64x32xf32, #tpu.memory_space<vmem>>, %arg4: memref<3840x128xi32, #tpu.memory_space<vmem>>) attributes {dimension_semantics = [#tpu.dimension_semantics<arbitrary>], iteration_bounds = array<i64: 66>, scalar_prefetch = 0 : i64, scratch_operands = 0 : i64, tpu.core_type = #tpu.core_type<tc>, window_params = [{transform_indices = @transform_0, window_bounds = array<i64: 64, 15360>}, {pipeline_mode = #tpu.pipeline_mode<synchronous>, transform_indices = @transform_1, window_bounds = array<i64: 64, 32>}, {pipeline_mode = #tpu.pipeline_mode<synchronous>, transform_indices = @transform_2, window_bounds = array<i64: 64, 32>}, {transform_indices = @transform_3, window_bounds = array<i64: 3840, 128>}]} {
    %get3A = arith.constant 0 : index
    %get3A_0 = arith.constant 0 : index
    %get3A_1 = vector.load %arg1[%get3A, %get3A_0] : memref<64x15360xf32, #tpu.memory_space<vmem>>, vector<64x15360xf32>
    %get3A_2 = arith.constant 0 : index
    %get3A_3 = arith.constant 0 : index
    %get3A_4 = vector.load %arg2[%get3A_2, %get3A_3] : memref<64x32xf32, #tpu.memory_space<vmem>>, vector<64x32xf32>
    %dot_general3A = arith.constant dense<0.000000e+00> : vector<15360x32xf32>
    %dot_general3A_5 = tpu.matmul %get3A_1, %get3A_4, %dot_general3A {dimension_numbers = #tpu.dot_dimension_numbers<[0], [0], [1], [1], [0, 1, 1, 1], [], []>, transpose_lhs_hint = false} : vector<64x15360xf32>, vector<64x32xf32>, vector<15360x32xf32> -> vector<15360x32xf32>
    %get3A_6 = arith.constant 0 : index
    %get3A_7 = arith.constant 0 : index
    %get3A_8 = vector.load %arg1[%get3A_6, %get3A_7] : memref<64x15360xf32, #tpu.memory_space<vmem>>, vector<64x15360xf32>
    %get3A_9 = arith.constant 0 : index
    %get3A_10 = arith.constant 0 : index
    %get3A_11 = vector.load %arg3[%get3A_9, %get3A_10] : memref<64x32xf32, #tpu.memory_space<vmem>>, vector<64x32xf32>
    %dot_general3A_12 = arith.constant dense<0.000000e+00> : vector<15360x32xf32>
    %dot_general3A_13 = tpu.matmul %get3A_8, %get3A_11, %dot_general3A_12 {dimension_numbers = #tpu.dot_dimension_numbers<[0], [0], [1], [1], [0, 1, 1, 1], [], []>, transpose_lhs_hint = false} : vector<64x15360xf32>, vector<64x32xf32>, vector<15360x32xf32> -> vector<15360x32xf32>
    %bitcast_convert_type3A = tpu.bitcast %dot_general3A_5 : vector<15360x32xf32> -> vector<15360x32xi32>
    %shift_right_logical3A = arith.constant 16 : i32
    %shift_right_logical3A_14 = vector.broadcast %shift_right_logical3A : i32 to vector<15360x32xi32>
    %shift_right_logical3A_15 = arith.shrui %bitcast_convert_type3A, %shift_right_logical3A_14 : vector<15360x32xi32>
    %bitcast_convert_type3A_16 = tpu.bitcast %dot_general3A_13 : vector<15360x32xf32> -> vector<15360x32xi32>
    %and3A = arith.constant -65536 : i32
    %and3A_17 = vector.broadcast %and3A : i32 to vector<15360x32xi32>
    %and3A_18 = arith.andi %bitcast_convert_type3A_16, %and3A_17 : vector<15360x32xi32>
    %or3A = arith.ori %shift_right_logical3A_15, %and3A_18 : vector<15360x32xi32>
    %bitcast_convert_type3A_19 = tpu.bitcast %or3A : vector<15360x32xi32> -> vector<15360x32xi32>
    %slice3A = vector.extract_strided_slice %bitcast_convert_type3A_19 {offsets = [0, 0], sizes = [3840, 32], strides = [1, 1]} : vector<15360x32xi32> to vector<3840x32xi32>
    %swap3A = arith.constant 0 : index
    %swap3A_20 = arith.constant 0 : index
    %swap3A_21 = vector.load %arg4[%swap3A, %swap3A_20] : memref<3840x128xi32, #tpu.memory_space<vmem>>, vector<3840x32xi32>
    tpu.vector_store %arg4[%swap3A, %swap3A_20], %slice3A {strides = array<i32>} : memref<3840x128xi32, #tpu.memory_space<vmem>>, vector<3840x32xi32>,
    %slice3A_22 = vector.extract_strided_slice %bitcast_convert_type3A_19 {offsets = [3840, 0], sizes = [3840, 32], strides = [1, 1]} : vector<15360x32xi32> to vector<3840x32xi32>
    %swap3A_23 = arith.constant 0 : index
    %swap3A_24 = arith.constant 32 : index
    %swap3A_25 = vector.load %arg4[%swap3A_23, %swap3A_24] : memref<3840x128xi32, #tpu.memory_space<vmem>>, vector<3840x32xi32>
    tpu.vector_store %arg4[%swap3A_23, %swap3A_24], %slice3A_22 {strides = array<i32>} : memref<3840x128xi32, #tpu.memory_space<vmem>>, vector<3840x32xi32>,
    %slice3A_26 = vector.extract_strided_slice %bitcast_convert_type3A_19 {offsets = [7680, 0], sizes = [3840, 32], strides = [1, 1]} : vector<15360x32xi32> to vector<3840x32xi32>
    %swap3A_27 = arith.constant 0 : index
    %swap3A_28 = arith.constant 64 : index
    %swap3A_29 = vector.load %arg4[%swap3A_27, %swap3A_28] : memref<3840x128xi32, #tpu.memory_space<vmem>>, vector<3840x32xi32>
    tpu.vector_store %arg4[%swap3A_27, %swap3A_28], %slice3A_26 {strides = array<i32>} : memref<3840x128xi32, #tpu.memory_space<vmem>>, vector<3840x32xi32>,
    %slice3A_30 = vector.extract_strided_slice %bitcast_convert_type3A_19 {offsets = [11520, 0], sizes = [3840, 32], strides = [1, 1]} : vector<15360x32xi32> to vector<3840x32xi32>
    %swap3A_31 = arith.constant 0 : index
    %swap3A_32 = arith.constant 96 : index
    %swap3A_33 = vector.load %arg4[%swap3A_31, %swap3A_32] : memref<3840x128xi32, #tpu.memory_space<vmem>>, vector<3840x32xi32>
    tpu.vector_store %arg4[%swap3A_31, %swap3A_32], %slice3A_30 {strides = array<i32>} : memref<3840x128xi32, #tpu.memory_space<vmem>>, vector<3840x32xi32>,
    return
  }
  func.func @transform_0(%arg0: i32) -> (i32, i32) {
    %c0_i32 = arith.constant 0 : i32
    %c0_i32_0 = arith.constant 0 : i32
    return %c0_i32, %arg0 : i32, i32
  }
  func.func @transform_1(%arg0: i32) -> (i32, i32) {
    %c0_i32 = arith.constant 0 : i32
    %c0_i32_0 = arith.constant 0 : i32
    %c0_i32_1 = arith.constant 0 : i32
    return %c0_i32, %c0_i32_0 : i32, i32
  }
  func.func @transform_2(%arg0: i32) -> (i32, i32) {
    %c0_i32 = arith.constant 0 : i32
    %c0_i32_0 = arith.constant 0 : i32
    %c0_i32_1 = arith.constant 0 : i32
    return %c0_i32, %c0_i32_0 : i32, i32
  }
  func.func @transform_3(%arg0: i32) -> (i32, i32) {
    %c0_i32 = arith.constant 0 : i32
    %c0_i32_0 = arith.constant 0 : i32
    return %arg0, %c0_i32 : i32, i32
  }
}

</mosaic_0001>

<sc_bundles>
// kernel: kernel.5.cloned.1.call-start
scs
__scs_entry_jumppad:
0x0: {  	(pc) =	sbr.rel $0x88, $3  }
0x1: {  	(tag) =	ssettag $0x0;
	lr =	simm.s32 $0x1  }
0x2: {  	[smem:$0x3F9D] =	sst lr;
	_ =	strace $0xD0000000  }
0x3: {  	_ = 	snop  }
0x4: {  	_ = 	snop  }
0x5: {  	_ = 	snop  }
0x6: {  	_ = 	snop  }
0x7: {  	_ = 	snop  }
__scs_overlays_trampoline_lowered:
0x8: {  	[smem:$0x3FAC] =	sst s0  }
0x9: {  	[smem:$0x3FAD] =	sst s1  }
0xa: {  	[smem:$0x3FAE] =	sst s2  }
0xb: {  	[smem:$0x3FAF] =	sst s3  }
0xc: {  	[smem:$0x3FB0] =	sst s4  }
0xd: {  	[smem:$0x3FB1] =	sst s5  }
0xe: {  	[smem:$0x3FB2] =	sst s6  }
0xf: {  	[smem:$0x3FB3] =	sst s7  }
0x10: {  	[smem:$0x3FB4] =	sst s8  }
0x11: {  	[smem:$0x3FB5] =	sst s9;
	s0 =	simm.s32 @!p0 $0x0  }
0x12: {  	s1 =	sld [smem:$0x3F9B];
	s0 =	simm.s32 @p0 $0x1  }
0x13: {  	[smem:$0x3FB6] =	sst s0;
	s0 =	simm.s32 @!p1 $0x0  }
0x14: {  	s2 =	sld [smem:$0x3F9A];
	s0 =	simm.s32 @p1 $0x1  }
0x15: {  	[smem:$0x3FB7] =	sst s0;
	s0 =	simm.s32 @!p2 $0x0  }
0x16: {  	s3 =	sld [smem:$0x3FDB];
	s0 =	simm.s32 @p2 $0x1  }
0x17: {  	s4 =	simm.s32 $0x1BF5;
	[smem:$0x3FB9] =	sst s0  }
0x18: {  	s0 =	sld [smem:$0x3F9C];
	_ =	swait.ge [sflag:s4], $0x0  }
0x19: {  	s7 =	sld [smem:$0x3F9D]  }
0x1a: {  	s8 =	sadd.s32 $0xFFFFE003, lr  }
0x1b: {  	s9 =	sadd.s32 $0xFFFFFEF7, lr;
	s5 =	simm.s32 $0xFFFFFFFF;
	p2 =	slt.u32 s8, $0xFFFFF086  }
0x1c: {  	p1 =	slt.u32 s9, $0xF7A;
	s5 =	simm.s32 @!p2 $0x0  }
0x1d: {  	s5 =	simm.s32 @p1 $0x1;
	p0 =	seq.s32 s7, s2  }
0x1e: {  	s7 =	smul.u32 @!p0 $0xF7A, s2;
	p2 =	seq.s32 @!p0 s5, $0x0  }
0x1f: {  	s9 =	smul.u32 $0xF7A, s1;
	s8 =	simm.s32 @!p0 $0x1BF5;
	p2 =	por !p2, p0  }
0x20: {  	[sflag:s8] =	ssyncset.s32 @!p0 $0xFFFFF086;
	s6 =	sadd.s32 @!p0 s3, s7;
	s7 =	simm.s32 @!p0 $0x108  }
0x21: {  	s3 =	sadd.s32 s3, s9;
	s6 =	sadd.s32 @!p0 $0x88, s6;
	s7 =	simm.s32 @p2 $0x1082  }
0x22: {  	[simem:s7], [sflag:s8] =	dma.local @!p0 [hbm:s6], $0xF7A  }
0x23: {  	s9 =	sor.u32 $0xD0000000, s2;
	s6 =	simm.s32 $0x108;
	_ =	swait.ge @!p0 [sflag:s8], $0x0  }
0x24: {  	s3 =	sadd.s32 $0x88, s3;
	s6 =	simm.s32 @!p1 $0x1082;
	[sflag:s4] =	ssyncset.s32 $0xFFFFF086  }
0x25: {  	[simem:s6], [sflag:s4] =	dma.local [hbm:s3], $0xF7A  }
0x26: {  	[smem:$0x3F9D] =	sst s1;
	(tag) =	ssettag s2;
	_ =	strace s9  }
0x27: {  	s1 =	sld [smem:$0x3FAD]  }
0x28: {  	s2 =	sld [smem:$0x3FAE]  }
0x29: {  	s4 =	sld [smem:$0x3FB0]  }
0x2a: {  	p0 =	seq.s32 s5, $0x0;
	s5 =	sld [smem:$0x3FB1]  }
0x2b: {  	s6 =	sld [smem:$0x3FB2]  }
0x2c: {  	s7 =	sld [smem:$0x3FB3]  }
0x2d: {  	s3 =	simm.s32 $0x108;
	s8 =	sld [smem:$0x3FB4]  }
0x2e: {  	s3 =	simm.s32 @!p0 $0x1082;
	s9 =	sld [smem:$0x3FB5]  }
0x2f: {  	lr =	sadd.s32 s0, s3;
	s0 =	sld [smem:$0x3FAC]  }
0x30: {  	s3 =	sld [smem:$0x3FAF]  }
0x31: {  	[smem:$0x3FB8] =	sst s10  }
0x32: {  	s10 =	sld [smem:$0x3FB6];
	_ =	sdelay $0x3  }
0x33: {  	p0 =	seq.s32 s10, $0x1;
	s10 =	sld [smem:$0x3FB8];
	_ =	sdelay $0x3  }
0x34: {  	[smem:$0x3FB8] =	sst s10  }
0x35: {  	s10 =	sld [smem:$0x3FB7];
	_ =	sdelay $0x3  }
0x36: {  	p1 =	seq.s32 s10, $0x1;
	s10 =	sld [smem:$0x3FB8];
	_ =	sdelay $0x3  }
0x37: {  	[smem:$0x3FB8] =	sst s10  }
0x38: {  	s10 =	sld [smem:$0x3FB9]  }
0x39: {  	_ = 	snop;
	(pc) =	sbr.ind lr, $3  }
0x3a: {  	_ = 	snop  }
0x3b: {  	_ = 	snop  }
0x3c: {  	p2 =	seq.s32 s10, $0x1;
	s10 =	sld [smem:$0x3FB8]  }
0x3d: {  	_ =	shalt  }
0x3e: {  	_ =	shalt  }
0x3f: {  	_ =	shalt  }
0x40: {  	_ =	shalt  }
0x41: {  	_ =	shalt  }
0x42: {  	_ =	shalt  }
0x43: {  	_ =	shalt  }
0x44: {  	_ =	shalt  }
0x45: {  	_ =	shalt  }
0x46: {  	_ =	shalt  }
0x47: {  	_ =	shalt  }
0x48: {  	_ =	shalt  }
0x49: {  	_ =	shalt  }
0x4a: {  	_ =	shalt  }
0x4b: {  	_ =	shalt  }
0x4c: {  	_ =	shalt  }
0x4d: {  	_ =	shalt  }
0x4e: {  	_ =	shalt  }
0x4f: {  	_ =	shalt  }
0x50: {  	_ =	shalt  }
0x51: {  	_ =	shalt  }
0x52: {  	_ =	shalt  }
0x53: {  	_ =	shalt  }
0x54: {  	_ =	shalt  }
0x55: {  	_ =	shalt  }
0x56: {  	_ =	shalt  }
0x57: {  	_ =	shalt  }
0x58: {  	_ =	shalt  }
0x59: {  	_ =	shalt  }
0x5a: {  	_ =	shalt  }
0x5b: {  	_ =	shalt  }
0x5c: {  	_ =	shalt  }
0x5d: {  	_ =	shalt  }
0x5e: {  	_ =	shalt  }
0x5f: {  	_ =	shalt  }
0x60: {  	_ =	shalt  }
0x61: {  	_ =	shalt  }
0x62: {  	_ =	shalt  }
0x63: {  	_ =	shalt  }
0x64: {  	_ =	shalt  }
0x65: {  	_ =	shalt  }
0x66: {  	_ =	shalt  }
0x67: {  	_ =	shalt  }
0x68: {  	_ =	shalt  }
0x69: {  	_ =	shalt  }
0x6a: {  	_ =	shalt  }
0x6b: {  	_ =	shalt  }
0x6c: {  	_ =	shalt  }
0x6d: {  	_ =	shalt  }
0x6e: {  	_ =	shalt  }
0x6f: {  	_ =	shalt  }
0x70: {  	_ =	shalt  }
0x71: {  	_ =	shalt  }
0x72: {  	_ =	shalt  }
0x73: {  	_ =	shalt  }
0x74: {  	_ =	shalt  }
0x75: {  	_ =	shalt  }
0x76: {  	_ =	shalt  }
0x77: {  	_ =	shalt  }
0x78: {  	_ =	shalt  }
0x79: {  	_ =	shalt  }
0x7a: {  	_ =	shalt  }
0x7b: {  	_ =	shalt  }
0x7c: {  	_ =	shalt  }
0x7d: {  	_ =	shalt  }
0x7e: {  	_ =	shalt  }
0x7f: {  	_ =	shalt  }
0x80: {  	_ =	shalt  }
0x81: {  	_ =	shalt  }
0x82: {  	_ =	shalt  }
0x83: {  	_ =	shalt  }
0x84: {  	_ =	shalt  }
0x85: {  	_ =	shalt  }
0x86: {  	_ =	shalt  }
0x87: {  	_ =	shalt  }
.Lfunc_end0:
.L_simem_size_0:
called_computation_lowered:
.L_overlay_start_0:
0x88: {  	s2 =	sld [smem:$0x3FD9]  }
0x89: {  	s3 =	sld [smem:$0x3FFE];
	_ =	sdelay $0x1  }
0x8a: {  	s1 =	srdreg.scid  }
0x8b: {  	s0 =	sand.u32 $0x1, s1  }
0x8c: {  	s17 =	sshll.u32 s0, $0xA;
	s2 =	sadd.s32 s3, s2  }
0x8d: {  	s2 =	sadd.s32 s2, s17  }
0x8e: {  	[smem:$0x3FC4] =	sst s2  }
0x8f: {  	_ = 	snop  }
0x90: {  	s2 =	sld [smem:$0x3FD0];
	(tm) =	ssettm $0x1  }
0x91: {  	s18 =	sld [smem:$0x3FFB];
	_ =	sdelay $0x3  }
0x92: {  	_ =	strace s18  }
0x93: {  	s3 =	sld [smem:$0x3FFC];
	_ =	sdelay $0x3  }
0x94: {  	_ =	strace s3  }
0x95: {  	s3 =	sld [smem:$0x3FFD];
	_ =	sdelay $0x3  }
0x96: {  	_ =	strace s3  }
0x97: {  	_ =	strace $0x8FFFFFFF  }
0x98: {  	s19 =	sld [smem:$0x3FDB];
	_ =	sdelay $0x1  }
0x99: {  	s4 =	simm.s32 $_scs_section_size  }
0x9a: {  	s5 =	simm.s32 $_size__tile_overlayer_lowered;
	s6 =	simm.s32 $_tile_overlayer_lowered  }
0x9b: {  	s22 =	simm.s32 $0x1BFF;
	s21 =	sshll.u32 s6, $0x1;
	s3 =	sadd.s32 s4, s19  }
0x9c: {  	s7 =	simm.s32 $0x0;
	s20 =	sshll.u32 s5, $0x1;
	s5 =	sadd.s32 s21, s3  }
0x9d: {  	[timem:s7], [sflag:s22] =	dma.local [hbm:s5], s20  }
0x9e: {  	_ =	swait.ge [sflag:s22], s20  }
0x9f: {  	s4 =	ssub.s32 $0x0, s20;
	[sflag:s22] =	ssyncset.done $0x0  }
0xa0: {  	[sflag:s22] =	ssyncadd.s32 s4;
	_ =	sdelay $0x1  }
0xa1: {  	s23 =	simm.s32 $0x1B8B  }
0xa2: {  	_ =	swait.ge [sflag:s23], $0x1  }
0xa3: {  	[sflag:s23] =	ssyncset.done $0x0  }
0xa4: {  	s25 =	simm.s32 $0x1B8E;
	s24 =	sld [smem:$0x3FFE];
	[sflag:s23] =	ssyncadd.s32 $0xFFFFFFFF  }
0xa5: {  	s26 =	simm.s32 $execute0_lowered;
	[smem:$0x3FD2] =	sst s25  }
0xa6: {  	s5 =	sshll.u32 s26, $0x1;
	_ =	strace $0x80000046;
	[dreg:$0x1] =	wrdreg $0xFFFFFFFF  }
0xa7: {  	s28 =	simm.s32 $_size_execute0_lowered;
	s3 =	sadd.s32 s3, s5;
	[dreg:$0x0] =	wrdreg $0x0  }
0xa8: {  	s5 =	sshll.u32 s28, $0x1;
	[dreg:$0x2] =	wrdreg s3  }
0xa9: {  	[dreg:$0x3] =	wrdreg s5  }
0xaa: {  	[dreg:$0x4] =	wrdreg $0xC0  }
0xab: {  	_ =	task [dreg:s7], $0x5FFFF  }
0xac: {  	[dreg:$0x1] =	wrdreg $0xFFFFFFFF  }
0xad: {  	[dreg:$0x0] =	wrdreg $0x60  }
0xae: {  	[dreg:$0x2] =	wrdreg s2  }
0xaf: {  	[dreg:$0x3] =	wrdreg s24  }
0xb0: {  	[dreg:$0x4] =	wrdreg $0x9  }
0xb1: {  	_ =	task.clear_ibuf [dreg:s7], $0x5FFFF;
	_ =	strace $0x90000046  }
0xb2: {  	s29 =	simm.s32 $0x9;
	_ =	strace $0x80000048  }
0xb3: {  	_ =	swait.ge [sflag:s29], $0x1  }
0xb4: {  	[sflag:s29] =	ssyncadd.s32 $0xFFFFFFFF  }
0xb5: {  	_ =	strace $0x90000048  }
0xb6: {  	_ =	sfence  }
0xb7: {  	s30 =	sld [smem:$0x0];
	_ =	sdelay $0x2  }
0xb8: {  	s31 =	sshll.u32 s1, $0xD;
	s1 =	sshrl.u32 s1, $0x2  }
0xb9: {  	s3 =	sand.u32 $0x4000, s31;
	s1 =	sadd.s32 s1, s30  }
0xba: {  	s0 =	sor.u32 s3, s0;
	s1 =	sshll.u32 s1, $0x11  }
0xbb: {  	s0 =	sor.u32 s1, s0  }
0xbc: {  	s0 =	sadd.s32 $0x8F2B, s0  }
0xbd: {  	[sflag:s0] =	ssyncadd.remote.s32 $0x1  }
0xbe: {  	_ =	sfence.sel $0xFFFF  }
0xbf: {  	[dreg:$0x0] =	wrdreg $0xFFFFFFFF;
	(pc) =	sbr.abs _section_cstart, $3  }
0xc0: {  	[dreg:$0x1] =	wrdreg $0xFFFFFFFF  }
0xc1: {  	_ =	task.clear_ibuf [dreg:s7], $0x2FFFF;
	_ =	strace $0x9FFFFFFF  }
0xc2: {  	(tm) =	ssettm $0x7FFFFFFF  }
0xc3: {  	_ =	shalt  }
tec
execute0_lowered:
.L_overlay_start_1:
0x0: {  	(tag) =	ssettag $0x1  }
0x1: {  	s0 =	rddreg [dreg:$0x0];
	s1 =	srdreg.scid  }
0x2: {  	s3 =	stileid.u32;
	s2 =	rddreg [dreg:$0x1];
	s31 =	simm.s32 $0x0  }
0x3: {  	s1 =	sand.u32 $0x1, s1;
	s3 =	sshll.u32 s3, $0x1;
	[smem:$0x7FF] =	sst s31  }
0x4: {  	v0 =	vimm.s32 $0xECA86420;
	s4 =	sadd.s32 $0xA00, s2;
	s3 =	sor.u32 s1, s3;
	s1 =	ssub.s32 $0x2, s1  }
0x5: {  	vm0 =	vcmask $0xB08;
	vm1 =	vcmask $0x1310;
	s2 =	sadd.s32 $0x3DEA00, s2;
	s3 =	smul.u32 $0x3400, s3;
	s6 =	sshrl.u32 s1, $0x1  }
0x6: {  	vm2 =	vcmask $0x1B18;
	vm3 =	vcmask $0x300;
	vm4 =	vcmask $0x2320;
	_ =	strace $0x80000047;
	[dreg:$0x6] =	wrdreg s2;
	s1 =	ssub.s32 s1, s6  }
0x7: {  	vm5 =	vcmask $0x2B28;
	vm6 =	vcmask $0x3330;
	v0 =	vunpack.c.l.s4.s8 v0;
	[dreg:$0x5] =	wrdreg s3;
	s29 =	sshrl.u32 s3, $0x3;
	s30 =	smax.u32 s1, $0x1  }
0x8: {  	vm7 =	vcmask $0x3B38;
	v1 =	vlaneseq.u32;
	vm8 =	vmmov $0xff;
	s0 =	sadd.s32 s0, s29;
	[dreg:$0x8] =	wrdreg s30  }
0x9: {  	s12 =	simm.s32 $0x1;
	v2 =	vimm.s32 $0x0;
	v1 =	vmul.u32 $0x2, v1;
	v0 =	vunpack.c.0.s8.s32 v0;
	s1 =	simm.s32 $0x0;
	[dreg:$0x7] =	wrdreg s0  }
.LBB2_1:
0xa: {  	s0 =	rddreg [dreg:$0x7]  }
0xb: {  	[tilespmem:s31], [sflag:$0x2] =	stream.linear.gather [hbm4b:s0+s31], $0x3400, $0x38;
	[tilespmem:$0x1E800] =	vst v63  }
0xc: {  	[dreg:$0x9] =	wrdreg s1;
	s31 =	simm.s32 $0x2  }
0xd: {  	_ =	swait.ge [sflag:s31], $0x3400  }
0xe: {  	s18 =	simm.s32 $0xFFFFFFF8;
	[sflag:s31] =	ssyncset.done $0x0  }
0xf: {  	s19 =	simm.s32 $0x40;
	s20 =	simm.s32 $0x3440;
	[sflag:s31] =	ssyncadd.s32 $0xFFFFCC00  }
.LBB2_2:
0x10: {  	v4 =	vld [tilespmem:s19+$0xFFFFFFC0];
	_ =	sdelay $0x4  }
0x11: {  	(v2sf) =	vpush v4, $0xD;
	_ =	sdelay $0x1  }
0x12: {  	(v2sf) =	vpush v4, $0xC;
	_ =	sdelay $0x1  }
0x13: {  	(v2sf) =	vpush v4, $0xE;
	_ =	sdelay $0x1  }
0x14: {  	(v2sf) =	vpush v4, $0xF;
	_ =	sdelay $0x1  }
0x15: {  	(v2sf) =	vpush v4, $0x9;
	_ =	sdelay $0x1  }
0x16: {  	(v2sf) =	vpush v4, $0x8;
	_ =	sdelay $0x1  }
0x17: {  	(v2sf) =	vpush v4, $0xA;
	_ =	sdelay $0x1  }
0x18: {  	(v2sf) =	vpush v4, $0xB  }
0x19: {  	s0 =	spop (v2sf)  }
0x1a: {  	(v2sf) =	vpush v4, $0x1;
	s1 =	smulhi.u32 $0x88888889, s0;
	s2 =	sshra.s32 s0, $0x1F  }
0x1b: {  	s6 =	spop (v2sf);
	s2 =	smul.u32 $0x88888889, s2  }
0x1c: {  	(v2sf) =	vpush v4, $0x0;
	s7 =	smulhi.u32 $0x88888889, s6;
	s8 =	sshra.s32 s6, $0x1F  }
0x1d: {  	s9 =	spop (v2sf);
	s8 =	smul.u32 $0x88888889, s8  }
0x1e: {  	(v2sf) =	vpush v4, $0x2;
	s0 =	ssub.s32 s1, s0;
	s15 =	smulhi.u32 $0x88888889, s9;
	s10 =	sshra.s32 s9, $0x1F  }
0x1f: {  	s17 =	spop (v2sf);
	s0 =	sadd.s32 s2, s0;
	s16 =	smul.u32 $0x88888889, s10  }
0x20: {  	(v2sf) =	vpush v4, $0x3;
	s6 =	ssub.s32 s7, s6;
	s21 =	smulhi.u32 $0x88888889, s17;
	s11 =	sshra.s32 s17, $0x1F  }
0x21: {  	s23 =	spop (v2sf);
	s6 =	sadd.s32 s8, s6;
	s22 =	smul.u32 $0x88888889, s11  }
0x22: {  	(v2sf) =	vpush v4, $0x4;
	s1 =	ssub.s32 s15, s9;
	s24 =	smulhi.u32 $0x88888889, s23;
	s13 =	sshra.s32 s23, $0x1F  }
0x23: {  	s14 =	spop (v2sf);
	s1 =	sadd.s32 s16, s1;
	s13 =	smul.u32 $0x88888889, s13  }
0x24: {  	(v2sf) =	vpush v4, $0x5;
	s25 =	ssub.s32 s21, s17;
	s26 =	smulhi.u32 $0x88888889, s14;
	s28 =	sshra.s32 s14, $0x1F  }
0x25: {  	s30 =	spop (v2sf);
	s2 =	sadd.s32 s22, s25;
	s29 =	smul.u32 $0x88888889, s28  }
0x26: {  	(v2sf) =	vpush v4, $0x6;
	s9 =	ssub.s32 s24, s23;
	s31 =	smulhi.u32 $0x88888889, s30;
	s15 =	sshra.s32 s30, $0x1F  }
0x27: {  	s5 =	spop (v2sf);
	s9 =	sadd.s32 s13, s9;
	s3 =	smul.u32 $0x88888889, s15  }
0x28: {  	(v2sf) =	vpush v4, $0x7;
	s7 =	ssub.s32 s26, s14;
	s21 =	smulhi.u32 $0x88888889, s5;
	s16 =	sshra.s32 s5, $0x1F  }
0x29: {  	s7 =	sadd.s32 s29, s7;
	s22 =	smul.u32 $0x88888889, s16;
	s23 =	spop (v2sf)  }
0x2a: {  	s10 =	ssub.s32 s31, s30;
	s24 =	smulhi.u32 $0x88888889, s23;
	s17 =	sshra.s32 s23, $0x1F  }
0x2b: {  	s10 =	sadd.s32 s3, s10;
	s26 =	spop (v2sf);
	s25 =	smul.u32 $0x88888889, s17  }
0x2c: {  	s14 =	ssub.s32 s21, s5;
	s28 =	smulhi.u32 $0x88888889, s26;
	s21 =	sshra.s32 s26, $0x1F  }
0x2d: {  	s8 =	sadd.s32 s22, s14;
	s30 =	spop (v2sf);
	s29 =	smul.u32 $0x88888889, s21  }
0x2e: {  	s11 =	ssub.s32 s24, s23;
	s31 =	smulhi.u32 $0x88888889, s30;
	s22 =	sshra.s32 s30, $0x1F  }
0x2f: {  	s5 =	spop (v2sf);
	s11 =	sadd.s32 s25, s11;
	s3 =	smul.u32 $0x88888889, s22  }
0x30: {  	s15 =	ssub.s32 s28, s26;
	s25 =	smulhi.u32 $0x88888889, s5;
	s23 =	sshra.s32 s5, $0x1F  }
0x31: {  	s28 =	spop (v2sf);
	s14 =	sadd.s32 s29, s15;
	s26 =	smul.u32 $0x88888889, s23  }
0x32: {  	s16 =	ssub.s32 s31, s30;
	s29 =	smulhi.u32 $0x88888889, s28;
	s24 =	sshra.s32 s28, $0x1F  }
0x33: {  	s13 =	sadd.s32 s3, s16;
	s30 =	smul.u32 $0x88888889, s24;
	s24 =	spop (v2sf)  }
0x34: {  	v3 =	vmov s14;
	s31 =	ssub.s32 s25, s5;
	s3 =	smulhi.u32 $0x88888889, s24;
	s5 =	sshra.s32 s24, $0x1F  }
0x35: {  	v3 =	vnsel vm3, $0x0, v3;
	s14 =	sadd.s32 s26, s31;
	s22 =	spop (v2sf);
	s15 =	smul.u32 $0x88888889, s5  }
0x36: {  	s23 =	ssub.s32 s29, s28;
	v3 =	vsel vm0, s11, v3;
	s25 =	smulhi.u32 $0x88888889, s22;
	s26 =	sshra.s32 s22, $0x1F  }
0x37: {  	v5 =	vmov s6;
	v6 =	vmov s7;
	s28 =	sadd.s32 s30, s23;
	s30 =	spop (v2sf);
	v3 =	vsel vm1, s13, v3;
	s29 =	smul.u32 $0x88888889, s26  }
0x38: {  	v5 =	vsel vm0, s0, v5;
	v6 =	vsel vm0, s9, v6;
	s31 =	ssub.s32 s3, s24;
	s3 =	smulhi.u32 $0x88888889, s30;
	s5 =	sshra.s32 s30, $0x1F;
	v3 =	vsel vm2, s14, v3  }
0x39: {  	v5 =	vsel vm1, s1, v5;
	v6 =	vsel vm1, s10, v6;
	s0 =	sadd.s32 s15, s31;
	s10 =	ssub.s32 s25, s22;
	s14 =	smul.u32 $0x88888889, s5;
	v3 =	vsel vm4, s28, v3  }
0x3a: {  	v5 =	vsel vm2, s2, v5;
	v6 =	vsel vm2, s8, v6;
	s15 =	sadd.s32 s29, s10;
	s16 =	ssub.s32 s3, s30;
	v3 =	vsel vm5, s0, v3  }
0x3b: {  	v5 =	vcombine.low v6, v5;
	s17 =	sadd.s32 s14, s16;
	v3 =	vsel vm6, s15, v3  }
0x3c: {  	v3 =	vsel vm7, s17, v3  }
0x3d: {  	v5 =	vperm.xlane v5, v0;
	v3 =	vperm.xlane v3, v1;
	_ =	sdelay $0x1  }
0x3e: {  	v3 =	vsel vm8, v3, v5  }
0x3f: {  	v3 =	vadd.s32 v4, v3  }
0x40: {  	v27 =	vshrl.u32 v3, $0x1F;
	v3 =	vshra.s32 v3, $0xD  }
0x41: {  	v3 =	vadd.s32 v27, v3  }
0x42: {  	v5 =	vmul.u32 $0xFFFFC400, v3  }
0x43: {  	v28 =	vsub.s32 $0x0, v4  }
0x44: {  	vm9 =	vlt.s32 v4, $0x1;
	vm10 =	vne.s32 v5, v28  }
0x45: {  	vm9 =	vmand vm9, vm10  }
0x46: {  	v29 =	vsel vm9, $0xFFFFFFFF, v2  }
0x47: {  	v3 =	vadd.s32 v29, v3  }
0x48: {  	v5 =	vmul.u32 $0xFFFFC400, v3;
	_ =	sdelay $0x1  }
0x49: {  	v4 =	vadd.s32 v4, v5  }
0x4a: {  	(v2sf) =	vpush v4, $0xD  }
0x4b: {  	(v2sf) =	vpush v4, $0xC;
	_ =	sdelay $0xd  }
0x4c: {  	s21 =	spop (v2sf)  }
0x4d: {  	s22 =	spop (v2sf)  }
0x4e: {  	(v2sf) =	vpush v4, $0xE;
	_ =	sdelay $0x1  }
0x4f: {  	(v2sf) =	vpush v4, $0xF;
	_ =	sdelay $0x1  }
0x50: {  	(v2sf) =	vpush v4, $0x9;
	_ =	sdelay $0x1  }
0x51: {  	(v2sf) =	vpush v4, $0x8;
	_ =	sdelay $0x1  }
0x52: {  	(v2sf) =	vpush v4, $0xA;
	_ =	sdelay $0x1  }
0x53: {  	(v2sf) =	vpush v4, $0xB;
	_ =	sdelay $0x1  }
0x54: {  	s23 =	smulhi.u32 $0x88888889, s21;
	s24 =	sshra.s32 s21, $0x1F;
	(v2sf) =	vpush v4, $0x1  }
0x55: {  	s6 =	smul.u32 $0x88888889, s24  }
0x56: {  	s25 =	smulhi.u32 $0x88888889, s22;
	s26 =	sshra.s32 s22, $0x1F;
	(v2sf) =	vpush v4, $0x0  }
0x57: {  	s8 =	smul.u32 $0x88888889, s26;
	s28 =	spop (v2sf)  }
0x58: {  	s0 =	ssub.s32 s23, s21;
	(v2sf) =	vpush v4, $0x2;
	s29 =	smulhi.u32 $0x88888889, s28;
	s30 =	sshra.s32 s28, $0x1F  }
0x59: {  	s0 =	sadd.s32 s6, s0;
	s31 =	spop (v2sf);
	s10 =	smul.u32 $0x88888889, s30  }
0x5a: {  	s1 =	ssub.s32 s25, s22;
	(v2sf) =	vpush v4, $0x3;
	s3 =	smulhi.u32 $0x88888889, s31;
	s5 =	sshra.s32 s31, $0x1F  }
0x5b: {  	s6 =	sadd.s32 s8, s1;
	s15 =	spop (v2sf);
	s14 =	smul.u32 $0x88888889, s5  }
0x5c: {  	(v2sf) =	vpush v4, $0x4;
	s16 =	ssub.s32 s29, s28;
	s17 =	smulhi.u32 $0x88888889, s15;
	s21 =	sshra.s32 s15, $0x1F  }
0x5d: {  	s23 =	spop (v2sf);
	s1 =	sadd.s32 s10, s16;
	s22 =	smul.u32 $0x88888889, s21  }
0x5e: {  	(v2sf) =	vpush v4, $0x5;
	s24 =	ssub.s32 s3, s31;
	s25 =	smulhi.u32 $0x88888889, s23;
	s26 =	sshra.s32 s23, $0x1F  }
0x5f: {  	s29 =	spop (v2sf);
	s2 =	sadd.s32 s14, s24;
	s28 =	smul.u32 $0x88888889, s26  }
0x60: {  	(v2sf) =	vpush v4, $0x6;
	s9 =	ssub.s32 s17, s15;
	s30 =	smulhi.u32 $0x88888889, s29;
	s31 =	sshra.s32 s29, $0x1F  }
0x61: {  	s5 =	spop (v2sf);
	s9 =	sadd.s32 s22, s9;
	s3 =	smul.u32 $0x88888889, s31  }
0x62: {  	(v2sf) =	vpush v4, $0x7;
	s7 =	ssub.s32 s25, s23;
	s21 =	smulhi.u32 $0x88888889, s5;
	s22 =	sshra.s32 s5, $0x1F  }
0x63: {  	s24 =	spop (v2sf);
	s7 =	sadd.s32 s28, s7;
	s23 =	smul.u32 $0x88888889, s22  }
0x64: {  	s11 =	ssub.s32 s30, s29;
	s25 =	smulhi.u32 $0x88888889, s24;
	s26 =	sshra.s32 s24, $0x1F  }
0x65: {  	s29 =	spop (v2sf);
	s10 =	sadd.s32 s3, s11;
	s28 =	smul.u32 $0x88888889, s26  }
0x66: {  	s14 =	ssub.s32 s21, s5;
	s30 =	smulhi.u32 $0x88888889, s29;
	s31 =	sshra.s32 s29, $0x1F  }
0x67: {  	s5 =	spop (v2sf);
	s8 =	sadd.s32 s23, s14;
	s3 =	smul.u32 $0x88888889, s31  }
0x68: {  	s13 =	ssub.s32 s25, s24;
	s24 =	smulhi.u32 $0x88888889, s5;
	s25 =	sshra.s32 s5, $0x1F  }
0x69: {  	s11 =	sadd.s32 s28, s13;
	s26 =	smul.u32 $0x88888889, s25;
	s28 =	spop (v2sf)  }
0x6a: {  	s15 =	ssub.s32 s30, s29;
	s29 =	smulhi.u32 $0x88888889, s28;
	s30 =	sshra.s32 s28, $0x1F  }
0x6b: {  	s14 =	sadd.s32 s3, s15;
	s3 =	spop (v2sf);
	s31 =	smul.u32 $0x88888889, s30  }
0x6c: {  	s16 =	ssub.s32 s24, s5;
	s5 =	smulhi.u32 $0x88888889, s3;
	s25 =	sshra.s32 s3, $0x1F  }
0x6d: {  	s13 =	sadd.s32 s26, s16;
	s24 =	spop (v2sf);
	s26 =	smul.u32 $0x88888889, s25  }
0x6e: {  	v30 =	vmov s14;
	s28 =	ssub.s32 s29, s28;
	s29 =	smulhi.u32 $0x88888889, s24;
	s30 =	sshra.s32 s24, $0x1F  }
0x6f: {  	v5 =	vnsel vm3, $0x0, v30;
	s22 =	spop (v2sf);
	s14 =	sadd.s32 s31, s28;
	s15 =	smul.u32 $0x88888889, s30  }
0x70: {  	v5 =	vsel vm0, s11, v5;
	s31 =	ssub.s32 s5, s3;
	s3 =	smulhi.u32 $0x88888889, s22;
	s5 =	sshra.s32 s22, $0x1F  }
0x71: {  	v31 =	vmov s6;
	v7 =	vmov s7;
	v5 =	vsel vm1, s13, v5;
	s28 =	spop (v2sf);
	s25 =	sadd.s32 s26, s31;
	s26 =	smul.u32 $0x88888889, s5  }
0x72: {  	v6 =	vsel vm0, s0, v31;
	v7 =	vsel vm0, s9, v7;
	v5 =	vsel vm2, s14, v5;
	s29 =	ssub.s32 s29, s24;
	s30 =	smulhi.u32 $0x88888889, s28;
	s31 =	sshra.s32 s28, $0x1F  }
0x73: {  	v6 =	vsel vm1, s1, v6;
	v7 =	vsel vm1, s10, v7;
	v5 =	vsel vm4, s25, v5;
	s0 =	sadd.s32 s15, s29;
	s3 =	ssub.s32 s3, s22;
	s5 =	smul.u32 $0x88888889, s31  }
0x74: {  	v6 =	vsel vm2, s2, v6;
	v7 =	vsel vm2, s8, v7;
	v5 =	vsel vm5, s0, v5;
	s8 =	sadd.s32 s26, s3;
	s9 =	ssub.s32 s30, s28  }
0x75: {  	v6 =	vcombine.low v7, v6;
	v5 =	vsel vm6, s8, v5;
	s10 =	sadd.s32 s5, s9  }
0x76: {  	v5 =	vsel vm7, s10, v5  }
0x77: {  	v6 =	vperm.xlane v6, v0;
	v5 =	vperm.xlane v5, v1;
	_ =	sdelay $0x1  }
0x78: {  	v5 =	vsel vm8, v5, v6  }
0x79: {  	v5 =	vadd.s32 v4, v5  }
0x7a: {  	v32 =	vshrl.u32 v5, $0x1F;
	v5 =	vshra.s32 v5, $0xB  }
0x7b: {  	v5 =	vadd.s32 v32, v5  }
0x7c: {  	v6 =	vmul.u32 $0xFFFFF100, v5  }
0x7d: {  	v33 =	vsub.s32 $0x0, v4  }
0x7e: {  	vm9 =	vlt.s32 v4, $0x1;
	vm10 =	vne.s32 v6, v33  }
0x7f: {  	vm9 =	vmand vm9, vm10  }
0x80: {  	v34 =	vsel vm9, $0xFFFFFFFF, v2  }
0x81: {  	v3 =	vmul.u32 $0xF00, v3;
	v5 =	vadd.s32 v34, v5  }
0x82: {  	v6 =	vmul.u32 $0xFFFFF100, v5  }
0x83: {  	v3 =	vadd.s32 v3, v4  }
0x84: {  	v3 =	vadd.s32 v6, v3  }
0x85: {  	[tilespmem:s19+$0xFFFFFFC0] =	vst v3;
	v3 =	vshll.u32 v5, $0x5  }
0x86: {  	[tilespmem:s20+$0xFFFFFFC0] =	vst v3  }
0x87: {  	v35 =	vld [tilespmem:s19+$0xFFFFFFD0];
	_ =	sdelay $0x4  }
0x88: {  	(v2sf) =	vpush v35, $0xD;
	_ =	sdelay $0x1  }
0x89: {  	(v2sf) =	vpush v35, $0xC;
	_ =	sdelay $0x1  }
0x8a: {  	(v2sf) =	vpush v35, $0xE;
	_ =	sdelay $0x1  }
0x8b: {  	(v2sf) =	vpush v35, $0xF;
	_ =	sdelay $0x1  }
0x8c: {  	(v2sf) =	vpush v35, $0x9;
	_ =	sdelay $0x1  }
0x8d: {  	(v2sf) =	vpush v35, $0x8;
	_ =	sdelay $0x1  }
0x8e: {  	(v2sf) =	vpush v35, $0xA;
	_ =	sdelay $0x1  }
0x8f: {  	(v2sf) =	vpush v35, $0xB  }
0x90: {  	s11 =	spop (v2sf)  }
0x91: {  	(v2sf) =	vpush v35, $0x1;
	s13 =	smulhi.u32 $0x88888889, s11;
	s14 =	sshra.s32 s11, $0x1F  }
0x92: {  	s15 =	spop (v2sf);
	s2 =	smul.u32 $0x88888889, s14  }
0x93: {  	(v2sf) =	vpush v35, $0x0;
	s16 =	smulhi.u32 $0x88888889, s15;
	s17 =	sshra.s32 s15, $0x1F  }
0x94: {  	s21 =	spop (v2sf);
	s8 =	smul.u32 $0x88888889, s17  }
0x95: {  	(v2sf) =	vpush v35, $0x2;
	s0 =	ssub.s32 s13, s11;
	s22 =	smulhi.u32 $0x88888889, s21;
	s23 =	sshra.s32 s21, $0x1F  }
0x96: {  	s25 =	spop (v2sf);
	s0 =	sadd.s32 s2, s0;
	s24 =	smul.u32 $0x88888889, s23  }
0x97: {  	(v2sf) =	vpush v35, $0x3;
	s6 =	ssub.s32 s16, s15;
	s26 =	smulhi.u32 $0x88888889, s25;
	s28 =	sshra.s32 s25, $0x1F  }
0x98: {  	s30 =	spop (v2sf);
	s6 =	sadd.s32 s8, s6;
	s29 =	smul.u32 $0x88888889, s28  }
0x99: {  	(v2sf) =	vpush v35, $0x4;
	s1 =	ssub.s32 s22, s21;
	s31 =	smulhi.u32 $0x88888889, s30;
	s3 =	sshra.s32 s30, $0x1F  }
0x9a: {  	s5 =	spop (v2sf);
	s1 =	sadd.s32 s24, s1;
	s13 =	smul.u32 $0x88888889, s3  }
0x9b: {  	(v2sf) =	vpush v35, $0x5;
	s16 =	ssub.s32 s26, s25;
	s17 =	smulhi.u32 $0x88888889, s5;
	s21 =	sshra.s32 s5, $0x1F  }
0x9c: {  	s23 =	spop (v2sf);
	s2 =	sadd.s32 s29, s16;
	s22 =	smul.u32 $0x88888889, s21  }
0x9d: {  	(v2sf) =	vpush v35, $0x6;
	s9 =	ssub.s32 s31, s30;
	s24 =	smulhi.u32 $0x88888889, s23;
	s25 =	sshra.s32 s23, $0x1F  }
0x9e: {  	s28 =	spop (v2sf);
	s9 =	sadd.s32 s13, s9;
	s26 =	smul.u32 $0x88888889, s25  }
0x9f: {  	(v2sf) =	vpush v35, $0x7;
	s7 =	ssub.s32 s17, s5;
	s29 =	smulhi.u32 $0x88888889, s28;
	s30 =	sshra.s32 s28, $0x1F  }
0xa0: {  	s3 =	spop (v2sf);
	s7 =	sadd.s32 s22, s7;
	s31 =	smul.u32 $0x88888889, s30  }
0xa1: {  	s10 =	ssub.s32 s24, s23;
	s5 =	smulhi.u32 $0x88888889, s3;
	s21 =	sshra.s32 s3, $0x1F  }
0xa2: {  	s23 =	spop (v2sf);
	s10 =	sadd.s32 s26, s10;
	s22 =	smul.u32 $0x88888889, s21  }
0xa3: {  	s14 =	ssub.s32 s29, s28;
	s24 =	smulhi.u32 $0x88888889, s23;
	s25 =	sshra.s32 s23, $0x1F  }
0xa4: {  	s8 =	sadd.s32 s31, s14;
	s26 =	smul.u32 $0x88888889, s25;
	s28 =	spop (v2sf)  }
0xa5: {  	s11 =	ssub.s32 s5, s3;
	s29 =	smulhi.u32 $0x88888889, s28;
	s30 =	sshra.s32 s28, $0x1F  }
0xa6: {  	s11 =	sadd.s32 s22, s11;
	s3 =	spop (v2sf);
	s31 =	smul.u32 $0x88888889, s30  }
0xa7: {  	s15 =	ssub.s32 s24, s23;
	s5 =	smulhi.u32 $0x88888889, s3;
	s24 =	sshra.s32 s3, $0x1F  }
0xa8: {  	s14 =	sadd.s32 s26, s15;
	s26 =	spop (v2sf);
	s25 =	smul.u32 $0x88888889, s24  }
0xa9: {  	s16 =	ssub.s32 s29, s28;
	s28 =	smulhi.u32 $0x88888889, s26;
	s29 =	sshra.s32 s26, $0x1F  }
0xaa: {  	s24 =	spop (v2sf);
	s13 =	sadd.s32 s31, s16;
	s30 =	smul.u32 $0x88888889, s29  }
0xab: {  	v3 =	vmov s14;
	s31 =	ssub.s32 s5, s3;
	s3 =	smulhi.u32 $0x88888889, s24;
	s5 =	sshra.s32 s24, $0x1F  }
0xac: {  	v3 =	vnsel vm3, $0x0, v3;
	s14 =	sadd.s32 s25, s31;
	s15 =	smul.u32 $0x88888889, s5;
	s22 =	spop (v2sf)  }
0xad: {  	v3 =	vsel vm0, s11, v3;
	s23 =	ssub.s32 s28, s26;
	s25 =	smulhi.u32 $0x88888889, s22;
	s26 =	sshra.s32 s22, $0x1F  }
0xae: {  	v36 =	vmov s6;
	v37 =	vmov s7;
	v3 =	vsel vm1, s13, v3;
	s28 =	sadd.s32 s30, s23;
	s30 =	spop (v2sf);
	s29 =	smul.u32 $0x88888889, s26  }
0xaf: {  	v5 =	vsel vm0, s0, v36;
	v6 =	vsel vm0, s9, v37;
	v3 =	vsel vm2, s14, v3;
	s31 =	ssub.s32 s3, s24;
	s3 =	smulhi.u32 $0x88888889, s30;
	s5 =	sshra.s32 s30, $0x1F  }
0xb0: {  	v5 =	vsel vm1, s1, v5;
	v6 =	vsel vm1, s10, v6;
	v3 =	vsel vm4, s28, v3;
	s0 =	sadd.s32 s15, s31;
	s14 =	ssub.s32 s25, s22;
	s15 =	smul.u32 $0x88888889, s5  }
0xb1: {  	v5 =	vsel vm2, s2, v5;
	v6 =	vsel vm2, s8, v6;
	v3 =	vsel vm5, s0, v3;
	s16 =	sadd.s32 s29, s14;
	s17 =	ssub.s32 s3, s30  }
0xb2: {  	v5 =	vcombine.low v6, v5;
	v3 =	vsel vm6, s16, v3;
	s21 =	sadd.s32 s15, s17  }
0xb3: {  	v3 =	vsel vm7, s21, v3  }
0xb4: {  	v5 =	vperm.xlane v5, v0;
	v3 =	vperm.xlane v3, v1;
	_ =	sdelay $0x1  }
0xb5: {  	v3 =	vsel vm8, v3, v5  }
0xb6: {  	v3 =	vadd.s32 v35, v3  }
0xb7: {  	v38 =	vshrl.u32 v3, $0x1F;
	v3 =	vshra.s32 v3, $0xD  }
0xb8: {  	v3 =	vadd.s32 v38, v3  }
0xb9: {  	v5 =	vmul.u32 $0xFFFFC400, v3  }
0xba: {  	v39 =	vsub.s32 $0x0, v35  }
0xbb: {  	vm9 =	vlt.s32 v35, $0x1;
	vm10 =	vne.s32 v5, v39  }
0xbc: {  	vm9 =	vmand vm9, vm10  }
0xbd: {  	v40 =	vsel vm9, $0xFFFFFFFF, v2  }
0xbe: {  	v3 =	vadd.s32 v40, v3  }
0xbf: {  	v5 =	vmul.u32 $0xFFFFC400, v3;
	_ =	sdelay $0x1  }
0xc0: {  	v4 =	vadd.s32 v35, v5  }
0xc1: {  	(v2sf) =	vpush v4, $0xD;
	_ =	sdelay $0x1  }
0xc2: {  	(v2sf) =	vpush v4, $0xC;
	_ =	sdelay $0x1  }
0xc3: {  	(v2sf) =	vpush v4, $0xE;
	_ =	sdelay $0x1  }
0xc4: {  	(v2sf) =	vpush v4, $0xF;
	_ =	sdelay $0x1  }
0xc5: {  	(v2sf) =	vpush v4, $0x9;
	_ =	sdelay $0x1  }
0xc6: {  	(v2sf) =	vpush v4, $0x8;
	_ =	sdelay $0x1  }
0xc7: {  	(v2sf) =	vpush v4, $0xA;
	_ =	sdelay $0x1  }
0xc8: {  	(v2sf) =	vpush v4, $0xB  }
0xc9: {  	s22 =	spop (v2sf)  }
0xca: {  	(v2sf) =	vpush v4, $0x1;
	s23 =	smulhi.u32 $0x88888889, s22;
	s24 =	sshra.s32 s22, $0x1F  }
0xcb: {  	s25 =	spop (v2sf);
	s2 =	smul.u32 $0x88888889, s24  }
0xcc: {  	(v2sf) =	vpush v4, $0x0;
	s26 =	smulhi.u32 $0x88888889, s25;
	s28 =	sshra.s32 s25, $0x1F  }
0xcd: {  	s29 =	spop (v2sf);
	s8 =	smul.u32 $0x88888889, s28  }
0xce: {  	(v2sf) =	vpush v4, $0x2;
	s0 =	ssub.s32 s23, s22;
	s30 =	smulhi.u32 $0x88888889, s29;
	s31 =	sshra.s32 s29, $0x1F  }
0xcf: {  	s5 =	spop (v2sf);
	s0 =	sadd.s32 s2, s0;
	s3 =	smul.u32 $0x88888889, s31  }
0xd0: {  	(v2sf) =	vpush v4, $0x3;
	s6 =	ssub.s32 s26, s25;
	s14 =	smulhi.u32 $0x88888889, s5;
	s15 =	sshra.s32 s5, $0x1F  }
0xd1: {  	s17 =	spop (v2sf);
	s6 =	sadd.s32 s8, s6;
	s16 =	smul.u32 $0x88888889, s15  }
0xd2: {  	(v2sf) =	vpush v4, $0x4;
	s1 =	ssub.s32 s30, s29;
	s21 =	smulhi.u32 $0x88888889, s17;
	s22 =	sshra.s32 s17, $0x1F  }
0xd3: {  	s23 =	spop (v2sf);
	s1 =	sadd.s32 s3, s1;
	s13 =	smul.u32 $0x88888889, s22  }
0xd4: {  	(v2sf) =	vpush v4, $0x5;
	s24 =	ssub.s32 s14, s5;
	s25 =	smulhi.u32 $0x88888889, s23;
	s26 =	sshra.s32 s23, $0x1F  }
0xd5: {  	s29 =	spop (v2sf);
	s2 =	sadd.s32 s16, s24;
	s28 =	smul.u32 $0x88888889, s26  }
0xd6: {  	(v2sf) =	vpush v4, $0x6;
	s9 =	ssub.s32 s21, s17;
	s30 =	smulhi.u32 $0x88888889, s29;
	s31 =	sshra.s32 s29, $0x1F  }
0xd7: {  	s5 =	spop (v2sf);
	s9 =	sadd.s32 s13, s9;
	s3 =	smul.u32 $0x88888889, s31  }
0xd8: {  	(v2sf) =	vpush v4, $0x7;
	s7 =	ssub.s32 s25, s23;
	s21 =	smulhi.u32 $0x88888889, s5;
	s22 =	sshra.s32 s5, $0x1F  }
0xd9: {  	s24 =	spop (v2sf);
	s7 =	sadd.s32 s28, s7;
	s23 =	smul.u32 $0x88888889, s22  }
0xda: {  	s10 =	ssub.s32 s30, s29;
	s25 =	smulhi.u32 $0x88888889, s24;
	s26 =	sshra.s32 s24, $0x1F  }
0xdb: {  	s29 =	spop (v2sf);
	s10 =	sadd.s32 s3, s10;
	s28 =	smul.u32 $0x88888889, s26  }
0xdc: {  	s14 =	ssub.s32 s21, s5;
	s30 =	smulhi.u32 $0x88888889, s29;
	s31 =	sshra.s32 s29, $0x1F  }
0xdd: {  	s8 =	sadd.s32 s23, s14;
	s3 =	smul.u32 $0x88888889, s31;
	s5 =	spop (v2sf)  }
0xde: {  	s11 =	ssub.s32 s25, s24;
	s24 =	smulhi.u32 $0x88888889, s5;
	s25 =	sshra.s32 s5, $0x1F  }
0xdf: {  	s11 =	sadd.s32 s28, s11;
	s28 =	spop (v2sf);
	s26 =	smul.u32 $0x88888889, s25  }
0xe0: {  	s15 =	ssub.s32 s30, s29;
	s29 =	smulhi.u32 $0x88888889, s28;
	s30 =	sshra.s32 s28, $0x1F  }
0xe1: {  	s14 =	sadd.s32 s3, s15;
	s3 =	spop (v2sf);
	s31 =	smul.u32 $0x88888889, s30  }
0xe2: {  	s16 =	ssub.s32 s24, s5;
	s5 =	smulhi.u32 $0x88888889, s3;
	s25 =	sshra.s32 s3, $0x1F  }
0xe3: {  	s24 =	spop (v2sf);
	s13 =	sadd.s32 s26, s16;
	s26 =	smul.u32 $0x88888889, s25  }
0xe4: {  	v41 =	vmov s14;
	s28 =	ssub.s32 s29, s28;
	s29 =	smulhi.u32 $0x88888889, s24;
	s30 =	sshra.s32 s24, $0x1F  }
0xe5: {  	v5 =	vnsel vm3, $0x0, v41;
	s14 =	sadd.s32 s31, s28;
	s15 =	smul.u32 $0x88888889, s30;
	s22 =	spop (v2sf)  }
0xe6: {  	v5 =	vsel vm0, s11, v5;
	s31 =	ssub.s32 s5, s3;
	s3 =	smulhi.u32 $0x88888889, s22;
	s5 =	sshra.s32 s22, $0x1F  }
0xe7: {  	v42 =	vmov s6;
	v43 =	vmov s7;
	v5 =	vsel vm1, s13, v5;
	s25 =	sadd.s32 s26, s31;
	s28 =	spop (v2sf);
	s26 =	smul.u32 $0x88888889, s5  }
0xe8: {  	v6 =	vsel vm0, s0, v42;
	v7 =	vsel vm0, s9, v43;
	v5 =	vsel vm2, s14, v5;
	s29 =	ssub.s32 s29, s24;
	s30 =	smulhi.u32 $0x88888889, s28;
	s31 =	sshra.s32 s28, $0x1F  }
0xe9: {  	v6 =	vsel vm1, s1, v6;
	v7 =	vsel vm1, s10, v7;
	v5 =	vsel vm4, s25, v5;
	s0 =	sadd.s32 s15, s29;
	s3 =	ssub.s32 s3, s22;
	s5 =	smul.u32 $0x88888889, s31  }
0xea: {  	v6 =	vsel vm2, s2, v6;
	v7 =	vsel vm2, s8, v7;
	v5 =	vsel vm5, s0, v5;
	s8 =	sadd.s32 s26, s3;
	s9 =	ssub.s32 s30, s28  }
0xeb: {  	v6 =	vcombine.low v7, v6;
	v5 =	vsel vm6, s8, v5;
	s10 =	sadd.s32 s5, s9  }
0xec: {  	v5 =	vsel vm7, s10, v5  }
0xed: {  	v6 =	vperm.xlane v6, v0;
	v5 =	vperm.xlane v5, v1;
	_ =	sdelay $0x1  }
0xee: {  	v5 =	vsel vm8, v5, v6  }
0xef: {  	v5 =	vadd.s32 v4, v5  }
0xf0: {  	v44 =	vshrl.u32 v5, $0x1F;
	v5 =	vshra.s32 v5, $0xB  }
0xf1: {  	v5 =	vadd.s32 v44, v5  }
0xf2: {  	v6 =	vmul.u32 $0xFFFFF100, v5  }
0xf3: {  	v45 =	vsub.s32 $0x0, v4  }
0xf4: {  	vm9 =	vlt.s32 v4, $0x1;
	vm10 =	vne.s32 v6, v45  }
0xf5: {  	vm9 =	vmand vm9, vm10  }
0xf6: {  	v46 =	vsel vm9, $0xFFFFFFFF, v2  }
0xf7: {  	v3 =	vmul.u32 $0xF00, v3;
	v5 =	vadd.s32 v46, v5  }
0xf8: {  	v6 =	vmul.u32 $0xFFFFF100, v5  }
0xf9: {  	v3 =	vadd.s32 v3, v4  }
0xfa: {  	v3 =	vadd.s32 v6, v3  }
0xfb: {  	[tilespmem:s19+$0xFFFFFFD0] =	vst v3;
	v3 =	vshll.u32 v5, $0x5  }
0xfc: {  	[tilespmem:s20+$0xFFFFFFD0] =	vst v3  }
0xfd: {  	v47 =	vld [tilespmem:s19+$0xFFFFFFE0];
	_ =	sdelay $0x4  }
0xfe: {  	(v2sf) =	vpush v47, $0xD;
	_ =	sdelay $0x1  }
0xff: {  	(v2sf) =	vpush v47, $0xC;
	_ =	sdelay $0x1  }
0x100: {  	(v2sf) =	vpush v47, $0xE;
	_ =	sdelay $0x1  }
0x101: {  	(v2sf) =	vpush v47, $0xF;
	_ =	sdelay $0x1  }
0x102: {  	(v2sf) =	vpush v47, $0x9;
	_ =	sdelay $0x1  }
0x103: {  	(v2sf) =	vpush v47, $0x8;
	_ =	sdelay $0x1  }
0x104: {  	(v2sf) =	vpush v47, $0xA;
	_ =	sdelay $0x1  }
0x105: {  	(v2sf) =	vpush v47, $0xB  }
0x106: {  	s11 =	spop (v2sf)  }
0x107: {  	(v2sf) =	vpush v47, $0x1;
	s13 =	smulhi.u32 $0x88888889, s11;
	s14 =	sshra.s32 s11, $0x1F  }
0x108: {  	s15 =	spop (v2sf);
	s2 =	smul.u32 $0x88888889, s14  }
0x109: {  	(v2sf) =	vpush v47, $0x0;
	s16 =	smulhi.u32 $0x88888889, s15;
	s17 =	sshra.s32 s15, $0x1F  }
0x10a: {  	s21 =	spop (v2sf);
	s8 =	smul.u32 $0x88888889, s17  }
0x10b: {  	(v2sf) =	vpush v47, $0x2;
	s0 =	ssub.s32 s13, s11;
	s22 =	smulhi.u32 $0x88888889, s21;
	s23 =	sshra.s32 s21, $0x1F  }
0x10c: {  	s25 =	spop (v2sf);
	s0 =	sadd.s32 s2, s0;
	s24 =	smul.u32 $0x88888889, s23  }
0x10d: {  	(v2sf) =	vpush v47, $0x3;
	s6 =	ssub.s32 s16, s15;
	s26 =	smulhi.u32 $0x88888889, s25;
	s28 =	sshra.s32 s25, $0x1F  }
0x10e: {  	s30 =	spop (v2sf);
	s6 =	sadd.s32 s8, s6;
	s29 =	smul.u32 $0x88888889, s28  }
0x10f: {  	(v2sf) =	vpush v47, $0x4;
	s1 =	ssub.s32 s22, s21;
	s31 =	smulhi.u32 $0x88888889, s30;
	s3 =	sshra.s32 s30, $0x1F  }
0x110: {  	s5 =	spop (v2sf);
	s1 =	sadd.s32 s24, s1;
	s13 =	smul.u32 $0x88888889, s3  }
0x111: {  	(v2sf) =	vpush v47, $0x5;
	s16 =	ssub.s32 s26, s25;
	s17 =	smulhi.u32 $0x88888889, s5;
	s21 =	sshra.s32 s5, $0x1F  }
0x112: {  	s23 =	spop (v2sf);
	s2 =	sadd.s32 s29, s16;
	s22 =	smul.u32 $0x88888889, s21  }
0x113: {  	(v2sf) =	vpush v47, $0x6;
	s9 =	ssub.s32 s31, s30;
	s24 =	smulhi.u32 $0x88888889, s23;
	s25 =	sshra.s32 s23, $0x1F  }
0x114: {  	s28 =	spop (v2sf);
	s9 =	sadd.s32 s13, s9;
	s26 =	smul.u32 $0x88888889, s25  }
0x115: {  	(v2sf) =	vpush v47, $0x7;
	s7 =	ssub.s32 s17, s5;
	s29 =	smulhi.u32 $0x88888889, s28;
	s30 =	sshra.s32 s28, $0x1F  }
0x116: {  	s3 =	spop (v2sf);
	s7 =	sadd.s32 s22, s7;
	s31 =	smul.u32 $0x88888889, s30  }
0x117: {  	s10 =	ssub.s32 s24, s23;
	s5 =	smulhi.u32 $0x88888889, s3;
	s21 =	sshra.s32 s3, $0x1F  }
0x118: {  	s23 =	spop (v2sf);
	s10 =	sadd.s32 s26, s10;
	s22 =	smul.u32 $0x88888889, s21  }
0x119: {  	s14 =	ssub.s32 s29, s28;
	s24 =	smulhi.u32 $0x88888889, s23;
	s25 =	sshra.s32 s23, $0x1F  }
0x11a: {  	s8 =	sadd.s32 s31, s14;
	s26 =	smul.u32 $0x88888889, s25;
	s28 =	spop (v2sf)  }
0x11b: {  	s11 =	ssub.s32 s5, s3;
	s29 =	smulhi.u32 $0x88888889, s28;
	s30 =	sshra.s32 s28, $0x1F  }
0x11c: {  	s11 =	sadd.s32 s22, s11;
	s3 =	spop (v2sf);
	s31 =	smul.u32 $0x88888889, s30  }
0x11d: {  	s15 =	ssub.s32 s24, s23;
	s5 =	smulhi.u32 $0x88888889, s3;
	s24 =	sshra.s32 s3, $0x1F  }
0x11e: {  	s14 =	sadd.s32 s26, s15;
	s26 =	spop (v2sf);
	s25 =	smul.u32 $0x88888889, s24  }
0x11f: {  	s16 =	ssub.s32 s29, s28;
	s28 =	smulhi.u32 $0x88888889, s26;
	s29 =	sshra.s32 s26, $0x1F  }
0x120: {  	s24 =	spop (v2sf);
	s13 =	sadd.s32 s31, s16;
	s30 =	smul.u32 $0x88888889, s29  }
0x121: {  	v3 =	vmov s14;
	s31 =	ssub.s32 s5, s3;
	s3 =	smulhi.u32 $0x88888889, s24;
	s5 =	sshra.s32 s24, $0x1F  }
0x122: {  	v3 =	vnsel vm3, $0x0, v3;
	s14 =	sadd.s32 s25, s31;
	s15 =	smul.u32 $0x88888889, s5;
	s22 =	spop (v2sf)  }
0x123: {  	v3 =	vsel vm0, s11, v3;
	s23 =	ssub.s32 s28, s26;
	s25 =	smulhi.u32 $0x88888889, s22;
	s26 =	sshra.s32 s22, $0x1F  }
0x124: {  	v48 =	vmov s6;
	v49 =	vmov s7;
	v3 =	vsel vm1, s13, v3;
	s28 =	sadd.s32 s30, s23;
	s30 =	spop (v2sf);
	s29 =	smul.u32 $0x88888889, s26  }
0x125: {  	v5 =	vsel vm0, s0, v48;
	v6 =	vsel vm0, s9, v49;
	v3 =	vsel vm2, s14, v3;
	s31 =	ssub.s32 s3, s24;
	s3 =	smulhi.u32 $0x88888889, s30;
	s5 =	sshra.s32 s30, $0x1F  }
0x126: {  	v5 =	vsel vm1, s1, v5;
	v6 =	vsel vm1, s10, v6;
	v3 =	vsel vm4, s28, v3;
	s0 =	sadd.s32 s15, s31;
	s14 =	ssub.s32 s25, s22;
	s15 =	smul.u32 $0x88888889, s5  }
0x127: {  	v5 =	vsel vm2, s2, v5;
	v6 =	vsel vm2, s8, v6;
	v3 =	vsel vm5, s0, v3;
	s16 =	sadd.s32 s29, s14;
	s17 =	ssub.s32 s3, s30  }
0x128: {  	v5 =	vcombine.low v6, v5;
	v3 =	vsel vm6, s16, v3;
	s21 =	sadd.s32 s15, s17  }
0x129: {  	v3 =	vsel vm7, s21, v3  }
0x12a: {  	v5 =	vperm.xlane v5, v0;
	v3 =	vperm.xlane v3, v1;
	_ =	sdelay $0x1  }
0x12b: {  	v3 =	vsel vm8, v3, v5  }
0x12c: {  	v3 =	vadd.s32 v47, v3  }
0x12d: {  	v50 =	vshrl.u32 v3, $0x1F;
	v3 =	vshra.s32 v3, $0xD  }
0x12e: {  	v3 =	vadd.s32 v50, v3  }
0x12f: {  	v5 =	vmul.u32 $0xFFFFC400, v3  }
0x130: {  	v51 =	vsub.s32 $0x0, v47  }
0x131: {  	vm9 =	vlt.s32 v47, $0x1;
	vm10 =	vne.s32 v5, v51  }
0x132: {  	vm9 =	vmand vm9, vm10  }
0x133: {  	v52 =	vsel vm9, $0xFFFFFFFF, v2  }
0x134: {  	v3 =	vadd.s32 v52, v3  }
0x135: {  	v5 =	vmul.u32 $0xFFFFC400, v3;
	_ =	sdelay $0x1  }
0x136: {  	v4 =	vadd.s32 v47, v5  }
0x137: {  	(v2sf) =	vpush v4, $0xD;
	_ =	sdelay $0x1  }
0x138: {  	(v2sf) =	vpush v4, $0xC;
	_ =	sdelay $0x1  }
0x139: {  	(v2sf) =	vpush v4, $0xE;
	_ =	sdelay $0x1  }
0x13a: {  	(v2sf) =	vpush v4, $0xF;
	_ =	sdelay $0x1  }
0x13b: {  	(v2sf) =	vpush v4, $0x9;
	_ =	sdelay $0x1  }
0x13c: {  	(v2sf) =	vpush v4, $0x8;
	_ =	sdelay $0x1  }
0x13d: {  	(v2sf) =	vpush v4, $0xA;
	_ =	sdelay $0x1  }
0x13e: {  	(v2sf) =	vpush v4, $0xB  }
0x13f: {  	s22 =	spop (v2sf)  }
0x140: {  	(v2sf) =	vpush v4, $0x1;
	s23 =	smulhi.u32 $0x88888889, s22;
	s24 =	sshra.s32 s22, $0x1F  }
0x141: {  	s25 =	spop (v2sf);
	s2 =	smul.u32 $0x88888889, s24  }
0x142: {  	(v2sf) =	vpush v4, $0x0;
	s26 =	smulhi.u32 $0x88888889, s25;
	s28 =	sshra.s32 s25, $0x1F  }
0x143: {  	s29 =	spop (v2sf);
	s8 =	smul.u32 $0x88888889, s28  }
0x144: {  	(v2sf) =	vpush v4, $0x2;
	s0 =	ssub.s32 s23, s22;
	s30 =	smulhi.u32 $0x88888889, s29;
	s31 =	sshra.s32 s29, $0x1F  }
0x145: {  	s5 =	spop (v2sf);
	s0 =	sadd.s32 s2, s0;
	s3 =	smul.u32 $0x88888889, s31  }
0x146: {  	(v2sf) =	vpush v4, $0x3;
	s6 =	ssub.s32 s26, s25;
	s14 =	smulhi.u32 $0x88888889, s5;
	s15 =	sshra.s32 s5, $0x1F  }
0x147: {  	s17 =	spop (v2sf);
	s6 =	sadd.s32 s8, s6;
	s16 =	smul.u32 $0x88888889, s15  }
0x148: {  	(v2sf) =	vpush v4, $0x4;
	s1 =	ssub.s32 s30, s29;
	s21 =	smulhi.u32 $0x88888889, s17;
	s22 =	sshra.s32 s17, $0x1F  }
0x149: {  	s23 =	spop (v2sf);
	s1 =	sadd.s32 s3, s1;
	s13 =	smul.u32 $0x88888889, s22  }
0x14a: {  	(v2sf) =	vpush v4, $0x5;
	s24 =	ssub.s32 s14, s5;
	s25 =	smulhi.u32 $0x88888889, s23;
	s26 =	sshra.s32 s23, $0x1F  }
0x14b: {  	s29 =	spop (v2sf);
	s2 =	sadd.s32 s16, s24;
	s28 =	smul.u32 $0x88888889, s26  }
0x14c: {  	(v2sf) =	vpush v4, $0x6;
	s9 =	ssub.s32 s21, s17;
	s30 =	smulhi.u32 $0x88888889, s29;
	s31 =	sshra.s32 s29, $0x1F  }
0x14d: {  	s5 =	spop (v2sf);
	s9 =	sadd.s32 s13, s9;
	s3 =	smul.u32 $0x88888889, s31  }
0x14e: {  	(v2sf) =	vpush v4, $0x7;
	s7 =	ssub.s32 s25, s23;
	s21 =	smulhi.u32 $0x88888889, s5;
	s22 =	sshra.s32 s5, $0x1F  }
0x14f: {  	s24 =	spop (v2sf);
	s7 =	sadd.s32 s28, s7;
	s23 =	smul.u32 $0x88888889, s22  }
0x150: {  	s10 =	ssub.s32 s30, s29;
	s25 =	smulhi.u32 $0x88888889, s24;
	s26 =	sshra.s32 s24, $0x1F  }
0x151: {  	s29 =	spop (v2sf);
	s10 =	sadd.s32 s3, s10;
	s28 =	smul.u32 $0x88888889, s26  }
0x152: {  	s14 =	ssub.s32 s21, s5;
	s30 =	smulhi.u32 $0x88888889, s29;
	s31 =	sshra.s32 s29, $0x1F  }
0x153: {  	s8 =	sadd.s32 s23, s14;
	s3 =	smul.u32 $0x88888889, s31;
	s5 =	spop (v2sf)  }
0x154: {  	s11 =	ssub.s32 s25, s24;
	s24 =	smulhi.u32 $0x88888889, s5;
	s25 =	sshra.s32 s5, $0x1F  }
0x155: {  	s11 =	sadd.s32 s28, s11;
	s28 =	spop (v2sf);
	s26 =	smul.u32 $0x88888889, s25  }
0x156: {  	s15 =	ssub.s32 s30, s29;
	s29 =	smulhi.u32 $0x88888889, s28;
	s30 =	sshra.s32 s28, $0x1F  }
0x157: {  	s14 =	sadd.s32 s3, s15;
	s3 =	spop (v2sf);
	s31 =	smul.u32 $0x88888889, s30  }
0x158: {  	s16 =	ssub.s32 s24, s5;
	s5 =	smulhi.u32 $0x88888889, s3;
	s25 =	sshra.s32 s3, $0x1F  }
0x159: {  	s24 =	spop (v2sf);
	s13 =	sadd.s32 s26, s16;
	s26 =	smul.u32 $0x88888889, s25  }
0x15a: {  	v53 =	vmov s14;
	s28 =	ssub.s32 s29, s28;
	s29 =	smulhi.u32 $0x88888889, s24;
	s30 =	sshra.s32 s24, $0x1F  }
0x15b: {  	v5 =	vnsel vm3, $0x0, v53;
	s14 =	sadd.s32 s31, s28;
	s15 =	smul.u32 $0x88888889, s30;
	s22 =	spop (v2sf)  }
0x15c: {  	v5 =	vsel vm0, s11, v5;
	s31 =	ssub.s32 s5, s3;
	s3 =	smulhi.u32 $0x88888889, s22;
	s5 =	sshra.s32 s22, $0x1F  }
0x15d: {  	v54 =	vmov s6;
	v55 =	vmov s7;
	v5 =	vsel vm1, s13, v5;
	s25 =	sadd.s32 s26, s31;
	s28 =	spop (v2sf);
	s26 =	smul.u32 $0x88888889, s5  }
0x15e: {  	v6 =	vsel vm0, s0, v54;
	v7 =	vsel vm0, s9, v55;
	v5 =	vsel vm2, s14, v5;
	s29 =	ssub.s32 s29, s24;
	s30 =	smulhi.u32 $0x88888889, s28;
	s31 =	sshra.s32 s28, $0x1F  }
0x15f: {  	v6 =	vsel vm1, s1, v6;
	v7 =	vsel vm1, s10, v7;
	v5 =	vsel vm4, s25, v5;
	s0 =	sadd.s32 s15, s29;
	s3 =	ssub.s32 s3, s22;
	s5 =	smul.u32 $0x88888889, s31  }
0x160: {  	v6 =	vsel vm2, s2, v6;
	v7 =	vsel vm2, s8, v7;
	v5 =	vsel vm5, s0, v5;
	s8 =	sadd.s32 s26, s3;
	s9 =	ssub.s32 s30, s28  }
0x161: {  	v6 =	vcombine.low v7, v6;
	v5 =	vsel vm6, s8, v5;
	s10 =	sadd.s32 s5, s9  }
0x162: {  	v5 =	vsel vm7, s10, v5  }
0x163: {  	v6 =	vperm.xlane v6, v0;
	v5 =	vperm.xlane v5, v1;
	_ =	sdelay $0x1  }
0x164: {  	v5 =	vsel vm8, v5, v6  }
0x165: {  	v5 =	vadd.s32 v4, v5  }
0x166: {  	v56 =	vshrl.u32 v5, $0x1F;
	v5 =	vshra.s32 v5, $0xB  }
0x167: {  	v5 =	vadd.s32 v56, v5  }
0x168: {  	v6 =	vmul.u32 $0xFFFFF100, v5  }
0x169: {  	v57 =	vsub.s32 $0x0, v4  }
0x16a: {  	vm9 =	vlt.s32 v4, $0x1;
	vm10 =	vne.s32 v6, v57  }
0x16b: {  	vm9 =	vmand vm9, vm10  }
0x16c: {  	v58 =	vsel vm9, $0xFFFFFFFF, v2  }
0x16d: {  	v3 =	vmul.u32 $0xF00, v3;
	v5 =	vadd.s32 v58, v5  }
0x16e: {  	v6 =	vmul.u32 $0xFFFFF100, v5  }
0x16f: {  	v3 =	vadd.s32 v3, v4  }
0x170: {  	v3 =	vadd.s32 v6, v3  }
0x171: {  	[tilespmem:s19+$0xFFFFFFE0] =	vst v3;
	v3 =	vshll.u32 v5, $0x5  }
0x172: {  	[tilespmem:s20+$0xFFFFFFE0] =	vst v3  }
0x173: {  	v59 =	vld [tilespmem:s19+$0xFFFFFFF0];
	_ =	sdelay $0x4  }
0x174: {  	(v2sf) =	vpush v59, $0xD;
	_ =	sdelay $0x1  }
0x175: {  	(v2sf) =	vpush v59, $0xC;
	_ =	sdelay $0x1  }
0x176: {  	(v2sf) =	vpush v59, $0xE;
	_ =	sdelay $0x1  }
0x177: {  	(v2sf) =	vpush v59, $0xF;
	_ =	sdelay $0x1  }
0x178: {  	(v2sf) =	vpush v59, $0x9;
	_ =	sdelay $0x1  }
0x179: {  	(v2sf) =	vpush v59, $0x8;
	_ =	sdelay $0x1  }
0x17a: {  	(v2sf) =	vpush v59, $0xA;
	_ =	sdelay $0x1  }
0x17b: {  	(v2sf) =	vpush v59, $0xB  }
0x17c: {  	s11 =	spop (v2sf)  }
0x17d: {  	(v2sf) =	vpush v59, $0x1;
	s13 =	smulhi.u32 $0x88888889, s11;
	s14 =	sshra.s32 s11, $0x1F  }
0x17e: {  	s15 =	spop (v2sf);
	s2 =	smul.u32 $0x88888889, s14  }
0x17f: {  	(v2sf) =	vpush v59, $0x0;
	s16 =	smulhi.u32 $0x88888889, s15;
	s17 =	sshra.s32 s15, $0x1F  }
0x180: {  	s21 =	spop (v2sf);
	s8 =	smul.u32 $0x88888889, s17  }
0x181: {  	(v2sf) =	vpush v59, $0x2;
	s0 =	ssub.s32 s13, s11;
	s22 =	smulhi.u32 $0x88888889, s21;
	s23 =	sshra.s32 s21, $0x1F  }
0x182: {  	s25 =	spop (v2sf);
	s0 =	sadd.s32 s2, s0;
	s24 =	smul.u32 $0x88888889, s23  }
0x183: {  	(v2sf) =	vpush v59, $0x3;
	s6 =	ssub.s32 s16, s15;
	s26 =	smulhi.u32 $0x88888889, s25;
	s28 =	sshra.s32 s25, $0x1F  }
0x184: {  	s30 =	spop (v2sf);
	s6 =	sadd.s32 s8, s6;
	s29 =	smul.u32 $0x88888889, s28  }
0x185: {  	(v2sf) =	vpush v59, $0x4;
	s1 =	ssub.s32 s22, s21;
	s31 =	smulhi.u32 $0x88888889, s30;
	s3 =	sshra.s32 s30, $0x1F  }
0x186: {  	s5 =	spop (v2sf);
	s1 =	sadd.s32 s24, s1;
	s13 =	smul.u32 $0x88888889, s3  }
0x187: {  	(v2sf) =	vpush v59, $0x5;
	s16 =	ssub.s32 s26, s25;
	s17 =	smulhi.u32 $0x88888889, s5;
	s21 =	sshra.s32 s5, $0x1F  }
0x188: {  	s23 =	spop (v2sf);
	s2 =	sadd.s32 s29, s16;
	s22 =	smul.u32 $0x88888889, s21  }
0x189: {  	(v2sf) =	vpush v59, $0x6;
	s9 =	ssub.s32 s31, s30;
	s24 =	smulhi.u32 $0x88888889, s23;
	s25 =	sshra.s32 s23, $0x1F  }
0x18a: {  	s28 =	spop (v2sf);
	s9 =	sadd.s32 s13, s9;
	s26 =	smul.u32 $0x88888889, s25  }
0x18b: {  	(v2sf) =	vpush v59, $0x7;
	s7 =	ssub.s32 s17, s5;
	s29 =	smulhi.u32 $0x88888889, s28;
	s30 =	sshra.s32 s28, $0x1F  }
0x18c: {  	s3 =	spop (v2sf);
	s7 =	sadd.s32 s22, s7;
	s31 =	smul.u32 $0x88888889, s30  }
0x18d: {  	s10 =	ssub.s32 s24, s23;
	s5 =	smulhi.u32 $0x88888889, s3;
	s21 =	sshra.s32 s3, $0x1F  }
0x18e: {  	s23 =	spop (v2sf);
	s10 =	sadd.s32 s26, s10;
	s22 =	smul.u32 $0x88888889, s21  }
0x18f: {  	s14 =	ssub.s32 s29, s28;
	s24 =	smulhi.u32 $0x88888889, s23;
	s25 =	sshra.s32 s23, $0x1F  }
0x190: {  	s8 =	sadd.s32 s31, s14;
	s26 =	smul.u32 $0x88888889, s25;
	s28 =	spop (v2sf)  }
0x191: {  	s11 =	ssub.s32 s5, s3;
	s29 =	smulhi.u32 $0x88888889, s28;
	s30 =	sshra.s32 s28, $0x1F  }
0x192: {  	s11 =	sadd.s32 s22, s11;
	s3 =	spop (v2sf);
	s31 =	smul.u32 $0x88888889, s30  }
0x193: {  	s15 =	ssub.s32 s24, s23;
	s5 =	smulhi.u32 $0x88888889, s3;
	s24 =	sshra.s32 s3, $0x1F  }
0x194: {  	s14 =	sadd.s32 s26, s15;
	s26 =	spop (v2sf);
	s25 =	smul.u32 $0x88888889, s24  }
0x195: {  	s16 =	ssub.s32 s29, s28;
	s28 =	smulhi.u32 $0x88888889, s26;
	s29 =	sshra.s32 s26, $0x1F  }
0x196: {  	s24 =	spop (v2sf);
	s13 =	sadd.s32 s31, s16;
	s30 =	smul.u32 $0x88888889, s29  }
0x197: {  	v3 =	vmov s14;
	s31 =	ssub.s32 s5, s3;
	s3 =	smulhi.u32 $0x88888889, s24;
	s5 =	sshra.s32 s24, $0x1F  }
0x198: {  	v3 =	vnsel vm3, $0x0, v3;
	s14 =	sadd.s32 s25, s31;
	s15 =	smul.u32 $0x88888889, s5;
	s22 =	spop (v2sf)  }
0x199: {  	v3 =	vsel vm0, s11, v3;
	s23 =	ssub.s32 s28, s26;
	s25 =	smulhi.u32 $0x88888889, s22;
	s26 =	sshra.s32 s22, $0x1F  }
0x19a: {  	v60 =	vmov s6;
	v61 =	vmov s7;
	v3 =	vsel vm1, s13, v3;
	s28 =	sadd.s32 s30, s23;
	s30 =	spop (v2sf);
	s29 =	smul.u32 $0x88888889, s26  }
0x19b: {  	v5 =	vsel vm0, s0, v60;
	v6 =	vsel vm0, s9, v61;
	v3 =	vsel vm2, s14, v3;
	s31 =	ssub.s32 s3, s24;
	s3 =	smulhi.u32 $0x88888889, s30;
	s5 =	sshra.s32 s30, $0x1F  }
0x19c: {  	v5 =	vsel vm1, s1, v5;
	v6 =	vsel vm1, s10, v6;
	v3 =	vsel vm4, s28, v3;
	s0 =	sadd.s32 s15, s31;
	s14 =	ssub.s32 s25, s22;
	s15 =	smul.u32 $0x88888889, s5  }
0x19d: {  	v5 =	vsel vm2, s2, v5;
	v6 =	vsel vm2, s8, v6;
	v3 =	vsel vm5, s0, v3;
	s16 =	sadd.s32 s29, s14;
	s17 =	ssub.s32 s3, s30  }
0x19e: {  	v5 =	vcombine.low v6, v5;
	v3 =	vsel vm6, s16, v3;
	s21 =	sadd.s32 s15, s17  }
0x19f: {  	v3 =	vsel vm7, s21, v3  }
0x1a0: {  	v5 =	vperm.xlane v5, v0;
	v3 =	vperm.xlane v3, v1;
	_ =	sdelay $0x1  }
0x1a1: {  	v3 =	vsel vm8, v3, v5  }
0x1a2: {  	v3 =	vadd.s32 v59, v3  }
0x1a3: {  	v62 =	vshrl.u32 v3, $0x1F;
	v3 =	vshra.s32 v3, $0xD  }
0x1a4: {  	v3 =	vadd.s32 v62, v3  }
0x1a5: {  	v5 =	vmul.u32 $0xFFFFC400, v3  }
0x1a6: {  	v63 =	vsub.s32 $0x0, v59  }
0x1a7: {  	vm9 =	vlt.s32 v59, $0x1;
	vm10 =	vne.s32 v5, v63  }
0x1a8: {  	vm9 =	vmand vm9, vm10  }
0x1a9: {  	v9 =	vsel vm9, $0xFFFFFFFF, v2  }
0x1aa: {  	v3 =	vadd.s32 v9, v3  }
0x1ab: {  	v5 =	vmul.u32 $0xFFFFC400, v3;
	_ =	sdelay $0x1  }
0x1ac: {  	v4 =	vadd.s32 v59, v5  }
0x1ad: {  	(v2sf) =	vpush v4, $0xD;
	_ =	sdelay $0x1  }
0x1ae: {  	(v2sf) =	vpush v4, $0xC;
	_ =	sdelay $0x1  }
0x1af: {  	(v2sf) =	vpush v4, $0xE;
	_ =	sdelay $0x1  }
0x1b0: {  	(v2sf) =	vpush v4, $0xF;
	_ =	sdelay $0x1  }
0x1b1: {  	(v2sf) =	vpush v4, $0x9;
	_ =	sdelay $0x1  }
0x1b2: {  	(v2sf) =	vpush v4, $0x8;
	_ =	sdelay $0x1  }
0x1b3: {  	(v2sf) =	vpush v4, $0xA;
	_ =	sdelay $0x1  }
0x1b4: {  	(v2sf) =	vpush v4, $0xB  }
0x1b5: {  	s22 =	spop (v2sf)  }
0x1b6: {  	(v2sf) =	vpush v4, $0x1;
	s23 =	smulhi.u32 $0x88888889, s22;
	s24 =	sshra.s32 s22, $0x1F  }
0x1b7: {  	s25 =	spop (v2sf);
	s2 =	smul.u32 $0x88888889, s24  }
0x1b8: {  	(v2sf) =	vpush v4, $0x0;
	s26 =	smulhi.u32 $0x88888889, s25;
	s28 =	sshra.s32 s25, $0x1F  }
0x1b9: {  	s29 =	spop (v2sf);
	s8 =	smul.u32 $0x88888889, s28  }
0x1ba: {  	(v2sf) =	vpush v4, $0x2;
	s0 =	ssub.s32 s23, s22;
	s30 =	smulhi.u32 $0x88888889, s29;
	s31 =	sshra.s32 s29, $0x1F  }
0x1bb: {  	s5 =	spop (v2sf);
	s0 =	sadd.s32 s2, s0;
	s3 =	smul.u32 $0x88888889, s31  }
0x1bc: {  	(v2sf) =	vpush v4, $0x3;
	s6 =	ssub.s32 s26, s25;
	s14 =	smulhi.u32 $0x88888889, s5;
	s15 =	sshra.s32 s5, $0x1F  }
0x1bd: {  	s17 =	spop (v2sf);
	s6 =	sadd.s32 s8, s6;
	s16 =	smul.u32 $0x88888889, s15  }
0x1be: {  	(v2sf) =	vpush v4, $0x4;
	s1 =	ssub.s32 s30, s29;
	s21 =	smulhi.u32 $0x88888889, s17;
	s22 =	sshra.s32 s17, $0x1F  }
0x1bf: {  	s23 =	spop (v2sf);
	s1 =	sadd.s32 s3, s1;
	s13 =	smul.u32 $0x88888889, s22  }
0x1c0: {  	(v2sf) =	vpush v4, $0x5;
	s24 =	ssub.s32 s14, s5;
	s25 =	smulhi.u32 $0x88888889, s23;
	s26 =	sshra.s32 s23, $0x1F  }
0x1c1: {  	s29 =	spop (v2sf);
	s2 =	sadd.s32 s16, s24;
	s28 =	smul.u32 $0x88888889, s26  }
0x1c2: {  	(v2sf) =	vpush v4, $0x6;
	s9 =	ssub.s32 s21, s17;
	s30 =	smulhi.u32 $0x88888889, s29;
	s31 =	sshra.s32 s29, $0x1F  }
0x1c3: {  	s5 =	spop (v2sf);
	s9 =	sadd.s32 s13, s9;
	s3 =	smul.u32 $0x88888889, s31  }
0x1c4: {  	(v2sf) =	vpush v4, $0x7;
	s7 =	ssub.s32 s25, s23;
	s21 =	smulhi.u32 $0x88888889, s5;
	s22 =	sshra.s32 s5, $0x1F  }
0x1c5: {  	s24 =	spop (v2sf);
	s7 =	sadd.s32 s28, s7;
	s23 =	smul.u32 $0x88888889, s22  }
0x1c6: {  	s10 =	ssub.s32 s30, s29;
	s25 =	smulhi.u32 $0x88888889, s24;
	s26 =	sshra.s32 s24, $0x1F  }
0x1c7: {  	s29 =	spop (v2sf);
	s10 =	sadd.s32 s3, s10;
	s28 =	smul.u32 $0x88888889, s26  }
0x1c8: {  	s14 =	ssub.s32 s21, s5;
	s30 =	smulhi.u32 $0x88888889, s29;
	s31 =	sshra.s32 s29, $0x1F  }
0x1c9: {  	s8 =	sadd.s32 s23, s14;
	s3 =	smul.u32 $0x88888889, s31;
	s5 =	spop (v2sf)  }
0x1ca: {  	s11 =	ssub.s32 s25, s24;
	s24 =	smulhi.u32 $0x88888889, s5;
	s25 =	sshra.s32 s5, $0x1F  }
0x1cb: {  	s11 =	sadd.s32 s28, s11;
	s28 =	spop (v2sf);
	s26 =	smul.u32 $0x88888889, s25  }
0x1cc: {  	s15 =	ssub.s32 s30, s29;
	s29 =	smulhi.u32 $0x88888889, s28;
	s30 =	sshra.s32 s28, $0x1F  }
0x1cd: {  	s14 =	sadd.s32 s3, s15;
	s3 =	spop (v2sf);
	s31 =	smul.u32 $0x88888889, s30  }
0x1ce: {  	s16 =	ssub.s32 s24, s5;
	s5 =	smulhi.u32 $0x88888889, s3;
	s25 =	sshra.s32 s3, $0x1F  }
0x1cf: {  	s24 =	spop (v2sf);
	s13 =	sadd.s32 s26, s16;
	s26 =	smul.u32 $0x88888889, s25  }
0x1d0: {  	v10 =	vmov s14;
	s28 =	ssub.s32 s29, s28;
	s29 =	smulhi.u32 $0x88888889, s24;
	s30 =	sshra.s32 s24, $0x1F  }
0x1d1: {  	v5 =	vnsel vm3, $0x0, v10;
	s14 =	sadd.s32 s31, s28;
	s15 =	smul.u32 $0x88888889, s30;
	s22 =	spop (v2sf)  }
0x1d2: {  	v5 =	vsel vm0, s11, v5;
	s31 =	ssub.s32 s5, s3;
	s3 =	smulhi.u32 $0x88888889, s22;
	s5 =	sshra.s32 s22, $0x1F  }
0x1d3: {  	v11 =	vmov s6;
	v12 =	vmov s7;
	v5 =	vsel vm1, s13, v5;
	s25 =	sadd.s32 s26, s31;
	s28 =	spop (v2sf);
	s26 =	smul.u32 $0x88888889, s5  }
0x1d4: {  	v6 =	vsel vm0, s0, v11;
	v7 =	vsel vm0, s9, v12;
	v5 =	vsel vm2, s14, v5;
	s29 =	ssub.s32 s29, s24;
	s30 =	smulhi.u32 $0x88888889, s28;
	s31 =	sshra.s32 s28, $0x1F  }
0x1d5: {  	v6 =	vsel vm1, s1, v6;
	v7 =	vsel vm1, s10, v7;
	v5 =	vsel vm4, s25, v5;
	s0 =	sadd.s32 s15, s29;
	s3 =	ssub.s32 s3, s22;
	s5 =	smul.u32 $0x88888889, s31  }
0x1d6: {  	v6 =	vsel vm2, s2, v6;
	v7 =	vsel vm2, s8, v7;
	v5 =	vsel vm5, s0, v5;
	s8 =	sadd.s32 s26, s3;
	s9 =	ssub.s32 s30, s28  }
0x1d7: {  	v6 =	vcombine.low v7, v6;
	v5 =	vsel vm6, s8, v5;
	s10 =	sadd.s32 s5, s9  }
0x1d8: {  	v5 =	vsel vm7, s10, v5  }
0x1d9: {  	v6 =	vperm.xlane v6, v0;
	v5 =	vperm.xlane v5, v1;
	_ =	sdelay $0x1  }
0x1da: {  	v5 =	vsel vm8, v5, v6  }
0x1db: {  	v5 =	vadd.s32 v4, v5  }
0x1dc: {  	v13 =	vshrl.u32 v5, $0x1F;
	v5 =	vshra.s32 v5, $0xB  }
0x1dd: {  	v5 =	vadd.s32 v13, v5  }
0x1de: {  	v6 =	vmul.u32 $0xFFFFF100, v5  }
0x1df: {  	v14 =	vsub.s32 $0x0, v4  }
0x1e0: {  	vm9 =	vlt.s32 v4, $0x1;
	vm10 =	vne.s32 v6, v14  }
0x1e1: {  	vm9 =	vmand vm9, vm10  }
0x1e2: {  	v15 =	vsel vm9, $0xFFFFFFFF, v2  }
0x1e3: {  	v3 =	vmul.u32 $0xF00, v3;
	v5 =	vadd.s32 v15, v5  }
0x1e4: {  	v6 =	vmul.u32 $0xFFFFF100, v5  }
0x1e5: {  	v3 =	vadd.s32 v3, v4  }
0x1e6: {  	v3 =	vadd.s32 v6, v3  }
0x1e7: {  	[tilespmem:s19+$0xFFFFFFF0] =	vst v3;
	v3 =	vshll.u32 v5, $0x5  }
0x1e8: {  	[tilespmem:s20+$0xFFFFFFF0] =	vst v3  }
0x1e9: {  	v16 =	vld [tilespmem:s19+$0x0];
	_ =	sdelay $0x4  }
0x1ea: {  	(v2sf) =	vpush v16, $0xD;
	_ =	sdelay $0x1  }
0x1eb: {  	(v2sf) =	vpush v16, $0xC;
	_ =	sdelay $0x1  }
0x1ec: {  	(v2sf) =	vpush v16, $0xE;
	_ =	sdelay $0x1  }
0x1ed: {  	(v2sf) =	vpush v16, $0xF;
	_ =	sdelay $0x1  }
0x1ee: {  	(v2sf) =	vpush v16, $0x9;
	_ =	sdelay $0x1  }
0x1ef: {  	(v2sf) =	vpush v16, $0x8;
	_ =	sdelay $0x1  }
0x1f0: {  	(v2sf) =	vpush v16, $0xA;
	_ =	sdelay $0x1  }
0x1f1: {  	(v2sf) =	vpush v16, $0xB  }
0x1f2: {  	s11 =	spop (v2sf)  }
0x1f3: {  	(v2sf) =	vpush v16, $0x1;
	s13 =	smulhi.u32 $0x88888889, s11;
	s14 =	sshra.s32 s11, $0x1F  }
0x1f4: {  	s15 =	spop (v2sf);
	s2 =	smul.u32 $0x88888889, s14  }
0x1f5: {  	(v2sf) =	vpush v16, $0x0;
	s16 =	smulhi.u32 $0x88888889, s15;
	s17 =	sshra.s32 s15, $0x1F  }
0x1f6: {  	s21 =	spop (v2sf);
	s8 =	smul.u32 $0x88888889, s17  }
0x1f7: {  	(v2sf) =	vpush v16, $0x2;
	s0 =	ssub.s32 s13, s11;
	s22 =	smulhi.u32 $0x88888889, s21;
	s23 =	sshra.s32 s21, $0x1F  }
0x1f8: {  	s25 =	spop (v2sf);
	s0 =	sadd.s32 s2, s0;
	s24 =	smul.u32 $0x88888889, s23  }
0x1f9: {  	(v2sf) =	vpush v16, $0x3;
	s6 =	ssub.s32 s16, s15;
	s26 =	smulhi.u32 $0x88888889, s25;
	s28 =	sshra.s32 s25, $0x1F  }
0x1fa: {  	s30 =	spop (v2sf);
	s6 =	sadd.s32 s8, s6;
	s29 =	smul.u32 $0x88888889, s28  }
0x1fb: {  	(v2sf) =	vpush v16, $0x4;
	s1 =	ssub.s32 s22, s21;
	s31 =	smulhi.u32 $0x88888889, s30;
	s3 =	sshra.s32 s30, $0x1F  }
0x1fc: {  	s5 =	spop (v2sf);
	s1 =	sadd.s32 s24, s1;
	s13 =	smul.u32 $0x88888889, s3  }
0x1fd: {  	(v2sf) =	vpush v16, $0x5;
	s16 =	ssub.s32 s26, s25;
	s17 =	smulhi.u32 $0x88888889, s5;
	s21 =	sshra.s32 s5, $0x1F  }
0x1fe: {  	s23 =	spop (v2sf);
	s2 =	sadd.s32 s29, s16;
	s22 =	smul.u32 $0x88888889, s21  }
0x1ff: {  	(v2sf) =	vpush v16, $0x6;
	s9 =	ssub.s32 s31, s30;
	s24 =	smulhi.u32 $0x88888889, s23;
	s25 =	sshra.s32 s23, $0x1F  }
0x200: {  	s28 =	spop (v2sf);
	s9 =	sadd.s32 s13, s9;
	s26 =	smul.u32 $0x88888889, s25  }
0x201: {  	(v2sf) =	vpush v16, $0x7;
	s7 =	ssub.s32 s17, s5;
	s29 =	smulhi.u32 $0x88888889, s28;
	s30 =	sshra.s32 s28, $0x1F  }
0x202: {  	s3 =	spop (v2sf);
	s7 =	sadd.s32 s22, s7;
	s31 =	smul.u32 $0x88888889, s30  }
0x203: {  	s10 =	ssub.s32 s24, s23;
	s5 =	smulhi.u32 $0x88888889, s3;
	s21 =	sshra.s32 s3, $0x1F  }
0x204: {  	s23 =	spop (v2sf);
	s10 =	sadd.s32 s26, s10;
	s22 =	smul.u32 $0x88888889, s21  }
0x205: {  	s14 =	ssub.s32 s29, s28;
	s24 =	smulhi.u32 $0x88888889, s23;
	s25 =	sshra.s32 s23, $0x1F  }
0x206: {  	s8 =	sadd.s32 s31, s14;
	s26 =	smul.u32 $0x88888889, s25;
	s28 =	spop (v2sf)  }
0x207: {  	s11 =	ssub.s32 s5, s3;
	s29 =	smulhi.u32 $0x88888889, s28;
	s30 =	sshra.s32 s28, $0x1F  }
0x208: {  	s11 =	sadd.s32 s22, s11;
	s3 =	spop (v2sf);
	s31 =	smul.u32 $0x88888889, s30  }
0x209: {  	s15 =	ssub.s32 s24, s23;
	s5 =	smulhi.u32 $0x88888889, s3;
	s24 =	sshra.s32 s3, $0x1F  }
0x20a: {  	s14 =	sadd.s32 s26, s15;
	s26 =	spop (v2sf);
	s25 =	smul.u32 $0x88888889, s24  }
0x20b: {  	s16 =	ssub.s32 s29, s28;
	s28 =	smulhi.u32 $0x88888889, s26;
	s29 =	sshra.s32 s26, $0x1F  }
0x20c: {  	s24 =	spop (v2sf);
	s13 =	sadd.s32 s31, s16;
	s30 =	smul.u32 $0x88888889, s29  }
0x20d: {  	v3 =	vmov s14;
	s31 =	ssub.s32 s5, s3;
	s3 =	smulhi.u32 $0x88888889, s24;
	s5 =	sshra.s32 s24, $0x1F  }
0x20e: {  	v3 =	vnsel vm3, $0x0, v3;
	s14 =	sadd.s32 s25, s31;
	s15 =	smul.u32 $0x88888889, s5;
	s22 =	spop (v2sf)  }
0x20f: {  	v3 =	vsel vm0, s11, v3;
	s23 =	ssub.s32 s28, s26;
	s25 =	smulhi.u32 $0x88888889, s22;
	s26 =	sshra.s32 s22, $0x1F  }
0x210: {  	v17 =	vmov s6;
	v18 =	vmov s7;
	v3 =	vsel vm1, s13, v3;
	s28 =	sadd.s32 s30, s23;
	s30 =	spop (v2sf);
	s29 =	smul.u32 $0x88888889, s26  }
0x211: {  	v5 =	vsel vm0, s0, v17;
	v6 =	vsel vm0, s9, v18;
	v3 =	vsel vm2, s14, v3;
	s31 =	ssub.s32 s3, s24;
	s3 =	smulhi.u32 $0x88888889, s30;
	s5 =	sshra.s32 s30, $0x1F  }
0x212: {  	v5 =	vsel vm1, s1, v5;
	v6 =	vsel vm1, s10, v6;
	v3 =	vsel vm4, s28, v3;
	s0 =	sadd.s32 s15, s31;
	s14 =	ssub.s32 s25, s22;
	s15 =	smul.u32 $0x88888889, s5  }
0x213: {  	v5 =	vsel vm2, s2, v5;
	v6 =	vsel vm2, s8, v6;
	v3 =	vsel vm5, s0, v3;
	s16 =	sadd.s32 s29, s14;
	s17 =	ssub.s32 s3, s30  }
0x214: {  	v5 =	vcombine.low v6, v5;
	v3 =	vsel vm6, s16, v3;
	s21 =	sadd.s32 s15, s17  }
0x215: {  	v3 =	vsel vm7, s21, v3  }
0x216: {  	v5 =	vperm.xlane v5, v0;
	v3 =	vperm.xlane v3, v1;
	_ =	sdelay $0x1  }
0x217: {  	v3 =	vsel vm8, v3, v5  }
0x218: {  	v3 =	vadd.s32 v16, v3  }
0x219: {  	v19 =	vshrl.u32 v3, $0x1F;
	v3 =	vshra.s32 v3, $0xD  }
0x21a: {  	v3 =	vadd.s32 v19, v3  }
0x21b: {  	v5 =	vmul.u32 $0xFFFFC400, v3  }
0x21c: {  	v20 =	vsub.s32 $0x0, v16  }
0x21d: {  	vm9 =	vlt.s32 v16, $0x1;
	vm10 =	vne.s32 v5, v20  }
0x21e: {  	vm9 =	vmand vm9, vm10  }
0x21f: {  	v21 =	vsel vm9, $0xFFFFFFFF, v2  }
0x220: {  	v3 =	vadd.s32 v21, v3  }
0x221: {  	v5 =	vmul.u32 $0xFFFFC400, v3;
	_ =	sdelay $0x1  }
0x222: {  	v4 =	vadd.s32 v16, v5  }
0x223: {  	(v2sf) =	vpush v4, $0xD;
	_ =	sdelay $0x1  }
0x224: {  	(v2sf) =	vpush v4, $0xC;
	_ =	sdelay $0x1  }
0x225: {  	(v2sf) =	vpush v4, $0xE;
	_ =	sdelay $0x1  }
0x226: {  	(v2sf) =	vpush v4, $0xF;
	_ =	sdelay $0x1  }
0x227: {  	(v2sf) =	vpush v4, $0x9;
	_ =	sdelay $0x1  }
0x228: {  	(v2sf) =	vpush v4, $0x8;
	_ =	sdelay $0x1  }
0x229: {  	(v2sf) =	vpush v4, $0xA;
	_ =	sdelay $0x1  }
0x22a: {  	(v2sf) =	vpush v4, $0xB  }
0x22b: {  	s22 =	spop (v2sf)  }
0x22c: {  	(v2sf) =	vpush v4, $0x1;
	s23 =	smulhi.u32 $0x88888889, s22;
	s24 =	sshra.s32 s22, $0x1F  }
0x22d: {  	s25 =	spop (v2sf);
	s2 =	smul.u32 $0x88888889, s24  }
0x22e: {  	(v2sf) =	vpush v4, $0x0;
	s26 =	smulhi.u32 $0x88888889, s25;
	s28 =	sshra.s32 s25, $0x1F  }
0x22f: {  	s29 =	spop (v2sf);
	s8 =	smul.u32 $0x88888889, s28  }
0x230: {  	(v2sf) =	vpush v4, $0x2;
	s0 =	ssub.s32 s23, s22;
	s30 =	smulhi.u32 $0x88888889, s29;
	s31 =	sshra.s32 s29, $0x1F  }
0x231: {  	s5 =	spop (v2sf);
	s0 =	sadd.s32 s2, s0;
	s3 =	smul.u32 $0x88888889, s31  }
0x232: {  	(v2sf) =	vpush v4, $0x3;
	s6 =	ssub.s32 s26, s25;
	s14 =	smulhi.u32 $0x88888889, s5;
	s15 =	sshra.s32 s5, $0x1F  }
0x233: {  	s17 =	spop (v2sf);
	s6 =	sadd.s32 s8, s6;
	s16 =	smul.u32 $0x88888889, s15  }
0x234: {  	(v2sf) =	vpush v4, $0x4;
	s1 =	ssub.s32 s30, s29;
	s21 =	smulhi.u32 $0x88888889, s17;
	s22 =	sshra.s32 s17, $0x1F  }
0x235: {  	s23 =	spop (v2sf);
	s1 =	sadd.s32 s3, s1;
	s13 =	smul.u32 $0x88888889, s22  }
0x236: {  	(v2sf) =	vpush v4, $0x5;
	s24 =	ssub.s32 s14, s5;
	s25 =	smulhi.u32 $0x88888889, s23;
	s26 =	sshra.s32 s23, $0x1F  }
0x237: {  	s29 =	spop (v2sf);
	s2 =	sadd.s32 s16, s24;
	s28 =	smul.u32 $0x88888889, s26  }
0x238: {  	(v2sf) =	vpush v4, $0x6;
	s9 =	ssub.s32 s21, s17;
	s30 =	smulhi.u32 $0x88888889, s29;
	s31 =	sshra.s32 s29, $0x1F  }
0x239: {  	s5 =	spop (v2sf);
	s9 =	sadd.s32 s13, s9;
	s3 =	smul.u32 $0x88888889, s31  }
0x23a: {  	(v2sf) =	vpush v4, $0x7;
	s7 =	ssub.s32 s25, s23;
	s21 =	smulhi.u32 $0x88888889, s5;
	s22 =	sshra.s32 s5, $0x1F  }
0x23b: {  	s24 =	spop (v2sf);
	s7 =	sadd.s32 s28, s7;
	s23 =	smul.u32 $0x88888889, s22  }
0x23c: {  	s10 =	ssub.s32 s30, s29;
	s25 =	smulhi.u32 $0x88888889, s24;
	s26 =	sshra.s32 s24, $0x1F  }
0x23d: {  	s29 =	spop (v2sf);
	s10 =	sadd.s32 s3, s10;
	s28 =	smul.u32 $0x88888889, s26  }
0x23e: {  	s14 =	ssub.s32 s21, s5;
	s30 =	smulhi.u32 $0x88888889, s29;
	s31 =	sshra.s32 s29, $0x1F  }
0x23f: {  	s8 =	sadd.s32 s23, s14;
	s3 =	smul.u32 $0x88888889, s31;
	s5 =	spop (v2sf)  }
0x240: {  	s11 =	ssub.s32 s25, s24;
	s24 =	smulhi.u32 $0x88888889, s5;
	s25 =	sshra.s32 s5, $0x1F  }
0x241: {  	s11 =	sadd.s32 s28, s11;
	s28 =	spop (v2sf);
	s26 =	smul.u32 $0x88888889, s25  }
0x242: {  	s15 =	ssub.s32 s30, s29;
	s29 =	smulhi.u32 $0x88888889, s28;
	s30 =	sshra.s32 s28, $0x1F  }
0x243: {  	s14 =	sadd.s32 s3, s15;
	s3 =	spop (v2sf);
	s31 =	smul.u32 $0x88888889, s30  }
0x244: {  	s16 =	ssub.s32 s24, s5;
	s5 =	smulhi.u32 $0x88888889, s3;
	s25 =	sshra.s32 s3, $0x1F  }
0x245: {  	s24 =	spop (v2sf);
	s13 =	sadd.s32 s26, s16;
	s26 =	smul.u32 $0x88888889, s25  }
0x246: {  	v22 =	vmov s14;
	s28 =	ssub.s32 s29, s28;
	s29 =	smulhi.u32 $0x88888889, s24;
	s30 =	sshra.s32 s24, $0x1F  }
0x247: {  	v5 =	vnsel vm3, $0x0, v22;
	s14 =	sadd.s32 s31, s28;
	s15 =	smul.u32 $0x88888889, s30;
	s22 =	spop (v2sf)  }
0x248: {  	v5 =	vsel vm0, s11, v5;
	s31 =	ssub.s32 s5, s3;
	s3 =	smulhi.u32 $0x88888889, s22;
	s5 =	sshra.s32 s22, $0x1F  }
0x249: {  	v23 =	vmov s6;
	v24 =	vmov s7;
	v5 =	vsel vm1, s13, v5;
	s25 =	sadd.s32 s26, s31;
	s28 =	spop (v2sf);
	s26 =	smul.u32 $0x88888889, s5  }
0x24a: {  	v6 =	vsel vm0, s0, v23;
	v7 =	vsel vm0, s9, v24;
	v5 =	vsel vm2, s14, v5;
	s29 =	ssub.s32 s29, s24;
	s30 =	smulhi.u32 $0x88888889, s28;
	s31 =	sshra.s32 s28, $0x1F  }
0x24b: {  	v6 =	vsel vm1, s1, v6;
	v7 =	vsel vm1, s10, v7;
	v5 =	vsel vm4, s25, v5;
	s0 =	sadd.s32 s15, s29;
	s3 =	ssub.s32 s3, s22;
	s5 =	smul.u32 $0x88888889, s31  }
0x24c: {  	v6 =	vsel vm2, s2, v6;
	v7 =	vsel vm2, s8, v7;
	v5 =	vsel vm5, s0, v5;
	s8 =	sadd.s32 s26, s3;
	s9 =	ssub.s32 s30, s28  }
0x24d: {  	v6 =	vcombine.low v7, v6;
	v5 =	vsel vm6, s8, v5;
	s10 =	sadd.s32 s5, s9  }
0x24e: {  	v5 =	vsel vm7, s10, v5  }
0x24f: {  	v6 =	vperm.xlane v6, v0;
	v5 =	vperm.xlane v5, v1;
	_ =	sdelay $0x1  }
0x250: {  	v5 =	vsel vm8, v5, v6  }
0x251: {  	v5 =	vadd.s32 v4, v5  }
0x252: {  	v25 =	vshrl.u32 v5, $0x1F;
	v5 =	vshra.s32 v5, $0xB  }
0x253: {  	v5 =	vadd.s32 v25, v5  }
0x254: {  	v6 =	vmul.u32 $0xFFFFF100, v5  }
0x255: {  	v26 =	vsub.s32 $0x0, v4  }
0x256: {  	vm9 =	vlt.s32 v4, $0x1;
	vm10 =	vne.s32 v6, v26  }
0x257: {  	vm9 =	vmand vm9, vm10  }
0x258: {  	v27 =	vsel vm9, $0xFFFFFFFF, v2  }
0x259: {  	v3 =	vmul.u32 $0xF00, v3;
	v5 =	vadd.s32 v27, v5  }
0x25a: {  	v6 =	vmul.u32 $0xFFFFF100, v5  }
0x25b: {  	v3 =	vadd.s32 v3, v4  }
0x25c: {  	v3 =	vadd.s32 v6, v3  }
0x25d: {  	[tilespmem:s19+$0x0] =	vst v3;
	v3 =	vshll.u32 v5, $0x5  }
0x25e: {  	[tilespmem:s20+$0x0] =	vst v3  }
0x25f: {  	v28 =	vld [tilespmem:s19+$0x10];
	_ =	sdelay $0x4  }
0x260: {  	(v2sf) =	vpush v28, $0xD;
	_ =	sdelay $0x1  }
0x261: {  	(v2sf) =	vpush v28, $0xC;
	_ =	sdelay $0x1  }
0x262: {  	(v2sf) =	vpush v28, $0xE;
	_ =	sdelay $0x1  }
0x263: {  	(v2sf) =	vpush v28, $0xF;
	_ =	sdelay $0x1  }
0x264: {  	(v2sf) =	vpush v28, $0x9;
	_ =	sdelay $0x1  }
0x265: {  	(v2sf) =	vpush v28, $0x8;
	_ =	sdelay $0x1  }
0x266: {  	(v2sf) =	vpush v28, $0xA;
	_ =	sdelay $0x1  }
0x267: {  	(v2sf) =	vpush v28, $0xB  }
0x268: {  	s11 =	spop (v2sf)  }
0x269: {  	(v2sf) =	vpush v28, $0x1;
	s13 =	smulhi.u32 $0x88888889, s11;
	s14 =	sshra.s32 s11, $0x1F  }
0x26a: {  	s15 =	spop (v2sf);
	s2 =	smul.u32 $0x88888889, s14  }
0x26b: {  	(v2sf) =	vpush v28, $0x0;
	s16 =	smulhi.u32 $0x88888889, s15;
	s17 =	sshra.s32 s15, $0x1F  }
0x26c: {  	s21 =	spop (v2sf);
	s8 =	smul.u32 $0x88888889, s17  }
0x26d: {  	(v2sf) =	vpush v28, $0x2;
	s0 =	ssub.s32 s13, s11;
	s22 =	smulhi.u32 $0x88888889, s21;
	s23 =	sshra.s32 s21, $0x1F  }
0x26e: {  	s25 =	spop (v2sf);
	s0 =	sadd.s32 s2, s0;
	s24 =	smul.u32 $0x88888889, s23  }
0x26f: {  	(v2sf) =	vpush v28, $0x3;
	s6 =	ssub.s32 s16, s15;
	s26 =	smulhi.u32 $0x88888889, s25;
	s28 =	sshra.s32 s25, $0x1F  }
0x270: {  	s30 =	spop (v2sf);
	s6 =	sadd.s32 s8, s6;
	s29 =	smul.u32 $0x88888889, s28  }
0x271: {  	(v2sf) =	vpush v28, $0x4;
	s1 =	ssub.s32 s22, s21;
	s31 =	smulhi.u32 $0x88888889, s30;
	s3 =	sshra.s32 s30, $0x1F  }
0x272: {  	s5 =	spop (v2sf);
	s1 =	sadd.s32 s24, s1;
	s13 =	smul.u32 $0x88888889, s3  }
0x273: {  	(v2sf) =	vpush v28, $0x5;
	s16 =	ssub.s32 s26, s25;
	s17 =	smulhi.u32 $0x88888889, s5;
	s21 =	sshra.s32 s5, $0x1F  }
0x274: {  	s23 =	spop (v2sf);
	s2 =	sadd.s32 s29, s16;
	s22 =	smul.u32 $0x88888889, s21  }
0x275: {  	(v2sf) =	vpush v28, $0x6;
	s9 =	ssub.s32 s31, s30;
	s24 =	smulhi.u32 $0x88888889, s23;
	s25 =	sshra.s32 s23, $0x1F  }
0x276: {  	s28 =	spop (v2sf);
	s9 =	sadd.s32 s13, s9;
	s26 =	smul.u32 $0x88888889, s25  }
0x277: {  	(v2sf) =	vpush v28, $0x7;
	s7 =	ssub.s32 s17, s5;
	s29 =	smulhi.u32 $0x88888889, s28;
	s30 =	sshra.s32 s28, $0x1F  }
0x278: {  	s3 =	spop (v2sf);
	s7 =	sadd.s32 s22, s7;
	s31 =	smul.u32 $0x88888889, s30  }
0x279: {  	s10 =	ssub.s32 s24, s23;
	s5 =	smulhi.u32 $0x88888889, s3;
	s21 =	sshra.s32 s3, $0x1F  }
0x27a: {  	s23 =	spop (v2sf);
	s10 =	sadd.s32 s26, s10;
	s22 =	smul.u32 $0x88888889, s21  }
0x27b: {  	s14 =	ssub.s32 s29, s28;
	s24 =	smulhi.u32 $0x88888889, s23;
	s25 =	sshra.s32 s23, $0x1F  }
0x27c: {  	s8 =	sadd.s32 s31, s14;
	s26 =	smul.u32 $0x88888889, s25;
	s28 =	spop (v2sf)  }
0x27d: {  	s11 =	ssub.s32 s5, s3;
	s29 =	smulhi.u32 $0x88888889, s28;
	s30 =	sshra.s32 s28, $0x1F  }
0x27e: {  	s11 =	sadd.s32 s22, s11;
	s3 =	spop (v2sf);
	s31 =	smul.u32 $0x88888889, s30  }
0x27f: {  	s15 =	ssub.s32 s24, s23;
	s5 =	smulhi.u32 $0x88888889, s3;
	s24 =	sshra.s32 s3, $0x1F  }
0x280: {  	s14 =	sadd.s32 s26, s15;
	s26 =	spop (v2sf);
	s25 =	smul.u32 $0x88888889, s24  }
0x281: {  	s16 =	ssub.s32 s29, s28;
	s28 =	smulhi.u32 $0x88888889, s26;
	s29 =	sshra.s32 s26, $0x1F  }
0x282: {  	s24 =	spop (v2sf);
	s13 =	sadd.s32 s31, s16;
	s30 =	smul.u32 $0x88888889, s29  }
0x283: {  	v3 =	vmov s14;
	s31 =	ssub.s32 s5, s3;
	s3 =	smulhi.u32 $0x88888889, s24;
	s5 =	sshra.s32 s24, $0x1F  }
0x284: {  	v3 =	vnsel vm3, $0x0, v3;
	s14 =	sadd.s32 s25, s31;
	s15 =	smul.u32 $0x88888889, s5;
	s22 =	spop (v2sf)  }
0x285: {  	v3 =	vsel vm0, s11, v3;
	s23 =	ssub.s32 s28, s26;
	s25 =	smulhi.u32 $0x88888889, s22;
	s26 =	sshra.s32 s22, $0x1F  }
0x286: {  	v29 =	vmov s6;
	v30 =	vmov s7;
	v3 =	vsel vm1, s13, v3;
	s28 =	sadd.s32 s30, s23;
	s30 =	spop (v2sf);
	s29 =	smul.u32 $0x88888889, s26  }
0x287: {  	v5 =	vsel vm0, s0, v29;
	v6 =	vsel vm0, s9, v30;
	v3 =	vsel vm2, s14, v3;
	s31 =	ssub.s32 s3, s24;
	s3 =	smulhi.u32 $0x88888889, s30;
	s5 =	sshra.s32 s30, $0x1F  }
0x288: {  	v5 =	vsel vm1, s1, v5;
	v6 =	vsel vm1, s10, v6;
	v3 =	vsel vm4, s28, v3;
	s0 =	sadd.s32 s15, s31;
	s14 =	ssub.s32 s25, s22;
	s15 =	smul.u32 $0x88888889, s5  }
0x289: {  	v5 =	vsel vm2, s2, v5;
	v6 =	vsel vm2, s8, v6;
	v3 =	vsel vm5, s0, v3;
	s16 =	sadd.s32 s29, s14;
	s17 =	ssub.s32 s3, s30  }
0x28a: {  	v5 =	vcombine.low v6, v5;
	v3 =	vsel vm6, s16, v3;
	s21 =	sadd.s32 s15, s17  }
0x28b: {  	v3 =	vsel vm7, s21, v3  }
0x28c: {  	v5 =	vperm.xlane v5, v0;
	v3 =	vperm.xlane v3, v1;
	_ =	sdelay $0x1  }
0x28d: {  	v3 =	vsel vm8, v3, v5  }
0x28e: {  	v3 =	vadd.s32 v28, v3  }
0x28f: {  	v31 =	vshrl.u32 v3, $0x1F;
	v3 =	vshra.s32 v3, $0xD  }
0x290: {  	v3 =	vadd.s32 v31, v3  }
0x291: {  	v5 =	vmul.u32 $0xFFFFC400, v3  }
0x292: {  	v32 =	vsub.s32 $0x0, v28  }
0x293: {  	vm9 =	vlt.s32 v28, $0x1;
	vm10 =	vne.s32 v5, v32  }
0x294: {  	vm9 =	vmand vm9, vm10  }
0x295: {  	v33 =	vsel vm9, $0xFFFFFFFF, v2  }
0x296: {  	v3 =	vadd.s32 v33, v3  }
0x297: {  	v5 =	vmul.u32 $0xFFFFC400, v3;
	_ =	sdelay $0x1  }
0x298: {  	v4 =	vadd.s32 v28, v5  }
0x299: {  	(v2sf) =	vpush v4, $0xD;
	_ =	sdelay $0x1  }
0x29a: {  	(v2sf) =	vpush v4, $0xC;
	_ =	sdelay $0x1  }
0x29b: {  	(v2sf) =	vpush v4, $0xE;
	_ =	sdelay $0x1  }
0x29c: {  	(v2sf) =	vpush v4, $0xF;
	_ =	sdelay $0x1  }
0x29d: {  	(v2sf) =	vpush v4, $0x9;
	_ =	sdelay $0x1  }
0x29e: {  	(v2sf) =	vpush v4, $0x8;
	_ =	sdelay $0x1  }
0x29f: {  	(v2sf) =	vpush v4, $0xA;
	_ =	sdelay $0x1  }
0x2a0: {  	(v2sf) =	vpush v4, $0xB  }
0x2a1: {  	s22 =	spop (v2sf)  }
0x2a2: {  	(v2sf) =	vpush v4, $0x1;
	s23 =	smulhi.u32 $0x88888889, s22;
	s24 =	sshra.s32 s22, $0x1F  }
0x2a3: {  	s25 =	spop (v2sf);
	s2 =	smul.u32 $0x88888889, s24  }
0x2a4: {  	(v2sf) =	vpush v4, $0x0;
	s26 =	smulhi.u32 $0x88888889, s25;
	s28 =	sshra.s32 s25, $0x1F  }
0x2a5: {  	s29 =	spop (v2sf);
	s8 =	smul.u32 $0x88888889, s28  }
0x2a6: {  	(v2sf) =	vpush v4, $0x2;
	s0 =	ssub.s32 s23, s22;
	s30 =	smulhi.u32 $0x88888889, s29;
	s31 =	sshra.s32 s29, $0x1F  }
0x2a7: {  	s5 =	spop (v2sf);
	s0 =	sadd.s32 s2, s0;
	s3 =	smul.u32 $0x88888889, s31  }
0x2a8: {  	(v2sf) =	vpush v4, $0x3;
	s6 =	ssub.s32 s26, s25;
	s14 =	smulhi.u32 $0x88888889, s5;
	s15 =	sshra.s32 s5, $0x1F  }
0x2a9: {  	s17 =	spop (v2sf);
	s6 =	sadd.s32 s8, s6;
	s16 =	smul.u32 $0x88888889, s15  }
0x2aa: {  	(v2sf) =	vpush v4, $0x4;
	s1 =	ssub.s32 s30, s29;
	s21 =	smulhi.u32 $0x88888889, s17;
	s22 =	sshra.s32 s17, $0x1F  }
0x2ab: {  	s23 =	spop (v2sf);
	s1 =	sadd.s32 s3, s1;
	s13 =	smul.u32 $0x88888889, s22  }
0x2ac: {  	(v2sf) =	vpush v4, $0x5;
	s24 =	ssub.s32 s14, s5;
	s25 =	smulhi.u32 $0x88888889, s23;
	s26 =	sshra.s32 s23, $0x1F  }
0x2ad: {  	s29 =	spop (v2sf);
	s2 =	sadd.s32 s16, s24;
	s28 =	smul.u32 $0x88888889, s26  }
0x2ae: {  	(v2sf) =	vpush v4, $0x6;
	s9 =	ssub.s32 s21, s17;
	s30 =	smulhi.u32 $0x88888889, s29;
	s31 =	sshra.s32 s29, $0x1F  }
0x2af: {  	s5 =	spop (v2sf);
	s9 =	sadd.s32 s13, s9;
	s3 =	smul.u32 $0x88888889, s31  }
0x2b0: {  	(v2sf) =	vpush v4, $0x7;
	s7 =	ssub.s32 s25, s23;
	s21 =	smulhi.u32 $0x88888889, s5;
	s22 =	sshra.s32 s5, $0x1F  }
0x2b1: {  	s24 =	spop (v2sf);
	s7 =	sadd.s32 s28, s7;
	s23 =	smul.u32 $0x88888889, s22  }
0x2b2: {  	s10 =	ssub.s32 s30, s29;
	s25 =	smulhi.u32 $0x88888889, s24;
	s26 =	sshra.s32 s24, $0x1F  }
0x2b3: {  	s29 =	spop (v2sf);
	s10 =	sadd.s32 s3, s10;
	s28 =	smul.u32 $0x88888889, s26  }
0x2b4: {  	s14 =	ssub.s32 s21, s5;
	s30 =	smulhi.u32 $0x88888889, s29;
	s31 =	sshra.s32 s29, $0x1F  }
0x2b5: {  	s8 =	sadd.s32 s23, s14;
	s3 =	smul.u32 $0x88888889, s31;
	s5 =	spop (v2sf)  }
0x2b6: {  	s11 =	ssub.s32 s25, s24;
	s24 =	smulhi.u32 $0x88888889, s5;
	s25 =	sshra.s32 s5, $0x1F  }
0x2b7: {  	s11 =	sadd.s32 s28, s11;
	s28 =	spop (v2sf);
	s26 =	smul.u32 $0x88888889, s25  }
0x2b8: {  	s15 =	ssub.s32 s30, s29;
	s29 =	smulhi.u32 $0x88888889, s28;
	s30 =	sshra.s32 s28, $0x1F  }
0x2b9: {  	s14 =	sadd.s32 s3, s15;
	s3 =	spop (v2sf);
	s31 =	smul.u32 $0x88888889, s30  }
0x2ba: {  	s16 =	ssub.s32 s24, s5;
	s5 =	smulhi.u32 $0x88888889, s3;
	s25 =	sshra.s32 s3, $0x1F  }
0x2bb: {  	s24 =	spop (v2sf);
	s13 =	sadd.s32 s26, s16;
	s26 =	smul.u32 $0x88888889, s25  }
0x2bc: {  	v34 =	vmov s14;
	s28 =	ssub.s32 s29, s28;
	s29 =	smulhi.u32 $0x88888889, s24;
	s30 =	sshra.s32 s24, $0x1F  }
0x2bd: {  	v5 =	vnsel vm3, $0x0, v34;
	s14 =	sadd.s32 s31, s28;
	s15 =	smul.u32 $0x88888889, s30;
	s22 =	spop (v2sf)  }
0x2be: {  	v5 =	vsel vm0, s11, v5;
	s31 =	ssub.s32 s5, s3;
	s3 =	smulhi.u32 $0x88888889, s22;
	s5 =	sshra.s32 s22, $0x1F  }
0x2bf: {  	v35 =	vmov s6;
	v36 =	vmov s7;
	v5 =	vsel vm1, s13, v5;
	s25 =	sadd.s32 s26, s31;
	s28 =	spop (v2sf);
	s26 =	smul.u32 $0x88888889, s5  }
0x2c0: {  	v6 =	vsel vm0, s0, v35;
	v7 =	vsel vm0, s9, v36;
	v5 =	vsel vm2, s14, v5;
	s29 =	ssub.s32 s29, s24;
	s30 =	smulhi.u32 $0x88888889, s28;
	s31 =	sshra.s32 s28, $0x1F  }
0x2c1: {  	v6 =	vsel vm1, s1, v6;
	v7 =	vsel vm1, s10, v7;
	v5 =	vsel vm4, s25, v5;
	s0 =	sadd.s32 s15, s29;
	s3 =	ssub.s32 s3, s22;
	s5 =	smul.u32 $0x88888889, s31  }
0x2c2: {  	v6 =	vsel vm2, s2, v6;
	v7 =	vsel vm2, s8, v7;
	v5 =	vsel vm5, s0, v5;
	s8 =	sadd.s32 s26, s3;
	s9 =	ssub.s32 s30, s28  }
0x2c3: {  	v6 =	vcombine.low v7, v6;
	v5 =	vsel vm6, s8, v5;
	s10 =	sadd.s32 s5, s9  }
0x2c4: {  	v5 =	vsel vm7, s10, v5  }
0x2c5: {  	v6 =	vperm.xlane v6, v0;
	v5 =	vperm.xlane v5, v1;
	_ =	sdelay $0x1  }
0x2c6: {  	v5 =	vsel vm8, v5, v6  }
0x2c7: {  	v5 =	vadd.s32 v4, v5  }
0x2c8: {  	v37 =	vshrl.u32 v5, $0x1F;
	v5 =	vshra.s32 v5, $0xB  }
0x2c9: {  	v5 =	vadd.s32 v37, v5  }
0x2ca: {  	v6 =	vmul.u32 $0xFFFFF100, v5  }
0x2cb: {  	v38 =	vsub.s32 $0x0, v4  }
0x2cc: {  	vm9 =	vlt.s32 v4, $0x1;
	vm10 =	vne.s32 v6, v38  }
0x2cd: {  	vm9 =	vmand vm9, vm10  }
0x2ce: {  	v39 =	vsel vm9, $0xFFFFFFFF, v2  }
0x2cf: {  	v3 =	vmul.u32 $0xF00, v3;
	v5 =	vadd.s32 v39, v5  }
0x2d0: {  	v6 =	vmul.u32 $0xFFFFF100, v5  }
0x2d1: {  	v3 =	vadd.s32 v3, v4  }
0x2d2: {  	v3 =	vadd.s32 v6, v3  }
0x2d3: {  	[tilespmem:s19+$0x10] =	vst v3;
	v3 =	vshll.u32 v5, $0x5  }
0x2d4: {  	[tilespmem:s20+$0x10] =	vst v3  }
0x2d5: {  	v40 =	vld [tilespmem:s19+$0x20];
	_ =	sdelay $0x4  }
0x2d6: {  	(v2sf) =	vpush v40, $0xD;
	_ =	sdelay $0x1  }
0x2d7: {  	(v2sf) =	vpush v40, $0xC;
	_ =	sdelay $0x1  }
0x2d8: {  	(v2sf) =	vpush v40, $0xE;
	_ =	sdelay $0x1  }
0x2d9: {  	(v2sf) =	vpush v40, $0xF;
	_ =	sdelay $0x1  }
0x2da: {  	(v2sf) =	vpush v40, $0x9;
	_ =	sdelay $0x1  }
0x2db: {  	(v2sf) =	vpush v40, $0x8;
	_ =	sdelay $0x1  }
0x2dc: {  	(v2sf) =	vpush v40, $0xA;
	_ =	sdelay $0x1  }
0x2dd: {  	(v2sf) =	vpush v40, $0xB  }
0x2de: {  	s11 =	spop (v2sf)  }
0x2df: {  	(v2sf) =	vpush v40, $0x1;
	s13 =	smulhi.u32 $0x88888889, s11;
	s14 =	sshra.s32 s11, $0x1F  }
0x2e0: {  	s15 =	spop (v2sf);
	s2 =	smul.u32 $0x88888889, s14  }
0x2e1: {  	(v2sf) =	vpush v40, $0x0;
	s16 =	smulhi.u32 $0x88888889, s15;
	s17 =	sshra.s32 s15, $0x1F  }
0x2e2: {  	s21 =	spop (v2sf);
	s8 =	smul.u32 $0x88888889, s17  }
0x2e3: {  	(v2sf) =	vpush v40, $0x2;
	s0 =	ssub.s32 s13, s11;
	s22 =	smulhi.u32 $0x88888889, s21;
	s23 =	sshra.s32 s21, $0x1F  }
0x2e4: {  	s25 =	spop (v2sf);
	s0 =	sadd.s32 s2, s0;
	s24 =	smul.u32 $0x88888889, s23  }
0x2e5: {  	(v2sf) =	vpush v40, $0x3;
	s6 =	ssub.s32 s16, s15;
	s26 =	smulhi.u32 $0x88888889, s25;
	s28 =	sshra.s32 s25, $0x1F  }
0x2e6: {  	s30 =	spop (v2sf);
	s6 =	sadd.s32 s8, s6;
	s29 =	smul.u32 $0x88888889, s28  }
0x2e7: {  	(v2sf) =	vpush v40, $0x4;
	s1 =	ssub.s32 s22, s21;
	s31 =	smulhi.u32 $0x88888889, s30;
	s3 =	sshra.s32 s30, $0x1F  }
0x2e8: {  	s5 =	spop (v2sf);
	s1 =	sadd.s32 s24, s1;
	s13 =	smul.u32 $0x88888889, s3  }
0x2e9: {  	(v2sf) =	vpush v40, $0x5;
	s16 =	ssub.s32 s26, s25;
	s17 =	smulhi.u32 $0x88888889, s5;
	s21 =	sshra.s32 s5, $0x1F  }
0x2ea: {  	s23 =	spop (v2sf);
	s2 =	sadd.s32 s29, s16;
	s22 =	smul.u32 $0x88888889, s21  }
0x2eb: {  	(v2sf) =	vpush v40, $0x6;
	s9 =	ssub.s32 s31, s30;
	s24 =	smulhi.u32 $0x88888889, s23;
	s25 =	sshra.s32 s23, $0x1F  }
0x2ec: {  	s28 =	spop (v2sf);
	s9 =	sadd.s32 s13, s9;
	s26 =	smul.u32 $0x88888889, s25  }
0x2ed: {  	(v2sf) =	vpush v40, $0x7;
	s7 =	ssub.s32 s17, s5;
	s29 =	smulhi.u32 $0x88888889, s28;
	s30 =	sshra.s32 s28, $0x1F  }
0x2ee: {  	s3 =	spop (v2sf);
	s7 =	sadd.s32 s22, s7;
	s31 =	smul.u32 $0x88888889, s30  }
0x2ef: {  	s10 =	ssub.s32 s24, s23;
	s5 =	smulhi.u32 $0x88888889, s3;
	s21 =	sshra.s32 s3, $0x1F  }
0x2f0: {  	s23 =	spop (v2sf);
	s10 =	sadd.s32 s26, s10;
	s22 =	smul.u32 $0x88888889, s21  }
0x2f1: {  	s14 =	ssub.s32 s29, s28;
	s24 =	smulhi.u32 $0x88888889, s23;
	s25 =	sshra.s32 s23, $0x1F  }
0x2f2: {  	s8 =	sadd.s32 s31, s14;
	s26 =	smul.u32 $0x88888889, s25;
	s28 =	spop (v2sf)  }
0x2f3: {  	s11 =	ssub.s32 s5, s3;
	s29 =	smulhi.u32 $0x88888889, s28;
	s30 =	sshra.s32 s28, $0x1F  }
0x2f4: {  	s11 =	sadd.s32 s22, s11;
	s3 =	spop (v2sf);
	s31 =	smul.u32 $0x88888889, s30  }
0x2f5: {  	s15 =	ssub.s32 s24, s23;
	s5 =	smulhi.u32 $0x88888889, s3;
	s24 =	sshra.s32 s3, $0x1F  }
0x2f6: {  	s14 =	sadd.s32 s26, s15;
	s26 =	spop (v2sf);
	s25 =	smul.u32 $0x88888889, s24  }
0x2f7: {  	s16 =	ssub.s32 s29, s28;
	s28 =	smulhi.u32 $0x88888889, s26;
	s29 =	sshra.s32 s26, $0x1F  }
0x2f8: {  	s24 =	spop (v2sf);
	s13 =	sadd.s32 s31, s16;
	s30 =	smul.u32 $0x88888889, s29  }
0x2f9: {  	v3 =	vmov s14;
	s31 =	ssub.s32 s5, s3;
	s3 =	smulhi.u32 $0x88888889, s24;
	s5 =	sshra.s32 s24, $0x1F  }
0x2fa: {  	v3 =	vnsel vm3, $0x0, v3;
	s14 =	sadd.s32 s25, s31;
	s15 =	smul.u32 $0x88888889, s5;
	s22 =	spop (v2sf)  }
0x2fb: {  	v3 =	vsel vm0, s11, v3;
	s23 =	ssub.s32 s28, s26;
	s25 =	smulhi.u32 $0x88888889, s22;
	s26 =	sshra.s32 s22, $0x1F  }
0x2fc: {  	v41 =	vmov s6;
	v42 =	vmov s7;
	v3 =	vsel vm1, s13, v3;
	s28 =	sadd.s32 s30, s23;
	s30 =	spop (v2sf);
	s29 =	smul.u32 $0x88888889, s26  }
0x2fd: {  	v5 =	vsel vm0, s0, v41;
	v6 =	vsel vm0, s9, v42;
	v3 =	vsel vm2, s14, v3;
	s31 =	ssub.s32 s3, s24;
	s3 =	smulhi.u32 $0x88888889, s30;
	s5 =	sshra.s32 s30, $0x1F  }
0x2fe: {  	v5 =	vsel vm1, s1, v5;
	v6 =	vsel vm1, s10, v6;
	v3 =	vsel vm4, s28, v3;
	s0 =	sadd.s32 s15, s31;
	s14 =	ssub.s32 s25, s22;
	s15 =	smul.u32 $0x88888889, s5  }
0x2ff: {  	v5 =	vsel vm2, s2, v5;
	v6 =	vsel vm2, s8, v6;
	v3 =	vsel vm5, s0, v3;
	s16 =	sadd.s32 s29, s14;
	s17 =	ssub.s32 s3, s30  }
0x300: {  	v5 =	vcombine.low v6, v5;
	v3 =	vsel vm6, s16, v3;
	s21 =	sadd.s32 s15, s17  }
0x301: {  	v3 =	vsel vm7, s21, v3  }
0x302: {  	v5 =	vperm.xlane v5, v0;
	v3 =	vperm.xlane v3, v1;
	_ =	sdelay $0x1  }
0x303: {  	v3 =	vsel vm8, v3, v5  }
0x304: {  	v3 =	vadd.s32 v40, v3  }
0x305: {  	v43 =	vshrl.u32 v3, $0x1F;
	v3 =	vshra.s32 v3, $0xD  }
0x306: {  	v3 =	vadd.s32 v43, v3  }
0x307: {  	v5 =	vmul.u32 $0xFFFFC400, v3  }
0x308: {  	v44 =	vsub.s32 $0x0, v40  }
0x309: {  	vm9 =	vlt.s32 v40, $0x1;
	vm10 =	vne.s32 v5, v44  }
0x30a: {  	vm9 =	vmand vm9, vm10  }
0x30b: {  	v45 =	vsel vm9, $0xFFFFFFFF, v2  }
0x30c: {  	v3 =	vadd.s32 v45, v3  }
0x30d: {  	v5 =	vmul.u32 $0xFFFFC400, v3;
	_ =	sdelay $0x1  }
0x30e: {  	v4 =	vadd.s32 v40, v5  }
0x30f: {  	(v2sf) =	vpush v4, $0xD;
	_ =	sdelay $0x1  }
0x310: {  	(v2sf) =	vpush v4, $0xC;
	_ =	sdelay $0x1  }
0x311: {  	(v2sf) =	vpush v4, $0xE;
	_ =	sdelay $0x1  }
0x312: {  	(v2sf) =	vpush v4, $0xF;
	_ =	sdelay $0x1  }
0x313: {  	(v2sf) =	vpush v4, $0x9;
	_ =	sdelay $0x1  }
0x314: {  	(v2sf) =	vpush v4, $0x8;
	_ =	sdelay $0x1  }
0x315: {  	(v2sf) =	vpush v4, $0xA;
	_ =	sdelay $0x1  }
0x316: {  	(v2sf) =	vpush v4, $0xB  }
0x317: {  	s22 =	spop (v2sf)  }
0x318: {  	(v2sf) =	vpush v4, $0x1;
	s23 =	smulhi.u32 $0x88888889, s22;
	s24 =	sshra.s32 s22, $0x1F  }
0x319: {  	s25 =	spop (v2sf);
	s2 =	smul.u32 $0x88888889, s24  }
0x31a: {  	(v2sf) =	vpush v4, $0x0;
	s26 =	smulhi.u32 $0x88888889, s25;
	s28 =	sshra.s32 s25, $0x1F  }
0x31b: {  	s29 =	spop (v2sf);
	s8 =	smul.u32 $0x88888889, s28  }
0x31c: {  	(v2sf) =	vpush v4, $0x2;
	s0 =	ssub.s32 s23, s22;
	s30 =	smulhi.u32 $0x88888889, s29;
	s31 =	sshra.s32 s29, $0x1F  }
0x31d: {  	s5 =	spop (v2sf);
	s0 =	sadd.s32 s2, s0;
	s3 =	smul.u32 $0x88888889, s31  }
0x31e: {  	(v2sf) =	vpush v4, $0x3;
	s6 =	ssub.s32 s26, s25;
	s14 =	smulhi.u32 $0x88888889, s5;
	s15 =	sshra.s32 s5, $0x1F  }
0x31f: {  	s17 =	spop (v2sf);
	s6 =	sadd.s32 s8, s6;
	s16 =	smul.u32 $0x88888889, s15  }
0x320: {  	(v2sf) =	vpush v4, $0x4;
	s1 =	ssub.s32 s30, s29;
	s21 =	smulhi.u32 $0x88888889, s17;
	s22 =	sshra.s32 s17, $0x1F  }
0x321: {  	s23 =	spop (v2sf);
	s1 =	sadd.s32 s3, s1;
	s13 =	smul.u32 $0x88888889, s22  }
0x322: {  	(v2sf) =	vpush v4, $0x5;
	s24 =	ssub.s32 s14, s5;
	s25 =	smulhi.u32 $0x88888889, s23;
	s26 =	sshra.s32 s23, $0x1F  }
0x323: {  	s29 =	spop (v2sf);
	s2 =	sadd.s32 s16, s24;
	s28 =	smul.u32 $0x88888889, s26  }
0x324: {  	(v2sf) =	vpush v4, $0x6;
	s9 =	ssub.s32 s21, s17;
	s30 =	smulhi.u32 $0x88888889, s29;
	s31 =	sshra.s32 s29, $0x1F  }
0x325: {  	s5 =	spop (v2sf);
	s9 =	sadd.s32 s13, s9;
	s3 =	smul.u32 $0x88888889, s31  }
0x326: {  	(v2sf) =	vpush v4, $0x7;
	s7 =	ssub.s32 s25, s23;
	s21 =	smulhi.u32 $0x88888889, s5;
	s22 =	sshra.s32 s5, $0x1F  }
0x327: {  	s24 =	spop (v2sf);
	s7 =	sadd.s32 s28, s7;
	s23 =	smul.u32 $0x88888889, s22  }
0x328: {  	s10 =	ssub.s32 s30, s29;
	s25 =	smulhi.u32 $0x88888889, s24;
	s26 =	sshra.s32 s24, $0x1F  }
0x329: {  	s29 =	spop (v2sf);
	s10 =	sadd.s32 s3, s10;
	s28 =	smul.u32 $0x88888889, s26  }
0x32a: {  	s14 =	ssub.s32 s21, s5;
	s30 =	smulhi.u32 $0x88888889, s29;
	s31 =	sshra.s32 s29, $0x1F  }
0x32b: {  	s8 =	sadd.s32 s23, s14;
	s3 =	smul.u32 $0x88888889, s31;
	s5 =	spop (v2sf)  }
0x32c: {  	s11 =	ssub.s32 s25, s24;
	s24 =	smulhi.u32 $0x88888889, s5;
	s25 =	sshra.s32 s5, $0x1F  }
0x32d: {  	s11 =	sadd.s32 s28, s11;
	s28 =	spop (v2sf);
	s26 =	smul.u32 $0x88888889, s25  }
0x32e: {  	s15 =	ssub.s32 s30, s29;
	s29 =	smulhi.u32 $0x88888889, s28;
	s30 =	sshra.s32 s28, $0x1F  }
0x32f: {  	s14 =	sadd.s32 s3, s15;
	s3 =	spop (v2sf);
	s31 =	smul.u32 $0x88888889, s30  }
0x330: {  	s16 =	ssub.s32 s24, s5;
	s5 =	smulhi.u32 $0x88888889, s3;
	s25 =	sshra.s32 s3, $0x1F  }
0x331: {  	s24 =	spop (v2sf);
	s13 =	sadd.s32 s26, s16;
	s26 =	smul.u32 $0x88888889, s25  }
0x332: {  	v46 =	vmov s14;
	s28 =	ssub.s32 s29, s28;
	s29 =	smulhi.u32 $0x88888889, s24;
	s30 =	sshra.s32 s24, $0x1F  }
0x333: {  	v5 =	vnsel vm3, $0x0, v46;
	s14 =	sadd.s32 s31, s28;
	s15 =	smul.u32 $0x88888889, s30;
	s22 =	spop (v2sf)  }
0x334: {  	v5 =	vsel vm0, s11, v5;
	s31 =	ssub.s32 s5, s3;
	s3 =	smulhi.u32 $0x88888889, s22;
	s5 =	sshra.s32 s22, $0x1F  }
0x335: {  	v47 =	vmov s6;
	v48 =	vmov s7;
	v5 =	vsel vm1, s13, v5;
	s25 =	sadd.s32 s26, s31;
	s28 =	spop (v2sf);
	s26 =	smul.u32 $0x88888889, s5  }
0x336: {  	v6 =	vsel vm0, s0, v47;
	v7 =	vsel vm0, s9, v48;
	v5 =	vsel vm2, s14, v5;
	s29 =	ssub.s32 s29, s24;
	s30 =	smulhi.u32 $0x88888889, s28;
	s31 =	sshra.s32 s28, $0x1F  }
0x337: {  	v6 =	vsel vm1, s1, v6;
	v7 =	vsel vm1, s10, v7;
	v5 =	vsel vm4, s25, v5;
	s0 =	sadd.s32 s15, s29;
	s3 =	ssub.s32 s3, s22;
	s5 =	smul.u32 $0x88888889, s31  }
0x338: {  	v6 =	vsel vm2, s2, v6;
	v7 =	vsel vm2, s8, v7;
	v5 =	vsel vm5, s0, v5;
	s8 =	sadd.s32 s26, s3;
	s9 =	ssub.s32 s30, s28  }
0x339: {  	v6 =	vcombine.low v7, v6;
	v5 =	vsel vm6, s8, v5;
	s10 =	sadd.s32 s5, s9  }
0x33a: {  	v5 =	vsel vm7, s10, v5  }
0x33b: {  	v6 =	vperm.xlane v6, v0;
	v5 =	vperm.xlane v5, v1;
	_ =	sdelay $0x1  }
0x33c: {  	v5 =	vsel vm8, v5, v6  }
0x33d: {  	v5 =	vadd.s32 v4, v5  }
0x33e: {  	v49 =	vshrl.u32 v5, $0x1F;
	v5 =	vshra.s32 v5, $0xB  }
0x33f: {  	v5 =	vadd.s32 v49, v5  }
0x340: {  	v6 =	vmul.u32 $0xFFFFF100, v5  }
0x341: {  	v50 =	vsub.s32 $0x0, v4  }
0x342: {  	vm9 =	vlt.s32 v4, $0x1;
	vm10 =	vne.s32 v6, v50  }
0x343: {  	vm9 =	vmand vm9, vm10  }
0x344: {  	v51 =	vsel vm9, $0xFFFFFFFF, v2  }
0x345: {  	v3 =	vmul.u32 $0xF00, v3;
	v5 =	vadd.s32 v51, v5  }
0x346: {  	v6 =	vmul.u32 $0xFFFFF100, v5  }
0x347: {  	v3 =	vadd.s32 v3, v4  }
0x348: {  	v3 =	vadd.s32 v6, v3  }
0x349: {  	[tilespmem:s19+$0x20] =	vst v3;
	v3 =	vshll.u32 v5, $0x5  }
0x34a: {  	[tilespmem:s20+$0x20] =	vst v3  }
0x34b: {  	v52 =	vld [tilespmem:s19+$0x30];
	_ =	sdelay $0x4  }
0x34c: {  	(v2sf) =	vpush v52, $0xD;
	_ =	sdelay $0x1  }
0x34d: {  	(v2sf) =	vpush v52, $0xC;
	_ =	sdelay $0x1  }
0x34e: {  	(v2sf) =	vpush v52, $0xE;
	_ =	sdelay $0x1  }
0x34f: {  	(v2sf) =	vpush v52, $0xF;
	_ =	sdelay $0x1  }
0x350: {  	(v2sf) =	vpush v52, $0x9;
	_ =	sdelay $0x1  }
0x351: {  	(v2sf) =	vpush v52, $0x8;
	_ =	sdelay $0x1  }
0x352: {  	(v2sf) =	vpush v52, $0xA;
	_ =	sdelay $0x1  }
0x353: {  	(v2sf) =	vpush v52, $0xB  }
0x354: {  	s11 =	spop (v2sf)  }
0x355: {  	(v2sf) =	vpush v52, $0x1;
	s13 =	smulhi.u32 $0x88888889, s11;
	s14 =	sshra.s32 s11, $0x1F  }
0x356: {  	s15 =	spop (v2sf);
	s2 =	smul.u32 $0x88888889, s14  }
0x357: {  	(v2sf) =	vpush v52, $0x0;
	s16 =	smulhi.u32 $0x88888889, s15;
	s17 =	sshra.s32 s15, $0x1F  }
0x358: {  	s21 =	spop (v2sf);
	s8 =	smul.u32 $0x88888889, s17  }
0x359: {  	(v2sf) =	vpush v52, $0x2;
	s0 =	ssub.s32 s13, s11;
	s22 =	smulhi.u32 $0x88888889, s21;
	s23 =	sshra.s32 s21, $0x1F  }
0x35a: {  	s25 =	spop (v2sf);
	s0 =	sadd.s32 s2, s0;
	s24 =	smul.u32 $0x88888889, s23  }
0x35b: {  	(v2sf) =	vpush v52, $0x3;
	s6 =	ssub.s32 s16, s15;
	s26 =	smulhi.u32 $0x88888889, s25;
	s28 =	sshra.s32 s25, $0x1F  }
0x35c: {  	s30 =	spop (v2sf);
	s6 =	sadd.s32 s8, s6;
	s29 =	smul.u32 $0x88888889, s28  }
0x35d: {  	(v2sf) =	vpush v52, $0x4;
	s1 =	ssub.s32 s22, s21;
	s31 =	smulhi.u32 $0x88888889, s30;
	s3 =	sshra.s32 s30, $0x1F  }
0x35e: {  	s5 =	spop (v2sf);
	s1 =	sadd.s32 s24, s1;
	s13 =	smul.u32 $0x88888889, s3  }
0x35f: {  	(v2sf) =	vpush v52, $0x5;
	s16 =	ssub.s32 s26, s25;
	s17 =	smulhi.u32 $0x88888889, s5;
	s21 =	sshra.s32 s5, $0x1F  }
0x360: {  	s23 =	spop (v2sf);
	s2 =	sadd.s32 s29, s16;
	s22 =	smul.u32 $0x88888889, s21  }
0x361: {  	(v2sf) =	vpush v52, $0x6;
	s9 =	ssub.s32 s31, s30;
	s24 =	smulhi.u32 $0x88888889, s23;
	s25 =	sshra.s32 s23, $0x1F  }
0x362: {  	s28 =	spop (v2sf);
	s9 =	sadd.s32 s13, s9;
	s26 =	smul.u32 $0x88888889, s25  }
0x363: {  	(v2sf) =	vpush v52, $0x7;
	s7 =	ssub.s32 s17, s5;
	s29 =	smulhi.u32 $0x88888889, s28;
	s30 =	sshra.s32 s28, $0x1F  }
0x364: {  	s3 =	spop (v2sf);
	s7 =	sadd.s32 s22, s7;
	s31 =	smul.u32 $0x88888889, s30  }
0x365: {  	s10 =	ssub.s32 s24, s23;
	s5 =	smulhi.u32 $0x88888889, s3;
	s21 =	sshra.s32 s3, $0x1F  }
0x366: {  	s10 =	sadd.s32 s26, s10;
	s22 =	smul.u32 $0x88888889, s21;
	s23 =	spop (v2sf)  }
0x367: {  	s14 =	ssub.s32 s29, s28;
	s24 =	smulhi.u32 $0x88888889, s23;
	s25 =	sshra.s32 s23, $0x1F  }
0x368: {  	s8 =	sadd.s32 s31, s14;
	s28 =	spop (v2sf);
	s26 =	smul.u32 $0x88888889, s25  }
0x369: {  	s11 =	ssub.s32 s5, s3;
	s29 =	smulhi.u32 $0x88888889, s28;
	s30 =	sshra.s32 s28, $0x1F  }
0x36a: {  	s11 =	sadd.s32 s22, s11;
	s3 =	spop (v2sf);
	s31 =	smul.u32 $0x88888889, s30  }
0x36b: {  	s15 =	ssub.s32 s24, s23;
	s5 =	smulhi.u32 $0x88888889, s3;
	s24 =	sshra.s32 s3, $0x1F  }
0x36c: {  	s14 =	sadd.s32 s26, s15;
	s25 =	smul.u32 $0x88888889, s24;
	s26 =	spop (v2sf)  }
0x36d: {  	s16 =	ssub.s32 s29, s28;
	s28 =	smulhi.u32 $0x88888889, s26;
	s29 =	sshra.s32 s26, $0x1F  }
0x36e: {  	s13 =	sadd.s32 s31, s16;
	s24 =	spop (v2sf);
	s30 =	smul.u32 $0x88888889, s29  }
0x36f: {  	v3 =	vmov s14;
	s31 =	ssub.s32 s5, s3;
	s3 =	smulhi.u32 $0x88888889, s24;
	s5 =	sshra.s32 s24, $0x1F  }
0x370: {  	v3 =	vnsel vm3, $0x0, v3;
	s14 =	sadd.s32 s25, s31;
	s22 =	spop (v2sf);
	s15 =	smul.u32 $0x88888889, s5  }
0x371: {  	v3 =	vsel vm0, s11, v3;
	s25 =	ssub.s32 s28, s26;
	s26 =	smulhi.u32 $0x88888889, s22;
	s28 =	sshra.s32 s22, $0x1F  }
0x372: {  	v53 =	vmov s6;
	v54 =	vmov s7;
	s31 =	spop (v2sf);
	v3 =	vsel vm1, s13, v3;
	s29 =	sadd.s32 s30, s25;
	s30 =	smul.u32 $0x88888889, s28  }
0x373: {  	v5 =	vsel vm0, s0, v53;
	v6 =	vsel vm0, s9, v54;
	s3 =	ssub.s32 s3, s24;
	s5 =	smulhi.u32 $0x88888889, s31;
	v3 =	vsel vm2, s14, v3;
	s14 =	sshra.s32 s31, $0x1F  }
0x374: {  	v5 =	vsel vm1, s1, v5;
	v6 =	vsel vm1, s10, v6;
	s0 =	sadd.s32 s15, s3;
	s15 =	ssub.s32 s26, s22;
	v3 =	vsel vm4, s29, v3;
	s16 =	smul.u32 $0x88888889, s14  }
0x375: {  	v5 =	vsel vm2, s2, v5;
	v6 =	vsel vm2, s8, v6;
	s17 =	sadd.s32 s30, s15;
	s21 =	ssub.s32 s5, s31;
	v3 =	vsel vm5, s0, v3  }
0x376: {  	v5 =	vcombine.low v6, v5;
	v3 =	vsel vm6, s17, v3;
	s22 =	sadd.s32 s16, s21  }
0x377: {  	v3 =	vsel vm7, s22, v3  }
0x378: {  	v5 =	vperm.xlane v5, v0;
	v3 =	vperm.xlane v3, v1;
	_ =	sdelay $0x1  }
0x379: {  	v3 =	vsel vm8, v3, v5  }
0x37a: {  	v3 =	vadd.s32 v52, v3  }
0x37b: {  	v55 =	vshrl.u32 v3, $0x1F;
	v3 =	vshra.s32 v3, $0xD  }
0x37c: {  	v3 =	vadd.s32 v55, v3  }
0x37d: {  	v5 =	vmul.u32 $0xFFFFC400, v3  }
0x37e: {  	v56 =	vsub.s32 $0x0, v52  }
0x37f: {  	vm9 =	vlt.s32 v52, $0x1;
	vm10 =	vne.s32 v5, v56  }
0x380: {  	vm9 =	vmand vm9, vm10  }
0x381: {  	v57 =	vsel vm9, $0xFFFFFFFF, v2  }
0x382: {  	v3 =	vadd.s32 v57, v3  }
0x383: {  	v5 =	vmul.u32 $0xFFFFC400, v3;
	_ =	sdelay $0x1  }
0x384: {  	v4 =	vadd.s32 v52, v5  }
0x385: {  	(v2sf) =	vpush v4, $0xD;
	_ =	sdelay $0x1  }
0x386: {  	(v2sf) =	vpush v4, $0xC;
	_ =	sdelay $0x1  }
0x387: {  	(v2sf) =	vpush v4, $0xE  }
0x388: {  	(v2sf) =	vpush v4, $0xF  }
0x389: {  	(v2sf) =	vpush v4, $0x9;
	_ =	sdelay $0x1  }
0x38a: {  	(v2sf) =	vpush v4, $0x8;
	_ =	sdelay $0x1  }
0x38b: {  	(v2sf) =	vpush v4, $0xA;
	_ =	sdelay $0x1  }
0x38c: {  	(v2sf) =	vpush v4, $0xB;
	_ =	sdelay $0x1  }
0x38d: {  	(v2sf) =	vpush v4, $0x1  }
0x38e: {  	(v2sf) =	vpush v4, $0x0;
	s23 =	spop (v2sf)  }
0x38f: {  	s24 =	smulhi.u32 $0x88888889, s23;
	s25 =	sshra.s32 s23, $0x1F  }
0x390: {  	s26 =	spop (v2sf);
	s2 =	smul.u32 $0x88888889, s25  }
0x391: {  	s29 =	smulhi.u32 $0x88888889, s26;
	s30 =	sshra.s32 s26, $0x1F  }
0x392: {  	s28 =	spop (v2sf);
	s9 =	smul.u32 $0x88888889, s30  }
0x393: {  	(v2sf) =	vpush v4, $0x2;
	s31 =	spop (v2sf);
	s3 =	smulhi.u32 $0x88888889, s28;
	s16 =	sshra.s32 s28, $0x1F  }
0x394: {  	s0 =	ssub.s32 s24, s23;
	s14 =	spop (v2sf);
	s13 =	smul.u32 $0x88888889, s16  }
0x395: {  	(v2sf) =	vpush v4, $0x3;
	s17 =	smulhi.u32 $0x88888889, s31;
	s23 =	sshra.s32 s31, $0x1F;
	s0 =	sadd.s32 s2, s0  }
0x396: {  	s24 =	ssub.s32 s29, s26;
	s15 =	spop (v2sf);
	s25 =	smul.u32 $0x88888889, s23  }
0x397: {  	(v2sf) =	vpush v4, $0x4;
	s26 =	smulhi.u32 $0x88888889, s14;
	s5 =	sshra.s32 s14, $0x1F;
	s6 =	sadd.s32 s9, s24  }
0x398: {  	s7 =	ssub.s32 s3, s28;
	s21 =	spop (v2sf);
	s9 =	smul.u32 $0x88888889, s5  }
0x399: {  	(v2sf) =	vpush v4, $0x5;
	s28 =	smulhi.u32 $0x88888889, s15;
	s29 =	sshra.s32 s15, $0x1F;
	s1 =	sadd.s32 s13, s7  }
0x39a: {  	s30 =	ssub.s32 s17, s31;
	s22 =	spop (v2sf);
	s31 =	smul.u32 $0x88888889, s29  }
0x39b: {  	(v2sf) =	vpush v4, $0x6;
	s3 =	smulhi.u32 $0x88888889, s21;
	s5 =	sshra.s32 s21, $0x1F;
	s2 =	sadd.s32 s25, s30  }
0x39c: {  	s17 =	ssub.s32 s26, s14;
	s16 =	spop (v2sf);
	s13 =	smul.u32 $0x88888889, s5  }
0x39d: {  	s25 =	smulhi.u32 $0x88888889, s22;
	s26 =	sshra.s32 s22, $0x1F;
	s23 =	spop (v2sf);
	(v2sf) =	vpush v4, $0x7  }
0x39e: {  	s7 =	sadd.s32 s9, s17;
	s9 =	ssub.s32 s28, s15;
	s8 =	smul.u32 $0x88888889, s26  }
0x39f: {  	s28 =	smulhi.u32 $0x88888889, s16;
	s29 =	sshra.s32 s16, $0x1F;
	s30 =	ssub.s32 s3, s21  }
0x3a0: {  	s9 =	sadd.s32 s31, s9;
	s31 =	smul.u32 $0x88888889, s29;
	s10 =	sadd.s32 s13, s30  }
0x3a1: {  	s3 =	smulhi.u32 $0x88888889, s23;
	s5 =	sshra.s32 s23, $0x1F;
	s14 =	ssub.s32 s25, s22  }
0x3a2: {  	s17 =	smul.u32 $0x88888889, s5;
	s15 =	ssub.s32 s28, s16;
	s24 =	spop (v2sf)  }
0x3a3: {  	s8 =	sadd.s32 s8, s14;
	s25 =	smulhi.u32 $0x88888889, s24;
	s26 =	sshra.s32 s24, $0x1F  }
0x3a4: {  	s11 =	sadd.s32 s31, s15;
	s21 =	spop (v2sf);
	s28 =	smul.u32 $0x88888889, s26  }
0x3a5: {  	s13 =	ssub.s32 s3, s23;
	s29 =	smulhi.u32 $0x88888889, s21;
	s30 =	sshra.s32 s21, $0x1F  }
0x3a6: {  	s13 =	sadd.s32 s17, s13;
	s23 =	spop (v2sf);
	s31 =	smul.u32 $0x88888889, s30  }
0x3a7: {  	s16 =	ssub.s32 s25, s24;
	s3 =	smulhi.u32 $0x88888889, s23;
	s5 =	sshra.s32 s23, $0x1F  }
0x3a8: {  	s25 =	spop (v2sf);
	s14 =	sadd.s32 s28, s16;
	s24 =	smul.u32 $0x88888889, s5  }
0x3a9: {  	v58 =	vmov s13;
	s26 =	ssub.s32 s29, s21;
	s28 =	smulhi.u32 $0x88888889, s25;
	s29 =	sshra.s32 s25, $0x1F  }
0x3aa: {  	v5 =	vnsel vm3, $0x0, v58;
	s30 =	spop (v2sf);
	s13 =	sadd.s32 s31, s26;
	s21 =	smul.u32 $0x88888889, s29  }
0x3ab: {  	v5 =	vsel vm0, s11, v5;
	s31 =	ssub.s32 s3, s23;
	s3 =	smulhi.u32 $0x88888889, s30;
	s5 =	sshra.s32 s30, $0x1F  }
0x3ac: {  	v59 =	vmov s6;
	v60 =	vmov s9;
	v5 =	vsel vm1, s14, v5;
	s9 =	sadd.s32 s24, s31;
	s11 =	smul.u32 $0x88888889, s5;
	s14 =	spop (v2sf)  }
0x3ad: {  	v6 =	vsel vm0, s0, v59;
	v7 =	vsel vm0, s7, v60;
	v5 =	vsel vm2, s13, v5;
	s23 =	ssub.s32 s28, s25;
	s24 =	smulhi.u32 $0x88888889, s14;
	s25 =	sshra.s32 s14, $0x1F  }
0x3ae: {  	v6 =	vsel vm1, s1, v6;
	v7 =	vsel vm1, s10, v7;
	v5 =	vsel vm4, s9, v5;
	s0 =	sadd.s32 s21, s23;
	s26 =	ssub.s32 s3, s30;
	s28 =	smul.u32 $0x88888889, s25  }
0x3af: {  	v6 =	vsel vm2, s2, v6;
	v7 =	vsel vm2, s8, v7;
	v5 =	vsel vm5, s0, v5;
	s29 =	sadd.s32 s11, s26;
	s30 =	ssub.s32 s24, s14  }
0x3b0: {  	v6 =	vcombine.low v7, v6;
	v5 =	vsel vm6, s29, v5;
	s31 =	sadd.s32 s28, s30  }
0x3b1: {  	v5 =	vsel vm7, s31, v5  }
0x3b2: {  	v6 =	vperm.xlane v6, v0;
	v5 =	vperm.xlane v5, v1;
	_ =	sdelay $0x1  }
0x3b3: {  	v5 =	vsel vm8, v5, v6  }
0x3b4: {  	v5 =	vadd.s32 v4, v5  }
0x3b5: {  	v61 =	vshrl.u32 v5, $0x1F;
	v5 =	vshra.s32 v5, $0xB  }
0x3b6: {  	v5 =	vadd.s32 v61, v5  }
0x3b7: {  	v6 =	vmul.u32 $0xFFFFF100, v5  }
0x3b8: {  	v62 =	vsub.s32 $0x0, v4  }
0x3b9: {  	vm9 =	vlt.s32 v4, $0x1;
	vm10 =	vne.s32 v6, v62  }
0x3ba: {  	vm9 =	vmand vm9, vm10  }
0x3bb: {  	s18 =	sadd.s32 $0x8, s18;
	v63 =	vsel vm9, $0xFFFFFFFF, v2  }
0x3bc: {  	p0 =	slt.u32 s18, $0x338;
	v3 =	vmul.u32 $0xF00, v3;
	v5 =	vadd.s32 v63, v5  }
.Ltmp0:
0x3bd: {  	v6 =	vmul.u32 $0xFFFFF100, v5;
	(pc) =	sbr.rel @p0 .LBB2_2-.Ltmp0, $4  }
0x3be: {  	v3 =	vadd.s32 v3, v4  }
0x3bf: {  	v3 =	vadd.s32 v6, v3  }
0x3c0: {  	[tilespmem:s19+$0x30] =	vst v3;
	v3 =	vshll.u32 v5, $0x5  }
0x3c1: {  	s19 =	sadd.s32 $0x80, s19;
	[tilespmem:s20+$0x30] =	vst v3;
	s20 =	sadd.s32 $0x80, s20  }
0x3c2: {  	s2 =	simm.s32 $0x0;
	s0 =	simm.s32 $0x80;
	s1 =	simm.s32 $0x6800  }
0x3c3: {  	[tilespmem:s1], [sflag:$0x1] =	stream.indirect.gather [hbm4b:s4+s0], $0x80, s2, s0, $0xb8;
	[tilespmem:$0x1E800] =	vst v63  }
0x3c4: {  	s31 =	simm.s32 $0xA800;
	s19 =	simm.s32 $0x0  }
0x3c5: {  	[tilespmem:s31], [sflag:$0x1] =	stream.indirect.gather [hbm4b:s4+s0], $0x80, s0, s0, $0xb8;
	[tilespmem:$0x1E800] =	vst v63  }
.LBB2_4:
0x3c6: {  	_ =	swait.ge [sflag:s12], $0x4000  }
0x3c7: {  	[sflag:s12] =	ssyncset.done $0x0  }
0x3c8: {  	[sflag:s12] =	ssyncadd.s32 $0xFFFFC000  }
0x3c9: {  	s21 =	sshll.u32 s19, $0x9;
	s2 =	simm.s32 $0x80;
	_ =	swait.ge [sflag:s12], $0x4000  }
0x3ca: {  	s0 =	simm.s32 $0xE800;
	s3 =	simm.s32 $0x12800;
	[sflag:s12] =	ssyncset.done $0x0  }
0x3cb: {  	s20 =	sor.u32 $0x100, s21;
	s30 =	sadd.s32 $0x3400, s21;
	[sflag:s12] =	ssyncadd.s32 $0xFFFFC000  }
0x3cc: {  	[tilespmem:s0], [sflag:$0x1] =	stream.indirect.gather [hbm4b:s4+s2], $0x80, s20, s2, $0xb8;
	[tilespmem:$0x1E800] =	vst v63  }
0x3cd: {  	s31 =	sor.u32 $0x180, s21;
	[dreg:$0x3] =	wrdreg s30;
	s0 =	simm.s32 $0x0  }
0x3ce: {  	[tilespmem:s3], [sflag:$0x1] =	stream.indirect.gather [hbm4b:s4+s2], $0x80, s31, s2, $0xb8;
	[tilespmem:$0x1E800] =	vst v63  }
0x3cf: {  	s1 =	rddreg [dreg:$0x3];
	s3 =	sand.u32 $0x80, s0  }
0x3d0: {  	s2 =	sand.u32 $0x70, s0;
	s0 =	sadd.s32 s3, s1  }
0x3d1: {  	s0 =	sadd.s32 s2, s0  }
0x3d2: {  	v3 =	vld [tilespmem:s0+$0x0];
	_ =	sdelay $0x4  }
0x3d3: {  	(v2sf) =	vpush v3, $0x0;
	_ =	sdelay $0xb  }
0x3d4: {  	(v2sf) =	vpush v3, $0x1;
	_ =	sdelay $0x2  }
0x3d5: {  	s5 =	spop (v2sf)  }
0x3d6: {  	s6 =	sand.u32 $0x7F, s5;
	s7 =	sshll.u32 s5, $0x2  }
0x3d7: {  	s2 =	sand.u32 $0xFFFFFE00, s7;
	s1 =	sshll.u32 s6, $0x2  }
0x3d8: {  	s1 =	sor.u32 s1, s2  }
0x3d9: {  	s1 =	sshra.s32 s1, $0x2  }
0x3da: {  	s1 =	sadd.s32 $0x0, s1  }
0x3db: {  	s0 =	sadd.s32 $0x10, s5;
	v4 =	vld [tilespmem:s1+$0x6800]  }
0x3dc: {  	s8 =	sand.u32 $0x7F, s0;
	s0 =	sshll.u32 s0, $0x2  }
0x3dd: {  	s0 =	sand.u32 $0xFFFFFE00, s0;
	s1 =	sshll.u32 s8, $0x2  }
0x3de: {  	(v2sf) =	vpush v3, $0x2;
	s0 =	sor.u32 s1, s0  }
0x3df: {  	s22 =	simm.s32 $0x0;
	s0 =	sshra.s32 s0, $0x2  }
0x3e0: {  	s0 =	sadd.s32 $0x0, s0;
	[tilespmem:s22+$0x16800] =	vst v4  }
0x3e1: {  	s9 =	spop (v2sf);
	v4 =	vld [tilespmem:s0+$0x6800]  }
0x3e2: {  	s10 =	sand.u32 $0x7F, s9;
	s11 =	sshll.u32 s9, $0x2  }
0x3e3: {  	s2 =	sand.u32 $0xFFFFFE00, s11;
	s0 =	sshll.u32 s10, $0x2  }
0x3e4: {  	s0 =	sor.u32 s0, s2  }
0x3e5: {  	s0 =	sshra.s32 s0, $0x2  }
0x3e6: {  	s0 =	sadd.s32 $0x0, s0;
	[tilespmem:s22+$0x16810] =	vst v4  }
0x3e7: {  	s1 =	sadd.s32 $0x10, s9;
	v4 =	vld [tilespmem:s0+$0x6880]  }
0x3e8: {  	s13 =	sand.u32 $0x7F, s1;
	s1 =	sshll.u32 s1, $0x2  }
0x3e9: {  	s1 =	sand.u32 $0xFFFFFE00, s1;
	s0 =	sshll.u32 s13, $0x2  }
0x3ea: {  	(v2sf) =	vpush v3, $0x3;
	s0 =	sor.u32 s0, s1  }
0x3eb: {  	s0 =	sshra.s32 s0, $0x2  }
0x3ec: {  	s0 =	sadd.s32 $0x0, s0;
	[tilespmem:s22+$0x16880] =	vst v4  }
0x3ed: {  	s14 =	spop (v2sf);
	v4 =	vld [tilespmem:s0+$0x6880]  }
0x3ee: {  	s15 =	sand.u32 $0x7F, s14;
	s16 =	sshll.u32 s14, $0x2  }
0x3ef: {  	s2 =	sand.u32 $0xFFFFFE00, s16;
	s0 =	sshll.u32 s15, $0x2  }
0x3f0: {  	s0 =	sor.u32 s0, s2  }
0x3f1: {  	s0 =	sshra.s32 s0, $0x2  }
0x3f2: {  	s0 =	sadd.s32 $0x0, s0;
	[tilespmem:s22+$0x16890] =	vst v4  }
0x3f3: {  	s1 =	sadd.s32 $0x10, s14;
	v4 =	vld [tilespmem:s0+$0x6900]  }
0x3f4: {  	s17 =	sand.u32 $0x7F, s1;
	s1 =	sshll.u32 s1, $0x2  }
0x3f5: {  	s1 =	sand.u32 $0xFFFFFE00, s1;
	s0 =	sshll.u32 s17, $0x2  }
0x3f6: {  	(v2sf) =	vpush v3, $0x4;
	s0 =	sor.u32 s0, s1  }
0x3f7: {  	s0 =	sshra.s32 s0, $0x2  }
0x3f8: {  	s0 =	sadd.s32 $0x0, s0;
	[tilespmem:s22+$0x16900] =	vst v4  }
0x3f9: {  	s18 =	spop (v2sf);
	v4 =	vld [tilespmem:s0+$0x6900]  }
0x3fa: {  	s23 =	sand.u32 $0x7F, s18;
	s24 =	sshll.u32 s18, $0x2  }
0x3fb: {  	s2 =	sand.u32 $0xFFFFFE00, s24;
	s0 =	sshll.u32 s23, $0x2  }
0x3fc: {  	s0 =	sor.u32 s0, s2  }
0x3fd: {  	s0 =	sshra.s32 s0, $0x2  }
0x3fe: {  	s0 =	sadd.s32 $0x0, s0;
	[tilespmem:s22+$0x16910] =	vst v4  }
0x3ff: {  	s1 =	sadd.s32 $0x10, s18;
	v4 =	vld [tilespmem:s0+$0x6980]  }
0x400: {  	s25 =	sand.u32 $0x7F, s1;
	s1 =	sshll.u32 s1, $0x2  }
0x401: {  	s1 =	sand.u32 $0xFFFFFE00, s1;
	s0 =	sshll.u32 s25, $0x2  }
0x402: {  	(v2sf) =	vpush v3, $0x5;
	s0 =	sor.u32 s0, s1  }
0x403: {  	s0 =	sshra.s32 s0, $0x2  }
0x404: {  	s0 =	sadd.s32 $0x0, s0;
	[tilespmem:s22+$0x16980] =	vst v4  }
0x405: {  	s26 =	spop (v2sf);
	v4 =	vld [tilespmem:s0+$0x6980]  }
0x406: {  	s28 =	sand.u32 $0x7F, s26;
	s29 =	sshll.u32 s26, $0x2  }
0x407: {  	s2 =	sand.u32 $0xFFFFFE00, s29;
	s0 =	sshll.u32 s28, $0x2  }
0x408: {  	s0 =	sor.u32 s0, s2  }
0x409: {  	s0 =	sshra.s32 s0, $0x2  }
0x40a: {  	s0 =	sadd.s32 $0x0, s0;
	[tilespmem:s22+$0x16990] =	vst v4  }
0x40b: {  	s1 =	sadd.s32 $0x10, s26;
	v4 =	vld [tilespmem:s0+$0x6A00]  }
0x40c: {  	s30 =	sand.u32 $0x7F, s1;
	s1 =	sshll.u32 s1, $0x2  }
0x40d: {  	s1 =	sand.u32 $0xFFFFFE00, s1;
	s0 =	sshll.u32 s30, $0x2  }
0x40e: {  	(v2sf) =	vpush v3, $0x6;
	s0 =	sor.u32 s0, s1  }
0x40f: {  	s0 =	sshra.s32 s0, $0x2  }
0x410: {  	s0 =	sadd.s32 $0x0, s0;
	[tilespmem:s22+$0x16A00] =	vst v4  }
0x411: {  	s31 =	spop (v2sf);
	v4 =	vld [tilespmem:s0+$0x6A00]  }
0x412: {  	s3 =	sshll.u32 s31, $0x2;
	s5 =	sand.u32 $0x7F, s31  }
0x413: {  	s2 =	sshll.u32 s5, $0x2;
	s0 =	sand.u32 $0xFFFFFE00, s3  }
0x414: {  	s0 =	sor.u32 s2, s0  }
0x415: {  	s0 =	sshra.s32 s0, $0x2  }
0x416: {  	s0 =	sadd.s32 $0x0, s0;
	[tilespmem:s22+$0x16A10] =	vst v4  }
0x417: {  	s1 =	sadd.s32 $0x10, s31;
	v4 =	vld [tilespmem:s0+$0x6A80]  }
0x418: {  	s6 =	sand.u32 $0x7F, s1;
	s1 =	sshll.u32 s1, $0x2  }
0x419: {  	s1 =	sand.u32 $0xFFFFFE00, s1;
	s0 =	sshll.u32 s6, $0x2  }
0x41a: {  	(v2sf) =	vpush v3, $0x7;
	s0 =	sor.u32 s0, s1  }
0x41b: {  	s0 =	sshra.s32 s0, $0x2  }
0x41c: {  	s0 =	sadd.s32 $0x0, s0;
	[tilespmem:s22+$0x16A80] =	vst v4  }
0x41d: {  	s7 =	spop (v2sf);
	v4 =	vld [tilespmem:s0+$0x6A80]  }
0x41e: {  	s8 =	sand.u32 $0x7F, s7;
	s9 =	sshll.u32 s7, $0x2  }
0x41f: {  	s2 =	sand.u32 $0xFFFFFE00, s9;
	s0 =	sshll.u32 s8, $0x2  }
0x420: {  	s0 =	sor.u32 s0, s2  }
0x421: {  	s0 =	sshra.s32 s0, $0x2  }
0x422: {  	s0 =	sadd.s32 $0x0, s0;
	[tilespmem:s22+$0x16A90] =	vst v4  }
0x423: {  	s1 =	sadd.s32 $0x10, s7;
	v4 =	vld [tilespmem:s0+$0x6B00]  }
0x424: {  	s10 =	sand.u32 $0x7F, s1;
	s1 =	sshll.u32 s1, $0x2  }
0x425: {  	s1 =	sand.u32 $0xFFFFFE00, s1;
	s0 =	sshll.u32 s10, $0x2  }
0x426: {  	(v2sf) =	vpush v3, $0x8;
	s0 =	sor.u32 s0, s1  }
0x427: {  	s0 =	sshra.s32 s0, $0x2  }
0x428: {  	s0 =	sadd.s32 $0x0, s0;
	[tilespmem:s22+$0x16B00] =	vst v4  }
0x429: {  	s11 =	spop (v2sf);
	v4 =	vld [tilespmem:s0+$0x6B00]  }
0x42a: {  	s13 =	sand.u32 $0x7F, s11;
	s14 =	sshll.u32 s11, $0x2  }
0x42b: {  	s2 =	sand.u32 $0xFFFFFE00, s14;
	s0 =	sshll.u32 s13, $0x2  }
0x42c: {  	s0 =	sor.u32 s0, s2  }
0x42d: {  	s0 =	sshra.s32 s0, $0x2  }
0x42e: {  	s0 =	sadd.s32 $0x0, s0;
	[tilespmem:s22+$0x16B10] =	vst v4  }
0x42f: {  	s1 =	sadd.s32 $0x10, s11;
	v4 =	vld [tilespmem:s0+$0x6B80]  }
0x430: {  	s15 =	sand.u32 $0x7F, s1;
	s1 =	sshll.u32 s1, $0x2  }
0x431: {  	s1 =	sand.u32 $0xFFFFFE00, s1;
	s0 =	sshll.u32 s15, $0x2  }
0x432: {  	(v2sf) =	vpush v3, $0x9;
	s0 =	sor.u32 s0, s1  }
0x433: {  	s0 =	sshra.s32 s0, $0x2  }
0x434: {  	s0 =	sadd.s32 $0x0, s0;
	[tilespmem:s22+$0x16B80] =	vst v4  }
0x435: {  	s16 =	spop (v2sf);
	v4 =	vld [tilespmem:s0+$0x6B80]  }
0x436: {  	s17 =	sand.u32 $0x7F, s16;
	s18 =	sshll.u32 s16, $0x2  }
0x437: {  	s2 =	sand.u32 $0xFFFFFE00, s18;
	s0 =	sshll.u32 s17, $0x2  }
0x438: {  	s0 =	sor.u32 s0, s2  }
0x439: {  	s0 =	sshra.s32 s0, $0x2  }
0x43a: {  	s0 =	sadd.s32 $0x0, s0;
	[tilespmem:s22+$0x16B90] =	vst v4  }
0x43b: {  	s1 =	sadd.s32 $0x10, s16;
	v4 =	vld [tilespmem:s0+$0x6C00]  }
0x43c: {  	s23 =	sand.u32 $0x7F, s1;
	s1 =	sshll.u32 s1, $0x2  }
0x43d: {  	s1 =	sand.u32 $0xFFFFFE00, s1;
	s0 =	sshll.u32 s23, $0x2  }
0x43e: {  	(v2sf) =	vpush v3, $0xA;
	s0 =	sor.u32 s0, s1  }
0x43f: {  	s0 =	sshra.s32 s0, $0x2  }
0x440: {  	s0 =	sadd.s32 $0x0, s0;
	[tilespmem:s22+$0x16C00] =	vst v4  }
0x441: {  	s24 =	spop (v2sf);
	v4 =	vld [tilespmem:s0+$0x6C00]  }
0x442: {  	s25 =	sand.u32 $0x7F, s24;
	s26 =	sshll.u32 s24, $0x2  }
0x443: {  	s2 =	sand.u32 $0xFFFFFE00, s26;
	s0 =	sshll.u32 s25, $0x2  }
0x444: {  	s0 =	sor.u32 s0, s2  }
0x445: {  	s0 =	sshra.s32 s0, $0x2  }
0x446: {  	s0 =	sadd.s32 $0x0, s0;
	[tilespmem:s22+$0x16C10] =	vst v4  }
0x447: {  	s1 =	sadd.s32 $0x10, s24;
	v4 =	vld [tilespmem:s0+$0x6C80]  }
0x448: {  	s28 =	sand.u32 $0x7F, s1;
	s1 =	sshll.u32 s1, $0x2  }
0x449: {  	s1 =	sand.u32 $0xFFFFFE00, s1;
	s0 =	sshll.u32 s28, $0x2  }
0x44a: {  	(v2sf) =	vpush v3, $0xB;
	s0 =	sor.u32 s0, s1  }
0x44b: {  	s0 =	sshra.s32 s0, $0x2  }
0x44c: {  	s0 =	sadd.s32 $0x0, s0;
	[tilespmem:s22+$0x16C80] =	vst v4  }
0x44d: {  	s29 =	spop (v2sf);
	v4 =	vld [tilespmem:s0+$0x6C80]  }
0x44e: {  	s30 =	sand.u32 $0x7F, s29;
	s31 =	sshll.u32 s29, $0x2  }
0x44f: {  	s2 =	sand.u32 $0xFFFFFE00, s31;
	s0 =	sshll.u32 s30, $0x2  }
0x450: {  	s0 =	sor.u32 s0, s2  }
0x451: {  	s0 =	sshra.s32 s0, $0x2  }
0x452: {  	s0 =	sadd.s32 $0x0, s0;
	[tilespmem:s22+$0x16C90] =	vst v4  }
0x453: {  	s1 =	sadd.s32 $0x10, s29;
	v4 =	vld [tilespmem:s0+$0x6D00]  }
0x454: {  	s2 =	sand.u32 $0x7F, s1;
	s1 =	sshll.u32 s1, $0x2  }
0x455: {  	s1 =	sand.u32 $0xFFFFFE00, s1;
	s0 =	sshll.u32 s2, $0x2  }
0x456: {  	(v2sf) =	vpush v3, $0xC;
	s0 =	sor.u32 s0, s1  }
0x457: {  	s0 =	sshra.s32 s0, $0x2  }
0x458: {  	s0 =	sadd.s32 $0x0, s0;
	[tilespmem:s22+$0x16D00] =	vst v4  }
0x459: {  	s3 =	spop (v2sf);
	v4 =	vld [tilespmem:s0+$0x6D00]  }
0x45a: {  	s5 =	sand.u32 $0x7F, s3;
	s6 =	sshll.u32 s3, $0x2  }
0x45b: {  	s2 =	sand.u32 $0xFFFFFE00, s6;
	s0 =	sshll.u32 s5, $0x2  }
0x45c: {  	s0 =	sor.u32 s0, s2  }
0x45d: {  	s0 =	sshra.s32 s0, $0x2  }
0x45e: {  	s0 =	sadd.s32 $0x0, s0;
	[tilespmem:s22+$0x16D10] =	vst v4  }
0x45f: {  	s1 =	sadd.s32 $0x10, s3;
	v4 =	vld [tilespmem:s0+$0x6D80]  }
0x460: {  	s7 =	sand.u32 $0x7F, s1;
	s1 =	sshll.u32 s1, $0x2  }
0x461: {  	s1 =	sand.u32 $0xFFFFFE00, s1;
	s0 =	sshll.u32 s7, $0x2  }
0x462: {  	(v2sf) =	vpush v3, $0xD;
	s0 =	sor.u32 s0, s1  }
0x463: {  	s0 =	sshra.s32 s0, $0x2  }
0x464: {  	s0 =	sadd.s32 $0x0, s0;
	[tilespmem:s22+$0x16D80] =	vst v4  }
0x465: {  	s8 =	spop (v2sf);
	v4 =	vld [tilespmem:s0+$0x6D80]  }
0x466: {  	s9 =	sand.u32 $0x7F, s8;
	s10 =	sshll.u32 s8, $0x2  }
0x467: {  	s2 =	sand.u32 $0xFFFFFE00, s10;
	s0 =	sshll.u32 s9, $0x2  }
0x468: {  	s0 =	sor.u32 s0, s2  }
0x469: {  	s0 =	sshra.s32 s0, $0x2  }
0x46a: {  	s0 =	sadd.s32 $0x0, s0;
	[tilespmem:s22+$0x16D90] =	vst v4  }
0x46b: {  	s1 =	sadd.s32 $0x10, s8;
	v4 =	vld [tilespmem:s0+$0x6E00]  }
0x46c: {  	s11 =	sand.u32 $0x7F, s1;
	s1 =	sshll.u32 s1, $0x2  }
0x46d: {  	s1 =	sand.u32 $0xFFFFFE00, s1;
	s0 =	sshll.u32 s11, $0x2  }
0x46e: {  	(v2sf) =	vpush v3, $0xE;
	s0 =	sor.u32 s0, s1  }
0x46f: {  	s0 =	sshra.s32 s0, $0x2  }
0x470: {  	s0 =	sadd.s32 $0x0, s0;
	[tilespmem:s22+$0x16E00] =	vst v4  }
0x471: {  	s13 =	spop (v2sf);
	v4 =	vld [tilespmem:s0+$0x6E00]  }
0x472: {  	s14 =	sand.u32 $0x7F, s13;
	s15 =	sshll.u32 s13, $0x2  }
0x473: {  	s2 =	sand.u32 $0xFFFFFE00, s15;
	s0 =	sshll.u32 s14, $0x2  }
0x474: {  	s0 =	sor.u32 s0, s2  }
0x475: {  	s0 =	sshra.s32 s0, $0x2  }
0x476: {  	s0 =	sadd.s32 $0x0, s0;
	[tilespmem:s22+$0x16E10] =	vst v4  }
0x477: {  	s1 =	sadd.s32 $0x10, s13;
	v4 =	vld [tilespmem:s0+$0x6E80]  }
0x478: {  	s16 =	sand.u32 $0x7F, s1;
	s1 =	sshll.u32 s1, $0x2  }
0x479: {  	s1 =	sand.u32 $0xFFFFFE00, s1;
	s0 =	sshll.u32 s16, $0x2  }
0x47a: {  	(v2sf) =	vpush v3, $0xF;
	s0 =	sor.u32 s0, s1  }
0x47b: {  	s0 =	sshra.s32 s0, $0x2  }
0x47c: {  	s0 =	sadd.s32 $0x0, s0;
	[tilespmem:s22+$0x16E80] =	vst v4  }
0x47d: {  	s17 =	spop (v2sf);
	v3 =	vld [tilespmem:s0+$0x6E80]  }
0x47e: {  	s18 =	sand.u32 $0x7F, s17;
	s23 =	sshll.u32 s17, $0x2  }
0x47f: {  	s2 =	sand.u32 $0xFFFFFE00, s23;
	s0 =	sshll.u32 s18, $0x2  }
0x480: {  	s0 =	sor.u32 s0, s2  }
0x481: {  	s0 =	sshra.s32 s0, $0x2  }
0x482: {  	s0 =	sadd.s32 $0x0, s0;
	[tilespmem:s22+$0x16E90] =	vst v3  }
0x483: {  	s1 =	sadd.s32 $0x10, s17;
	v3 =	vld [tilespmem:s0+$0x6F00]  }
0x484: {  	s24 =	sand.u32 $0x7F, s1;
	s1 =	sshll.u32 s1, $0x2  }
0x485: {  	s1 =	sand.u32 $0xFFFFFE00, s1;
	s0 =	sshll.u32 s24, $0x2  }
0x486: {  	s0 =	sor.u32 s0, s1  }
0x487: {  	s0 =	sshra.s32 s0, $0x2  }
0x488: {  	s0 =	sadd.s32 $0x0, s0;
	[tilespmem:s22+$0x16F00] =	vst v3  }
0x489: {  	s25 =	spop (v2sf);
	v3 =	vld [tilespmem:s0+$0x6F00]  }
0x48a: {  	s26 =	sand.u32 $0x7F, s25;
	s28 =	sshll.u32 s25, $0x2  }
0x48b: {  	s2 =	sand.u32 $0xFFFFFE00, s28;
	s0 =	sshll.u32 s26, $0x2  }
0x48c: {  	s0 =	sor.u32 s0, s2  }
0x48d: {  	s0 =	sshra.s32 s0, $0x2  }
0x48e: {  	s0 =	sadd.s32 $0x0, s0;
	[tilespmem:s22+$0x16F10] =	vst v3  }
0x48f: {  	s1 =	sadd.s32 $0x10, s25;
	v3 =	vld [tilespmem:s0+$0x6F80]  }
0x490: {  	s29 =	sand.u32 $0x7F, s1;
	s1 =	sshll.u32 s1, $0x2  }
0x491: {  	s1 =	sand.u32 $0xFFFFFE00, s1;
	s0 =	sshll.u32 s29, $0x2  }
0x492: {  	s0 =	sor.u32 s0, s1  }
0x493: {  	s30 =	rddreg [dreg:$0x3];
	s24 =	simm.s32 $0x10;
	s0 =	sshra.s32 s0, $0x2  }
0x494: {  	s23 =	simm.s32 $0x2000;
	s31 =	sand.u32 $0x80, s24;
	s0 =	sadd.s32 $0x0, s0;
	[tilespmem:s22+$0x16F80] =	vst v3  }
0x495: {  	s25 =	simm.s32 $0x4000;
	s1 =	sand.u32 $0x70, s24;
	v3 =	vld [tilespmem:s0+$0x6F80];
	s0 =	sadd.s32 s31, s30  }
.LBB2_5:
0x496: {  	_ =	sdelay $0x3  }
0x497: {  	s0 =	sadd.s32 s1, s0;
	[tilespmem:s22+$0x16F90] =	vst v3  }
0x498: {  	v3 =	vld [tilespmem:s0+$0x0];
	_ =	sdelay $0x4  }
0x499: {  	(v2sf) =	vpush v3, $0x0;
	_ =	sdelay $0x6  }
0x49a: {  	(v2sf) =	vpush v3, $0x1;
	_ =	sdelay $0x2  }
0x49b: {  	(v2sf) =	vpush v3, $0x2;
	_ =	sdelay $0x3  }
0x49c: {  	(v2sf) =	vpush v3, $0x3  }
0x49d: {  	s2 =	smov.u32 s25;
	s22 =	sshra.s32 s23, $0x2;
	s3 =	spop (v2sf)  }
0x49e: {  	s23 =	smov.u32 s2;
	s5 =	sand.u32 $0x7F, s3;
	s2 =	sshll.u32 s3, $0x2  }
0x49f: {  	s2 =	sand.u32 $0xFFFFFE00, s2;
	s1 =	sshll.u32 s5, $0x2  }
0x4a0: {  	s1 =	sor.u32 s1, s2  }
0x4a1: {  	s1 =	sshra.s32 s1, $0x2  }
0x4a2: {  	s1 =	sadd.s32 s22, s1  }
0x4a3: {  	s0 =	sadd.s32 $0x10, s3;
	v4 =	vld [tilespmem:s1+$0x6800]  }
0x4a4: {  	s6 =	spop (v2sf);
	s7 =	sand.u32 $0x7F, s0;
	s0 =	sshll.u32 s0, $0x2  }
0x4a5: {  	(v2sf) =	vpush v3, $0x4;
	s8 =	sand.u32 $0x7F, s6;
	s0 =	sand.u32 $0xFFFFFE00, s0;
	s2 =	sshll.u32 s7, $0x2  }
0x4a6: {  	(v2sf) =	vpush v3, $0x5;
	s9 =	sshll.u32 s6, $0x2;
	s6 =	sadd.s32 $0x10, s6;
	s0 =	sor.u32 s2, s0  }
0x4a7: {  	s7 =	spop (v2sf);
	s10 =	sand.u32 $0x7F, s6;
	s0 =	sshra.s32 s0, $0x2  }
0x4a8: {  	s6 =	sshll.u32 s6, $0x2;
	s2 =	sshll.u32 s8, $0x2;
	s0 =	sadd.s32 s22, s0;
	[tilespmem:s22+$0x16800] =	vst v4  }
0x4a9: {  	s11 =	sand.u32 $0xFFFFFE00, s6;
	s13 =	sand.u32 $0x7F, s7;
	s14 =	sshll.u32 s7, $0x2;
	v4 =	vld [tilespmem:s0+$0x6800]  }
0x4aa: {  	s16 =	sadd.s32 $0x10, s7;
	s15 =	sand.u32 $0xFFFFFE00, s14;
	s1 =	sand.u32 $0xFFFFFE00, s9  }
0x4ab: {  	s18 =	sand.u32 $0x7F, s16;
	s9 =	spop (v2sf);
	s1 =	sor.u32 s2, s1  }
0x4ac: {  	s2 =	sshll.u32 s10, $0x2;
	s17 =	sand.u32 $0x7F, s9;
	s10 =	sshll.u32 s16, $0x2  }
0x4ad: {  	(v2sf) =	vpush v3, $0x6;
	s28 =	sshll.u32 s9, $0x2;
	s31 =	sadd.s32 $0x10, s9;
	s8 =	sshra.s32 s1, $0x2  }
0x4ae: {  	s2 =	sor.u32 s2, s11;
	s1 =	sshll.u32 s13, $0x2;
	s8 =	sadd.s32 s22, s8;
	[tilespmem:s22+$0x16810] =	vst v4  }
0x4af: {  	(v2sf) =	vpush v3, $0x7;
	s26 =	sand.u32 $0xFFFFFE00, s10;
	s7 =	sshll.u32 s17, $0x2;
	s29 =	sand.u32 $0xFFFFFE00, s28;
	v4 =	vld [tilespmem:s8+$0x6880]  }
0x4b0: {  	s3 =	sand.u32 $0x7F, s31;
	s0 =	sor.u32 s1, s15;
	s1 =	sshll.u32 s18, $0x2  }
0x4b1: {  	s2 =	sshra.s32 s2, $0x2;
	s6 =	sshra.s32 s0, $0x2;
	s0 =	sor.u32 s1, s26  }
0x4b2: {  	s2 =	sadd.s32 s22, s2;
	s1 =	sshra.s32 s0, $0x2;
	s0 =	sor.u32 s7, s29  }
0x4b3: {  	s7 =	sshll.u32 s31, $0x2;
	s6 =	sadd.s32 s22, s6;
	s0 =	sshra.s32 s0, $0x2  }
0x4b4: {  	s7 =	sand.u32 $0xFFFFFE00, s7;
	s1 =	sadd.s32 s22, s1;
	s30 =	spop (v2sf);
	[tilespmem:s22+$0x16880] =	vst v4  }
0x4b5: {  	s0 =	sadd.s32 s22, s0;
	s5 =	sadd.s32 $0x10, s30;
	s11 =	spop (v2sf);
	v4 =	vld [tilespmem:s2+$0x6880]  }
0x4b6: {  	s13 =	sand.u32 $0x7F, s30;
	s15 =	sshll.u32 s30, $0x2;
	(v2sf) =	vpush v3, $0x8;
	s8 =	sshll.u32 s3, $0x2  }
0x4b7: {  	s14 =	sadd.s32 $0x10, s11;
	s16 =	sshll.u32 s13, $0x2;
	s17 =	sshll.u32 s11, $0x2  }
0x4b8: {  	s18 =	sand.u32 $0x7F, s5;
	s26 =	sshll.u32 s5, $0x2;
	s28 =	sand.u32 $0x7F, s11  }
0x4b9: {  	s7 =	sor.u32 s8, s7;
	s8 =	sand.u32 $0xFFFFFE00, s15;
	s29 =	sand.u32 $0xFFFFFE00, s17  }
0x4ba: {  	s9 =	sshll.u32 s28, $0x2;
	s5 =	sand.u32 $0x7F, s14;
	s14 =	sshll.u32 s14, $0x2;
	[tilespmem:s22+$0x16890] =	vst v4  }
0x4bb: {  	s10 =	sor.u32 s16, s8;
	s8 =	sshll.u32 s18, $0x2;
	s30 =	sor.u32 s9, s29;
	v4 =	vld [tilespmem:s6+$0x6900]  }
0x4bc: {  	s7 =	sshra.s32 s7, $0x2;
	s17 =	sand.u32 $0xFFFFFE00, s14;
	s31 =	spop (v2sf);
	(v2sf) =	vpush v3, $0x9  }
0x4bd: {  	s13 =	sshll.u32 s5, $0x2;
	s7 =	sadd.s32 s22, s7;
	s3 =	sand.u32 $0x7F, s31  }
0x4be: {  	s15 =	sshll.u32 s31, $0x2;
	s16 =	spop (v2sf);
	s9 =	sadd.s32 $0x10, s31  }
0x4bf: {  	s11 =	sshll.u32 s3, $0x2;
	s18 =	sand.u32 $0xFFFFFE00, s15;
	s28 =	sand.u32 $0x7F, s9  }
0x4c0: {  	s9 =	sshll.u32 s9, $0x2;
	s3 =	sshll.u32 s16, $0x2;
	s14 =	sadd.s32 $0x10, s16;
	[tilespmem:s22+$0x16900] =	vst v4  }
0x4c1: {  	(v2sf) =	vpush v3, $0xA;
	s2 =	sand.u32 $0xFFFFFE00, s26;
	s26 =	sor.u32 s11, s18;
	s29 =	sshll.u32 s28, $0x2;
	v4 =	vld [tilespmem:s1+$0x6900]  }
0x4c2: {  	s9 =	sand.u32 $0xFFFFFE00, s9;
	s5 =	sand.u32 $0xFFFFFE00, s3;
	s8 =	sor.u32 s8, s2  }
0x4c3: {  	s2 =	sshra.s32 s30, $0x2;
	s31 =	sshra.s32 s26, $0x2;
	s9 =	sor.u32 s29, s9  }
0x4c4: {  	s30 =	sand.u32 $0x7F, s16;
	s16 =	sand.u32 $0x7F, s14;
	s29 =	sshra.s32 s9, $0x2  }
0x4c5: {  	s6 =	sshra.s32 s10, $0x2;
	s10 =	sor.u32 s13, s17;
	s17 =	spop (v2sf);
	(v2sf) =	vpush v3, $0xB  }
0x4c6: {  	s9 =	sshll.u32 s14, $0x2;
	s8 =	sshra.s32 s8, $0x2;
	s2 =	sadd.s32 s22, s2;
	[tilespmem:s22+$0x16910] =	vst v4  }
0x4c7: {  	s9 =	sand.u32 $0xFFFFFE00, s9;
	s8 =	sadd.s32 s22, s8;
	s13 =	sshll.u32 s30, $0x2;
	v4 =	vld [tilespmem:s0+$0x6980]  }
0x4c8: {  	s15 =	sshra.s32 s10, $0x2;
	s26 =	sor.u32 s13, s5;
	s30 =	sshll.u32 s17, $0x2  }
0x4c9: {  	s18 =	sand.u32 $0x7F, s17;
	s5 =	sadd.s32 $0x10, s17;
	(v2sf) =	vpush v3, $0xC;
	s3 =	sand.u32 $0xFFFFFE00, s30  }
0x4ca: {  	s10 =	sand.u32 $0x7F, s5;
	s11 =	sshll.u32 s5, $0x2;
	s1 =	sshll.u32 s16, $0x2  }
0x4cb: {  	s13 =	spop (v2sf);
	s1 =	sor.u32 s1, s9;
	s9 =	sshll.u32 s18, $0x2  }
0x4cc: {  	s14 =	sand.u32 $0x7F, s13;
	s16 =	sshll.u32 s13, $0x2;
	s28 =	sshra.s32 s1, $0x2;
	[tilespmem:s22+$0x16980] =	vst v4  }
0x4cd: {  	s1 =	sor.u32 s9, s3;
	s17 =	sand.u32 $0xFFFFFE00, s16;
	s9 =	sadd.s32 $0x10, s13;
	v4 =	vld [tilespmem:s7+$0x6980]  }
0x4ce: {  	s30 =	sshra.s32 s1, $0x2;
	s1 =	sand.u32 $0xFFFFFE00, s11;
	s0 =	sshll.u32 s10, $0x2  }
0x4cf: {  	s18 =	sand.u32 $0x7F, s9;
	s10 =	sshll.u32 s14, $0x2;
	s0 =	sor.u32 s0, s1  }
0x4d0: {  	s1 =	sshra.s32 s0, $0x2;
	s0 =	sor.u32 s10, s17;
	s10 =	spop (v2sf);
	(v2sf) =	vpush v3, $0xD  }
0x4d1: {  	s6 =	sadd.s32 s22, s6;
	s3 =	sshll.u32 s9, $0x2;
	s5 =	sshll.u32 s18, $0x2  }
0x4d2: {  	s13 =	sand.u32 $0x7F, s10;
	s14 =	sshll.u32 s10, $0x2;
	s18 =	sadd.s32 $0x10, s10;
	(v2sf) =	vpush v3, $0xE;
	[tilespmem:s22+$0x16990] =	vst v4  }
0x4d3: {  	s16 =	sshll.u32 s13, $0x2;
	s17 =	sand.u32 $0xFFFFFE00, s14;
	s14 =	sshll.u32 s18, $0x2;
	v4 =	vld [tilespmem:s6+$0x6A00]  }
0x4d4: {  	s7 =	sand.u32 $0xFFFFFE00, s3;
	s3 =	sor.u32 s16, s17;
	s16 =	spop (v2sf)  }
0x4d5: {  	s7 =	sor.u32 s5, s7;
	s5 =	sand.u32 $0x7F, s18;
	s10 =	sshra.s32 s3, $0x2  }
0x4d6: {  	s18 =	sand.u32 $0x7F, s16;
	s3 =	sshll.u32 s16, $0x2;
	s11 =	sshra.s32 s7, $0x2  }
0x4d7: {  	s9 =	sshll.u32 s5, $0x2;
	s7 =	sand.u32 $0xFFFFFE00, s14;
	s5 =	sand.u32 $0xFFFFFE00, s3  }
0x4d8: {  	s14 =	sadd.s32 $0x10, s16;
	s16 =	spop (v2sf);
	s17 =	sor.u32 s9, s7;
	[tilespmem:s22+$0x16A00] =	vst v4  }
0x4d9: {  	(v2sf) =	vpush v3, $0xF;
	s9 =	sshll.u32 s18, $0x2;
	s18 =	sand.u32 $0x7F, s16;
	s3 =	sshll.u32 s16, $0x2;
	v3 =	vld [tilespmem:s8+$0x6A00]  }
0x4da: {  	s7 =	sshra.s32 s17, $0x2;
	s17 =	sand.u32 $0x7F, s14;
	s6 =	sor.u32 s9, s5  }
0x4db: {  	s9 =	sshll.u32 s14, $0x2;
	s14 =	sshll.u32 s17, $0x2;
	s5 =	sadd.s32 $0x10, s16  }
0x4dc: {  	s16 =	sshll.u32 s18, $0x2;
	s9 =	sand.u32 $0xFFFFFE00, s9;
	s18 =	sand.u32 $0x7F, s5  }
0x4dd: {  	s15 =	sadd.s32 s22, s15;
	s9 =	sor.u32 s14, s9;
	s14 =	sshll.u32 s18, $0x2  }
0x4de: {  	s17 =	sshra.s32 s9, $0x2;
	s9 =	sshll.u32 s5, $0x2;
	s8 =	sand.u32 $0xFFFFFE00, s3;
	[tilespmem:s22+$0x16A10] =	vst v3  }
0x4df: {  	s3 =	sand.u32 $0xFFFFFE00, s9;
	s9 =	spop (v2sf);
	s8 =	sor.u32 s16, s8;
	v3 =	vld [tilespmem:s2+$0x6A80]  }
0x4e0: {  	s5 =	sand.u32 $0x7F, s9;
	s18 =	sshll.u32 s9, $0x2;
	s9 =	sadd.s32 $0x10, s9  }
0x4e1: {  	s16 =	spop (v2sf);
	s13 =	sshra.s32 s8, $0x2;
	s8 =	sor.u32 s14, s3  }
0x4e2: {  	s18 =	sand.u32 $0xFFFFFE00, s18;
	s14 =	sshra.s32 s8, $0x2;
	s8 =	sand.u32 $0x7F, s9  }
0x4e3: {  	s3 =	sshll.u32 s5, $0x2;
	s5 =	sshll.u32 s9, $0x2;
	s8 =	sshll.u32 s8, $0x2  }
0x4e4: {  	s2 =	sor.u32 s3, s18;
	s3 =	sand.u32 $0xFFFFFE00, s5;
	s5 =	sand.u32 $0x7F, s16;
	[tilespmem:s22+$0x16A80] =	vst v3  }
0x4e5: {  	s9 =	sshra.s32 s2, $0x2;
	s2 =	sor.u32 s8, s3;
	s3 =	sshll.u32 s16, $0x2;
	v3 =	vld [tilespmem:s15+$0x6A80]  }
0x4e6: {  	s8 =	sshll.u32 s5, $0x2;
	s16 =	sadd.s32 $0x10, s16;
	s18 =	sand.u32 $0xFFFFFE00, s3  }
0x4e7: {  	s5 =	sand.u32 $0x7F, s16;
	s16 =	sshll.u32 s16, $0x2;
	s8 =	sor.u32 s8, s18  }
0x4e8: {  	s16 =	sand.u32 $0xFFFFFE00, s16;
	s15 =	sshra.s32 s8, $0x2;
	s8 =	sshll.u32 s5, $0x2  }
0x4e9: {  	s8 =	sor.u32 s8, s16  }
0x4ea: {  	s16 =	sshra.s32 s8, $0x2;
	s8 =	sadd.s32 s22, s31;
	[tilespmem:s22+$0x16A90] =	vst v3  }
0x4eb: {  	s18 =	spop (v2sf);
	v3 =	vld [tilespmem:s8+$0x6B00]  }
0x4ec: {  	s3 =	sand.u32 $0x7F, s18;
	s5 =	sshll.u32 s18, $0x2  }
0x4ed: {  	s3 =	sshll.u32 s3, $0x2;
	s5 =	sand.u32 $0xFFFFFE00, s5  }
0x4ee: {  	s3 =	sor.u32 s3, s5;
	s5 =	sadd.s32 $0x10, s18  }
0x4ef: {  	s18 =	sand.u32 $0x7F, s5  }
0x4f0: {  	s31 =	sshra.s32 s3, $0x2;
	s3 =	sshll.u32 s18, $0x2;
	s18 =	sadd.s32 s22, s29;
	[tilespmem:s22+$0x16B00] =	vst v3  }
0x4f1: {  	v3 =	vld [tilespmem:s18+$0x6B00];
	_ =	sdelay $0x1  }
0x4f2: {  	s5 =	sshll.u32 s5, $0x2  }
0x4f3: {  	s5 =	sand.u32 $0xFFFFFE00, s5  }
0x4f4: {  	s26 =	sshra.s32 s26, $0x2;
	s3 =	sor.u32 s3, s5  }
0x4f5: {  	s8 =	sshra.s32 s3, $0x2;
	s3 =	sadd.s32 s22, s26;
	[tilespmem:s22+$0x16B10] =	vst v3  }
0x4f6: {  	v3 =	vld [tilespmem:s3+$0x6B80];
	_ =	sdelay $0x4  }
0x4f7: {  	s29 =	sadd.s32 s22, s28;
	[tilespmem:s22+$0x16B80] =	vst v3  }
0x4f8: {  	v3 =	vld [tilespmem:s29+$0x6B80];
	_ =	sdelay $0x4  }
0x4f9: {  	s30 =	sadd.s32 s22, s30;
	[tilespmem:s22+$0x16B90] =	vst v3  }
0x4fa: {  	v3 =	vld [tilespmem:s30+$0x6C00];
	_ =	sdelay $0x4  }
0x4fb: {  	s1 =	sadd.s32 s22, s1;
	[tilespmem:s22+$0x16C00] =	vst v3  }
0x4fc: {  	v3 =	vld [tilespmem:s1+$0x6C00];
	_ =	sdelay $0x3  }
0x4fd: {  	s0 =	sshra.s32 s0, $0x2  }
0x4fe: {  	s0 =	sadd.s32 s22, s0;
	[tilespmem:s22+$0x16C10] =	vst v3  }
0x4ff: {  	v3 =	vld [tilespmem:s0+$0x6C80];
	_ =	sdelay $0x4  }
0x500: {  	s1 =	sadd.s32 s22, s11;
	[tilespmem:s22+$0x16C80] =	vst v3  }
0x501: {  	v3 =	vld [tilespmem:s1+$0x6C80];
	_ =	sdelay $0x4  }
0x502: {  	s3 =	sadd.s32 s22, s10;
	[tilespmem:s22+$0x16C90] =	vst v3  }
0x503: {  	v3 =	vld [tilespmem:s3+$0x6D00];
	_ =	sdelay $0x4  }
0x504: {  	s5 =	sadd.s32 s22, s7;
	[tilespmem:s22+$0x16D00] =	vst v3  }
0x505: {  	v3 =	vld [tilespmem:s5+$0x6D00];
	_ =	sdelay $0x3  }
0x506: {  	s6 =	sshra.s32 s6, $0x2  }
0x507: {  	s7 =	sadd.s32 s22, s6;
	[tilespmem:s22+$0x16D10] =	vst v3  }
0x508: {  	v3 =	vld [tilespmem:s7+$0x6D80];
	_ =	sdelay $0x4  }
0x509: {  	s10 =	sadd.s32 s22, s17;
	[tilespmem:s22+$0x16D80] =	vst v3  }
0x50a: {  	v3 =	vld [tilespmem:s10+$0x6D80];
	_ =	sdelay $0x4  }
0x50b: {  	s11 =	sadd.s32 s22, s13;
	[tilespmem:s22+$0x16D90] =	vst v3  }
0x50c: {  	v3 =	vld [tilespmem:s11+$0x6E00];
	_ =	sdelay $0x4  }
0x50d: {  	s13 =	sadd.s32 s22, s14;
	[tilespmem:s22+$0x16E00] =	vst v3  }
0x50e: {  	v3 =	vld [tilespmem:s13+$0x6E00];
	_ =	sdelay $0x4  }
0x50f: {  	s14 =	sadd.s32 s22, s9;
	[tilespmem:s22+$0x16E10] =	vst v3  }
0x510: {  	v3 =	vld [tilespmem:s14+$0x6E80];
	_ =	sdelay $0x3  }
0x511: {  	s2 =	sshra.s32 s2, $0x2  }
0x512: {  	s17 =	sadd.s32 s22, s2;
	[tilespmem:s22+$0x16E80] =	vst v3  }
0x513: {  	v3 =	vld [tilespmem:s17+$0x6E80];
	_ =	sdelay $0x4  }
0x514: {  	s18 =	sadd.s32 s22, s15;
	[tilespmem:s22+$0x16E90] =	vst v3  }
0x515: {  	v3 =	vld [tilespmem:s18+$0x6F00];
	_ =	sdelay $0x4  }
0x516: {  	s26 =	sadd.s32 s22, s16;
	[tilespmem:s22+$0x16F00] =	vst v3  }
0x517: {  	v3 =	vld [tilespmem:s26+$0x6F00];
	_ =	sdelay $0x4  }
0x518: {  	s28 =	sadd.s32 s22, s31;
	[tilespmem:s22+$0x16F10] =	vst v3  }
0x519: {  	v3 =	vld [tilespmem:s28+$0x6F80]  }
0x51a: {  	p0 =	sne.s32 s25, $0x1E000  }
.Ltmp1:
0x51b: {  	_ = 	snop;
	(pc) =	sbr.rel @p0 .LBB2_5-.Ltmp1, $4  }
0x51c: {  	_ = 	snop  }
0x51d: {  	s24 =	sadd.s32 $0x10, s24  }
0x51e: {  	s31 =	sand.u32 $0x80, s24;
	s29 =	rddreg [dreg:$0x3];
	s30 =	sadd.s32 s22, s8;
	[tilespmem:s22+$0x16F80] =	vst v3  }
0x51f: {  	s25 =	sadd.s32 $0x2000, s25;
	s0 =	sadd.s32 s31, s29;
	s1 =	sand.u32 $0x70, s24;
	v3 =	vld [tilespmem:s30+$0x6F80]  }
0x520: {  	_ =	sdelay $0x3  }
0x521: {  	s0 =	sadd.s32 s1, s0;
	[tilespmem:s22+$0x16F90] =	vst v3  }
0x522: {  	v3 =	vld [tilespmem:s0+$0x0];
	_ =	sdelay $0x4  }
0x523: {  	(v2sf) =	vpush v3, $0x0;
	_ =	sdelay $0xb  }
0x524: {  	(v2sf) =	vpush v3, $0x1;
	_ =	sdelay $0x2  }
0x525: {  	s29 =	spop (v2sf)  }
0x526: {  	s30 =	sand.u32 $0x7F, s29;
	s2 =	sshll.u32 s29, $0x2  }
0x527: {  	s2 =	sand.u32 $0xFFFFFE00, s2;
	s1 =	sshll.u32 s30, $0x2  }
0x528: {  	s1 =	sor.u32 s1, s2  }
0x529: {  	s22 =	sshra.s32 s23, $0x2;
	s1 =	sshra.s32 s1, $0x2  }
0x52a: {  	s1 =	sadd.s32 s22, s1  }
0x52b: {  	s0 =	sadd.s32 $0x10, s29;
	v4 =	vld [tilespmem:s1+$0x6800]  }
0x52c: {  	s2 =	sand.u32 $0x7F, s0;
	s0 =	sshll.u32 s0, $0x2  }
0x52d: {  	s0 =	sand.u32 $0xFFFFFE00, s0;
	s1 =	sshll.u32 s2, $0x2  }
0x52e: {  	(v2sf) =	vpush v3, $0x2;
	s0 =	sor.u32 s1, s0  }
0x52f: {  	s0 =	sshra.s32 s0, $0x2  }
0x530: {  	s0 =	sadd.s32 s22, s0;
	[tilespmem:s22+$0x16800] =	vst v4  }
0x531: {  	s3 =	spop (v2sf);
	v4 =	vld [tilespmem:s0+$0x6800]  }
0x532: {  	s5 =	sand.u32 $0x7F, s3;
	s6 =	sshll.u32 s3, $0x2  }
0x533: {  	s2 =	sand.u32 $0xFFFFFE00, s6;
	s0 =	sshll.u32 s5, $0x2  }
0x534: {  	s0 =	sor.u32 s0, s2  }
0x535: {  	s0 =	sshra.s32 s0, $0x2  }
0x536: {  	s0 =	sadd.s32 s22, s0;
	[tilespmem:s22+$0x16810] =	vst v4  }
0x537: {  	s1 =	sadd.s32 $0x10, s3;
	v4 =	vld [tilespmem:s0+$0x6880]  }
0x538: {  	s7 =	sand.u32 $0x7F, s1;
	s1 =	sshll.u32 s1, $0x2  }
0x539: {  	s1 =	sand.u32 $0xFFFFFE00, s1;
	s0 =	sshll.u32 s7, $0x2  }
0x53a: {  	(v2sf) =	vpush v3, $0x3;
	s0 =	sor.u32 s0, s1  }
0x53b: {  	s0 =	sshra.s32 s0, $0x2  }
0x53c: {  	s0 =	sadd.s32 s22, s0;
	[tilespmem:s22+$0x16880] =	vst v4  }
0x53d: {  	s8 =	spop (v2sf);
	v4 =	vld [tilespmem:s0+$0x6880]  }
0x53e: {  	s9 =	sand.u32 $0x7F, s8;
	s10 =	sshll.u32 s8, $0x2  }
0x53f: {  	s2 =	sand.u32 $0xFFFFFE00, s10;
	s0 =	sshll.u32 s9, $0x2  }
0x540: {  	s0 =	sor.u32 s0, s2  }
0x541: {  	s0 =	sshra.s32 s0, $0x2  }
0x542: {  	s0 =	sadd.s32 s22, s0;
	[tilespmem:s22+$0x16890] =	vst v4  }
0x543: {  	s1 =	sadd.s32 $0x10, s8;
	v4 =	vld [tilespmem:s0+$0x6900]  }
0x544: {  	s11 =	sand.u32 $0x7F, s1;
	s1 =	sshll.u32 s1, $0x2  }
0x545: {  	s1 =	sand.u32 $0xFFFFFE00, s1;
	s0 =	sshll.u32 s11, $0x2  }
0x546: {  	(v2sf) =	vpush v3, $0x4;
	s0 =	sor.u32 s0, s1  }
0x547: {  	s0 =	sshra.s32 s0, $0x2  }
0x548: {  	s0 =	sadd.s32 s22, s0;
	[tilespmem:s22+$0x16900] =	vst v4  }
0x549: {  	s13 =	spop (v2sf);
	v4 =	vld [tilespmem:s0+$0x6900]  }
0x54a: {  	s14 =	sand.u32 $0x7F, s13;
	s15 =	sshll.u32 s13, $0x2  }
0x54b: {  	s2 =	sand.u32 $0xFFFFFE00, s15;
	s0 =	sshll.u32 s14, $0x2  }
0x54c: {  	s0 =	sor.u32 s0, s2  }
0x54d: {  	s0 =	sshra.s32 s0, $0x2  }
0x54e: {  	s0 =	sadd.s32 s22, s0;
	[tilespmem:s22+$0x16910] =	vst v4  }
0x54f: {  	s1 =	sadd.s32 $0x10, s13;
	v4 =	vld [tilespmem:s0+$0x6980]  }
0x550: {  	s16 =	sand.u32 $0x7F, s1;
	s1 =	sshll.u32 s1, $0x2  }
0x551: {  	s1 =	sand.u32 $0xFFFFFE00, s1;
	s0 =	sshll.u32 s16, $0x2  }
0x552: {  	(v2sf) =	vpush v3, $0x5;
	s0 =	sor.u32 s0, s1  }
0x553: {  	s0 =	sshra.s32 s0, $0x2  }
0x554: {  	s0 =	sadd.s32 s22, s0;
	[tilespmem:s22+$0x16980] =	vst v4  }
0x555: {  	s17 =	spop (v2sf);
	v4 =	vld [tilespmem:s0+$0x6980]  }
0x556: {  	s18 =	sand.u32 $0x7F, s17;
	s23 =	sshll.u32 s17, $0x2  }
0x557: {  	s2 =	sand.u32 $0xFFFFFE00, s23;
	s0 =	sshll.u32 s18, $0x2  }
0x558: {  	s0 =	sor.u32 s0, s2  }
0x559: {  	s0 =	sshra.s32 s0, $0x2  }
0x55a: {  	s0 =	sadd.s32 s22, s0;
	[tilespmem:s22+$0x16990] =	vst v4  }
0x55b: {  	s1 =	sadd.s32 $0x10, s17;
	v4 =	vld [tilespmem:s0+$0x6A00]  }
0x55c: {  	s24 =	sand.u32 $0x7F, s1;
	s1 =	sshll.u32 s1, $0x2  }
0x55d: {  	s1 =	sand.u32 $0xFFFFFE00, s1;
	s0 =	sshll.u32 s24, $0x2  }
0x55e: {  	(v2sf) =	vpush v3, $0x6;
	s0 =	sor.u32 s0, s1  }
0x55f: {  	s0 =	sshra.s32 s0, $0x2  }
0x560: {  	s0 =	sadd.s32 s22, s0;
	[tilespmem:s22+$0x16A00] =	vst v4  }
0x561: {  	s25 =	spop (v2sf);
	v4 =	vld [tilespmem:s0+$0x6A00]  }
0x562: {  	s26 =	sshll.u32 s25, $0x2;
	s28 =	sand.u32 $0x7F, s25  }
0x563: {  	s2 =	sshll.u32 s28, $0x2;
	s0 =	sand.u32 $0xFFFFFE00, s26  }
0x564: {  	s0 =	sor.u32 s2, s0  }
0x565: {  	s0 =	sshra.s32 s0, $0x2  }
0x566: {  	s0 =	sadd.s32 s22, s0;
	[tilespmem:s22+$0x16A10] =	vst v4  }
0x567: {  	s1 =	sadd.s32 $0x10, s25;
	v4 =	vld [tilespmem:s0+$0x6A80]  }
0x568: {  	s29 =	sand.u32 $0x7F, s1;
	s1 =	sshll.u32 s1, $0x2  }
0x569: {  	s1 =	sand.u32 $0xFFFFFE00, s1;
	s0 =	sshll.u32 s29, $0x2  }
0x56a: {  	(v2sf) =	vpush v3, $0x7;
	s0 =	sor.u32 s0, s1  }
0x56b: {  	s0 =	sshra.s32 s0, $0x2  }
0x56c: {  	s0 =	sadd.s32 s22, s0;
	[tilespmem:s22+$0x16A80] =	vst v4  }
0x56d: {  	s30 =	spop (v2sf);
	v4 =	vld [tilespmem:s0+$0x6A80]  }
0x56e: {  	s3 =	sshll.u32 s30, $0x2;
	s2 =	sand.u32 $0x7F, s30  }
0x56f: {  	s0 =	sshll.u32 s2, $0x2;
	s2 =	sand.u32 $0xFFFFFE00, s3  }
0x570: {  	s0 =	sor.u32 s0, s2  }
0x571: {  	s0 =	sshra.s32 s0, $0x2  }
0x572: {  	s0 =	sadd.s32 s22, s0;
	[tilespmem:s22+$0x16A90] =	vst v4  }
0x573: {  	s1 =	sadd.s32 $0x10, s30;
	v4 =	vld [tilespmem:s0+$0x6B00]  }
0x574: {  	s5 =	sand.u32 $0x7F, s1;
	s1 =	sshll.u32 s1, $0x2  }
0x575: {  	s1 =	sand.u32 $0xFFFFFE00, s1;
	s0 =	sshll.u32 s5, $0x2  }
0x576: {  	(v2sf) =	vpush v3, $0x8;
	s0 =	sor.u32 s0, s1  }
0x577: {  	s0 =	sshra.s32 s0, $0x2  }
0x578: {  	s0 =	sadd.s32 s22, s0;
	[tilespmem:s22+$0x16B00] =	vst v4  }
0x579: {  	s6 =	spop (v2sf);
	v4 =	vld [tilespmem:s0+$0x6B00]  }
0x57a: {  	s7 =	sand.u32 $0x7F, s6;
	s8 =	sshll.u32 s6, $0x2  }
0x57b: {  	s2 =	sand.u32 $0xFFFFFE00, s8;
	s0 =	sshll.u32 s7, $0x2  }
0x57c: {  	s0 =	sor.u32 s0, s2  }
0x57d: {  	s0 =	sshra.s32 s0, $0x2  }
0x57e: {  	s0 =	sadd.s32 s22, s0;
	[tilespmem:s22+$0x16B10] =	vst v4  }
0x57f: {  	s1 =	sadd.s32 $0x10, s6;
	v4 =	vld [tilespmem:s0+$0x6B80]  }
0x580: {  	s9 =	sand.u32 $0x7F, s1;
	s1 =	sshll.u32 s1, $0x2  }
0x581: {  	s1 =	sand.u32 $0xFFFFFE00, s1;
	s0 =	sshll.u32 s9, $0x2  }
0x582: {  	(v2sf) =	vpush v3, $0x9;
	s0 =	sor.u32 s0, s1  }
0x583: {  	s0 =	sshra.s32 s0, $0x2  }
0x584: {  	s0 =	sadd.s32 s22, s0;
	[tilespmem:s22+$0x16B80] =	vst v4  }
0x585: {  	s10 =	spop (v2sf);
	v4 =	vld [tilespmem:s0+$0x6B80]  }
0x586: {  	s11 =	sand.u32 $0x7F, s10;
	s13 =	sshll.u32 s10, $0x2  }
0x587: {  	s2 =	sand.u32 $0xFFFFFE00, s13;
	s0 =	sshll.u32 s11, $0x2  }
0x588: {  	s0 =	sor.u32 s0, s2  }
0x589: {  	s0 =	sshra.s32 s0, $0x2  }
0x58a: {  	s0 =	sadd.s32 s22, s0;
	[tilespmem:s22+$0x16B90] =	vst v4  }
0x58b: {  	s1 =	sadd.s32 $0x10, s10;
	v4 =	vld [tilespmem:s0+$0x6C00]  }
0x58c: {  	s14 =	sand.u32 $0x7F, s1;
	s1 =	sshll.u32 s1, $0x2  }
0x58d: {  	s1 =	sand.u32 $0xFFFFFE00, s1;
	s0 =	sshll.u32 s14, $0x2  }
0x58e: {  	(v2sf) =	vpush v3, $0xA;
	s0 =	sor.u32 s0, s1  }
0x58f: {  	s0 =	sshra.s32 s0, $0x2  }
0x590: {  	s0 =	sadd.s32 s22, s0;
	[tilespmem:s22+$0x16C00] =	vst v4  }
0x591: {  	s15 =	spop (v2sf);
	v4 =	vld [tilespmem:s0+$0x6C00]  }
0x592: {  	s16 =	sand.u32 $0x7F, s15;
	s17 =	sshll.u32 s15, $0x2  }
0x593: {  	s2 =	sand.u32 $0xFFFFFE00, s17;
	s0 =	sshll.u32 s16, $0x2  }
0x594: {  	s0 =	sor.u32 s0, s2  }
0x595: {  	s0 =	sshra.s32 s0, $0x2  }
0x596: {  	s0 =	sadd.s32 s22, s0;
	[tilespmem:s22+$0x16C10] =	vst v4  }
0x597: {  	s1 =	sadd.s32 $0x10, s15;
	v4 =	vld [tilespmem:s0+$0x6C80]  }
0x598: {  	s18 =	sand.u32 $0x7F, s1;
	s1 =	sshll.u32 s1, $0x2  }
0x599: {  	s1 =	sand.u32 $0xFFFFFE00, s1;
	s0 =	sshll.u32 s18, $0x2  }
0x59a: {  	(v2sf) =	vpush v3, $0xB;
	s0 =	sor.u32 s0, s1  }
0x59b: {  	s0 =	sshra.s32 s0, $0x2  }
0x59c: {  	s0 =	sadd.s32 s22, s0;
	[tilespmem:s22+$0x16C80] =	vst v4  }
0x59d: {  	s23 =	spop (v2sf);
	v4 =	vld [tilespmem:s0+$0x6C80]  }
0x59e: {  	s24 =	sand.u32 $0x7F, s23;
	s25 =	sshll.u32 s23, $0x2  }
0x59f: {  	s2 =	sand.u32 $0xFFFFFE00, s25;
	s0 =	sshll.u32 s24, $0x2  }
0x5a0: {  	s0 =	sor.u32 s0, s2  }
0x5a1: {  	s0 =	sshra.s32 s0, $0x2  }
0x5a2: {  	s0 =	sadd.s32 s22, s0;
	[tilespmem:s22+$0x16C90] =	vst v4  }
0x5a3: {  	s1 =	sadd.s32 $0x10, s23;
	v4 =	vld [tilespmem:s0+$0x6D00]  }
0x5a4: {  	s26 =	sand.u32 $0x7F, s1;
	s1 =	sshll.u32 s1, $0x2  }
0x5a5: {  	s1 =	sand.u32 $0xFFFFFE00, s1;
	s0 =	sshll.u32 s26, $0x2  }
0x5a6: {  	(v2sf) =	vpush v3, $0xC;
	s0 =	sor.u32 s0, s1  }
0x5a7: {  	s0 =	sshra.s32 s0, $0x2  }
0x5a8: {  	s0 =	sadd.s32 s22, s0;
	[tilespmem:s22+$0x16D00] =	vst v4  }
0x5a9: {  	s28 =	spop (v2sf);
	v4 =	vld [tilespmem:s0+$0x6D00]  }
0x5aa: {  	s29 =	sand.u32 $0x7F, s28;
	s30 =	sshll.u32 s28, $0x2  }
0x5ab: {  	s2 =	sand.u32 $0xFFFFFE00, s30;
	s0 =	sshll.u32 s29, $0x2  }
0x5ac: {  	s0 =	sor.u32 s0, s2  }
0x5ad: {  	s0 =	sshra.s32 s0, $0x2  }
0x5ae: {  	s0 =	sadd.s32 s22, s0;
	[tilespmem:s22+$0x16D10] =	vst v4  }
0x5af: {  	s1 =	sadd.s32 $0x10, s28;
	v4 =	vld [tilespmem:s0+$0x6D80]  }
0x5b0: {  	s3 =	sand.u32 $0x7F, s1;
	s1 =	sshll.u32 s1, $0x2  }
0x5b1: {  	s1 =	sand.u32 $0xFFFFFE00, s1;
	s0 =	sshll.u32 s3, $0x2  }
0x5b2: {  	(v2sf) =	vpush v3, $0xD;
	s0 =	sor.u32 s0, s1  }
0x5b3: {  	s0 =	sshra.s32 s0, $0x2  }
0x5b4: {  	s0 =	sadd.s32 s22, s0;
	[tilespmem:s22+$0x16D80] =	vst v4  }
0x5b5: {  	s5 =	spop (v2sf);
	v4 =	vld [tilespmem:s0+$0x6D80]  }
0x5b6: {  	s6 =	sand.u32 $0x7F, s5;
	s7 =	sshll.u32 s5, $0x2  }
0x5b7: {  	s2 =	sand.u32 $0xFFFFFE00, s7;
	s0 =	sshll.u32 s6, $0x2  }
0x5b8: {  	s0 =	sor.u32 s0, s2  }
0x5b9: {  	s0 =	sshra.s32 s0, $0x2  }
0x5ba: {  	s0 =	sadd.s32 s22, s0;
	[tilespmem:s22+$0x16D90] =	vst v4  }
0x5bb: {  	s1 =	sadd.s32 $0x10, s5;
	v4 =	vld [tilespmem:s0+$0x6E00]  }
0x5bc: {  	s8 =	sand.u32 $0x7F, s1;
	s1 =	sshll.u32 s1, $0x2  }
0x5bd: {  	s1 =	sand.u32 $0xFFFFFE00, s1;
	s0 =	sshll.u32 s8, $0x2  }
0x5be: {  	(v2sf) =	vpush v3, $0xE;
	s0 =	sor.u32 s0, s1  }
0x5bf: {  	s0 =	sshra.s32 s0, $0x2  }
0x5c0: {  	s0 =	sadd.s32 s22, s0;
	[tilespmem:s22+$0x16E00] =	vst v4  }
0x5c1: {  	s9 =	spop (v2sf);
	v4 =	vld [tilespmem:s0+$0x6E00]  }
0x5c2: {  	s10 =	sand.u32 $0x7F, s9;
	s11 =	sshll.u32 s9, $0x2  }
0x5c3: {  	s2 =	sand.u32 $0xFFFFFE00, s11;
	s0 =	sshll.u32 s10, $0x2  }
0x5c4: {  	s0 =	sor.u32 s0, s2  }
0x5c5: {  	s0 =	sshra.s32 s0, $0x2  }
0x5c6: {  	s0 =	sadd.s32 s22, s0;
	[tilespmem:s22+$0x16E10] =	vst v4  }
0x5c7: {  	s1 =	sadd.s32 $0x10, s9;
	v4 =	vld [tilespmem:s0+$0x6E80]  }
0x5c8: {  	s13 =	sand.u32 $0x7F, s1;
	s1 =	sshll.u32 s1, $0x2  }
0x5c9: {  	s1 =	sand.u32 $0xFFFFFE00, s1;
	s0 =	sshll.u32 s13, $0x2  }
0x5ca: {  	(v2sf) =	vpush v3, $0xF;
	s0 =	sor.u32 s0, s1  }
0x5cb: {  	s0 =	sshra.s32 s0, $0x2  }
0x5cc: {  	s0 =	sadd.s32 s22, s0;
	[tilespmem:s22+$0x16E80] =	vst v4  }
0x5cd: {  	s14 =	spop (v2sf);
	v3 =	vld [tilespmem:s0+$0x6E80]  }
0x5ce: {  	s15 =	sand.u32 $0x7F, s14;
	s16 =	sshll.u32 s14, $0x2  }
0x5cf: {  	s2 =	sand.u32 $0xFFFFFE00, s16;
	s0 =	sshll.u32 s15, $0x2  }
0x5d0: {  	s0 =	sor.u32 s0, s2  }
0x5d1: {  	s0 =	sshra.s32 s0, $0x2  }
0x5d2: {  	s0 =	sadd.s32 s22, s0;
	[tilespmem:s22+$0x16E90] =	vst v3  }
0x5d3: {  	s1 =	sadd.s32 $0x10, s14;
	v3 =	vld [tilespmem:s0+$0x6F00]  }
0x5d4: {  	s17 =	sand.u32 $0x7F, s1;
	s1 =	sshll.u32 s1, $0x2  }
0x5d5: {  	s1 =	sand.u32 $0xFFFFFE00, s1;
	s0 =	sshll.u32 s17, $0x2  }
0x5d6: {  	s0 =	sor.u32 s0, s1  }
0x5d7: {  	s0 =	sshra.s32 s0, $0x2  }
0x5d8: {  	s0 =	sadd.s32 s22, s0;
	[tilespmem:s22+$0x16F00] =	vst v3  }
0x5d9: {  	s18 =	spop (v2sf);
	v3 =	vld [tilespmem:s0+$0x6F00]  }
0x5da: {  	s23 =	sand.u32 $0x7F, s18;
	s24 =	sshll.u32 s18, $0x2  }
0x5db: {  	s2 =	sand.u32 $0xFFFFFE00, s24;
	s0 =	sshll.u32 s23, $0x2  }
0x5dc: {  	s0 =	sor.u32 s0, s2  }
0x5dd: {  	s0 =	sshra.s32 s0, $0x2  }
0x5de: {  	s0 =	sadd.s32 s22, s0;
	[tilespmem:s22+$0x16F10] =	vst v3  }
0x5df: {  	s1 =	sadd.s32 $0x10, s18;
	v3 =	vld [tilespmem:s0+$0x6F80]  }
0x5e0: {  	s25 =	sand.u32 $0x7F, s1;
	s1 =	sshll.u32 s1, $0x2  }
0x5e1: {  	s1 =	sand.u32 $0xFFFFFE00, s1;
	s0 =	sshll.u32 s25, $0x2  }
0x5e2: {  	s0 =	sor.u32 s0, s1  }
0x5e3: {  	s0 =	sshra.s32 s0, $0x2  }
0x5e4: {  	s0 =	sadd.s32 s22, s0;
	[tilespmem:s22+$0x16F80] =	vst v3  }
0x5e5: {  	v3 =	vld [tilespmem:s0+$0x6F80];
	_ =	sdelay $0x1  }
0x5e6: {  	s26 =	rddreg [dreg:$0x5]  }
0x5e7: {  	s0 =	sadd.s32 s26, s21  }
0x5e8: {  	s31 =	simm.s32 $0x0;
	s28 =	rddreg [dreg:$0x6];
	s0 =	sshll.u32 s0, $0x4  }
0x5e9: {  	s30 =	simm.s32 $0x3;
	s29 =	simm.s32 $0x16800;
	s0 =	sadd.s32 s28, s0;
	[tilespmem:s22+$0x16F90] =	vst v3  }
0x5ea: {  	[hbm4b:s0+s31] =	stream.linear.scatter [tilespmem:s29], [sflag:$0x3], $0x8000, $0x38;
	[tilespmem:$0x1E800] =	vst v63  }
0x5eb: {  	_ =	swait.ge [sflag:s30], $0x8000  }
0x5ec: {  	[sflag:s30] =	ssyncset.done $0x0  }
0x5ed: {  	[sflag:s30] =	ssyncadd.s32 $0xFFFF8000  }
0x5ee: {  	_ =	swait.ge [sflag:s12], $0x4000  }
0x5ef: {  	[sflag:s12] =	ssyncset.done $0x0  }
0x5f0: {  	[sflag:s12] =	ssyncadd.s32 $0xFFFFC000  }
0x5f1: {  	p0 =	seq.s32 s19, $0x19;
	_ =	swait.ge [sflag:s12], $0x4000  }
0x5f2: {  	s2 =	simm.s32 @!p0 $0x6800;
	[sflag:s12] =	ssyncset.done $0x0  }
0x5f3: {  	s1 =	simm.s32 @!p0 $0x80;
	s0 =	sadd.s32 @!p0 $0x200, s21;
	[sflag:s12] =	ssyncadd.s32 $0xFFFFC000  }
0x5f4: {  	[tilespmem:s2], [sflag:$0x1] =	stream.indirect.gather @!p0 [hbm4b:s4+s1], $0x80, s0, s1, $0xb8;
	[tilespmem:$0x1E800] =	vst v63  }
0x5f5: {  	s0 =	sadd.s32 @!p0 $0x280, s21;
	s2 =	simm.s32 @!p0 $0xA800  }
0x5f6: {  	[tilespmem:s2], [sflag:$0x1] =	stream.indirect.gather @!p0 [hbm4b:s4+s1], $0x80, s0, s1, $0xb8;
	[tilespmem:$0x1E800] =	vst v63  }
0x5f7: {  	s1 =	sadd.s32 $0x3400, s20  }
0x5f8: {  	s2 =	simm.s32 $0x0;
	[dreg:$0x4] =	wrdreg s1  }
0x5f9: {  	s3 =	sand.u32 $0x80, s2;
	s0 =	rddreg [dreg:$0x4]  }
0x5fa: {  	s1 =	sand.u32 $0x70, s2;
	s0 =	sadd.s32 s3, s0  }
0x5fb: {  	s0 =	sadd.s32 s1, s0  }
0x5fc: {  	v3 =	vld [tilespmem:s0+$0x0];
	_ =	sdelay $0x4  }
0x5fd: {  	(v2sf) =	vpush v3, $0x0;
	_ =	sdelay $0xb  }
0x5fe: {  	(v2sf) =	vpush v3, $0x1;
	_ =	sdelay $0x2  }
0x5ff: {  	s5 =	spop (v2sf)  }
0x600: {  	s6 =	sand.u32 $0x7F, s5;
	s7 =	sshll.u32 s5, $0x2  }
0x601: {  	s2 =	sand.u32 $0xFFFFFE00, s7;
	s1 =	sshll.u32 s6, $0x2  }
0x602: {  	s1 =	sor.u32 s1, s2  }
0x603: {  	s1 =	sshra.s32 s1, $0x2  }
0x604: {  	s1 =	sadd.s32 $0x0, s1  }
0x605: {  	s0 =	sadd.s32 $0x10, s5;
	v4 =	vld [tilespmem:s1+$0xE800]  }
0x606: {  	s8 =	sand.u32 $0x7F, s0;
	s0 =	sshll.u32 s0, $0x2  }
0x607: {  	s0 =	sand.u32 $0xFFFFFE00, s0;
	s1 =	sshll.u32 s8, $0x2  }
0x608: {  	(v2sf) =	vpush v3, $0x2;
	s0 =	sor.u32 s1, s0  }
0x609: {  	s21 =	simm.s32 $0x0;
	s0 =	sshra.s32 s0, $0x2  }
0x60a: {  	s0 =	sadd.s32 $0x0, s0;
	[tilespmem:s21+$0x16800] =	vst v4  }
0x60b: {  	s9 =	spop (v2sf);
	v4 =	vld [tilespmem:s0+$0xE800]  }
0x60c: {  	s10 =	sand.u32 $0x7F, s9;
	s11 =	sshll.u32 s9, $0x2  }
0x60d: {  	s2 =	sand.u32 $0xFFFFFE00, s11;
	s0 =	sshll.u32 s10, $0x2  }
0x60e: {  	s0 =	sor.u32 s0, s2  }
0x60f: {  	s0 =	sshra.s32 s0, $0x2  }
0x610: {  	s0 =	sadd.s32 $0x0, s0;
	[tilespmem:s21+$0x16810] =	vst v4  }
0x611: {  	s1 =	sadd.s32 $0x10, s9;
	v4 =	vld [tilespmem:s0+$0xE880]  }
0x612: {  	s13 =	sand.u32 $0x7F, s1;
	s1 =	sshll.u32 s1, $0x2  }
0x613: {  	s1 =	sand.u32 $0xFFFFFE00, s1;
	s0 =	sshll.u32 s13, $0x2  }
0x614: {  	(v2sf) =	vpush v3, $0x3;
	s0 =	sor.u32 s0, s1  }
0x615: {  	s0 =	sshra.s32 s0, $0x2  }
0x616: {  	s0 =	sadd.s32 $0x0, s0;
	[tilespmem:s21+$0x16880] =	vst v4  }
0x617: {  	s14 =	spop (v2sf);
	v4 =	vld [tilespmem:s0+$0xE880]  }
0x618: {  	s15 =	sand.u32 $0x7F, s14;
	s16 =	sshll.u32 s14, $0x2  }
0x619: {  	s2 =	sand.u32 $0xFFFFFE00, s16;
	s0 =	sshll.u32 s15, $0x2  }
0x61a: {  	s0 =	sor.u32 s0, s2  }
0x61b: {  	s0 =	sshra.s32 s0, $0x2  }
0x61c: {  	s0 =	sadd.s32 $0x0, s0;
	[tilespmem:s21+$0x16890] =	vst v4  }
0x61d: {  	s1 =	sadd.s32 $0x10, s14;
	v4 =	vld [tilespmem:s0+$0xE900]  }
0x61e: {  	s17 =	sand.u32 $0x7F, s1;
	s1 =	sshll.u32 s1, $0x2  }
0x61f: {  	s1 =	sand.u32 $0xFFFFFE00, s1;
	s0 =	sshll.u32 s17, $0x2  }
0x620: {  	(v2sf) =	vpush v3, $0x4;
	s0 =	sor.u32 s0, s1  }
0x621: {  	s0 =	sshra.s32 s0, $0x2  }
0x622: {  	s0 =	sadd.s32 $0x0, s0;
	[tilespmem:s21+$0x16900] =	vst v4  }
0x623: {  	s18 =	spop (v2sf);
	v4 =	vld [tilespmem:s0+$0xE900]  }
0x624: {  	s22 =	sand.u32 $0x7F, s18;
	s23 =	sshll.u32 s18, $0x2  }
0x625: {  	s2 =	sand.u32 $0xFFFFFE00, s23;
	s0 =	sshll.u32 s22, $0x2  }
0x626: {  	s0 =	sor.u32 s0, s2  }
0x627: {  	s0 =	sshra.s32 s0, $0x2  }
0x628: {  	s0 =	sadd.s32 $0x0, s0;
	[tilespmem:s21+$0x16910] =	vst v4  }
0x629: {  	s1 =	sadd.s32 $0x10, s18;
	v4 =	vld [tilespmem:s0+$0xE980]  }
0x62a: {  	s24 =	sand.u32 $0x7F, s1;
	s1 =	sshll.u32 s1, $0x2  }
0x62b: {  	s1 =	sand.u32 $0xFFFFFE00, s1;
	s0 =	sshll.u32 s24, $0x2  }
0x62c: {  	(v2sf) =	vpush v3, $0x5;
	s0 =	sor.u32 s0, s1  }
0x62d: {  	s0 =	sshra.s32 s0, $0x2  }
0x62e: {  	s0 =	sadd.s32 $0x0, s0;
	[tilespmem:s21+$0x16980] =	vst v4  }
0x62f: {  	s25 =	spop (v2sf);
	v4 =	vld [tilespmem:s0+$0xE980]  }
0x630: {  	s26 =	sand.u32 $0x7F, s25;
	s28 =	sshll.u32 s25, $0x2  }
0x631: {  	s2 =	sand.u32 $0xFFFFFE00, s28;
	s0 =	sshll.u32 s26, $0x2  }
0x632: {  	s0 =	sor.u32 s0, s2  }
0x633: {  	s0 =	sshra.s32 s0, $0x2  }
0x634: {  	s0 =	sadd.s32 $0x0, s0;
	[tilespmem:s21+$0x16990] =	vst v4  }
0x635: {  	s1 =	sadd.s32 $0x10, s25;
	v4 =	vld [tilespmem:s0+$0xEA00]  }
0x636: {  	s29 =	sand.u32 $0x7F, s1;
	s1 =	sshll.u32 s1, $0x2  }
0x637: {  	s1 =	sand.u32 $0xFFFFFE00, s1;
	s0 =	sshll.u32 s29, $0x2  }
0x638: {  	(v2sf) =	vpush v3, $0x6;
	s0 =	sor.u32 s0, s1  }
0x639: {  	s0 =	sshra.s32 s0, $0x2  }
0x63a: {  	s0 =	sadd.s32 $0x0, s0;
	[tilespmem:s21+$0x16A00] =	vst v4  }
0x63b: {  	s30 =	spop (v2sf);
	v4 =	vld [tilespmem:s0+$0xEA00]  }
0x63c: {  	s3 =	sshll.u32 s30, $0x2;
	s5 =	sand.u32 $0x7F, s30  }
0x63d: {  	s2 =	sshll.u32 s5, $0x2;
	s0 =	sand.u32 $0xFFFFFE00, s3  }
0x63e: {  	s0 =	sor.u32 s2, s0  }
0x63f: {  	s0 =	sshra.s32 s0, $0x2  }
0x640: {  	s0 =	sadd.s32 $0x0, s0;
	[tilespmem:s21+$0x16A10] =	vst v4  }
0x641: {  	s1 =	sadd.s32 $0x10, s30;
	v4 =	vld [tilespmem:s0+$0xEA80]  }
0x642: {  	s6 =	sand.u32 $0x7F, s1;
	s1 =	sshll.u32 s1, $0x2  }
0x643: {  	s1 =	sand.u32 $0xFFFFFE00, s1;
	s0 =	sshll.u32 s6, $0x2  }
0x644: {  	(v2sf) =	vpush v3, $0x7;
	s0 =	sor.u32 s0, s1  }
0x645: {  	s0 =	sshra.s32 s0, $0x2  }
0x646: {  	s0 =	sadd.s32 $0x0, s0;
	[tilespmem:s21+$0x16A80] =	vst v4  }
0x647: {  	s7 =	spop (v2sf);
	v4 =	vld [tilespmem:s0+$0xEA80]  }
0x648: {  	s8 =	sand.u32 $0x7F, s7;
	s9 =	sshll.u32 s7, $0x2  }
0x649: {  	s2 =	sand.u32 $0xFFFFFE00, s9;
	s0 =	sshll.u32 s8, $0x2  }
0x64a: {  	s0 =	sor.u32 s0, s2  }
0x64b: {  	s0 =	sshra.s32 s0, $0x2  }
0x64c: {  	s0 =	sadd.s32 $0x0, s0;
	[tilespmem:s21+$0x16A90] =	vst v4  }
0x64d: {  	s1 =	sadd.s32 $0x10, s7;
	v4 =	vld [tilespmem:s0+$0xEB00]  }
0x64e: {  	s10 =	sand.u32 $0x7F, s1;
	s1 =	sshll.u32 s1, $0x2  }
0x64f: {  	s1 =	sand.u32 $0xFFFFFE00, s1;
	s0 =	sshll.u32 s10, $0x2  }
0x650: {  	(v2sf) =	vpush v3, $0x8;
	s0 =	sor.u32 s0, s1  }
0x651: {  	s0 =	sshra.s32 s0, $0x2  }
0x652: {  	s0 =	sadd.s32 $0x0, s0;
	[tilespmem:s21+$0x16B00] =	vst v4  }
0x653: {  	s11 =	spop (v2sf);
	v4 =	vld [tilespmem:s0+$0xEB00]  }
0x654: {  	s13 =	sand.u32 $0x7F, s11;
	s14 =	sshll.u32 s11, $0x2  }
0x655: {  	s2 =	sand.u32 $0xFFFFFE00, s14;
	s0 =	sshll.u32 s13, $0x2  }
0x656: {  	s0 =	sor.u32 s0, s2  }
0x657: {  	s0 =	sshra.s32 s0, $0x2  }
0x658: {  	s0 =	sadd.s32 $0x0, s0;
	[tilespmem:s21+$0x16B10] =	vst v4  }
0x659: {  	s1 =	sadd.s32 $0x10, s11;
	v4 =	vld [tilespmem:s0+$0xEB80]  }
0x65a: {  	s15 =	sand.u32 $0x7F, s1;
	s1 =	sshll.u32 s1, $0x2  }
0x65b: {  	s1 =	sand.u32 $0xFFFFFE00, s1;
	s0 =	sshll.u32 s15, $0x2  }
0x65c: {  	(v2sf) =	vpush v3, $0x9;
	s0 =	sor.u32 s0, s1  }
0x65d: {  	s0 =	sshra.s32 s0, $0x2  }
0x65e: {  	s0 =	sadd.s32 $0x0, s0;
	[tilespmem:s21+$0x16B80] =	vst v4  }
0x65f: {  	s16 =	spop (v2sf);
	v4 =	vld [tilespmem:s0+$0xEB80]  }
0x660: {  	s17 =	sand.u32 $0x7F, s16;
	s18 =	sshll.u32 s16, $0x2  }
0x661: {  	s2 =	sand.u32 $0xFFFFFE00, s18;
	s0 =	sshll.u32 s17, $0x2  }
0x662: {  	s0 =	sor.u32 s0, s2  }
0x663: {  	s0 =	sshra.s32 s0, $0x2  }
0x664: {  	s0 =	sadd.s32 $0x0, s0;
	[tilespmem:s21+$0x16B90] =	vst v4  }
0x665: {  	s1 =	sadd.s32 $0x10, s16;
	v4 =	vld [tilespmem:s0+$0xEC00]  }
0x666: {  	s22 =	sand.u32 $0x7F, s1;
	s1 =	sshll.u32 s1, $0x2  }
0x667: {  	s1 =	sand.u32 $0xFFFFFE00, s1;
	s0 =	sshll.u32 s22, $0x2  }
0x668: {  	(v2sf) =	vpush v3, $0xA;
	s0 =	sor.u32 s0, s1  }
0x669: {  	s0 =	sshra.s32 s0, $0x2  }
0x66a: {  	s0 =	sadd.s32 $0x0, s0;
	[tilespmem:s21+$0x16C00] =	vst v4  }
0x66b: {  	s23 =	spop (v2sf);
	v4 =	vld [tilespmem:s0+$0xEC00]  }
0x66c: {  	s24 =	sand.u32 $0x7F, s23;
	s25 =	sshll.u32 s23, $0x2  }
0x66d: {  	s2 =	sand.u32 $0xFFFFFE00, s25;
	s0 =	sshll.u32 s24, $0x2  }
0x66e: {  	s0 =	sor.u32 s0, s2  }
0x66f: {  	s0 =	sshra.s32 s0, $0x2  }
0x670: {  	s0 =	sadd.s32 $0x0, s0;
	[tilespmem:s21+$0x16C10] =	vst v4  }
0x671: {  	s1 =	sadd.s32 $0x10, s23;
	v4 =	vld [tilespmem:s0+$0xEC80]  }
0x672: {  	s26 =	sand.u32 $0x7F, s1;
	s1 =	sshll.u32 s1, $0x2  }
0x673: {  	s1 =	sand.u32 $0xFFFFFE00, s1;
	s0 =	sshll.u32 s26, $0x2  }
0x674: {  	(v2sf) =	vpush v3, $0xB;
	s0 =	sor.u32 s0, s1  }
0x675: {  	s0 =	sshra.s32 s0, $0x2  }
0x676: {  	s0 =	sadd.s32 $0x0, s0;
	[tilespmem:s21+$0x16C80] =	vst v4  }
0x677: {  	s28 =	spop (v2sf);
	v4 =	vld [tilespmem:s0+$0xEC80]  }
0x678: {  	s29 =	sand.u32 $0x7F, s28;
	s30 =	sshll.u32 s28, $0x2  }
0x679: {  	s2 =	sand.u32 $0xFFFFFE00, s30;
	s0 =	sshll.u32 s29, $0x2  }
0x67a: {  	s0 =	sor.u32 s0, s2  }
0x67b: {  	s0 =	sshra.s32 s0, $0x2  }
0x67c: {  	s0 =	sadd.s32 $0x0, s0;
	[tilespmem:s21+$0x16C90] =	vst v4  }
0x67d: {  	s1 =	sadd.s32 $0x10, s28;
	v4 =	vld [tilespmem:s0+$0xED00]  }
0x67e: {  	s2 =	sand.u32 $0x7F, s1;
	s1 =	sshll.u32 s1, $0x2  }
0x67f: {  	s1 =	sand.u32 $0xFFFFFE00, s1;
	s0 =	sshll.u32 s2, $0x2  }
0x680: {  	(v2sf) =	vpush v3, $0xC;
	s0 =	sor.u32 s0, s1  }
0x681: {  	s0 =	sshra.s32 s0, $0x2  }
0x682: {  	s0 =	sadd.s32 $0x0, s0;
	[tilespmem:s21+$0x16D00] =	vst v4  }
0x683: {  	s3 =	spop (v2sf);
	v4 =	vld [tilespmem:s0+$0xED00]  }
0x684: {  	s5 =	sand.u32 $0x7F, s3;
	s6 =	sshll.u32 s3, $0x2  }
0x685: {  	s2 =	sand.u32 $0xFFFFFE00, s6;
	s0 =	sshll.u32 s5, $0x2  }
0x686: {  	s0 =	sor.u32 s0, s2  }
0x687: {  	s0 =	sshra.s32 s0, $0x2  }
0x688: {  	s0 =	sadd.s32 $0x0, s0;
	[tilespmem:s21+$0x16D10] =	vst v4  }
0x689: {  	s1 =	sadd.s32 $0x10, s3;
	v4 =	vld [tilespmem:s0+$0xED80]  }
0x68a: {  	s7 =	sand.u32 $0x7F, s1;
	s1 =	sshll.u32 s1, $0x2  }
0x68b: {  	s1 =	sand.u32 $0xFFFFFE00, s1;
	s0 =	sshll.u32 s7, $0x2  }
0x68c: {  	(v2sf) =	vpush v3, $0xD;
	s0 =	sor.u32 s0, s1  }
0x68d: {  	s0 =	sshra.s32 s0, $0x2  }
0x68e: {  	s0 =	sadd.s32 $0x0, s0;
	[tilespmem:s21+$0x16D80] =	vst v4  }
0x68f: {  	s8 =	spop (v2sf);
	v4 =	vld [tilespmem:s0+$0xED80]  }
0x690: {  	s9 =	sand.u32 $0x7F, s8;
	s10 =	sshll.u32 s8, $0x2  }
0x691: {  	s2 =	sand.u32 $0xFFFFFE00, s10;
	s0 =	sshll.u32 s9, $0x2  }
0x692: {  	s0 =	sor.u32 s0, s2  }
0x693: {  	s0 =	sshra.s32 s0, $0x2  }
0x694: {  	s0 =	sadd.s32 $0x0, s0;
	[tilespmem:s21+$0x16D90] =	vst v4  }
0x695: {  	s1 =	sadd.s32 $0x10, s8;
	v4 =	vld [tilespmem:s0+$0xEE00]  }
0x696: {  	s11 =	sand.u32 $0x7F, s1;
	s1 =	sshll.u32 s1, $0x2  }
0x697: {  	s1 =	sand.u32 $0xFFFFFE00, s1;
	s0 =	sshll.u32 s11, $0x2  }
0x698: {  	(v2sf) =	vpush v3, $0xE;
	s0 =	sor.u32 s0, s1  }
0x699: {  	s0 =	sshra.s32 s0, $0x2  }
0x69a: {  	s0 =	sadd.s32 $0x0, s0;
	[tilespmem:s21+$0x16E00] =	vst v4  }
0x69b: {  	s13 =	spop (v2sf);
	v4 =	vld [tilespmem:s0+$0xEE00]  }
0x69c: {  	s14 =	sand.u32 $0x7F, s13;
	s15 =	sshll.u32 s13, $0x2  }
0x69d: {  	s2 =	sand.u32 $0xFFFFFE00, s15;
	s0 =	sshll.u32 s14, $0x2  }
0x69e: {  	s0 =	sor.u32 s0, s2  }
0x69f: {  	s0 =	sshra.s32 s0, $0x2  }
0x6a0: {  	s0 =	sadd.s32 $0x0, s0;
	[tilespmem:s21+$0x16E10] =	vst v4  }
0x6a1: {  	s1 =	sadd.s32 $0x10, s13;
	v4 =	vld [tilespmem:s0+$0xEE80]  }
0x6a2: {  	s16 =	sand.u32 $0x7F, s1;
	s1 =	sshll.u32 s1, $0x2  }
0x6a3: {  	s1 =	sand.u32 $0xFFFFFE00, s1;
	s0 =	sshll.u32 s16, $0x2  }
0x6a4: {  	(v2sf) =	vpush v3, $0xF;
	s0 =	sor.u32 s0, s1  }
0x6a5: {  	s0 =	sshra.s32 s0, $0x2  }
0x6a6: {  	s0 =	sadd.s32 $0x0, s0;
	[tilespmem:s21+$0x16E80] =	vst v4  }
0x6a7: {  	s17 =	spop (v2sf);
	v3 =	vld [tilespmem:s0+$0xEE80]  }
0x6a8: {  	s18 =	sand.u32 $0x7F, s17;
	s22 =	sshll.u32 s17, $0x2  }
0x6a9: {  	s2 =	sand.u32 $0xFFFFFE00, s22;
	s0 =	sshll.u32 s18, $0x2  }
0x6aa: {  	s0 =	sor.u32 s0, s2  }
0x6ab: {  	s0 =	sshra.s32 s0, $0x2  }
0x6ac: {  	s0 =	sadd.s32 $0x0, s0;
	[tilespmem:s21+$0x16E90] =	vst v3  }
0x6ad: {  	s1 =	sadd.s32 $0x10, s17;
	v3 =	vld [tilespmem:s0+$0xEF00]  }
0x6ae: {  	s23 =	sand.u32 $0x7F, s1;
	s1 =	sshll.u32 s1, $0x2  }
0x6af: {  	s1 =	sand.u32 $0xFFFFFE00, s1;
	s0 =	sshll.u32 s23, $0x2  }
0x6b0: {  	s0 =	sor.u32 s0, s1  }
0x6b1: {  	s0 =	sshra.s32 s0, $0x2  }
0x6b2: {  	s0 =	sadd.s32 $0x0, s0;
	[tilespmem:s21+$0x16F00] =	vst v3  }
0x6b3: {  	s24 =	spop (v2sf);
	v3 =	vld [tilespmem:s0+$0xEF00]  }
0x6b4: {  	s25 =	sand.u32 $0x7F, s24;
	s26 =	sshll.u32 s24, $0x2  }
0x6b5: {  	s2 =	sand.u32 $0xFFFFFE00, s26;
	s0 =	sshll.u32 s25, $0x2  }
0x6b6: {  	s0 =	sor.u32 s0, s2  }
0x6b7: {  	s0 =	sshra.s32 s0, $0x2  }
0x6b8: {  	s0 =	sadd.s32 $0x0, s0;
	[tilespmem:s21+$0x16F10] =	vst v3  }
0x6b9: {  	s1 =	sadd.s32 $0x10, s24;
	v3 =	vld [tilespmem:s0+$0xEF80]  }
0x6ba: {  	s28 =	sand.u32 $0x7F, s1;
	s1 =	sshll.u32 s1, $0x2  }
0x6bb: {  	s1 =	sand.u32 $0xFFFFFE00, s1;
	s0 =	sshll.u32 s28, $0x2  }
0x6bc: {  	s0 =	sor.u32 s0, s1  }
0x6bd: {  	s29 =	rddreg [dreg:$0x4];
	s23 =	simm.s32 $0x10;
	s0 =	sshra.s32 s0, $0x2  }
0x6be: {  	s22 =	simm.s32 $0x2000;
	s30 =	sand.u32 $0x80, s23;
	s0 =	sadd.s32 $0x0, s0;
	[tilespmem:s21+$0x16F80] =	vst v3  }
0x6bf: {  	s24 =	simm.s32 $0x4000;
	s1 =	sand.u32 $0x70, s23;
	v3 =	vld [tilespmem:s0+$0xEF80];
	s0 =	sadd.s32 s30, s29  }
.LBB2_7:
0x6c0: {  	_ =	sdelay $0x3  }
0x6c1: {  	s0 =	sadd.s32 s1, s0;
	[tilespmem:s21+$0x16F90] =	vst v3  }
0x6c2: {  	v3 =	vld [tilespmem:s0+$0x0];
	_ =	sdelay $0x4  }
0x6c3: {  	(v2sf) =	vpush v3, $0x0;
	_ =	sdelay $0x4  }
0x6c4: {  	(v2sf) =	vpush v3, $0x1;
	_ =	sdelay $0x2  }
0x6c5: {  	(v2sf) =	vpush v3, $0x2;
	_ =	sdelay $0x5  }
0x6c6: {  	(v2sf) =	vpush v3, $0x3  }
0x6c7: {  	s29 =	spop (v2sf)  }
0x6c8: {  	s30 =	sand.u32 $0x7F, s29;
	s2 =	sshll.u32 s29, $0x2  }
0x6c9: {  	s2 =	sand.u32 $0xFFFFFE00, s2;
	s1 =	sshll.u32 s30, $0x2  }
0x6ca: {  	s28 =	smov.u32 s24;
	s21 =	sshra.s32 s22, $0x2;
	s1 =	sor.u32 s1, s2  }
0x6cb: {  	s22 =	smov.u32 s28;
	s0 =	sadd.s32 $0x10, s29;
	s1 =	sshra.s32 s1, $0x2  }
0x6cc: {  	s3 =	spop (v2sf);
	s5 =	sand.u32 $0x7F, s0;
	s1 =	sadd.s32 s21, s1  }
0x6cd: {  	(v2sf) =	vpush v3, $0x4;
	s0 =	sshll.u32 s0, $0x2;
	s6 =	sand.u32 $0x7F, s3;
	s7 =	sshll.u32 s3, $0x2;
	v4 =	vld [tilespmem:s1+$0xE800]  }
0x6ce: {  	s3 =	sadd.s32 $0x10, s3;
	s0 =	sand.u32 $0xFFFFFE00, s0;
	s2 =	sshll.u32 s5, $0x2  }
0x6cf: {  	(v2sf) =	vpush v3, $0x5;
	s5 =	spop (v2sf);
	s8 =	sand.u32 $0x7F, s3;
	s3 =	sshll.u32 s3, $0x2  }
0x6d0: {  	s0 =	sor.u32 s2, s0;
	s2 =	sshll.u32 s6, $0x2;
	s9 =	sand.u32 $0xFFFFFE00, s3  }
0x6d1: {  	s10 =	sand.u32 $0x7F, s5;
	s11 =	sshll.u32 s5, $0x2;
	s0 =	sshra.s32 s0, $0x2  }
0x6d2: {  	s14 =	sadd.s32 $0x10, s5;
	s13 =	sand.u32 $0xFFFFFE00, s11;
	s0 =	sadd.s32 s21, s0;
	[tilespmem:s21+$0x16800] =	vst v4  }
0x6d3: {  	s16 =	sand.u32 $0x7F, s14;
	s3 =	sshll.u32 s14, $0x2;
	s1 =	sand.u32 $0xFFFFFE00, s7;
	v4 =	vld [tilespmem:s0+$0xE800]  }
0x6d4: {  	s17 =	sand.u32 $0xFFFFFE00, s3;
	s1 =	sor.u32 s2, s1;
	s2 =	sshll.u32 s8, $0x2  }
0x6d5: {  	s8 =	spop (v2sf);
	(v2sf) =	vpush v3, $0x6;
	s6 =	sshra.s32 s1, $0x2;
	s2 =	sor.u32 s2, s9  }
0x6d6: {  	s1 =	sshll.u32 s10, $0x2;
	s15 =	sand.u32 $0x7F, s8;
	s18 =	sshll.u32 s8, $0x2  }
0x6d7: {  	(v2sf) =	vpush v3, $0x7;
	s28 =	sadd.s32 $0x10, s8;
	s5 =	sshll.u32 s15, $0x2;
	s25 =	sand.u32 $0xFFFFFE00, s18  }
0x6d8: {  	s6 =	sadd.s32 s21, s6;
	s0 =	sor.u32 s1, s13;
	s1 =	sshll.u32 s16, $0x2;
	[tilespmem:s21+$0x16810] =	vst v4  }
0x6d9: {  	s2 =	sshra.s32 s2, $0x2;
	s7 =	sshra.s32 s0, $0x2;
	s0 =	sor.u32 s1, s17;
	v4 =	vld [tilespmem:s6+$0xE880]  }
0x6da: {  	s29 =	sand.u32 $0x7F, s28;
	s2 =	sadd.s32 s21, s2;
	s1 =	sshra.s32 s0, $0x2  }
0x6db: {  	s0 =	sor.u32 s5, s25;
	s5 =	sshll.u32 s28, $0x2;
	s7 =	sadd.s32 s21, s7  }
0x6dc: {  	s0 =	sshra.s32 s0, $0x2;
	s5 =	sand.u32 $0xFFFFFE00, s5;
	s26 =	spop (v2sf)  }
0x6dd: {  	s1 =	sadd.s32 s21, s1;
	s0 =	sadd.s32 s21, s0;
	s30 =	sadd.s32 $0x10, s26  }
0x6de: {  	s9 =	spop (v2sf);
	s10 =	sand.u32 $0x7F, s26;
	s3 =	sshll.u32 s26, $0x2;
	[tilespmem:s21+$0x16880] =	vst v4  }
0x6df: {  	s6 =	sshll.u32 s29, $0x2;
	s11 =	sadd.s32 $0x10, s9;
	s13 =	sshll.u32 s10, $0x2;
	v4 =	vld [tilespmem:s2+$0xE880]  }
0x6e0: {  	(v2sf) =	vpush v3, $0x8;
	s3 =	sand.u32 $0xFFFFFE00, s3;
	s14 =	sshll.u32 s9, $0x2;
	s15 =	sand.u32 $0x7F, s30  }
0x6e1: {  	s16 =	sshll.u32 s30, $0x2;
	s17 =	sand.u32 $0x7F, s9;
	s5 =	sor.u32 s6, s5  }
0x6e2: {  	s3 =	sor.u32 s13, s3;
	s6 =	sshll.u32 s15, $0x2;
	s18 =	sand.u32 $0xFFFFFE00, s14  }
0x6e3: {  	s25 =	sshll.u32 s17, $0x2;
	s30 =	sand.u32 $0x7F, s11;
	s11 =	sshll.u32 s11, $0x2  }
0x6e4: {  	s26 =	sor.u32 s25, s18;
	s15 =	sand.u32 $0xFFFFFE00, s11;
	s28 =	spop (v2sf);
	[tilespmem:s21+$0x16890] =	vst v4  }
0x6e5: {  	s10 =	sshll.u32 s30, $0x2;
	(v2sf) =	vpush v3, $0x9;
	s29 =	sand.u32 $0x7F, s28;
	s13 =	sshll.u32 s28, $0x2;
	v4 =	vld [tilespmem:s7+$0xE900]  }
0x6e6: {  	s14 =	spop (v2sf);
	s9 =	sadd.s32 $0x10, s28;
	s2 =	sand.u32 $0xFFFFFE00, s16  }
0x6e7: {  	(v2sf) =	vpush v3, $0xA;
	s16 =	sand.u32 $0xFFFFFE00, s13;
	s18 =	sand.u32 $0x7F, s9;
	s25 =	sshll.u32 s9, $0x2  }
0x6e8: {  	s28 =	sshll.u32 s14, $0x2;
	s8 =	sor.u32 s6, s2;
	s6 =	sshra.s32 s5, $0x2  }
0x6e9: {  	s2 =	sshra.s32 s26, $0x2;
	s5 =	sshll.u32 s29, $0x2;
	s26 =	sand.u32 $0x7F, s14  }
0x6ea: {  	s29 =	sand.u32 $0xFFFFFE00, s28;
	s17 =	sor.u32 s5, s16;
	s5 =	sshll.u32 s18, $0x2;
	[tilespmem:s21+$0x16900] =	vst v4  }
0x6eb: {  	s9 =	sshll.u32 s26, $0x2;
	s6 =	sadd.s32 s21, s6;
	s8 =	sshra.s32 s8, $0x2;
	v4 =	vld [tilespmem:s1+$0xE900]  }
0x6ec: {  	s2 =	sadd.s32 s21, s2;
	s30 =	sshra.s32 s17, $0x2;
	s8 =	sadd.s32 s21, s8  }
0x6ed: {  	s7 =	sshra.s32 s3, $0x2;
	s3 =	sor.u32 s10, s15;
	s10 =	sadd.s32 $0x10, s14  }
0x6ee: {  	s15 =	sshra.s32 s3, $0x2;
	s3 =	sand.u32 $0xFFFFFE00, s25;
	s25 =	sor.u32 s9, s29  }
0x6ef: {  	s11 =	sand.u32 $0x7F, s10;
	s3 =	sor.u32 s5, s3;
	s13 =	spop (v2sf);
	(v2sf) =	vpush v3, $0xB  }
0x6f0: {  	s7 =	sadd.s32 s21, s7;
	s28 =	sshra.s32 s3, $0x2;
	s3 =	sshll.u32 s10, $0x2;
	[tilespmem:s21+$0x16910] =	vst v4  }
0x6f1: {  	s14 =	sand.u32 $0x7F, s13;
	s16 =	sshll.u32 s13, $0x2;
	s18 =	sadd.s32 $0x10, s13;
	v4 =	vld [tilespmem:s0+$0xE980]  }
0x6f2: {  	(v2sf) =	vpush v3, $0xC;
	s3 =	sand.u32 $0xFFFFFE00, s3;
	s17 =	sand.u32 $0xFFFFFE00, s16;
	s1 =	sshll.u32 s11, $0x2  }
0x6f3: {  	s5 =	sand.u32 $0x7F, s18;
	s9 =	sshll.u32 s18, $0x2;
	s1 =	sor.u32 s1, s3  }
0x6f4: {  	s3 =	sshll.u32 s14, $0x2;
	s10 =	spop (v2sf);
	s26 =	sshra.s32 s1, $0x2  }
0x6f5: {  	s1 =	sor.u32 s3, s17;
	s11 =	sand.u32 $0x7F, s10;
	s13 =	sshll.u32 s10, $0x2  }
0x6f6: {  	s3 =	sadd.s32 $0x10, s10;
	s16 =	spop (v2sf);
	s29 =	sshra.s32 s1, $0x2;
	[tilespmem:s21+$0x16980] =	vst v4  }
0x6f7: {  	s1 =	sand.u32 $0xFFFFFE00, s9;
	s14 =	sand.u32 $0xFFFFFE00, s13;
	s17 =	sand.u32 $0x7F, s3;
	v4 =	vld [tilespmem:s6+$0xE980]  }
0x6f8: {  	(v2sf) =	vpush v3, $0xD;
	s3 =	sshll.u32 s3, $0x2;
	s10 =	sand.u32 $0x7F, s16;
	s18 =	sshll.u32 s17, $0x2  }
0x6f9: {  	s3 =	sand.u32 $0xFFFFFE00, s3;
	s9 =	sshll.u32 s10, $0x2;
	s0 =	sshll.u32 s5, $0x2  }
0x6fa: {  	s5 =	sshll.u32 s11, $0x2;
	s11 =	sshll.u32 s16, $0x2;
	s0 =	sor.u32 s0, s1  }
0x6fb: {  	(v2sf) =	vpush v3, $0xE;
	s3 =	sor.u32 s18, s3;
	s10 =	sand.u32 $0xFFFFFE00, s11;
	s1 =	sshra.s32 s0, $0x2  }
0x6fc: {  	s0 =	sor.u32 s5, s14;
	s5 =	sadd.s32 $0x10, s16;
	s13 =	sor.u32 s9, s10;
	[tilespmem:s21+$0x16990] =	vst v4  }
0x6fd: {  	s14 =	sand.u32 $0x7F, s5;
	s10 =	sshra.s32 s13, $0x2;
	s16 =	sshll.u32 s5, $0x2;
	v4 =	vld [tilespmem:s7+$0xEA00]  }
0x6fe: {  	s17 =	sshll.u32 s14, $0x2;
	s18 =	spop (v2sf);
	s6 =	sshra.s32 s3, $0x2  }
0x6ff: {  	s3 =	sand.u32 $0xFFFFFE00, s16;
	s13 =	sand.u32 $0x7F, s18;
	s14 =	sshll.u32 s18, $0x2  }
0x700: {  	s3 =	sor.u32 s17, s3;
	s16 =	sand.u32 $0xFFFFFE00, s14;
	s17 =	sadd.s32 $0x10, s18  }
0x701: {  	s5 =	sshll.u32 s13, $0x2;
	s18 =	spop (v2sf);
	(v2sf) =	vpush v3, $0xF;
	s13 =	sand.u32 $0x7F, s17  }
0x702: {  	s14 =	sand.u32 $0x7F, s18;
	s7 =	sshra.s32 s3, $0x2;
	s3 =	sor.u32 s5, s16;
	[tilespmem:s21+$0x16A00] =	vst v4  }
0x703: {  	s5 =	sshll.u32 s17, $0x2;
	s16 =	sshll.u32 s18, $0x2;
	s18 =	sadd.s32 $0x10, s18;
	v3 =	vld [tilespmem:s8+$0xEA00]  }
0x704: {  	s11 =	sshra.s32 s3, $0x2;
	s5 =	sand.u32 $0xFFFFFE00, s5;
	s3 =	sshll.u32 s13, $0x2  }
0x705: {  	s15 =	sadd.s32 s21, s15;
	s9 =	sand.u32 $0x7F, s18;
	s3 =	sor.u32 s3, s5  }
0x706: {  	s5 =	sshll.u32 s14, $0x2;
	s17 =	sshra.s32 s3, $0x2;
	s3 =	sand.u32 $0xFFFFFE00, s16  }
0x707: {  	s9 =	sshll.u32 s9, $0x2;
	s3 =	sor.u32 s5, s3;
	s5 =	spop (v2sf)  }
0x708: {  	s13 =	sshra.s32 s3, $0x2;
	s16 =	sand.u32 $0x7F, s5;
	s8 =	sshll.u32 s18, $0x2;
	[tilespmem:s21+$0x16A10] =	vst v3  }
0x709: {  	s18 =	sshll.u32 s5, $0x2;
	s16 =	sshll.u32 s16, $0x2;
	s14 =	sand.u32 $0xFFFFFE00, s8;
	v3 =	vld [tilespmem:s2+$0xEA80]  }
0x70a: {  	s5 =	sadd.s32 $0x10, s5;
	s8 =	spop (v2sf);
	s3 =	sor.u32 s9, s14  }
0x70b: {  	s9 =	sand.u32 $0xFFFFFE00, s18;
	s18 =	sand.u32 $0x7F, s5;
	s5 =	sshll.u32 s5, $0x2  }
0x70c: {  	s14 =	sshra.s32 s3, $0x2;
	s5 =	sand.u32 $0xFFFFFE00, s5;
	s3 =	sshll.u32 s18, $0x2  }
0x70d: {  	s18 =	sshll.u32 s8, $0x2;
	s2 =	sor.u32 s16, s9;
	s16 =	sand.u32 $0x7F, s8  }
0x70e: {  	s8 =	sadd.s32 $0x10, s8;
	s9 =	sshra.s32 s2, $0x2;
	s2 =	sor.u32 s3, s5;
	[tilespmem:s21+$0x16A80] =	vst v3  }
0x70f: {  	s5 =	sand.u32 $0xFFFFFE00, s18;
	s3 =	sshll.u32 s16, $0x2;
	s16 =	sand.u32 $0x7F, s8;
	v3 =	vld [tilespmem:s15+$0xEA80]  }
0x710: {  	s3 =	sor.u32 s3, s5;
	s5 =	sshll.u32 s8, $0x2;
	s8 =	spop (v2sf)  }
0x711: {  	s5 =	sand.u32 $0xFFFFFE00, s5;
	s15 =	sshra.s32 s3, $0x2;
	s3 =	sshll.u32 s16, $0x2  }
0x712: {  	s18 =	sshll.u32 s8, $0x2;
	s3 =	sor.u32 s3, s5;
	s5 =	sand.u32 $0x7F, s8  }
0x713: {  	s18 =	sand.u32 $0xFFFFFE00, s18;
	s16 =	sshra.s32 s3, $0x2;
	s5 =	sshll.u32 s5, $0x2  }
0x714: {  	s3 =	sor.u32 s5, s18;
	s5 =	sadd.s32 $0x10, s8;
	s8 =	sadd.s32 s21, s30;
	[tilespmem:s21+$0x16A90] =	vst v3  }
0x715: {  	v3 =	vld [tilespmem:s8+$0xEB00];
	_ =	sdelay $0x3  }
0x716: {  	s18 =	sand.u32 $0x7F, s5  }
0x717: {  	s30 =	sshra.s32 s3, $0x2;
	s3 =	sshll.u32 s18, $0x2;
	s18 =	sadd.s32 s21, s28;
	[tilespmem:s21+$0x16B00] =	vst v3  }
0x718: {  	v3 =	vld [tilespmem:s18+$0xEB00];
	_ =	sdelay $0x1  }
0x719: {  	s5 =	sshll.u32 s5, $0x2  }
0x71a: {  	s5 =	sand.u32 $0xFFFFFE00, s5  }
0x71b: {  	s25 =	sshra.s32 s25, $0x2;
	s3 =	sor.u32 s3, s5  }
0x71c: {  	s8 =	sshra.s32 s3, $0x2;
	s3 =	sadd.s32 s21, s25;
	[tilespmem:s21+$0x16B10] =	vst v3  }
0x71d: {  	v3 =	vld [tilespmem:s3+$0xEB80];
	_ =	sdelay $0x4  }
0x71e: {  	s28 =	sadd.s32 s21, s26;
	[tilespmem:s21+$0x16B80] =	vst v3  }
0x71f: {  	v3 =	vld [tilespmem:s28+$0xEB80];
	_ =	sdelay $0x4  }
0x720: {  	s29 =	sadd.s32 s21, s29;
	[tilespmem:s21+$0x16B90] =	vst v3  }
0x721: {  	v3 =	vld [tilespmem:s29+$0xEC00];
	_ =	sdelay $0x4  }
0x722: {  	s1 =	sadd.s32 s21, s1;
	[tilespmem:s21+$0x16C00] =	vst v3  }
0x723: {  	v3 =	vld [tilespmem:s1+$0xEC00];
	_ =	sdelay $0x3  }
0x724: {  	s0 =	sshra.s32 s0, $0x2  }
0x725: {  	s0 =	sadd.s32 s21, s0;
	[tilespmem:s21+$0x16C10] =	vst v3  }
0x726: {  	v3 =	vld [tilespmem:s0+$0xEC80];
	_ =	sdelay $0x4  }
0x727: {  	s3 =	sadd.s32 s21, s6;
	[tilespmem:s21+$0x16C80] =	vst v3  }
0x728: {  	v3 =	vld [tilespmem:s3+$0xEC80];
	_ =	sdelay $0x4  }
0x729: {  	s5 =	sadd.s32 s21, s10;
	[tilespmem:s21+$0x16C90] =	vst v3  }
0x72a: {  	v3 =	vld [tilespmem:s5+$0xED00];
	_ =	sdelay $0x4  }
0x72b: {  	s6 =	sadd.s32 s21, s7;
	[tilespmem:s21+$0x16D00] =	vst v3  }
0x72c: {  	v3 =	vld [tilespmem:s6+$0xED00];
	_ =	sdelay $0x4  }
0x72d: {  	s7 =	sadd.s32 s21, s11;
	[tilespmem:s21+$0x16D10] =	vst v3  }
0x72e: {  	v3 =	vld [tilespmem:s7+$0xED80];
	_ =	sdelay $0x4  }
0x72f: {  	s10 =	sadd.s32 s21, s17;
	[tilespmem:s21+$0x16D80] =	vst v3  }
0x730: {  	v3 =	vld [tilespmem:s10+$0xED80];
	_ =	sdelay $0x4  }
0x731: {  	s11 =	sadd.s32 s21, s13;
	[tilespmem:s21+$0x16D90] =	vst v3  }
0x732: {  	v3 =	vld [tilespmem:s11+$0xEE00];
	_ =	sdelay $0x4  }
0x733: {  	s13 =	sadd.s32 s21, s14;
	[tilespmem:s21+$0x16E00] =	vst v3  }
0x734: {  	v3 =	vld [tilespmem:s13+$0xEE00];
	_ =	sdelay $0x4  }
0x735: {  	s14 =	sadd.s32 s21, s9;
	[tilespmem:s21+$0x16E10] =	vst v3  }
0x736: {  	v3 =	vld [tilespmem:s14+$0xEE80];
	_ =	sdelay $0x3  }
0x737: {  	s2 =	sshra.s32 s2, $0x2  }
0x738: {  	s17 =	sadd.s32 s21, s2;
	[tilespmem:s21+$0x16E80] =	vst v3  }
0x739: {  	v3 =	vld [tilespmem:s17+$0xEE80];
	_ =	sdelay $0x4  }
0x73a: {  	s18 =	sadd.s32 s21, s15;
	[tilespmem:s21+$0x16E90] =	vst v3  }
0x73b: {  	v3 =	vld [tilespmem:s18+$0xEF00];
	_ =	sdelay $0x4  }
0x73c: {  	s25 =	sadd.s32 s21, s16;
	[tilespmem:s21+$0x16F00] =	vst v3  }
0x73d: {  	v3 =	vld [tilespmem:s25+$0xEF00];
	_ =	sdelay $0x4  }
0x73e: {  	s26 =	sadd.s32 s21, s30;
	[tilespmem:s21+$0x16F10] =	vst v3  }
0x73f: {  	v3 =	vld [tilespmem:s26+$0xEF80]  }
0x740: {  	p0 =	sne.s32 s24, $0x1E000  }
.Ltmp2:
0x741: {  	_ = 	snop;
	(pc) =	sbr.rel @p0 .LBB2_7-.Ltmp2, $4  }
0x742: {  	_ = 	snop  }
0x743: {  	s23 =	sadd.s32 $0x10, s23  }
0x744: {  	s30 =	sand.u32 $0x80, s23;
	s28 =	rddreg [dreg:$0x4];
	s29 =	sadd.s32 s21, s8;
	[tilespmem:s21+$0x16F80] =	vst v3  }
0x745: {  	s24 =	sadd.s32 $0x2000, s24;
	s1 =	sand.u32 $0x70, s23;
	s0 =	sadd.s32 s30, s28;
	v3 =	vld [tilespmem:s29+$0xEF80]  }
0x746: {  	_ =	sdelay $0x3  }
0x747: {  	s0 =	sadd.s32 s1, s0;
	[tilespmem:s21+$0x16F90] =	vst v3  }
0x748: {  	v3 =	vld [tilespmem:s0+$0x0];
	_ =	sdelay $0x4  }
0x749: {  	(v2sf) =	vpush v3, $0x0;
	_ =	sdelay $0xb  }
0x74a: {  	(v2sf) =	vpush v3, $0x1;
	_ =	sdelay $0x2  }
0x74b: {  	s3 =	spop (v2sf)  }
0x74c: {  	s5 =	sand.u32 $0x7F, s3;
	s2 =	sshll.u32 s3, $0x2  }
0x74d: {  	s2 =	sand.u32 $0xFFFFFE00, s2;
	s1 =	sshll.u32 s5, $0x2  }
0x74e: {  	s1 =	sor.u32 s1, s2  }
0x74f: {  	s21 =	sshra.s32 s22, $0x2;
	s1 =	sshra.s32 s1, $0x2  }
0x750: {  	s1 =	sadd.s32 s21, s1  }
0x751: {  	s0 =	sadd.s32 $0x10, s3;
	v4 =	vld [tilespmem:s1+$0xE800]  }
0x752: {  	s6 =	sand.u32 $0x7F, s0;
	s0 =	sshll.u32 s0, $0x2  }
0x753: {  	s0 =	sand.u32 $0xFFFFFE00, s0;
	s1 =	sshll.u32 s6, $0x2  }
0x754: {  	(v2sf) =	vpush v3, $0x2;
	s0 =	sor.u32 s1, s0  }
0x755: {  	s0 =	sshra.s32 s0, $0x2  }
0x756: {  	s0 =	sadd.s32 s21, s0;
	[tilespmem:s21+$0x16800] =	vst v4  }
0x757: {  	s7 =	spop (v2sf);
	v4 =	vld [tilespmem:s0+$0xE800]  }
0x758: {  	s8 =	sand.u32 $0x7F, s7;
	s9 =	sshll.u32 s7, $0x2  }
0x759: {  	s2 =	sand.u32 $0xFFFFFE00, s9;
	s0 =	sshll.u32 s8, $0x2  }
0x75a: {  	s0 =	sor.u32 s0, s2  }
0x75b: {  	s0 =	sshra.s32 s0, $0x2  }
0x75c: {  	s0 =	sadd.s32 s21, s0;
	[tilespmem:s21+$0x16810] =	vst v4  }
0x75d: {  	s1 =	sadd.s32 $0x10, s7;
	v4 =	vld [tilespmem:s0+$0xE880]  }
0x75e: {  	s10 =	sand.u32 $0x7F, s1;
	s1 =	sshll.u32 s1, $0x2  }
0x75f: {  	s1 =	sand.u32 $0xFFFFFE00, s1;
	s0 =	sshll.u32 s10, $0x2  }
0x760: {  	(v2sf) =	vpush v3, $0x3;
	s0 =	sor.u32 s0, s1  }
0x761: {  	s0 =	sshra.s32 s0, $0x2  }
0x762: {  	s0 =	sadd.s32 s21, s0;
	[tilespmem:s21+$0x16880] =	vst v4  }
0x763: {  	s11 =	spop (v2sf);
	v4 =	vld [tilespmem:s0+$0xE880]  }
0x764: {  	s13 =	sand.u32 $0x7F, s11;
	s14 =	sshll.u32 s11, $0x2  }
0x765: {  	s2 =	sand.u32 $0xFFFFFE00, s14;
	s0 =	sshll.u32 s13, $0x2  }
0x766: {  	s0 =	sor.u32 s0, s2  }
0x767: {  	s0 =	sshra.s32 s0, $0x2  }
0x768: {  	s0 =	sadd.s32 s21, s0;
	[tilespmem:s21+$0x16890] =	vst v4  }
0x769: {  	s1 =	sadd.s32 $0x10, s11;
	v4 =	vld [tilespmem:s0+$0xE900]  }
0x76a: {  	s15 =	sand.u32 $0x7F, s1;
	s1 =	sshll.u32 s1, $0x2  }
0x76b: {  	s1 =	sand.u32 $0xFFFFFE00, s1;
	s0 =	sshll.u32 s15, $0x2  }
0x76c: {  	(v2sf) =	vpush v3, $0x4;
	s0 =	sor.u32 s0, s1  }
0x76d: {  	s0 =	sshra.s32 s0, $0x2  }
0x76e: {  	s0 =	sadd.s32 s21, s0;
	[tilespmem:s21+$0x16900] =	vst v4  }
0x76f: {  	s16 =	spop (v2sf);
	v4 =	vld [tilespmem:s0+$0xE900]  }
0x770: {  	s17 =	sand.u32 $0x7F, s16;
	s18 =	sshll.u32 s16, $0x2  }
0x771: {  	s2 =	sand.u32 $0xFFFFFE00, s18;
	s0 =	sshll.u32 s17, $0x2  }
0x772: {  	s0 =	sor.u32 s0, s2  }
0x773: {  	s0 =	sshra.s32 s0, $0x2  }
0x774: {  	s0 =	sadd.s32 s21, s0;
	[tilespmem:s21+$0x16910] =	vst v4  }
0x775: {  	s1 =	sadd.s32 $0x10, s16;
	v4 =	vld [tilespmem:s0+$0xE980]  }
0x776: {  	s22 =	sand.u32 $0x7F, s1;
	s1 =	sshll.u32 s1, $0x2  }
0x777: {  	s1 =	sand.u32 $0xFFFFFE00, s1;
	s0 =	sshll.u32 s22, $0x2  }
0x778: {  	(v2sf) =	vpush v3, $0x5;
	s0 =	sor.u32 s0, s1  }
0x779: {  	s0 =	sshra.s32 s0, $0x2  }
0x77a: {  	s0 =	sadd.s32 s21, s0;
	[tilespmem:s21+$0x16980] =	vst v4  }
0x77b: {  	s23 =	spop (v2sf);
	v4 =	vld [tilespmem:s0+$0xE980]  }
0x77c: {  	s24 =	sand.u32 $0x7F, s23;
	s25 =	sshll.u32 s23, $0x2  }
0x77d: {  	s2 =	sand.u32 $0xFFFFFE00, s25;
	s0 =	sshll.u32 s24, $0x2  }
0x77e: {  	s0 =	sor.u32 s0, s2  }
0x77f: {  	s0 =	sshra.s32 s0, $0x2  }
0x780: {  	s0 =	sadd.s32 s21, s0;
	[tilespmem:s21+$0x16990] =	vst v4  }
0x781: {  	s1 =	sadd.s32 $0x10, s23;
	v4 =	vld [tilespmem:s0+$0xEA00]  }
0x782: {  	s26 =	sand.u32 $0x7F, s1;
	s1 =	sshll.u32 s1, $0x2  }
0x783: {  	s1 =	sand.u32 $0xFFFFFE00, s1;
	s0 =	sshll.u32 s26, $0x2  }
0x784: {  	(v2sf) =	vpush v3, $0x6;
	s0 =	sor.u32 s0, s1  }
0x785: {  	s0 =	sshra.s32 s0, $0x2  }
0x786: {  	s0 =	sadd.s32 s21, s0;
	[tilespmem:s21+$0x16A00] =	vst v4  }
0x787: {  	s28 =	spop (v2sf);
	v4 =	vld [tilespmem:s0+$0xEA00]  }
0x788: {  	s29 =	sshll.u32 s28, $0x2;
	s30 =	sand.u32 $0x7F, s28  }
0x789: {  	s2 =	sshll.u32 s30, $0x2;
	s0 =	sand.u32 $0xFFFFFE00, s29  }
0x78a: {  	s0 =	sor.u32 s2, s0  }
0x78b: {  	s0 =	sshra.s32 s0, $0x2  }
0x78c: {  	s0 =	sadd.s32 s21, s0;
	[tilespmem:s21+$0x16A10] =	vst v4  }
0x78d: {  	s1 =	sadd.s32 $0x10, s28;
	v4 =	vld [tilespmem:s0+$0xEA80]  }
0x78e: {  	s2 =	sand.u32 $0x7F, s1;
	s1 =	sshll.u32 s1, $0x2  }
0x78f: {  	s1 =	sand.u32 $0xFFFFFE00, s1;
	s0 =	sshll.u32 s2, $0x2  }
0x790: {  	(v2sf) =	vpush v3, $0x7;
	s0 =	sor.u32 s0, s1  }
0x791: {  	s0 =	sshra.s32 s0, $0x2  }
0x792: {  	s0 =	sadd.s32 s21, s0;
	[tilespmem:s21+$0x16A80] =	vst v4  }
0x793: {  	s3 =	spop (v2sf);
	v4 =	vld [tilespmem:s0+$0xEA80]  }
0x794: {  	s5 =	sand.u32 $0x7F, s3;
	s6 =	sshll.u32 s3, $0x2  }
0x795: {  	s2 =	sand.u32 $0xFFFFFE00, s6;
	s0 =	sshll.u32 s5, $0x2  }
0x796: {  	s0 =	sor.u32 s0, s2  }
0x797: {  	s0 =	sshra.s32 s0, $0x2  }
0x798: {  	s0 =	sadd.s32 s21, s0;
	[tilespmem:s21+$0x16A90] =	vst v4  }
0x799: {  	s1 =	sadd.s32 $0x10, s3;
	v4 =	vld [tilespmem:s0+$0xEB00]  }
0x79a: {  	s7 =	sand.u32 $0x7F, s1;
	s1 =	sshll.u32 s1, $0x2  }
0x79b: {  	s1 =	sand.u32 $0xFFFFFE00, s1;
	s0 =	sshll.u32 s7, $0x2  }
0x79c: {  	(v2sf) =	vpush v3, $0x8;
	s0 =	sor.u32 s0, s1  }
0x79d: {  	s0 =	sshra.s32 s0, $0x2  }
0x79e: {  	s0 =	sadd.s32 s21, s0;
	[tilespmem:s21+$0x16B00] =	vst v4  }
0x79f: {  	s8 =	spop (v2sf);
	v4 =	vld [tilespmem:s0+$0xEB00]  }
0x7a0: {  	s9 =	sand.u32 $0x7F, s8;
	s10 =	sshll.u32 s8, $0x2  }
0x7a1: {  	s2 =	sand.u32 $0xFFFFFE00, s10;
	s0 =	sshll.u32 s9, $0x2  }
0x7a2: {  	s0 =	sor.u32 s0, s2  }
0x7a3: {  	s0 =	sshra.s32 s0, $0x2  }
0x7a4: {  	s0 =	sadd.s32 s21, s0;
	[tilespmem:s21+$0x16B10] =	vst v4  }
0x7a5: {  	s1 =	sadd.s32 $0x10, s8;
	v4 =	vld [tilespmem:s0+$0xEB80]  }
0x7a6: {  	s11 =	sand.u32 $0x7F, s1;
	s1 =	sshll.u32 s1, $0x2  }
0x7a7: {  	s1 =	sand.u32 $0xFFFFFE00, s1;
	s0 =	sshll.u32 s11, $0x2  }
0x7a8: {  	(v2sf) =	vpush v3, $0x9;
	s0 =	sor.u32 s0, s1  }
0x7a9: {  	s0 =	sshra.s32 s0, $0x2  }
0x7aa: {  	s0 =	sadd.s32 s21, s0;
	[tilespmem:s21+$0x16B80] =	vst v4  }
0x7ab: {  	s13 =	spop (v2sf);
	v4 =	vld [tilespmem:s0+$0xEB80]  }
0x7ac: {  	s14 =	sand.u32 $0x7F, s13;
	s15 =	sshll.u32 s13, $0x2  }
0x7ad: {  	s2 =	sand.u32 $0xFFFFFE00, s15;
	s0 =	sshll.u32 s14, $0x2  }
0x7ae: {  	s0 =	sor.u32 s0, s2  }
0x7af: {  	s0 =	sshra.s32 s0, $0x2  }
0x7b0: {  	s0 =	sadd.s32 s21, s0;
	[tilespmem:s21+$0x16B90] =	vst v4  }
0x7b1: {  	s1 =	sadd.s32 $0x10, s13;
	v4 =	vld [tilespmem:s0+$0xEC00]  }
0x7b2: {  	s16 =	sand.u32 $0x7F, s1;
	s1 =	sshll.u32 s1, $0x2  }
0x7b3: {  	s1 =	sand.u32 $0xFFFFFE00, s1;
	s0 =	sshll.u32 s16, $0x2  }
0x7b4: {  	(v2sf) =	vpush v3, $0xA;
	s0 =	sor.u32 s0, s1  }
0x7b5: {  	s0 =	sshra.s32 s0, $0x2  }
0x7b6: {  	s0 =	sadd.s32 s21, s0;
	[tilespmem:s21+$0x16C00] =	vst v4  }
0x7b7: {  	s17 =	spop (v2sf);
	v4 =	vld [tilespmem:s0+$0xEC00]  }
0x7b8: {  	s18 =	sand.u32 $0x7F, s17;
	s22 =	sshll.u32 s17, $0x2  }
0x7b9: {  	s2 =	sand.u32 $0xFFFFFE00, s22;
	s0 =	sshll.u32 s18, $0x2  }
0x7ba: {  	s0 =	sor.u32 s0, s2  }
0x7bb: {  	s0 =	sshra.s32 s0, $0x2  }
0x7bc: {  	s0 =	sadd.s32 s21, s0;
	[tilespmem:s21+$0x16C10] =	vst v4  }
0x7bd: {  	s1 =	sadd.s32 $0x10, s17;
	v4 =	vld [tilespmem:s0+$0xEC80]  }
0x7be: {  	s23 =	sand.u32 $0x7F, s1;
	s1 =	sshll.u32 s1, $0x2  }
0x7bf: {  	s1 =	sand.u32 $0xFFFFFE00, s1;
	s0 =	sshll.u32 s23, $0x2  }
0x7c0: {  	(v2sf) =	vpush v3, $0xB;
	s0 =	sor.u32 s0, s1  }
0x7c1: {  	s0 =	sshra.s32 s0, $0x2  }
0x7c2: {  	s0 =	sadd.s32 s21, s0;
	[tilespmem:s21+$0x16C80] =	vst v4  }
0x7c3: {  	s24 =	spop (v2sf);
	v4 =	vld [tilespmem:s0+$0xEC80]  }
0x7c4: {  	s25 =	sand.u32 $0x7F, s24;
	s26 =	sshll.u32 s24, $0x2  }
0x7c5: {  	s2 =	sand.u32 $0xFFFFFE00, s26;
	s0 =	sshll.u32 s25, $0x2  }
0x7c6: {  	s0 =	sor.u32 s0, s2  }
0x7c7: {  	s0 =	sshra.s32 s0, $0x2  }
0x7c8: {  	s0 =	sadd.s32 s21, s0;
	[tilespmem:s21+$0x16C90] =	vst v4  }
0x7c9: {  	s1 =	sadd.s32 $0x10, s24;
	v4 =	vld [tilespmem:s0+$0xED00]  }
0x7ca: {  	s28 =	sand.u32 $0x7F, s1;
	s1 =	sshll.u32 s1, $0x2  }
0x7cb: {  	s1 =	sand.u32 $0xFFFFFE00, s1;
	s0 =	sshll.u32 s28, $0x2  }
0x7cc: {  	(v2sf) =	vpush v3, $0xC;
	s0 =	sor.u32 s0, s1  }
0x7cd: {  	s0 =	sshra.s32 s0, $0x2  }
0x7ce: {  	s0 =	sadd.s32 s21, s0;
	[tilespmem:s21+$0x16D00] =	vst v4  }
0x7cf: {  	s29 =	spop (v2sf);
	v4 =	vld [tilespmem:s0+$0xED00]  }
0x7d0: {  	s30 =	sand.u32 $0x7F, s29;
	s3 =	sshll.u32 s29, $0x2  }
0x7d1: {  	s2 =	sand.u32 $0xFFFFFE00, s3;
	s0 =	sshll.u32 s30, $0x2  }
0x7d2: {  	s0 =	sor.u32 s0, s2  }
0x7d3: {  	s0 =	sshra.s32 s0, $0x2  }
0x7d4: {  	s0 =	sadd.s32 s21, s0;
	[tilespmem:s21+$0x16D10] =	vst v4  }
0x7d5: {  	s1 =	sadd.s32 $0x10, s29;
	v4 =	vld [tilespmem:s0+$0xED80]  }
0x7d6: {  	s5 =	sand.u32 $0x7F, s1;
	s1 =	sshll.u32 s1, $0x2  }
0x7d7: {  	s1 =	sand.u32 $0xFFFFFE00, s1;
	s0 =	sshll.u32 s5, $0x2  }
0x7d8: {  	(v2sf) =	vpush v3, $0xD;
	s0 =	sor.u32 s0, s1  }
0x7d9: {  	s0 =	sshra.s32 s0, $0x2  }
0x7da: {  	s0 =	sadd.s32 s21, s0;
	[tilespmem:s21+$0x16D80] =	vst v4  }
0x7db: {  	s6 =	spop (v2sf);
	v4 =	vld [tilespmem:s0+$0xED80]  }
0x7dc: {  	s7 =	sand.u32 $0x7F, s6;
	s8 =	sshll.u32 s6, $0x2  }
0x7dd: {  	s2 =	sand.u32 $0xFFFFFE00, s8;
	s0 =	sshll.u32 s7, $0x2  }
0x7de: {  	s0 =	sor.u32 s0, s2  }
0x7df: {  	s0 =	sshra.s32 s0, $0x2  }
0x7e0: {  	s0 =	sadd.s32 s21, s0;
	[tilespmem:s21+$0x16D90] =	vst v4  }
0x7e1: {  	s1 =	sadd.s32 $0x10, s6;
	v4 =	vld [tilespmem:s0+$0xEE00]  }
0x7e2: {  	s9 =	sand.u32 $0x7F, s1;
	s1 =	sshll.u32 s1, $0x2  }
0x7e3: {  	s1 =	sand.u32 $0xFFFFFE00, s1;
	s0 =	sshll.u32 s9, $0x2  }
0x7e4: {  	(v2sf) =	vpush v3, $0xE;
	s0 =	sor.u32 s0, s1  }
0x7e5: {  	s0 =	sshra.s32 s0, $0x2  }
0x7e6: {  	s0 =	sadd.s32 s21, s0;
	[tilespmem:s21+$0x16E00] =	vst v4  }
0x7e7: {  	s10 =	spop (v2sf);
	v4 =	vld [tilespmem:s0+$0xEE00]  }
0x7e8: {  	s11 =	sand.u32 $0x7F, s10;
	s13 =	sshll.u32 s10, $0x2  }
0x7e9: {  	s2 =	sand.u32 $0xFFFFFE00, s13;
	s0 =	sshll.u32 s11, $0x2  }
0x7ea: {  	s0 =	sor.u32 s0, s2  }
0x7eb: {  	s0 =	sshra.s32 s0, $0x2  }
0x7ec: {  	s0 =	sadd.s32 s21, s0;
	[tilespmem:s21+$0x16E10] =	vst v4  }
0x7ed: {  	s1 =	sadd.s32 $0x10, s10;
	v4 =	vld [tilespmem:s0+$0xEE80]  }
0x7ee: {  	s14 =	sand.u32 $0x7F, s1;
	s1 =	sshll.u32 s1, $0x2  }
0x7ef: {  	s1 =	sand.u32 $0xFFFFFE00, s1;
	s0 =	sshll.u32 s14, $0x2  }
0x7f0: {  	(v2sf) =	vpush v3, $0xF;
	s0 =	sor.u32 s0, s1  }
0x7f1: {  	s0 =	sshra.s32 s0, $0x2  }
0x7f2: {  	s0 =	sadd.s32 s21, s0;
	[tilespmem:s21+$0x16E80] =	vst v4  }
0x7f3: {  	s15 =	spop (v2sf);
	v3 =	vld [tilespmem:s0+$0xEE80]  }
0x7f4: {  	s16 =	sand.u32 $0x7F, s15;
	s17 =	sshll.u32 s15, $0x2  }
0x7f5: {  	s2 =	sand.u32 $0xFFFFFE00, s17;
	s0 =	sshll.u32 s16, $0x2  }
0x7f6: {  	s0 =	sor.u32 s0, s2  }
0x7f7: {  	s0 =	sshra.s32 s0, $0x2  }
0x7f8: {  	s0 =	sadd.s32 s21, s0;
	[tilespmem:s21+$0x16E90] =	vst v3  }
0x7f9: {  	s1 =	sadd.s32 $0x10, s15;
	v3 =	vld [tilespmem:s0+$0xEF00]  }
0x7fa: {  	s18 =	sand.u32 $0x7F, s1;
	s1 =	sshll.u32 s1, $0x2  }
0x7fb: {  	s1 =	sand.u32 $0xFFFFFE00, s1;
	s0 =	sshll.u32 s18, $0x2  }
0x7fc: {  	s0 =	sor.u32 s0, s1  }
0x7fd: {  	s0 =	sshra.s32 s0, $0x2  }
0x7fe: {  	s0 =	sadd.s32 s21, s0;
	[tilespmem:s21+$0x16F00] =	vst v3  }
0x7ff: {  	s22 =	spop (v2sf);
	v3 =	vld [tilespmem:s0+$0xEF00]  }
0x800: {  	s23 =	sand.u32 $0x7F, s22;
	s24 =	sshll.u32 s22, $0x2  }
0x801: {  	s2 =	sand.u32 $0xFFFFFE00, s24;
	s0 =	sshll.u32 s23, $0x2  }
0x802: {  	s0 =	sor.u32 s0, s2  }
0x803: {  	s0 =	sshra.s32 s0, $0x2  }
0x804: {  	s0 =	sadd.s32 s21, s0;
	[tilespmem:s21+$0x16F10] =	vst v3  }
0x805: {  	s1 =	sadd.s32 $0x10, s22;
	v3 =	vld [tilespmem:s0+$0xEF80]  }
0x806: {  	s25 =	sand.u32 $0x7F, s1;
	s1 =	sshll.u32 s1, $0x2  }
0x807: {  	s1 =	sand.u32 $0xFFFFFE00, s1;
	s0 =	sshll.u32 s25, $0x2  }
0x808: {  	s0 =	sor.u32 s0, s1  }
0x809: {  	s0 =	sshra.s32 s0, $0x2  }
0x80a: {  	s0 =	sadd.s32 s21, s0;
	[tilespmem:s21+$0x16F80] =	vst v3  }
0x80b: {  	v3 =	vld [tilespmem:s0+$0xEF80];
	_ =	sdelay $0x1  }
0x80c: {  	s19 =	sadd.s32 $0x1, s19;
	s26 =	rddreg [dreg:$0x5]  }
0x80d: {  	p0 =	sne.s32 s19, $0x1A;
	s0 =	sadd.s32 s26, s20  }
0x80e: {  	s28 =	rddreg [dreg:$0x6];
	s29 =	simm.s32 $0x16800;
	s0 =	sshll.u32 s0, $0x4  }
.Ltmp3:
0x80f: {  	s30 =	simm.s32 $0x2;
	s0 =	sadd.s32 s28, s0;
	[tilespmem:s21+$0x16F90] =	vst v3;
	(pc) =	sbr.rel @p0 .LBB2_4-.Ltmp3, $4  }
0x810: {  	[hbm4b:s0+s31] =	stream.linear.scatter [tilespmem:s29], [sflag:$0x2], $0x8000, $0x38;
	[tilespmem:$0x1E800] =	vst v63  }
0x811: {  	_ =	swait.ge [sflag:s30], $0x8000  }
0x812: {  	[sflag:s30] =	ssyncset.done $0x0  }
0x813: {  	[sflag:s30] =	ssyncadd.s32 $0xFFFF8000  }
0x814: {  	s1 =	rddreg [dreg:$0x9]  }
0x815: {  	s0 =	rddreg [dreg:$0x8];
	s1 =	sadd.s32 $0x1, s1  }
0x816: {  	p0 =	sne.s32 s1, s0  }
.Ltmp4:
0x817: {  	_ = 	snop;
	(pc) =	sbr.rel @p0 .LBB2_1-.Ltmp4, $1  }
0x818: {  	_ =	sdelay $0x3  }
0x819: {  	_ =	sfence.sel $0x180000  }
0x81a: {  	[bflag:$0x0] =	sbarrier.arrive $0xFFFF  }
0x81b: {  	_ =	strace $0x90000047  }
0x81c: {  	s0 =	stileid.u32;
	[bflag:$0x2] =	sbarrier.arrive $0xFFFF  }
0x81d: {  	p0 =	sne.s32 s0, $0x0;
	s0 =	rddreg [dreg:$0x2]  }
0x81e: {  	s0 =	sadd.s32 @!p0 $0x100000, s0  }
0x81f: {  	[sflag:s0] =	ssyncadd.tile.s32 @!p0 $0x1;
	_ =	shalt  }
.Lfunc_end2:
_tile_overlayer_lowered:
.L_overlay_start_2:
0x820: {  	(tag) =	ssettag $0x2  }
0x821: {  	s0 =	rddreg [dreg:$0x0];
	s2 =	stileid.u32  }
0x822: {  	s1 =	rddreg [dreg:$0x1];
	p0 =	sne.s32 s2, $0x0  }
0x823: {  	s3 =	rddreg [dreg:$0x2];
	[bflag:$0x3] =	sbarrier.arrive $0xFFFF;
	s2 =	simm.s32 @!p0 $0x1C02  }
0x824: {  	[timem:s3], [sflag:s2] =	dma.local @!p0 [hbm:s0], s1  }
0x825: {  	s0 =	simm.s32 @!p0 $0x2  }
0x826: {  	_ =	swait.ge @!p0 [sflag:s0], s1  }
0x827: {  	s1 =	ssub.s32 @!p0 $0x0, s1;
	[sflag:s0] =	ssyncset.done @!p0 $0x0  }
0x828: {  	[sflag:s0] =	ssyncadd.s32 @!p0 s1  }
0x829: {  	[bflag:$0x3] =	sbarrier.arrive $0xFFFF  }
0x82a: {  	_ =	shalt  }

</sc_bundles>
